<compile_context>
chip_gen: v7x
topology: tpu7x:2x2x1
jax: 0.10.2.dev20260603
libtpu: 0.0.44.dev20260713+nightly
codegen_flags: <defaults>
</compile_context>

<pallas_src>
import functools

import jax
import jax.numpy as jnp
from jax import lax
from jax.experimental import pallas as pl
from jax.experimental.pallas import tpu as pltpu
from jax.experimental.pallas import tpu_sc as plsc

N = 10000
E = 320000
F_IN = 128
HID = 128
OUT = 64

NC = 2
NS = 16
NW = NC * NS

C = 128
CHUNKS_PER_TILE = 80
EW = CHUNKS_PER_TILE * C
E_PAD = NW * EW
PAD = E_PAD - E

TRASH = 512
NACC = 10752
RPT = NACC // NS

_MESH = plsc.VectorSubcoreMesh(
    core_axis_name="c", subcore_axis_name="s", num_cores=NC, num_subcores=NS)


def _zero_vmem_1d(ref, n):
    def body(i, carry):
        ref[pl.ds(i * 16, 16)] = jnp.zeros((16,), jnp.float32)
        return carry
    lax.fori_loop(0, n // 16, body, 0)


def _deg_body(dst_hbm, out_hbm, didx_v, ones_v, zeros_v, acc_sh, sem):
    del sem
    c = lax.axis_index("c")
    s = lax.axis_index("s")
    wid = c * NS + s
    rbase = pl.multiple_of(s * RPT, 8)

    pltpu.sync_copy(
        dst_hbm.at[pl.ds(pl.multiple_of(wid * CHUNKS_PER_TILE, 8),
                         CHUNKS_PER_TILE)], didx_v)

    def fill_ones(i, carry):
        ones_v[pl.ds(i * 16, 16)] = jnp.full((16,), 1.0, jnp.float32)
        return carry
    lax.fori_loop(0, C // 16, fill_ones, 0)
    _zero_vmem_1d(zeros_v, RPT)
    pltpu.sync_copy(zeros_v, acc_sh.at[pl.ds(rbase, RPT)])
    plsc.subcore_barrier()

    def chunk(i, carry):
        pltpu.sync_copy(ones_v, acc_sh.at[didx_v.at[i]], add=True)
        return carry
    lax.fori_loop(0, CHUNKS_PER_TILE, chunk, 0)
    plsc.subcore_barrier()
    obase = pl.multiple_of(c * NACC + s * RPT, 8)
    pltpu.sync_copy(acc_sh.at[pl.ds(rbase, RPT)], zeros_v)
    pltpu.sync_copy(zeros_v, out_hbm.at[pl.ds(obase, RPT)])


_deg_call = pl.kernel(
    _deg_body,
    out_type=jax.ShapeDtypeStruct((NC * NACC,), jnp.float32),
    mesh=_MESH,
    scratch_types=[
        pltpu.VMEM((CHUNKS_PER_TILE, C), jnp.int32),
        pltpu.VMEM((C,), jnp.float32),
        pltpu.VMEM((RPT,), jnp.float32),
        pltpu.VMEM_SHARED((NACC,), jnp.float32),
        pltpu.SemaphoreType.DMA,
    ],
)


def _aggn_body(hs_hbm, src_hbm, dst_hbm, out_hbm, *scr, d, cc, NB):
    sidx_v = scr[0]
    didx = list(scr[1:1 + NB])
    rows = list(scr[1 + NB:1 + 2 * NB])
    acc_sh = scr[1 + 2 * NB]
    gs = list(scr[2 + 2 * NB:2 + 3 * NB])
    ss = list(scr[2 + 3 * NB:2 + 4 * NB])
    fs = list(scr[2 + 4 * NB:2 + 5 * NB])
    chunks = EW // cc

    c = lax.axis_index("c")
    s = lax.axis_index("s")
    wid = c * NS + s
    rbase = pl.multiple_of(s * RPT, 8)
    ebase = pl.multiple_of(wid * EW, 8)

    pltpu.sync_copy(src_hbm.at[pl.ds(ebase, EW)], sidx_v)

    def zrow(i, carry):
        for j in range(d // 16):
            rows[0][i, pl.ds(j * 16, 16)] = jnp.zeros((16,), jnp.float32)
        return carry
    lax.fori_loop(0, cc, zrow, 0)

    def zcopy(i, carry):
        pltpu.sync_copy(rows[0], acc_sh.at[pl.ds(rbase + i * cc, cc)])
        return carry
    lax.fori_loop(0, RPT // cc, zcopy, 0)
    if RPT % cc:
        pltpu.sync_copy(rows[0].at[pl.ds(0, RPT % cc)],
                        acc_sh.at[pl.ds(rbase + (RPT // cc) * cc, RPT % cc)])
    plsc.subcore_barrier()

    def start_gather(i, b):
        pltpu.async_copy(hs_hbm.at[sidx_v.at[pl.ds(i * cc, cc)]], rows[b],
                         gs[b])

    def wait_gather(i, b):
        pltpu.make_async_copy(hs_hbm.at[sidx_v.at[pl.ds(i * cc, cc)]],
                              rows[b], gs[b]).wait()

    def start_didx(i, b):
        pltpu.async_copy(dst_hbm.at[pl.ds(ebase + i * cc, cc)], didx[b],
                         fs[b])

    def wait_didx(i, b):
        pltpu.make_async_copy(dst_hbm.at[pl.ds(ebase + i * cc, cc)], didx[b],
                              fs[b]).wait()

    def start_scat(b):
        pltpu.async_copy(rows[b], acc_sh.at[didx[b]], ss[b], add=True)

    def wait_scat(b):
        pltpu.make_async_copy(rows[b], acc_sh.at[didx[b]], ss[b]).wait()

    for b in range(NB):
        start_didx(b, b)
        start_gather(b, b)

    def ring(j, carry):
        i0 = j * NB
        for b in range(NB):
            wait_gather(i0 + b, b)
            wait_didx(i0 + b, b)
            start_scat(b)
        for b in range(NB):
            wait_scat(b)
            start_gather(i0 + NB + b, b)
            start_didx(i0 + NB + b, b)
        return carry
    lax.fori_loop(0, chunks // NB - 1, ring, 0)
    last = chunks - NB
    for b in range(NB):
        wait_gather(last + b, b)
        wait_didx(last + b, b)
        start_scat(b)
    for b in range(NB):
        wait_scat(b)
    plsc.subcore_barrier()

    def ocopy(i, carry):
        ob = pl.multiple_of(rbase + i * cc, 8)
        pltpu.sync_copy(acc_sh.at[pl.ds(ob, cc)], rows[1])
        pltpu.sync_copy(rows[1], out_hbm.at[c, pl.ds(ob, cc)])
        return carry
    lax.fori_loop(0, RPT // cc, ocopy, 0)
    if RPT % cc:
        ot = pl.multiple_of(rbase + (RPT // cc) * cc, 8)
        pltpu.sync_copy(acc_sh.at[pl.ds(ot, RPT % cc)],
                        rows[1].at[pl.ds(0, RPT % cc)])
        pltpu.sync_copy(rows[1].at[pl.ds(0, RPT % cc)],
                        out_hbm.at[c, pl.ds(ot, RPT % cc)])


def _make_agg(d, cc, NB, tc_tiling=True):
    return pl.kernel(
        functools.partial(_aggn_body, d=d, cc=cc, NB=NB),
        out_type=jax.ShapeDtypeStruct((NC, NACC, d), jnp.float32),
        mesh=_MESH,
        compiler_params=pltpu.CompilerParams(use_tc_tiling_on_sc=tc_tiling),
        scratch_types=(
            [pltpu.VMEM((EW,), jnp.int32)]
            + [pltpu.VMEM((cc,), jnp.int32) for _ in range(NB)]
            + [pltpu.VMEM((cc, d), jnp.float32) for _ in range(NB)]
            + [pltpu.VMEM_SHARED((NACC, d), jnp.float32)]
            + [pltpu.SemaphoreType.DMA for _ in range(3 * NB)]
        ),
    )


_agg128 = _make_agg(HID, 32, 8)
_agg64 = _make_agg(OUT, C, 8, tc_tiling=False)

BM = 400


def _m1_body(x_ref, w_ref, dv_ref, hs_ref):
    h = jnp.dot(x_ref[...], w_ref[...], preferred_element_type=jnp.float32)
    hs_ref[...] = h * dv_ref[...]


_m1_call = pl.pallas_call(
    _m1_body,
    grid=(N // BM,),
    in_specs=[
        pl.BlockSpec((BM, F_IN), lambda i: (i, 0)),
        pl.BlockSpec((F_IN, HID), lambda i: (0, 0)),
        pl.BlockSpec((BM, HID), lambda i: (i, 0)),
    ],
    out_specs=pl.BlockSpec((BM, HID), lambda i: (i, 0)),
    out_shape=jax.ShapeDtypeStruct((N, HID), jnp.float32),
)


def _l2_body(a0_ref, a1_ref, hs1_ref, dv_ref, b1_ref, w2_ref, o_ref):
    act = (a0_ref[0] + a1_ref[0] + hs1_ref[...]) * dv_ref[...] + b1_ref[...]
    act = jnp.maximum(act, 0.0)
    h2 = jnp.dot(act, w2_ref[...], preferred_element_type=jnp.float32)
    o_ref[...] = h2 * dv_ref[:, :OUT]


_l2_call = pl.pallas_call(
    _l2_body,
    grid=(N // BM,),
    in_specs=[
        pl.BlockSpec((1, BM, HID), lambda i: (0, i, 0)),
        pl.BlockSpec((1, BM, HID), lambda i: (1, i, 0)),
        pl.BlockSpec((BM, HID), lambda i: (i, 0)),
        pl.BlockSpec((BM, HID), lambda i: (i, 0)),
        pl.BlockSpec((1, HID), lambda i: (0, 0)),
        pl.BlockSpec((HID, OUT), lambda i: (0, 0)),
    ],
    out_specs=pl.BlockSpec((BM, OUT), lambda i: (i, 0)),
    out_shape=jax.ShapeDtypeStruct((N, OUT), jnp.float32),
)


def _fin_body(a0_ref, a1_ref, hs2_ref, dv_ref, b2_ref, o_ref):
    t = a0_ref[0] + a1_ref[0] + hs2_ref[...]
    o = t * dv_ref[:, :OUT] + b2_ref[...]
    o_ref[...] = jax.nn.sigmoid(o)


_fin_call = pl.pallas_call(
    _fin_body,
    grid=(N // BM,),
    in_specs=[
        pl.BlockSpec((1, BM, OUT), lambda i: (0, i, 0)),
        pl.BlockSpec((1, BM, OUT), lambda i: (1, i, 0)),
        pl.BlockSpec((BM, OUT), lambda i: (i, 0)),
        pl.BlockSpec((BM, HID), lambda i: (i, 0)),
        pl.BlockSpec((1, OUT), lambda i: (0, 0)),
    ],
    out_specs=pl.BlockSpec((BM, OUT), lambda i: (i, 0)),
    out_shape=jax.ShapeDtypeStruct((N, OUT), jnp.float32),
)


def kernel(x, edge_index, W1, b1, W2, b2):
    src = edge_index[0]
    dst = edge_index[1]
    pad_i = jnp.arange(PAD, dtype=jnp.int32)
    src_p = jnp.concatenate([src, (pad_i * 131) % N])
    dst_f = jnp.concatenate([dst, N + (pad_i % TRASH)])
    dst_p = dst_f.reshape(-1, C)

    degf = _deg_call(dst_p)
    deg = degf[:N] + degf[NACC:NACC + N] + 1.0
    dinv = jnp.broadcast_to(lax.rsqrt(deg)[:, None], (N, HID))

    hs1 = _m1_call(x, W1, dinv)
    agg1 = _agg128(hs1, src_p, dst_f)
    hs2 = _l2_call(agg1, agg1, hs1, dinv, b1[None, :], W2)
    agg2 = _agg64(hs2, src_p, dst_f)
    return _fin_call(agg2, agg2, hs2, dinv, b2[None, :])

# --- scband reference (transcript-rebuilt; emitter-appended) ---
"""Pipeline reference for scband-model-29515015258441 (READ-ONLY COPY).

The authoritative reference and input builder live on the scoring server;
editing this copy changes nothing except your own understanding.
"""

import jax, jax.numpy as jnp
import numpy as np

N = 10000
E = 320000
F_IN = 128
HID = 128
OUT = 64


def setup_inputs(seed: int = 0) -> dict:
    key = jax.random.key(seed)
    k1, k2, k3, k4 = jax.random.split(key, 4)
    x = jax.random.normal(k1, (N, F_IN), dtype=jnp.float32)
    edge_index = jax.random.randint(k2, (2, E), 0, N, dtype=jnp.int32)
    W1 = jax.random.normal(k3, (F_IN, HID), dtype=jnp.float32) * (1.0 / np.sqrt(F_IN))
    b1 = jnp.zeros((HID,), dtype=jnp.float32)
    W2 = jax.random.normal(k4, (HID, OUT), dtype=jnp.float32) * (1.0 / np.sqrt(HID))
    b2 = jnp.zeros((OUT,), dtype=jnp.float32)
    return {"x": x, "edge_index": edge_index, "W1": W1, "b1": b1, "W2": W2, "b2": b2}


def gcn_conv(x, edge_index, W, b):
    # GCN layer: add self loops, symmetric normalization, message passing.
    # drop_rate=0 so DropMessage is identity.
    n = x.shape[0]
    src = edge_index[0]
    dst = edge_index[1]
    loop = jnp.arange(n, dtype=src.dtype)
    src = jnp.concatenate([src, loop])
    dst = jnp.concatenate([dst, loop])
    h = x @ W
    deg = jnp.zeros((n,), dtype=h.dtype).at[dst].add(1.0)
    dinv = 1.0 / jnp.sqrt(jnp.maximum(deg, 1.0))
    norm = dinv[src] * dinv[dst]
    msg = h[src] * norm[:, None]
    out = jnp.zeros_like(h).at[dst].add(msg)
    return out + b


def reference(x, edge_index, W1, b1, W2, b2):
    h = jax.nn.relu(gcn_conv(x, edge_index, W1, b1))
    o = gcn_conv(h, edge_index, W2, b2)
    return jax.nn.sigmoid(o)

if __name__ == "__main__":
    import jax
    _d = setup_inputs()
    print(jax.jit(kernel)(*tuple(_d.values())))

</pallas_src>

<mosaic_0001>
#map = affine_map<(d0, d1) -> (0, 0)>
#map1 = affine_map<(d0, d1) -> (0)>
module attributes {stable_mosaic.version = 14 : i64} {
  func.func @_deg_body(%arg0: i32, %arg1: i32, %arg2: memref<2560x128xi32, #tpu.memory_space<hbm>>, %arg3: memref<21504xf32, #tpu.memory_space<hbm>>, %arg4: memref<80x128xi32, #tpu.memory_space<vmem>>, %arg5: memref<128xf32, #tpu.memory_space<vmem>>, %arg6: memref<672xf32, #tpu.memory_space<vmem>>, %arg7: memref<10752xf32, #tpu.memory_space<vmem_shared>>, %arg8: memref<!tpu.dma_semaphore, #tpu.memory_space<semaphore_mem>>) attributes {dimension_semantics = [#tpu.dimension_semantics<core_parallel>, #tpu.dimension_semantics<subcore_parallel>], iteration_bounds = array<i64: 2, 16>, scalar_prefetch = 0 : i64, scratch_operands = 5 : i64, tpu.core_type = #tpu.core_type<sc_vector_subcore>, window_params = [{transform_indices = #map}, {transform_indices = #map1}]} {
    %mul3A = arith.constant 16 : i32
    %mul3A_0 = arith.muli %arg0, %mul3A : i32
    %add3A = arith.addi %mul3A_0, %arg1 : i32
    %mul3A_1 = arith.constant 672 : i32
    %mul3A_2 = arith.muli %arg1, %mul3A_1 : i32
    %multiple_of3A = tpu.assume_multiple %mul3A_2, 8 : i32
    %mul3A_3 = arith.constant 80 : i32
    %mul3A_4 = arith.muli %add3A, %mul3A_3 : i32
    %multiple_of3A_5 = tpu.assume_multiple %mul3A_4, 8 : i32
    "tpu.region"() ({
      %run_scoped3A = tpu.sem_alloc : memref<!tpu.dma_semaphore, #tpu.memory_space<semaphore_mem>>
      %dma_start3A = arith.constant 0 : i32
      %dma_start3A_30 = tpu.memref_slice %arg2[%multiple_of3A_5, %dma_start3A] : memref<2560x128xi32, #tpu.memory_space<hbm>> -> memref<80x128xi32, #tpu.memory_space<hbm>>
      %dma_start3A_31 = arith.constant 0 : i32
      %dma_start3A_32 = tpu.memref_slice %arg2[%multiple_of3A_5, %dma_start3A_31] : memref<2560x128xi32, #tpu.memory_space<hbm>> -> memref<80x128xi32, #tpu.memory_space<hbm>>
      tpu.enqueue_dma source(%dma_start3A_32 : memref<80x128xi32, #tpu.memory_space<hbm>>) target(%arg4 : memref<80x128xi32, #tpu.memory_space<vmem>>) target_semaphore(%run_scoped3A : memref<!tpu.dma_semaphore, #tpu.memory_space<semaphore_mem>>)
      %dma_wait3A = arith.constant 0 : i32
      %dma_wait3A_33 = tpu.memref_slice %arg2[%multiple_of3A_5, %dma_wait3A] : memref<2560x128xi32, #tpu.memory_space<hbm>> -> memref<80x128xi32, #tpu.memory_space<hbm>>
      %dma_wait3A_34 = arith.constant 0 : i32
      %dma_wait3A_35 = tpu.memref_slice %arg2[%multiple_of3A_5, %dma_wait3A_34] : memref<2560x128xi32, #tpu.memory_space<hbm>> -> memref<80x128xi32, #tpu.memory_space<hbm>>
      tpu.wait_dma2 semaphore(%run_scoped3A : memref<!tpu.dma_semaphore, #tpu.memory_space<semaphore_mem>>) src(%dma_wait3A_35 : memref<80x128xi32, #tpu.memory_space<hbm>>) dst(%arg4 : memref<80x128xi32, #tpu.memory_space<vmem>>)
      tpu.yield
    }) : () -> ()
    %scan3A = arith.constant 0 : i32
    %scan3A_6 = arith.constant 0 : i32
    %scan3A_7 = arith.constant 8 : i32
    %scan3A_8 = arith.addi %scan3A_6, %scan3A_7 : i32
    %scan3A_9 = arith.constant 1 : i32
    scf.for %scan3A_30 = %scan3A_6 to %scan3A_8 step %scan3A_9  : i32 {
      %broadcast_in_dim3A = arith.constant 1.000000e+00 : f32
      %broadcast_in_dim3A_31 = vector.broadcast %broadcast_in_dim3A : f32 to vector<16xf32>
      %mul3A_32 = arith.constant 16 : i32
      %mul3A_33 = arith.muli %scan3A_30, %mul3A_32 : i32
      %swap3A = arith.index_cast %mul3A_33 : i32 to index
      %swap3A_34 = tpu.vector_load %arg5[%swap3A] {strides = array<i32>} : memref<128xf32, #tpu.memory_space<vmem>>, vector<16xf32>,
      %swap3A_35 = vector.shape_cast %swap3A_34 : vector<16xf32> to vector<16xf32>
      %swap3A_36 = vector.shape_cast %broadcast_in_dim3A_31 : vector<16xf32> to vector<16xf32>
      tpu.vector_store %arg5[%swap3A], %swap3A_36 {strides = array<i32>} : memref<128xf32, #tpu.memory_space<vmem>>, vector<16xf32>,
    }
    %scan3A_10 = arith.constant 8 : i32
    %scan3A_11 = arith.constant 0 : i32
    %scan3A_12 = arith.constant 0 : i32
    %scan3A_13 = arith.constant 42 : i32
    %scan3A_14 = arith.addi %scan3A_12, %scan3A_13 : i32
    %scan3A_15 = arith.constant 1 : i32
    scf.for %scan3A_30 = %scan3A_12 to %scan3A_14 step %scan3A_15  : i32 {
      %broadcast_in_dim3A = arith.constant 0.000000e+00 : f32
      %broadcast_in_dim3A_31 = vector.broadcast %broadcast_in_dim3A : f32 to vector<16xf32>
      %mul3A_32 = arith.constant 16 : i32
      %mul3A_33 = arith.muli %scan3A_30, %mul3A_32 : i32
      %swap3A = arith.index_cast %mul3A_33 : i32 to index
      %swap3A_34 = tpu.vector_load %arg6[%swap3A] {strides = array<i32>} : memref<672xf32, #tpu.memory_space<vmem>>, vector<16xf32>,
      %swap3A_35 = vector.shape_cast %swap3A_34 : vector<16xf32> to vector<16xf32>
      %swap3A_36 = vector.shape_cast %broadcast_in_dim3A_31 : vector<16xf32> to vector<16xf32>
      tpu.vector_store %arg6[%swap3A], %swap3A_36 {strides = array<i32>} : memref<672xf32, #tpu.memory_space<vmem>>, vector<16xf32>,
    }
    %scan3A_16 = arith.constant 42 : i32
    "tpu.region"() ({
      %run_scoped3A = tpu.sem_alloc : memref<!tpu.dma_semaphore, #tpu.memory_space<semaphore_mem>>
      %dma_start3A = tpu.memref_slice %arg7[%multiple_of3A] : memref<10752xf32, #tpu.memory_space<vmem_shared>> -> memref<672xf32, #tpu.memory_space<vmem_shared>>
      %dma_start3A_30 = tpu.memref_slice %arg7[%multiple_of3A] : memref<10752xf32, #tpu.memory_space<vmem_shared>> -> memref<672xf32, #tpu.memory_space<vmem_shared>>
      tpu.enqueue_dma source(%arg6 : memref<672xf32, #tpu.memory_space<vmem>>) target(%dma_start3A_30 : memref<672xf32, #tpu.memory_space<vmem_shared>>) target_semaphore(%run_scoped3A : memref<!tpu.dma_semaphore, #tpu.memory_space<semaphore_mem>>)
      %dma_wait3A = tpu.memref_slice %arg7[%multiple_of3A] : memref<10752xf32, #tpu.memory_space<vmem_shared>> -> memref<672xf32, #tpu.memory_space<vmem_shared>>
      %dma_wait3A_31 = tpu.memref_slice %arg7[%multiple_of3A] : memref<10752xf32, #tpu.memory_space<vmem_shared>> -> memref<672xf32, #tpu.memory_space<vmem_shared>>
      tpu.wait_dma2 semaphore(%run_scoped3A : memref<!tpu.dma_semaphore, #tpu.memory_space<semaphore_mem>>) src(%arg6 : memref<672xf32, #tpu.memory_space<vmem>>) dst(%dma_wait3A_31 : memref<672xf32, #tpu.memory_space<vmem_shared>>)
      tpu.yield
    }) : () -> ()
    %barrier3A = arith.constant 0 : index
    tpu.barrier barrier_id(%barrier3A)
    %scan3A_17 = arith.constant 0 : i32
    %scan3A_18 = arith.constant 0 : i32
    %scan3A_19 = arith.constant 80 : i32
    %scan3A_20 = arith.addi %scan3A_18, %scan3A_19 : i32
    %scan3A_21 = arith.constant 1 : i32
    scf.for %scan3A_30 = %scan3A_18 to %scan3A_20 step %scan3A_21  : i32 {
      "tpu.region"() ({
        %run_scoped3A = tpu.sem_alloc : memref<!tpu.dma_semaphore, #tpu.memory_space<semaphore_mem>>
        %dma_start3A = arith.constant 0 : i32
        %dma_start3A_31 = tpu.memref_slice %arg4[%scan3A_30, %dma_start3A] : memref<80x128xi32, #tpu.memory_space<vmem>> -> memref<1x128xi32, #tpu.memory_space<vmem>>
        %dma_start3A_32 = tpu.memref_squeeze %dma_start3A_31 : memref<1x128xi32, #tpu.memory_space<vmem>> -> memref<128xi32, #tpu.memory_space<vmem>>
        %dma_start3A_33 = arith.constant 0 : i32
        %dma_start3A_34 = tpu.memref_slice %arg7[%dma_start3A_33] : memref<10752xf32, #tpu.memory_space<vmem_shared>> -> memref<10752xf32, #tpu.memory_space<vmem_shared>>
        tpu.enqueue_indirect_dma source(%arg5 : memref<128xf32, #tpu.memory_space<vmem>>) target(%dma_start3A_34 : memref<10752xf32, #tpu.memory_space<vmem_shared>>) offsets(%dma_start3A_32 : memref<128xi32, #tpu.memory_space<vmem>>) semaphore(%run_scoped3A : memref<!tpu.dma_semaphore, #tpu.memory_space<semaphore_mem>>) {add = true}
        %dma_wait3A = arith.constant 0 : i32
        %dma_wait3A_35 = tpu.memref_slice %arg4[%scan3A_30, %dma_wait3A] : memref<80x128xi32, #tpu.memory_space<vmem>> -> memref<1x128xi32, #tpu.memory_space<vmem>>
        %dma_wait3A_36 = tpu.memref_squeeze %dma_wait3A_35 : memref<1x128xi32, #tpu.memory_space<vmem>> -> memref<128xi32, #tpu.memory_space<vmem>>
        %dma_wait3A_37 = arith.constant 0 : i32
        %dma_wait3A_38 = tpu.memref_slice %arg7[%dma_wait3A_37] : memref<10752xf32, #tpu.memory_space<vmem_shared>> -> memref<10752xf32, #tpu.memory_space<vmem_shared>>
        tpu.wait_indirect_dma semaphore(%run_scoped3A : memref<!tpu.dma_semaphore, #tpu.memory_space<semaphore_mem>>) src(%arg5 : memref<128xf32, #tpu.memory_space<vmem>>) dst(%dma_wait3A_38 : memref<10752xf32, #tpu.memory_space<vmem_shared>>)
        tpu.yield
      }) : () -> ()
    }
    %scan3A_22 = arith.constant 80 : i32
    %barrier3A_23 = arith.constant 0 : index
    tpu.barrier barrier_id(%barrier3A_23)
    %mul3A_24 = arith.constant 10752 : i32
    %mul3A_25 = arith.muli %arg0, %mul3A_24 : i32
    %mul3A_26 = arith.constant 672 : i32
    %mul3A_27 = arith.muli %arg1, %mul3A_26 : i32
    %add3A_28 = arith.addi %mul3A_25, %mul3A_27 : i32
    %multiple_of3A_29 = tpu.assume_multiple %add3A_28, 8 : i32
    "tpu.region"() ({
      %run_scoped3A = tpu.sem_alloc : memref<!tpu.dma_semaphore, #tpu.memory_space<semaphore_mem>>
      %dma_start3A = tpu.memref_slice %arg7[%multiple_of3A] : memref<10752xf32, #tpu.memory_space<vmem_shared>> -> memref<672xf32, #tpu.memory_space<vmem_shared>>
      %dma_start3A_30 = tpu.memref_slice %arg7[%multiple_of3A] : memref<10752xf32, #tpu.memory_space<vmem_shared>> -> memref<672xf32, #tpu.memory_space<vmem_shared>>
      tpu.enqueue_dma source(%dma_start3A_30 : memref<672xf32, #tpu.memory_space<vmem_shared>>) target(%arg6 : memref<672xf32, #tpu.memory_space<vmem>>) target_semaphore(%run_scoped3A : memref<!tpu.dma_semaphore, #tpu.memory_space<semaphore_mem>>)
      %dma_wait3A = tpu.memref_slice %arg7[%multiple_of3A] : memref<10752xf32, #tpu.memory_space<vmem_shared>> -> memref<672xf32, #tpu.memory_space<vmem_shared>>
      %dma_wait3A_31 = tpu.memref_slice %arg7[%multiple_of3A] : memref<10752xf32, #tpu.memory_space<vmem_shared>> -> memref<672xf32, #tpu.memory_space<vmem_shared>>
      tpu.wait_dma2 semaphore(%run_scoped3A : memref<!tpu.dma_semaphore, #tpu.memory_space<semaphore_mem>>) src(%dma_wait3A_31 : memref<672xf32, #tpu.memory_space<vmem_shared>>) dst(%arg6 : memref<672xf32, #tpu.memory_space<vmem>>)
      tpu.yield
    }) : () -> ()
    "tpu.region"() ({
      %run_scoped3A = tpu.sem_alloc : memref<!tpu.dma_semaphore, #tpu.memory_space<semaphore_mem>>
      %dma_start3A = tpu.memref_slice %arg3[%multiple_of3A_29] : memref<21504xf32, #tpu.memory_space<hbm>> -> memref<672xf32, #tpu.memory_space<hbm>>
      %dma_start3A_30 = tpu.memref_slice %arg3[%multiple_of3A_29] : memref<21504xf32, #tpu.memory_space<hbm>> -> memref<672xf32, #tpu.memory_space<hbm>>
      tpu.enqueue_dma source(%arg6 : memref<672xf32, #tpu.memory_space<vmem>>) target(%dma_start3A_30 : memref<672xf32, #tpu.memory_space<hbm>>) target_semaphore(%run_scoped3A : memref<!tpu.dma_semaphore, #tpu.memory_space<semaphore_mem>>)
      %dma_wait3A = tpu.memref_slice %arg3[%multiple_of3A_29] : memref<21504xf32, #tpu.memory_space<hbm>> -> memref<672xf32, #tpu.memory_space<hbm>>
      %dma_wait3A_31 = tpu.memref_slice %arg3[%multiple_of3A_29] : memref<21504xf32, #tpu.memory_space<hbm>> -> memref<672xf32, #tpu.memory_space<hbm>>
      tpu.wait_dma2 semaphore(%run_scoped3A : memref<!tpu.dma_semaphore, #tpu.memory_space<semaphore_mem>>) src(%arg6 : memref<672xf32, #tpu.memory_space<vmem>>) dst(%dma_wait3A_31 : memref<672xf32, #tpu.memory_space<hbm>>)
      tpu.yield
    }) : () -> ()
    return
  }
}

#map = affine_map<(d0, d1) -> (0, 0)>
#map1 = affine_map<(d0, d1) -> (0)>
#map2 = affine_map<(d0, d1) -> (0, 0, 0)>
module attributes {stable_mosaic.version = 14 : i64} {
  func.func @_aggn_body(%arg0: i32, %arg1: i32, %arg2: memref<10000x64xf32, #tpu.memory_space<hbm>>, %arg3: memref<327680xi32, #tpu.memory_space<hbm>>, %arg4: memref<327680xi32, #tpu.memory_space<hbm>>, %arg5: memref<2x10752x64xf32, #tpu.memory_space<hbm>>, %arg6: memref<10240xi32, #tpu.memory_space<vmem>>, %arg7: memref<128xi32, #tpu.memory_space<vmem>>, %arg8: memref<128xi32, #tpu.memory_space<vmem>>, %arg9: memref<128xi32, #tpu.memory_space<vmem>>, %arg10: memref<128xi32, #tpu.memory_space<vmem>>, %arg11: memref<128xi32, #tpu.memory_space<vmem>>, %arg12: memref<128xi32, #tpu.memory_space<vmem>>, %arg13: memref<128xi32, #tpu.memory_space<vmem>>, %arg14: memref<128xi32, #tpu.memory_space<vmem>>, %arg15: memref<128x64xf32, #tpu.memory_space<vmem>>, %arg16: memref<128x64xf32, #tpu.memory_space<vmem>>, %arg17: memref<128x64xf32, #tpu.memory_space<vmem>>, %arg18: memref<128x64xf32, #tpu.memory_space<vmem>>, %arg19: memref<128x64xf32, #tpu.memory_space<vmem>>, %arg20: memref<128x64xf32, #tpu.memory_space<vmem>>, %arg21: memref<128x64xf32, #tpu.memory_space<vmem>>, %arg22: memref<128x64xf32, #tpu.memory_space<vmem>>, %arg23: memref<10752x64xf32, #tpu.memory_space<vmem_shared>>, %arg24: memref<!tpu.dma_semaphore, #tpu.memory_space<semaphore_mem>>, %arg25: memref<!tpu.dma_semaphore, #tpu.memory_space<semaphore_mem>>, %arg26: memref<!tpu.dma_semaphore, #tpu.memory_space<semaphore_mem>>, %arg27: memref<!tpu.dma_semaphore, #tpu.memory_space<semaphore_mem>>, %arg28: memref<!tpu.dma_semaphore, #tpu.memory_space<semaphore_mem>>, %arg29: memref<!tpu.dma_semaphore, #tpu.memory_space<semaphore_mem>>, %arg30: memref<!tpu.dma_semaphore, #tpu.memory_space<semaphore_mem>>, %arg31: memref<!tpu.dma_semaphore, #tpu.memory_space<semaphore_mem>>, %arg32: memref<!tpu.dma_semaphore, #tpu.memory_space<semaphore_mem>>, %arg33: memref<!tpu.dma_semaphore, #tpu.memory_space<semaphore_mem>>, %arg34: memref<!tpu.dma_semaphore, #tpu.memory_space<semaphore_mem>>, %arg35: memref<!tpu.dma_semaphore, #tpu.memory_space<semaphore_mem>>, %arg36: memref<!tpu.dma_semaphore, #tpu.memory_space<semaphore_mem>>, %arg37: memref<!tpu.dma_semaphore, #tpu.memory_space<semaphore_mem>>, %arg38: memref<!tpu.dma_semaphore, #tpu.memory_space<semaphore_mem>>, %arg39: memref<!tpu.dma_semaphore, #tpu.memory_space<semaphore_mem>>, %arg40: memref<!tpu.dma_semaphore, #tpu.memory_space<semaphore_mem>>, %arg41: memref<!tpu.dma_semaphore, #tpu.memory_space<semaphore_mem>>, %arg42: memref<!tpu.dma_semaphore, #tpu.memory_space<semaphore_mem>>, %arg43: memref<!tpu.dma_semaphore, #tpu.memory_space<semaphore_mem>>, %arg44: memref<!tpu.dma_semaphore, #tpu.memory_space<semaphore_mem>>, %arg45: memref<!tpu.dma_semaphore, #tpu.memory_space<semaphore_mem>>, %arg46: memref<!tpu.dma_semaphore, #tpu.memory_space<semaphore_mem>>, %arg47: memref<!tpu.dma_semaphore, #tpu.memory_space<semaphore_mem>>) attributes {dimension_semantics = [#tpu.dimension_semantics<core_parallel>, #tpu.dimension_semantics<subcore_parallel>], iteration_bounds = array<i64: 2, 16>, scalar_prefetch = 0 : i64, scratch_operands = 42 : i64, tpu.core_type = #tpu.core_type<sc_vector_subcore>, window_params = [{transform_indices = #map}, {transform_indices = #map1}, {transform_indices = #map1}, {transform_indices = #map2}]} {
    %mul3A = arith.constant 16 : i32
    %mul3A_0 = arith.muli %arg0, %mul3A : i32
    %add3A = arith.addi %mul3A_0, %arg1 : i32
    %mul3A_1 = arith.constant 672 : i32
    %mul3A_2 = arith.muli %arg1, %mul3A_1 : i32
    %multiple_of3A = tpu.assume_multiple %mul3A_2, 8 : i32
    %mul3A_3 = arith.constant 10240 : i32
    %mul3A_4 = arith.muli %add3A, %mul3A_3 : i32
    %multiple_of3A_5 = tpu.assume_multiple %mul3A_4, 8 : i32
    "tpu.region"() ({
      %run_scoped3A = tpu.sem_alloc : memref<!tpu.dma_semaphore, #tpu.memory_space<semaphore_mem>>
      %dma_start3A_225 = tpu.memref_slice %arg3[%multiple_of3A_5] : memref<327680xi32, #tpu.memory_space<hbm>> -> memref<10240xi32, #tpu.memory_space<hbm>>
      %dma_start3A_226 = tpu.memref_slice %arg3[%multiple_of3A_5] : memref<327680xi32, #tpu.memory_space<hbm>> -> memref<10240xi32, #tpu.memory_space<hbm>>
      tpu.enqueue_dma source(%dma_start3A_226 : memref<10240xi32, #tpu.memory_space<hbm>>) target(%arg6 : memref<10240xi32, #tpu.memory_space<vmem>>) target_semaphore(%run_scoped3A : memref<!tpu.dma_semaphore, #tpu.memory_space<semaphore_mem>>)
      %dma_wait3A_227 = tpu.memref_slice %arg3[%multiple_of3A_5] : memref<327680xi32, #tpu.memory_space<hbm>> -> memref<10240xi32, #tpu.memory_space<hbm>>
      %dma_wait3A_228 = tpu.memref_slice %arg3[%multiple_of3A_5] : memref<327680xi32, #tpu.memory_space<hbm>> -> memref<10240xi32, #tpu.memory_space<hbm>>
      tpu.wait_dma2 semaphore(%run_scoped3A : memref<!tpu.dma_semaphore, #tpu.memory_space<semaphore_mem>>) src(%dma_wait3A_228 : memref<10240xi32, #tpu.memory_space<hbm>>) dst(%arg6 : memref<10240xi32, #tpu.memory_space<vmem>>)
      tpu.yield
    }) : () -> ()
    %scan3A = arith.constant 0 : i32
    %scan3A_6 = arith.constant 0 : i32
    %scan3A_7 = arith.constant 128 : i32
    %scan3A_8 = arith.addi %scan3A_6, %scan3A_7 : i32
    %scan3A_9 = arith.constant 1 : i32
    scf.for %scan3A_225 = %scan3A_6 to %scan3A_8 step %scan3A_9  : i32 {
      %broadcast_in_dim3A = arith.constant 0.000000e+00 : f32
      %broadcast_in_dim3A_226 = vector.broadcast %broadcast_in_dim3A : f32 to vector<16xf32>
      %swap3A = arith.index_cast %scan3A_225 : i32 to index
      %swap3A_227 = arith.constant 0 : index
      %swap3A_228 = tpu.vector_load %arg15[%swap3A, %swap3A_227] {strides = array<i32>} : memref<128x64xf32, #tpu.memory_space<vmem>>, vector<1x16xf32>,
      %swap3A_229 = vector.shape_cast %swap3A_228 : vector<1x16xf32> to vector<16xf32>
      %swap3A_230 = vector.shape_cast %broadcast_in_dim3A_226 : vector<16xf32> to vector<1x16xf32>
      tpu.vector_store %arg15[%swap3A, %swap3A_227], %swap3A_230 {strides = array<i32>} : memref<128x64xf32, #tpu.memory_space<vmem>>, vector<1x16xf32>,
      %broadcast_in_dim3A_231 = arith.constant 0.000000e+00 : f32
      %broadcast_in_dim3A_232 = vector.broadcast %broadcast_in_dim3A_231 : f32 to vector<16xf32>
      %swap3A_233 = arith.index_cast %scan3A_225 : i32 to index
      %swap3A_234 = arith.constant 16 : index
      %swap3A_235 = tpu.vector_load %arg15[%swap3A_233, %swap3A_234] {strides = array<i32>} : memref<128x64xf32, #tpu.memory_space<vmem>>, vector<1x16xf32>,
      %swap3A_236 = vector.shape_cast %swap3A_235 : vector<1x16xf32> to vector<16xf32>
      %swap3A_237 = vector.shape_cast %broadcast_in_dim3A_232 : vector<16xf32> to vector<1x16xf32>
      tpu.vector_store %arg15[%swap3A_233, %swap3A_234], %swap3A_237 {strides = array<i32>} : memref<128x64xf32, #tpu.memory_space<vmem>>, vector<1x16xf32>,
      %broadcast_in_dim3A_238 = arith.constant 0.000000e+00 : f32
      %broadcast_in_dim3A_239 = vector.broadcast %broadcast_in_dim3A_238 : f32 to vector<16xf32>
      %swap3A_240 = arith.index_cast %scan3A_225 : i32 to index
      %swap3A_241 = arith.constant 32 : index
      %swap3A_242 = tpu.vector_load %arg15[%swap3A_240, %swap3A_241] {strides = array<i32>} : memref<128x64xf32, #tpu.memory_space<vmem>>, vector<1x16xf32>,
      %swap3A_243 = vector.shape_cast %swap3A_242 : vector<1x16xf32> to vector<16xf32>
      %swap3A_244 = vector.shape_cast %broadcast_in_dim3A_239 : vector<16xf32> to vector<1x16xf32>
      tpu.vector_store %arg15[%swap3A_240, %swap3A_241], %swap3A_244 {strides = array<i32>} : memref<128x64xf32, #tpu.memory_space<vmem>>, vector<1x16xf32>,
      %broadcast_in_dim3A_245 = arith.constant 0.000000e+00 : f32
      %broadcast_in_dim3A_246 = vector.broadcast %broadcast_in_dim3A_245 : f32 to vector<16xf32>
      %swap3A_247 = arith.index_cast %scan3A_225 : i32 to index
      %swap3A_248 = arith.constant 48 : index
      %swap3A_249 = tpu.vector_load %arg15[%swap3A_247, %swap3A_248] {strides = array<i32>} : memref<128x64xf32, #tpu.memory_space<vmem>>, vector<1x16xf32>,
      %swap3A_250 = vector.shape_cast %swap3A_249 : vector<1x16xf32> to vector<16xf32>
      %swap3A_251 = vector.shape_cast %broadcast_in_dim3A_246 : vector<16xf32> to vector<1x16xf32>
      tpu.vector_store %arg15[%swap3A_247, %swap3A_248], %swap3A_251 {strides = array<i32>} : memref<128x64xf32, #tpu.memory_space<vmem>>, vector<1x16xf32>,
    }
    %scan3A_10 = arith.constant 128 : i32
    %scan3A_11 = arith.constant 0 : i32
    %scan3A_12 = arith.constant 0 : i32
    %scan3A_13 = arith.constant 5 : i32
    %scan3A_14 = arith.addi %scan3A_12, %scan3A_13 : i32
    %scan3A_15 = arith.constant 1 : i32
    scf.for %scan3A_225 = %scan3A_12 to %scan3A_14 step %scan3A_15  : i32 {
      %mul3A_226 = arith.constant 128 : i32
      %mul3A_227 = arith.muli %scan3A_225, %mul3A_226 : i32
      %add3A_228 = arith.addi %multiple_of3A, %mul3A_227 : i32
      "tpu.region"() ({
        %run_scoped3A = tpu.sem_alloc : memref<!tpu.dma_semaphore, #tpu.memory_space<semaphore_mem>>
        %dma_start3A_229 = arith.constant 0 : i32
        %dma_start3A_230 = tpu.memref_slice %arg23[%add3A_228, %dma_start3A_229] : memref<10752x64xf32, #tpu.memory_space<vmem_shared>> -> memref<128x64xf32, #tpu.memory_space<vmem_shared>>
        %dma_start3A_231 = arith.constant 0 : i32
        %dma_start3A_232 = tpu.memref_slice %arg23[%add3A_228, %dma_start3A_231] : memref<10752x64xf32, #tpu.memory_space<vmem_shared>> -> memref<128x64xf32, #tpu.memory_space<vmem_shared>>
        tpu.enqueue_dma source(%arg15 : memref<128x64xf32, #tpu.memory_space<vmem>>) target(%dma_start3A_232 : memref<128x64xf32, #tpu.memory_space<vmem_shared>>) target_semaphore(%run_scoped3A : memref<!tpu.dma_semaphore, #tpu.memory_space<semaphore_mem>>)
        %dma_wait3A_233 = arith.constant 0 : i32
        %dma_wait3A_234 = tpu.memref_slice %arg23[%add3A_228, %dma_wait3A_233] : memref<10752x64xf32, #tpu.memory_space<vmem_shared>> -> memref<128x64xf32, #tpu.memory_space<vmem_shared>>
        %dma_wait3A_235 = arith.constant 0 : i32
        %dma_wait3A_236 = tpu.memref_slice %arg23[%add3A_228, %dma_wait3A_235] : memref<10752x64xf32, #tpu.memory_space<vmem_shared>> -> memref<128x64xf32, #tpu.memory_space<vmem_shared>>
        tpu.wait_dma2 semaphore(%run_scoped3A : memref<!tpu.dma_semaphore, #tpu.memory_space<semaphore_mem>>) src(%arg15 : memref<128x64xf32, #tpu.memory_space<vmem>>) dst(%dma_wait3A_236 : memref<128x64xf32, #tpu.memory_space<vmem_shared>>)
        tpu.yield
      }) : () -> ()
    }
    %scan3A_16 = arith.constant 5 : i32
    %add3A_17 = arith.constant 640 : i32
    %add3A_18 = arith.addi %multiple_of3A, %add3A_17 : i32
    "tpu.region"() ({
      %run_scoped3A = tpu.sem_alloc : memref<!tpu.dma_semaphore, #tpu.memory_space<semaphore_mem>>
      %dma_start3A_225 = arith.constant 0 : i32
      %dma_start3A_226 = arith.constant 0 : i32
      %dma_start3A_227 = tpu.memref_slice %arg15[%dma_start3A_225, %dma_start3A_226] : memref<128x64xf32, #tpu.memory_space<vmem>> -> memref<32x64xf32, #tpu.memory_space<vmem>>
      %dma_start3A_228 = arith.constant 0 : i32
      %dma_start3A_229 = tpu.memref_slice %arg23[%add3A_18, %dma_start3A_228] : memref<10752x64xf32, #tpu.memory_space<vmem_shared>> -> memref<32x64xf32, #tpu.memory_space<vmem_shared>>
      %dma_start3A_230 = arith.constant 0 : i32
      %dma_start3A_231 = tpu.memref_slice %arg23[%add3A_18, %dma_start3A_230] : memref<10752x64xf32, #tpu.memory_space<vmem_shared>> -> memref<32x64xf32, #tpu.memory_space<vmem_shared>>
      %dma_start3A_232 = arith.constant 0 : i32
      %dma_start3A_233 = arith.constant 0 : i32
      %dma_start3A_234 = tpu.memref_slice %arg15[%dma_start3A_232, %dma_start3A_233] : memref<128x64xf32, #tpu.memory_space<vmem>> -> memref<32x64xf32, #tpu.memory_space<vmem>>
      tpu.enqueue_dma source(%dma_start3A_234 : memref<32x64xf32, #tpu.memory_space<vmem>>) target(%dma_start3A_231 : memref<32x64xf32, #tpu.memory_space<vmem_shared>>) target_semaphore(%run_scoped3A : memref<!tpu.dma_semaphore, #tpu.memory_space<semaphore_mem>>)
      %dma_wait3A_235 = arith.constant 0 : i32
      %dma_wait3A_236 = arith.constant 0 : i32
      %dma_wait3A_237 = tpu.memref_slice %arg15[%dma_wait3A_235, %dma_wait3A_236] : memref<128x64xf32, #tpu.memory_space<vmem>> -> memref<32x64xf32, #tpu.memory_space<vmem>>
      %dma_wait3A_238 = arith.constant 0 : i32
      %dma_wait3A_239 = tpu.memref_slice %arg23[%add3A_18, %dma_wait3A_238] : memref<10752x64xf32, #tpu.memory_space<vmem_shared>> -> memref<32x64xf32, #tpu.memory_space<vmem_shared>>
      %dma_wait3A_240 = arith.constant 0 : i32
      %dma_wait3A_241 = tpu.memref_slice %arg23[%add3A_18, %dma_wait3A_240] : memref<10752x64xf32, #tpu.memory_space<vmem_shared>> -> memref<32x64xf32, #tpu.memory_space<vmem_shared>>
      %dma_wait3A_242 = arith.constant 0 : i32
      %dma_wait3A_243 = arith.constant 0 : i32
      %dma_wait3A_244 = tpu.memref_slice %arg15[%dma_wait3A_242, %dma_wait3A_243] : memref<128x64xf32, #tpu.memory_space<vmem>> -> memref<32x64xf32, #tpu.memory_space<vmem>>
      tpu.wait_dma2 semaphore(%run_scoped3A : memref<!tpu.dma_semaphore, #tpu.memory_space<semaphore_mem>>) src(%dma_wait3A_244 : memref<32x64xf32, #tpu.memory_space<vmem>>) dst(%dma_wait3A_241 : memref<32x64xf32, #tpu.memory_space<vmem_shared>>)
      tpu.yield
    }) : () -> ()
    %barrier3A = arith.constant 0 : index
    tpu.barrier barrier_id(%barrier3A)
    %add3A_19 = arith.constant 0 : i32
    %add3A_20 = arith.addi %multiple_of3A_5, %add3A_19 : i32
    %dma_start3A = tpu.memref_slice %arg4[%add3A_20] : memref<327680xi32, #tpu.memory_space<hbm>> -> memref<128xi32, #tpu.memory_space<hbm>>
    %dma_start3A_21 = tpu.memref_slice %arg4[%add3A_20] : memref<327680xi32, #tpu.memory_space<hbm>> -> memref<128xi32, #tpu.memory_space<hbm>>
    tpu.enqueue_dma source(%dma_start3A_21 : memref<128xi32, #tpu.memory_space<hbm>>) target(%arg7 : memref<128xi32, #tpu.memory_space<vmem>>) target_semaphore(%arg40 : memref<!tpu.dma_semaphore, #tpu.memory_space<semaphore_mem>>)
    %dma_start3A_22 = arith.constant 0 : i32
    %dma_start3A_23 = tpu.memref_slice %arg6[%dma_start3A_22] : memref<10240xi32, #tpu.memory_space<vmem>> -> memref<128xi32, #tpu.memory_space<vmem>>
    %dma_start3A_24 = arith.constant 0 : i32
    %dma_start3A_25 = arith.constant 0 : i32
    %dma_start3A_26 = tpu.memref_slice %arg2[%dma_start3A_24, %dma_start3A_25] : memref<10000x64xf32, #tpu.memory_space<hbm>> -> memref<10000x64xf32, #tpu.memory_space<hbm>>
    tpu.enqueue_indirect_dma source(%dma_start3A_26 : memref<10000x64xf32, #tpu.memory_space<hbm>>) target(%arg15 : memref<128x64xf32, #tpu.memory_space<vmem>>) offsets(%dma_start3A_23 : memref<128xi32, #tpu.memory_space<vmem>>) semaphore(%arg24 : memref<!tpu.dma_semaphore, #tpu.memory_space<semaphore_mem>>)
    %add3A_27 = arith.constant 128 : i32
    %add3A_28 = arith.addi %multiple_of3A_5, %add3A_27 : i32
    %dma_start3A_29 = tpu.memref_slice %arg4[%add3A_28] : memref<327680xi32, #tpu.memory_space<hbm>> -> memref<128xi32, #tpu.memory_space<hbm>>
    %dma_start3A_30 = tpu.memref_slice %arg4[%add3A_28] : memref<327680xi32, #tpu.memory_space<hbm>> -> memref<128xi32, #tpu.memory_space<hbm>>
    tpu.enqueue_dma source(%dma_start3A_30 : memref<128xi32, #tpu.memory_space<hbm>>) target(%arg8 : memref<128xi32, #tpu.memory_space<vmem>>) target_semaphore(%arg41 : memref<!tpu.dma_semaphore, #tpu.memory_space<semaphore_mem>>)
    %dma_start3A_31 = arith.constant 128 : i32
    %dma_start3A_32 = tpu.memref_slice %arg6[%dma_start3A_31] : memref<10240xi32, #tpu.memory_space<vmem>> -> memref<128xi32, #tpu.memory_space<vmem>>
    %dma_start3A_33 = arith.constant 0 : i32
    %dma_start3A_34 = arith.constant 0 : i32
    %dma_start3A_35 = tpu.memref_slice %arg2[%dma_start3A_33, %dma_start3A_34] : memref<10000x64xf32, #tpu.memory_space<hbm>> -> memref<10000x64xf32, #tpu.memory_space<hbm>>
    tpu.enqueue_indirect_dma source(%dma_start3A_35 : memref<10000x64xf32, #tpu.memory_space<hbm>>) target(%arg16 : memref<128x64xf32, #tpu.memory_space<vmem>>) offsets(%dma_start3A_32 : memref<128xi32, #tpu.memory_space<vmem>>) semaphore(%arg25 : memref<!tpu.dma_semaphore, #tpu.memory_space<semaphore_mem>>)
    %add3A_36 = arith.constant 256 : i32
    %add3A_37 = arith.addi %multiple_of3A_5, %add3A_36 : i32
    %dma_start3A_38 = tpu.memref_slice %arg4[%add3A_37] : memref<327680xi32, #tpu.memory_space<hbm>> -> memref<128xi32, #tpu.memory_space<hbm>>
    %dma_start3A_39 = tpu.memref_slice %arg4[%add3A_37] : memref<327680xi32, #tpu.memory_space<hbm>> -> memref<128xi32, #tpu.memory_space<hbm>>
    tpu.enqueue_dma source(%dma_start3A_39 : memref<128xi32, #tpu.memory_space<hbm>>) target(%arg9 : memref<128xi32, #tpu.memory_space<vmem>>) target_semaphore(%arg42 : memref<!tpu.dma_semaphore, #tpu.memory_space<semaphore_mem>>)
    %dma_start3A_40 = arith.constant 256 : i32
    %dma_start3A_41 = tpu.memref_slice %arg6[%dma_start3A_40] : memref<10240xi32, #tpu.memory_space<vmem>> -> memref<128xi32, #tpu.memory_space<vmem>>
    %dma_start3A_42 = arith.constant 0 : i32
    %dma_start3A_43 = arith.constant 0 : i32
    %dma_start3A_44 = tpu.memref_slice %arg2[%dma_start3A_42, %dma_start3A_43] : memref<10000x64xf32, #tpu.memory_space<hbm>> -> memref<10000x64xf32, #tpu.memory_space<hbm>>
    tpu.enqueue_indirect_dma source(%dma_start3A_44 : memref<10000x64xf32, #tpu.memory_space<hbm>>) target(%arg17 : memref<128x64xf32, #tpu.memory_space<vmem>>) offsets(%dma_start3A_41 : memref<128xi32, #tpu.memory_space<vmem>>) semaphore(%arg26 : memref<!tpu.dma_semaphore, #tpu.memory_space<semaphore_mem>>)
    %add3A_45 = arith.constant 384 : i32
    %add3A_46 = arith.addi %multiple_of3A_5, %add3A_45 : i32
    %dma_start3A_47 = tpu.memref_slice %arg4[%add3A_46] : memref<327680xi32, #tpu.memory_space<hbm>> -> memref<128xi32, #tpu.memory_space<hbm>>
    %dma_start3A_48 = tpu.memref_slice %arg4[%add3A_46] : memref<327680xi32, #tpu.memory_space<hbm>> -> memref<128xi32, #tpu.memory_space<hbm>>
    tpu.enqueue_dma source(%dma_start3A_48 : memref<128xi32, #tpu.memory_space<hbm>>) target(%arg10 : memref<128xi32, #tpu.memory_space<vmem>>) target_semaphore(%arg43 : memref<!tpu.dma_semaphore, #tpu.memory_space<semaphore_mem>>)
    %dma_start3A_49 = arith.constant 384 : i32
    %dma_start3A_50 = tpu.memref_slice %arg6[%dma_start3A_49] : memref<10240xi32, #tpu.memory_space<vmem>> -> memref<128xi32, #tpu.memory_space<vmem>>
    %dma_start3A_51 = arith.constant 0 : i32
    %dma_start3A_52 = arith.constant 0 : i32
    %dma_start3A_53 = tpu.memref_slice %arg2[%dma_start3A_51, %dma_start3A_52] : memref<10000x64xf32, #tpu.memory_space<hbm>> -> memref<10000x64xf32, #tpu.memory_space<hbm>>
    tpu.enqueue_indirect_dma source(%dma_start3A_53 : memref<10000x64xf32, #tpu.memory_space<hbm>>) target(%arg18 : memref<128x64xf32, #tpu.memory_space<vmem>>) offsets(%dma_start3A_50 : memref<128xi32, #tpu.memory_space<vmem>>) semaphore(%arg27 : memref<!tpu.dma_semaphore, #tpu.memory_space<semaphore_mem>>)
    %add3A_54 = arith.constant 512 : i32
    %add3A_55 = arith.addi %multiple_of3A_5, %add3A_54 : i32
    %dma_start3A_56 = tpu.memref_slice %arg4[%add3A_55] : memref<327680xi32, #tpu.memory_space<hbm>> -> memref<128xi32, #tpu.memory_space<hbm>>
    %dma_start3A_57 = tpu.memref_slice %arg4[%add3A_55] : memref<327680xi32, #tpu.memory_space<hbm>> -> memref<128xi32, #tpu.memory_space<hbm>>
    tpu.enqueue_dma source(%dma_start3A_57 : memref<128xi32, #tpu.memory_space<hbm>>) target(%arg11 : memref<128xi32, #tpu.memory_space<vmem>>) target_semaphore(%arg44 : memref<!tpu.dma_semaphore, #tpu.memory_space<semaphore_mem>>)
    %dma_start3A_58 = arith.constant 512 : i32
    %dma_start3A_59 = tpu.memref_slice %arg6[%dma_start3A_58] : memref<10240xi32, #tpu.memory_space<vmem>> -> memref<128xi32, #tpu.memory_space<vmem>>
    %dma_start3A_60 = arith.constant 0 : i32
    %dma_start3A_61 = arith.constant 0 : i32
    %dma_start3A_62 = tpu.memref_slice %arg2[%dma_start3A_60, %dma_start3A_61] : memref<10000x64xf32, #tpu.memory_space<hbm>> -> memref<10000x64xf32, #tpu.memory_space<hbm>>
    tpu.enqueue_indirect_dma source(%dma_start3A_62 : memref<10000x64xf32, #tpu.memory_space<hbm>>) target(%arg19 : memref<128x64xf32, #tpu.memory_space<vmem>>) offsets(%dma_start3A_59 : memref<128xi32, #tpu.memory_space<vmem>>) semaphore(%arg28 : memref<!tpu.dma_semaphore, #tpu.memory_space<semaphore_mem>>)
    %add3A_63 = arith.constant 640 : i32
    %add3A_64 = arith.addi %multiple_of3A_5, %add3A_63 : i32
    %dma_start3A_65 = tpu.memref_slice %arg4[%add3A_64] : memref<327680xi32, #tpu.memory_space<hbm>> -> memref<128xi32, #tpu.memory_space<hbm>>
    %dma_start3A_66 = tpu.memref_slice %arg4[%add3A_64] : memref<327680xi32, #tpu.memory_space<hbm>> -> memref<128xi32, #tpu.memory_space<hbm>>
    tpu.enqueue_dma source(%dma_start3A_66 : memref<128xi32, #tpu.memory_space<hbm>>) target(%arg12 : memref<128xi32, #tpu.memory_space<vmem>>) target_semaphore(%arg45 : memref<!tpu.dma_semaphore, #tpu.memory_space<semaphore_mem>>)
    %dma_start3A_67 = arith.constant 640 : i32
    %dma_start3A_68 = tpu.memref_slice %arg6[%dma_start3A_67] : memref<10240xi32, #tpu.memory_space<vmem>> -> memref<128xi32, #tpu.memory_space<vmem>>
    %dma_start3A_69 = arith.constant 0 : i32
    %dma_start3A_70 = arith.constant 0 : i32
    %dma_start3A_71 = tpu.memref_slice %arg2[%dma_start3A_69, %dma_start3A_70] : memref<10000x64xf32, #tpu.memory_space<hbm>> -> memref<10000x64xf32, #tpu.memory_space<hbm>>
    tpu.enqueue_indirect_dma source(%dma_start3A_71 : memref<10000x64xf32, #tpu.memory_space<hbm>>) target(%arg20 : memref<128x64xf32, #tpu.memory_space<vmem>>) offsets(%dma_start3A_68 : memref<128xi32, #tpu.memory_space<vmem>>) semaphore(%arg29 : memref<!tpu.dma_semaphore, #tpu.memory_space<semaphore_mem>>)
    %add3A_72 = arith.constant 768 : i32
    %add3A_73 = arith.addi %multiple_of3A_5, %add3A_72 : i32
    %dma_start3A_74 = tpu.memref_slice %arg4[%add3A_73] : memref<327680xi32, #tpu.memory_space<hbm>> -> memref<128xi32, #tpu.memory_space<hbm>>
    %dma_start3A_75 = tpu.memref_slice %arg4[%add3A_73] : memref<327680xi32, #tpu.memory_space<hbm>> -> memref<128xi32, #tpu.memory_space<hbm>>
    tpu.enqueue_dma source(%dma_start3A_75 : memref<128xi32, #tpu.memory_space<hbm>>) target(%arg13 : memref<128xi32, #tpu.memory_space<vmem>>) target_semaphore(%arg46 : memref<!tpu.dma_semaphore, #tpu.memory_space<semaphore_mem>>)
    %dma_start3A_76 = arith.constant 768 : i32
    %dma_start3A_77 = tpu.memref_slice %arg6[%dma_start3A_76] : memref<10240xi32, #tpu.memory_space<vmem>> -> memref<128xi32, #tpu.memory_space<vmem>>
    %dma_start3A_78 = arith.constant 0 : i32
    %dma_start3A_79 = arith.constant 0 : i32
    %dma_start3A_80 = tpu.memref_slice %arg2[%dma_start3A_78, %dma_start3A_79] : memref<10000x64xf32, #tpu.memory_space<hbm>> -> memref<10000x64xf32, #tpu.memory_space<hbm>>
    tpu.enqueue_indirect_dma source(%dma_start3A_80 : memref<10000x64xf32, #tpu.memory_space<hbm>>) target(%arg21 : memref<128x64xf32, #tpu.memory_space<vmem>>) offsets(%dma_start3A_77 : memref<128xi32, #tpu.memory_space<vmem>>) semaphore(%arg30 : memref<!tpu.dma_semaphore, #tpu.memory_space<semaphore_mem>>)
    %add3A_81 = arith.constant 896 : i32
    %add3A_82 = arith.addi %multiple_of3A_5, %add3A_81 : i32
    %dma_start3A_83 = tpu.memref_slice %arg4[%add3A_82] : memref<327680xi32, #tpu.memory_space<hbm>> -> memref<128xi32, #tpu.memory_space<hbm>>
    %dma_start3A_84 = tpu.memref_slice %arg4[%add3A_82] : memref<327680xi32, #tpu.memory_space<hbm>> -> memref<128xi32, #tpu.memory_space<hbm>>
    tpu.enqueue_dma source(%dma_start3A_84 : memref<128xi32, #tpu.memory_space<hbm>>) target(%arg14 : memref<128xi32, #tpu.memory_space<vmem>>) target_semaphore(%arg47 : memref<!tpu.dma_semaphore, #tpu.memory_space<semaphore_mem>>)
    %dma_start3A_85 = arith.constant 896 : i32
    %dma_start3A_86 = tpu.memref_slice %arg6[%dma_start3A_85] : memref<10240xi32, #tpu.memory_space<vmem>> -> memref<128xi32, #tpu.memory_space<vmem>>
    %dma_start3A_87 = arith.constant 0 : i32
    %dma_start3A_88 = arith.constant 0 : i32
    %dma_start3A_89 = tpu.memref_slice %arg2[%dma_start3A_87, %dma_start3A_88] : memref<10000x64xf32, #tpu.memory_space<hbm>> -> memref<10000x64xf32, #tpu.memory_space<hbm>>
    tpu.enqueue_indirect_dma source(%dma_start3A_89 : memref<10000x64xf32, #tpu.memory_space<hbm>>) target(%arg22 : memref<128x64xf32, #tpu.memory_space<vmem>>) offsets(%dma_start3A_86 : memref<128xi32, #tpu.memory_space<vmem>>) semaphore(%arg31 : memref<!tpu.dma_semaphore, #tpu.memory_space<semaphore_mem>>)
    %scan3A_90 = arith.constant 0 : i32
    %scan3A_91 = arith.constant 0 : i32
    %scan3A_92 = arith.constant 9 : i32
    %scan3A_93 = arith.addi %scan3A_91, %scan3A_92 : i32
    %scan3A_94 = arith.constant 1 : i32
    scf.for %scan3A_225 = %scan3A_91 to %scan3A_93 step %scan3A_94  : i32 {
      %mul3A_226 = arith.constant 8 : i32
      %mul3A_227 = arith.muli %scan3A_225, %mul3A_226 : i32
      %add3A_228 = arith.constant 0 : i32
      %add3A_229 = arith.addi %mul3A_227, %add3A_228 : i32
      %mul3A_230 = arith.constant 128 : i32
      %mul3A_231 = arith.muli %add3A_229, %mul3A_230 : i32
      %dma_wait3A_232 = tpu.memref_slice %arg6[%mul3A_231] : memref<10240xi32, #tpu.memory_space<vmem>> -> memref<128xi32, #tpu.memory_space<vmem>>
      %dma_wait3A_233 = arith.constant 0 : i32
      %dma_wait3A_234 = arith.constant 0 : i32
      %dma_wait3A_235 = tpu.memref_slice %arg2[%dma_wait3A_233, %dma_wait3A_234] : memref<10000x64xf32, #tpu.memory_space<hbm>> -> memref<10000x64xf32, #tpu.memory_space<hbm>>
      tpu.wait_indirect_dma semaphore(%arg24 : memref<!tpu.dma_semaphore, #tpu.memory_space<semaphore_mem>>) src(%dma_wait3A_235 : memref<10000x64xf32, #tpu.memory_space<hbm>>) dst(%arg15 : memref<128x64xf32, #tpu.memory_space<vmem>>)
      %add3A_236 = arith.constant 0 : i32
      %add3A_237 = arith.addi %mul3A_227, %add3A_236 : i32
      %mul3A_238 = arith.constant 128 : i32
      %mul3A_239 = arith.muli %add3A_237, %mul3A_238 : i32
      %add3A_240 = arith.addi %multiple_of3A_5, %mul3A_239 : i32
      %dma_wait3A_241 = tpu.memref_slice %arg4[%add3A_240] : memref<327680xi32, #tpu.memory_space<hbm>> -> memref<128xi32, #tpu.memory_space<hbm>>
      %dma_wait3A_242 = tpu.memref_slice %arg4[%add3A_240] : memref<327680xi32, #tpu.memory_space<hbm>> -> memref<128xi32, #tpu.memory_space<hbm>>
      tpu.wait_dma2 semaphore(%arg40 : memref<!tpu.dma_semaphore, #tpu.memory_space<semaphore_mem>>) src(%dma_wait3A_242 : memref<128xi32, #tpu.memory_space<hbm>>) dst(%arg7 : memref<128xi32, #tpu.memory_space<vmem>>)
      %dma_start3A_243 = arith.constant 0 : i32
      %dma_start3A_244 = arith.constant 0 : i32
      %dma_start3A_245 = tpu.memref_slice %arg23[%dma_start3A_243, %dma_start3A_244] : memref<10752x64xf32, #tpu.memory_space<vmem_shared>> -> memref<10752x64xf32, #tpu.memory_space<vmem_shared>>
      tpu.enqueue_indirect_dma source(%arg15 : memref<128x64xf32, #tpu.memory_space<vmem>>) target(%dma_start3A_245 : memref<10752x64xf32, #tpu.memory_space<vmem_shared>>) offsets(%arg7 : memref<128xi32, #tpu.memory_space<vmem>>) semaphore(%arg32 : memref<!tpu.dma_semaphore, #tpu.memory_space<semaphore_mem>>) {add = true}
      %add3A_246 = arith.constant 1 : i32
      %add3A_247 = arith.addi %mul3A_227, %add3A_246 : i32
      %mul3A_248 = arith.constant 128 : i32
      %mul3A_249 = arith.muli %add3A_247, %mul3A_248 : i32
      %dma_wait3A_250 = tpu.memref_slice %arg6[%mul3A_249] : memref<10240xi32, #tpu.memory_space<vmem>> -> memref<128xi32, #tpu.memory_space<vmem>>
      %dma_wait3A_251 = arith.constant 0 : i32
      %dma_wait3A_252 = arith.constant 0 : i32
      %dma_wait3A_253 = tpu.memref_slice %arg2[%dma_wait3A_251, %dma_wait3A_252] : memref<10000x64xf32, #tpu.memory_space<hbm>> -> memref<10000x64xf32, #tpu.memory_space<hbm>>
      tpu.wait_indirect_dma semaphore(%arg25 : memref<!tpu.dma_semaphore, #tpu.memory_space<semaphore_mem>>) src(%dma_wait3A_253 : memref<10000x64xf32, #tpu.memory_space<hbm>>) dst(%arg16 : memref<128x64xf32, #tpu.memory_space<vmem>>)
      %add3A_254 = arith.constant 1 : i32
      %add3A_255 = arith.addi %mul3A_227, %add3A_254 : i32
      %mul3A_256 = arith.constant 128 : i32
      %mul3A_257 = arith.muli %add3A_255, %mul3A_256 : i32
      %add3A_258 = arith.addi %multiple_of3A_5, %mul3A_257 : i32
      %dma_wait3A_259 = tpu.memref_slice %arg4[%add3A_258] : memref<327680xi32, #tpu.memory_space<hbm>> -> memref<128xi32, #tpu.memory_space<hbm>>
      %dma_wait3A_260 = tpu.memref_slice %arg4[%add3A_258] : memref<327680xi32, #tpu.memory_space<hbm>> -> memref<128xi32, #tpu.memory_space<hbm>>
      tpu.wait_dma2 semaphore(%arg41 : memref<!tpu.dma_semaphore, #tpu.memory_space<semaphore_mem>>) src(%dma_wait3A_260 : memref<128xi32, #tpu.memory_space<hbm>>) dst(%arg8 : memref<128xi32, #tpu.memory_space<vmem>>)
      %dma_start3A_261 = arith.constant 0 : i32
      %dma_start3A_262 = arith.constant 0 : i32
      %dma_start3A_263 = tpu.memref_slice %arg23[%dma_start3A_261, %dma_start3A_262] : memref<10752x64xf32, #tpu.memory_space<vmem_shared>> -> memref<10752x64xf32, #tpu.memory_space<vmem_shared>>
      tpu.enqueue_indirect_dma source(%arg16 : memref<128x64xf32, #tpu.memory_space<vmem>>) target(%dma_start3A_263 : memref<10752x64xf32, #tpu.memory_space<vmem_shared>>) offsets(%arg8 : memref<128xi32, #tpu.memory_space<vmem>>) semaphore(%arg33 : memref<!tpu.dma_semaphore, #tpu.memory_space<semaphore_mem>>) {add = true}
      %add3A_264 = arith.constant 2 : i32
      %add3A_265 = arith.addi %mul3A_227, %add3A_264 : i32
      %mul3A_266 = arith.constant 128 : i32
      %mul3A_267 = arith.muli %add3A_265, %mul3A_266 : i32
      %dma_wait3A_268 = tpu.memref_slice %arg6[%mul3A_267] : memref<10240xi32, #tpu.memory_space<vmem>> -> memref<128xi32, #tpu.memory_space<vmem>>
      %dma_wait3A_269 = arith.constant 0 : i32
      %dma_wait3A_270 = arith.constant 0 : i32
      %dma_wait3A_271 = tpu.memref_slice %arg2[%dma_wait3A_269, %dma_wait3A_270] : memref<10000x64xf32, #tpu.memory_space<hbm>> -> memref<10000x64xf32, #tpu.memory_space<hbm>>
      tpu.wait_indirect_dma semaphore(%arg26 : memref<!tpu.dma_semaphore, #tpu.memory_space<semaphore_mem>>) src(%dma_wait3A_271 : memref<10000x64xf32, #tpu.memory_space<hbm>>) dst(%arg17 : memref<128x64xf32, #tpu.memory_space<vmem>>)
      %add3A_272 = arith.constant 2 : i32
      %add3A_273 = arith.addi %mul3A_227, %add3A_272 : i32
      %mul3A_274 = arith.constant 128 : i32
      %mul3A_275 = arith.muli %add3A_273, %mul3A_274 : i32
      %add3A_276 = arith.addi %multiple_of3A_5, %mul3A_275 : i32
      %dma_wait3A_277 = tpu.memref_slice %arg4[%add3A_276] : memref<327680xi32, #tpu.memory_space<hbm>> -> memref<128xi32, #tpu.memory_space<hbm>>
      %dma_wait3A_278 = tpu.memref_slice %arg4[%add3A_276] : memref<327680xi32, #tpu.memory_space<hbm>> -> memref<128xi32, #tpu.memory_space<hbm>>
      tpu.wait_dma2 semaphore(%arg42 : memref<!tpu.dma_semaphore, #tpu.memory_space<semaphore_mem>>) src(%dma_wait3A_278 : memref<128xi32, #tpu.memory_space<hbm>>) dst(%arg9 : memref<128xi32, #tpu.memory_space<vmem>>)
      %dma_start3A_279 = arith.constant 0 : i32
      %dma_start3A_280 = arith.constant 0 : i32
      %dma_start3A_281 = tpu.memref_slice %arg23[%dma_start3A_279, %dma_start3A_280] : memref<10752x64xf32, #tpu.memory_space<vmem_shared>> -> memref<10752x64xf32, #tpu.memory_space<vmem_shared>>
      tpu.enqueue_indirect_dma source(%arg17 : memref<128x64xf32, #tpu.memory_space<vmem>>) target(%dma_start3A_281 : memref<10752x64xf32, #tpu.memory_space<vmem_shared>>) offsets(%arg9 : memref<128xi32, #tpu.memory_space<vmem>>) semaphore(%arg34 : memref<!tpu.dma_semaphore, #tpu.memory_space<semaphore_mem>>) {add = true}
      %add3A_282 = arith.constant 3 : i32
      %add3A_283 = arith.addi %mul3A_227, %add3A_282 : i32
      %mul3A_284 = arith.constant 128 : i32
      %mul3A_285 = arith.muli %add3A_283, %mul3A_284 : i32
      %dma_wait3A_286 = tpu.memref_slice %arg6[%mul3A_285] : memref<10240xi32, #tpu.memory_space<vmem>> -> memref<128xi32, #tpu.memory_space<vmem>>
      %dma_wait3A_287 = arith.constant 0 : i32
      %dma_wait3A_288 = arith.constant 0 : i32
      %dma_wait3A_289 = tpu.memref_slice %arg2[%dma_wait3A_287, %dma_wait3A_288] : memref<10000x64xf32, #tpu.memory_space<hbm>> -> memref<10000x64xf32, #tpu.memory_space<hbm>>
      tpu.wait_indirect_dma semaphore(%arg27 : memref<!tpu.dma_semaphore, #tpu.memory_space<semaphore_mem>>) src(%dma_wait3A_289 : memref<10000x64xf32, #tpu.memory_space<hbm>>) dst(%arg18 : memref<128x64xf32, #tpu.memory_space<vmem>>)
      %add3A_290 = arith.constant 3 : i32
      %add3A_291 = arith.addi %mul3A_227, %add3A_290 : i32
      %mul3A_292 = arith.constant 128 : i32
      %mul3A_293 = arith.muli %add3A_291, %mul3A_292 : i32
      %add3A_294 = arith.addi %multiple_of3A_5, %mul3A_293 : i32
      %dma_wait3A_295 = tpu.memref_slice %arg4[%add3A_294] : memref<327680xi32, #tpu.memory_space<hbm>> -> memref<128xi32, #tpu.memory_space<hbm>>
      %dma_wait3A_296 = tpu.memref_slice %arg4[%add3A_294] : memref<327680xi32, #tpu.memory_space<hbm>> -> memref<128xi32, #tpu.memory_space<hbm>>
      tpu.wait_dma2 semaphore(%arg43 : memref<!tpu.dma_semaphore, #tpu.memory_space<semaphore_mem>>) src(%dma_wait3A_296 : memref<128xi32, #tpu.memory_space<hbm>>) dst(%arg10 : memref<128xi32, #tpu.memory_space<vmem>>)
      %dma_start3A_297 = arith.constant 0 : i32
      %dma_start3A_298 = arith.constant 0 : i32
      %dma_start3A_299 = tpu.memref_slice %arg23[%dma_start3A_297, %dma_start3A_298] : memref<10752x64xf32, #tpu.memory_space<vmem_shared>> -> memref<10752x64xf32, #tpu.memory_space<vmem_shared>>
      tpu.enqueue_indirect_dma source(%arg18 : memref<128x64xf32, #tpu.memory_space<vmem>>) target(%dma_start3A_299 : memref<10752x64xf32, #tpu.memory_space<vmem_shared>>) offsets(%arg10 : memref<128xi32, #tpu.memory_space<vmem>>) semaphore(%arg35 : memref<!tpu.dma_semaphore, #tpu.memory_space<semaphore_mem>>) {add = true}
      %add3A_300 = arith.constant 4 : i32
      %add3A_301 = arith.addi %mul3A_227, %add3A_300 : i32
      %mul3A_302 = arith.constant 128 : i32
      %mul3A_303 = arith.muli %add3A_301, %mul3A_302 : i32
      %dma_wait3A_304 = tpu.memref_slice %arg6[%mul3A_303] : memref<10240xi32, #tpu.memory_space<vmem>> -> memref<128xi32, #tpu.memory_space<vmem>>
      %dma_wait3A_305 = arith.constant 0 : i32
      %dma_wait3A_306 = arith.constant 0 : i32
      %dma_wait3A_307 = tpu.memref_slice %arg2[%dma_wait3A_305, %dma_wait3A_306] : memref<10000x64xf32, #tpu.memory_space<hbm>> -> memref<10000x64xf32, #tpu.memory_space<hbm>>
      tpu.wait_indirect_dma semaphore(%arg28 : memref<!tpu.dma_semaphore, #tpu.memory_space<semaphore_mem>>) src(%dma_wait3A_307 : memref<10000x64xf32, #tpu.memory_space<hbm>>) dst(%arg19 : memref<128x64xf32, #tpu.memory_space<vmem>>)
      %add3A_308 = arith.constant 4 : i32
      %add3A_309 = arith.addi %mul3A_227, %add3A_308 : i32
      %mul3A_310 = arith.constant 128 : i32
      %mul3A_311 = arith.muli %add3A_309, %mul3A_310 : i32
      %add3A_312 = arith.addi %multiple_of3A_5, %mul3A_311 : i32
      %dma_wait3A_313 = tpu.memref_slice %arg4[%add3A_312] : memref<327680xi32, #tpu.memory_space<hbm>> -> memref<128xi32, #tpu.memory_space<hbm>>
      %dma_wait3A_314 = tpu.memref_slice %arg4[%add3A_312] : memref<327680xi32, #tpu.memory_space<hbm>> -> memref<128xi32, #tpu.memory_space<hbm>>
      tpu.wait_dma2 semaphore(%arg44 : memref<!tpu.dma_semaphore, #tpu.memory_space<semaphore_mem>>) src(%dma_wait3A_314 : memref<128xi32, #tpu.memory_space<hbm>>) dst(%arg11 : memref<128xi32, #tpu.memory_space<vmem>>)
      %dma_start3A_315 = arith.constant 0 : i32
      %dma_start3A_316 = arith.constant 0 : i32
      %dma_start3A_317 = tpu.memref_slice %arg23[%dma_start3A_315, %dma_start3A_316] : memref<10752x64xf32, #tpu.memory_space<vmem_shared>> -> memref<10752x64xf32, #tpu.memory_space<vmem_shared>>
      tpu.enqueue_indirect_dma source(%arg19 : memref<128x64xf32, #tpu.memory_space<vmem>>) target(%dma_start3A_317 : memref<10752x64xf32, #tpu.memory_space<vmem_shared>>) offsets(%arg11 : memref<128xi32, #tpu.memory_space<vmem>>) semaphore(%arg36 : memref<!tpu.dma_semaphore, #tpu.memory_space<semaphore_mem>>) {add = true}
      %add3A_318 = arith.constant 5 : i32
      %add3A_319 = arith.addi %mul3A_227, %add3A_318 : i32
      %mul3A_320 = arith.constant 128 : i32
      %mul3A_321 = arith.muli %add3A_319, %mul3A_320 : i32
      %dma_wait3A_322 = tpu.memref_slice %arg6[%mul3A_321] : memref<10240xi32, #tpu.memory_space<vmem>> -> memref<128xi32, #tpu.memory_space<vmem>>
      %dma_wait3A_323 = arith.constant 0 : i32
      %dma_wait3A_324 = arith.constant 0 : i32
      %dma_wait3A_325 = tpu.memref_slice %arg2[%dma_wait3A_323, %dma_wait3A_324] : memref<10000x64xf32, #tpu.memory_space<hbm>> -> memref<10000x64xf32, #tpu.memory_space<hbm>>
      tpu.wait_indirect_dma semaphore(%arg29 : memref<!tpu.dma_semaphore, #tpu.memory_space<semaphore_mem>>) src(%dma_wait3A_325 : memref<10000x64xf32, #tpu.memory_space<hbm>>) dst(%arg20 : memref<128x64xf32, #tpu.memory_space<vmem>>)
      %add3A_326 = arith.constant 5 : i32
      %add3A_327 = arith.addi %mul3A_227, %add3A_326 : i32
      %mul3A_328 = arith.constant 128 : i32
      %mul3A_329 = arith.muli %add3A_327, %mul3A_328 : i32
      %add3A_330 = arith.addi %multiple_of3A_5, %mul3A_329 : i32
      %dma_wait3A_331 = tpu.memref_slice %arg4[%add3A_330] : memref<327680xi32, #tpu.memory_space<hbm>> -> memref<128xi32, #tpu.memory_space<hbm>>
      %dma_wait3A_332 = tpu.memref_slice %arg4[%add3A_330] : memref<327680xi32, #tpu.memory_space<hbm>> -> memref<128xi32, #tpu.memory_space<hbm>>
      tpu.wait_dma2 semaphore(%arg45 : memref<!tpu.dma_semaphore, #tpu.memory_space<semaphore_mem>>) src(%dma_wait3A_332 : memref<128xi32, #tpu.memory_space<hbm>>) dst(%arg12 : memref<128xi32, #tpu.memory_space<vmem>>)
      %dma_start3A_333 = arith.constant 0 : i32
      %dma_start3A_334 = arith.constant 0 : i32
      %dma_start3A_335 = tpu.memref_slice %arg23[%dma_start3A_333, %dma_start3A_334] : memref<10752x64xf32, #tpu.memory_space<vmem_shared>> -> memref<10752x64xf32, #tpu.memory_space<vmem_shared>>
      tpu.enqueue_indirect_dma source(%arg20 : memref<128x64xf32, #tpu.memory_space<vmem>>) target(%dma_start3A_335 : memref<10752x64xf32, #tpu.memory_space<vmem_shared>>) offsets(%arg12 : memref<128xi32, #tpu.memory_space<vmem>>) semaphore(%arg37 : memref<!tpu.dma_semaphore, #tpu.memory_space<semaphore_mem>>) {add = true}
      %add3A_336 = arith.constant 6 : i32
      %add3A_337 = arith.addi %mul3A_227, %add3A_336 : i32
      %mul3A_338 = arith.constant 128 : i32
      %mul3A_339 = arith.muli %add3A_337, %mul3A_338 : i32
      %dma_wait3A_340 = tpu.memref_slice %arg6[%mul3A_339] : memref<10240xi32, #tpu.memory_space<vmem>> -> memref<128xi32, #tpu.memory_space<vmem>>
      %dma_wait3A_341 = arith.constant 0 : i32
      %dma_wait3A_342 = arith.constant 0 : i32
      %dma_wait3A_343 = tpu.memref_slice %arg2[%dma_wait3A_341, %dma_wait3A_342] : memref<10000x64xf32, #tpu.memory_space<hbm>> -> memref<10000x64xf32, #tpu.memory_space<hbm>>
      tpu.wait_indirect_dma semaphore(%arg30 : memref<!tpu.dma_semaphore, #tpu.memory_space<semaphore_mem>>) src(%dma_wait3A_343 : memref<10000x64xf32, #tpu.memory_space<hbm>>) dst(%arg21 : memref<128x64xf32, #tpu.memory_space<vmem>>)
      %add3A_344 = arith.constant 6 : i32
      %add3A_345 = arith.addi %mul3A_227, %add3A_344 : i32
      %mul3A_346 = arith.constant 128 : i32
      %mul3A_347 = arith.muli %add3A_345, %mul3A_346 : i32
      %add3A_348 = arith.addi %multiple_of3A_5, %mul3A_347 : i32
      %dma_wait3A_349 = tpu.memref_slice %arg4[%add3A_348] : memref<327680xi32, #tpu.memory_space<hbm>> -> memref<128xi32, #tpu.memory_space<hbm>>
      %dma_wait3A_350 = tpu.memref_slice %arg4[%add3A_348] : memref<327680xi32, #tpu.memory_space<hbm>> -> memref<128xi32, #tpu.memory_space<hbm>>
      tpu.wait_dma2 semaphore(%arg46 : memref<!tpu.dma_semaphore, #tpu.memory_space<semaphore_mem>>) src(%dma_wait3A_350 : memref<128xi32, #tpu.memory_space<hbm>>) dst(%arg13 : memref<128xi32, #tpu.memory_space<vmem>>)
      %dma_start3A_351 = arith.constant 0 : i32
      %dma_start3A_352 = arith.constant 0 : i32
      %dma_start3A_353 = tpu.memref_slice %arg23[%dma_start3A_351, %dma_start3A_352] : memref<10752x64xf32, #tpu.memory_space<vmem_shared>> -> memref<10752x64xf32, #tpu.memory_space<vmem_shared>>
      tpu.enqueue_indirect_dma source(%arg21 : memref<128x64xf32, #tpu.memory_space<vmem>>) target(%dma_start3A_353 : memref<10752x64xf32, #tpu.memory_space<vmem_shared>>) offsets(%arg13 : memref<128xi32, #tpu.memory_space<vmem>>) semaphore(%arg38 : memref<!tpu.dma_semaphore, #tpu.memory_space<semaphore_mem>>) {add = true}
      %add3A_354 = arith.constant 7 : i32
      %add3A_355 = arith.addi %mul3A_227, %add3A_354 : i32
      %mul3A_356 = arith.constant 128 : i32
      %mul3A_357 = arith.muli %add3A_355, %mul3A_356 : i32
      %dma_wait3A_358 = tpu.memref_slice %arg6[%mul3A_357] : memref<10240xi32, #tpu.memory_space<vmem>> -> memref<128xi32, #tpu.memory_space<vmem>>
      %dma_wait3A_359 = arith.constant 0 : i32
      %dma_wait3A_360 = arith.constant 0 : i32
      %dma_wait3A_361 = tpu.memref_slice %arg2[%dma_wait3A_359, %dma_wait3A_360] : memref<10000x64xf32, #tpu.memory_space<hbm>> -> memref<10000x64xf32, #tpu.memory_space<hbm>>
      tpu.wait_indirect_dma semaphore(%arg31 : memref<!tpu.dma_semaphore, #tpu.memory_space<semaphore_mem>>) src(%dma_wait3A_361 : memref<10000x64xf32, #tpu.memory_space<hbm>>) dst(%arg22 : memref<128x64xf32, #tpu.memory_space<vmem>>)
      %add3A_362 = arith.constant 7 : i32
      %add3A_363 = arith.addi %mul3A_227, %add3A_362 : i32
      %mul3A_364 = arith.constant 128 : i32
      %mul3A_365 = arith.muli %add3A_363, %mul3A_364 : i32
      %add3A_366 = arith.addi %multiple_of3A_5, %mul3A_365 : i32
      %dma_wait3A_367 = tpu.memref_slice %arg4[%add3A_366] : memref<327680xi32, #tpu.memory_space<hbm>> -> memref<128xi32, #tpu.memory_space<hbm>>
      %dma_wait3A_368 = tpu.memref_slice %arg4[%add3A_366] : memref<327680xi32, #tpu.memory_space<hbm>> -> memref<128xi32, #tpu.memory_space<hbm>>
      tpu.wait_dma2 semaphore(%arg47 : memref<!tpu.dma_semaphore, #tpu.memory_space<semaphore_mem>>) src(%dma_wait3A_368 : memref<128xi32, #tpu.memory_space<hbm>>) dst(%arg14 : memref<128xi32, #tpu.memory_space<vmem>>)
      %dma_start3A_369 = arith.constant 0 : i32
      %dma_start3A_370 = arith.constant 0 : i32
      %dma_start3A_371 = tpu.memref_slice %arg23[%dma_start3A_369, %dma_start3A_370] : memref<10752x64xf32, #tpu.memory_space<vmem_shared>> -> memref<10752x64xf32, #tpu.memory_space<vmem_shared>>
      tpu.enqueue_indirect_dma source(%arg22 : memref<128x64xf32, #tpu.memory_space<vmem>>) target(%dma_start3A_371 : memref<10752x64xf32, #tpu.memory_space<vmem_shared>>) offsets(%arg14 : memref<128xi32, #tpu.memory_space<vmem>>) semaphore(%arg39 : memref<!tpu.dma_semaphore, #tpu.memory_space<semaphore_mem>>) {add = true}
      %dma_wait3A_372 = arith.constant 0 : i32
      %dma_wait3A_373 = arith.constant 0 : i32
      %dma_wait3A_374 = tpu.memref_slice %arg23[%dma_wait3A_372, %dma_wait3A_373] : memref<10752x64xf32, #tpu.memory_space<vmem_shared>> -> memref<10752x64xf32, #tpu.memory_space<vmem_shared>>
      tpu.wait_indirect_dma semaphore(%arg32 : memref<!tpu.dma_semaphore, #tpu.memory_space<semaphore_mem>>) src(%arg15 : memref<128x64xf32, #tpu.memory_space<vmem>>) dst(%dma_wait3A_374 : memref<10752x64xf32, #tpu.memory_space<vmem_shared>>)
      %add3A_375 = arith.constant 8 : i32
      %add3A_376 = arith.addi %mul3A_227, %add3A_375 : i32
      %add3A_377 = arith.constant 0 : i32
      %add3A_378 = arith.addi %add3A_376, %add3A_377 : i32
      %mul3A_379 = arith.constant 128 : i32
      %mul3A_380 = arith.muli %add3A_378, %mul3A_379 : i32
      %dma_start3A_381 = tpu.memref_slice %arg6[%mul3A_380] : memref<10240xi32, #tpu.memory_space<vmem>> -> memref<128xi32, #tpu.memory_space<vmem>>
      %dma_start3A_382 = arith.constant 0 : i32
      %dma_start3A_383 = arith.constant 0 : i32
      %dma_start3A_384 = tpu.memref_slice %arg2[%dma_start3A_382, %dma_start3A_383] : memref<10000x64xf32, #tpu.memory_space<hbm>> -> memref<10000x64xf32, #tpu.memory_space<hbm>>
      tpu.enqueue_indirect_dma source(%dma_start3A_384 : memref<10000x64xf32, #tpu.memory_space<hbm>>) target(%arg15 : memref<128x64xf32, #tpu.memory_space<vmem>>) offsets(%dma_start3A_381 : memref<128xi32, #tpu.memory_space<vmem>>) semaphore(%arg24 : memref<!tpu.dma_semaphore, #tpu.memory_space<semaphore_mem>>)
      %add3A_385 = arith.constant 8 : i32
      %add3A_386 = arith.addi %mul3A_227, %add3A_385 : i32
      %add3A_387 = arith.constant 0 : i32
      %add3A_388 = arith.addi %add3A_386, %add3A_387 : i32
      %mul3A_389 = arith.constant 128 : i32
      %mul3A_390 = arith.muli %add3A_388, %mul3A_389 : i32
      %add3A_391 = arith.addi %multiple_of3A_5, %mul3A_390 : i32
      %dma_start3A_392 = tpu.memref_slice %arg4[%add3A_391] : memref<327680xi32, #tpu.memory_space<hbm>> -> memref<128xi32, #tpu.memory_space<hbm>>
      %dma_start3A_393 = tpu.memref_slice %arg4[%add3A_391] : memref<327680xi32, #tpu.memory_space<hbm>> -> memref<128xi32, #tpu.memory_space<hbm>>
      tpu.enqueue_dma source(%dma_start3A_393 : memref<128xi32, #tpu.memory_space<hbm>>) target(%arg7 : memref<128xi32, #tpu.memory_space<vmem>>) target_semaphore(%arg40 : memref<!tpu.dma_semaphore, #tpu.memory_space<semaphore_mem>>)
      %dma_wait3A_394 = arith.constant 0 : i32
      %dma_wait3A_395 = arith.constant 0 : i32
      %dma_wait3A_396 = tpu.memref_slice %arg23[%dma_wait3A_394, %dma_wait3A_395] : memref<10752x64xf32, #tpu.memory_space<vmem_shared>> -> memref<10752x64xf32, #tpu.memory_space<vmem_shared>>
      tpu.wait_indirect_dma semaphore(%arg33 : memref<!tpu.dma_semaphore, #tpu.memory_space<semaphore_mem>>) src(%arg16 : memref<128x64xf32, #tpu.memory_space<vmem>>) dst(%dma_wait3A_396 : memref<10752x64xf32, #tpu.memory_space<vmem_shared>>)
      %add3A_397 = arith.constant 8 : i32
      %add3A_398 = arith.addi %mul3A_227, %add3A_397 : i32
      %add3A_399 = arith.constant 1 : i32
      %add3A_400 = arith.addi %add3A_398, %add3A_399 : i32
      %mul3A_401 = arith.constant 128 : i32
      %mul3A_402 = arith.muli %add3A_400, %mul3A_401 : i32
      %dma_start3A_403 = tpu.memref_slice %arg6[%mul3A_402] : memref<10240xi32, #tpu.memory_space<vmem>> -> memref<128xi32, #tpu.memory_space<vmem>>
      %dma_start3A_404 = arith.constant 0 : i32
      %dma_start3A_405 = arith.constant 0 : i32
      %dma_start3A_406 = tpu.memref_slice %arg2[%dma_start3A_404, %dma_start3A_405] : memref<10000x64xf32, #tpu.memory_space<hbm>> -> memref<10000x64xf32, #tpu.memory_space<hbm>>
      tpu.enqueue_indirect_dma source(%dma_start3A_406 : memref<10000x64xf32, #tpu.memory_space<hbm>>) target(%arg16 : memref<128x64xf32, #tpu.memory_space<vmem>>) offsets(%dma_start3A_403 : memref<128xi32, #tpu.memory_space<vmem>>) semaphore(%arg25 : memref<!tpu.dma_semaphore, #tpu.memory_space<semaphore_mem>>)
      %add3A_407 = arith.constant 8 : i32
      %add3A_408 = arith.addi %mul3A_227, %add3A_407 : i32
      %add3A_409 = arith.constant 1 : i32
      %add3A_410 = arith.addi %add3A_408, %add3A_409 : i32
      %mul3A_411 = arith.constant 128 : i32
      %mul3A_412 = arith.muli %add3A_410, %mul3A_411 : i32
      %add3A_413 = arith.addi %multiple_of3A_5, %mul3A_412 : i32
      %dma_start3A_414 = tpu.memref_slice %arg4[%add3A_413] : memref<327680xi32, #tpu.memory_space<hbm>> -> memref<128xi32, #tpu.memory_space<hbm>>
      %dma_start3A_415 = tpu.memref_slice %arg4[%add3A_413] : memref<327680xi32, #tpu.memory_space<hbm>> -> memref<128xi32, #tpu.memory_space<hbm>>
      tpu.enqueue_dma source(%dma_start3A_415 : memref<128xi32, #tpu.memory_space<hbm>>) target(%arg8 : memref<128xi32, #tpu.memory_space<vmem>>) target_semaphore(%arg41 : memref<!tpu.dma_semaphore, #tpu.memory_space<semaphore_mem>>)
      %dma_wait3A_416 = arith.constant 0 : i32
      %dma_wait3A_417 = arith.constant 0 : i32
      %dma_wait3A_418 = tpu.memref_slice %arg23[%dma_wait3A_416, %dma_wait3A_417] : memref<10752x64xf32, #tpu.memory_space<vmem_shared>> -> memref<10752x64xf32, #tpu.memory_space<vmem_shared>>
      tpu.wait_indirect_dma semaphore(%arg34 : memref<!tpu.dma_semaphore, #tpu.memory_space<semaphore_mem>>) src(%arg17 : memref<128x64xf32, #tpu.memory_space<vmem>>) dst(%dma_wait3A_418 : memref<10752x64xf32, #tpu.memory_space<vmem_shared>>)
      %add3A_419 = arith.constant 8 : i32
      %add3A_420 = arith.addi %mul3A_227, %add3A_419 : i32
      %add3A_421 = arith.constant 2 : i32
      %add3A_422 = arith.addi %add3A_420, %add3A_421 : i32
      %mul3A_423 = arith.constant 128 : i32
      %mul3A_424 = arith.muli %add3A_422, %mul3A_423 : i32
      %dma_start3A_425 = tpu.memref_slice %arg6[%mul3A_424] : memref<10240xi32, #tpu.memory_space<vmem>> -> memref<128xi32, #tpu.memory_space<vmem>>
      %dma_start3A_426 = arith.constant 0 : i32
      %dma_start3A_427 = arith.constant 0 : i32
      %dma_start3A_428 = tpu.memref_slice %arg2[%dma_start3A_426, %dma_start3A_427] : memref<10000x64xf32, #tpu.memory_space<hbm>> -> memref<10000x64xf32, #tpu.memory_space<hbm>>
      tpu.enqueue_indirect_dma source(%dma_start3A_428 : memref<10000x64xf32, #tpu.memory_space<hbm>>) target(%arg17 : memref<128x64xf32, #tpu.memory_space<vmem>>) offsets(%dma_start3A_425 : memref<128xi32, #tpu.memory_space<vmem>>) semaphore(%arg26 : memref<!tpu.dma_semaphore, #tpu.memory_space<semaphore_mem>>)
      %add3A_429 = arith.constant 8 : i32
      %add3A_430 = arith.addi %mul3A_227, %add3A_429 : i32
      %add3A_431 = arith.constant 2 : i32
      %add3A_432 = arith.addi %add3A_430, %add3A_431 : i32
      %mul3A_433 = arith.constant 128 : i32
      %mul3A_434 = arith.muli %add3A_432, %mul3A_433 : i32
      %add3A_435 = arith.addi %multiple_of3A_5, %mul3A_434 : i32
      %dma_start3A_436 = tpu.memref_slice %arg4[%add3A_435] : memref<327680xi32, #tpu.memory_space<hbm>> -> memref<128xi32, #tpu.memory_space<hbm>>
      %dma_start3A_437 = tpu.memref_slice %arg4[%add3A_435] : memref<327680xi32, #tpu.memory_space<hbm>> -> memref<128xi32, #tpu.memory_space<hbm>>
      tpu.enqueue_dma source(%dma_start3A_437 : memref<128xi32, #tpu.memory_space<hbm>>) target(%arg9 : memref<128xi32, #tpu.memory_space<vmem>>) target_semaphore(%arg42 : memref<!tpu.dma_semaphore, #tpu.memory_space<semaphore_mem>>)
      %dma_wait3A_438 = arith.constant 0 : i32
      %dma_wait3A_439 = arith.constant 0 : i32
      %dma_wait3A_440 = tpu.memref_slice %arg23[%dma_wait3A_438, %dma_wait3A_439] : memref<10752x64xf32, #tpu.memory_space<vmem_shared>> -> memref<10752x64xf32, #tpu.memory_space<vmem_shared>>
      tpu.wait_indirect_dma semaphore(%arg35 : memref<!tpu.dma_semaphore, #tpu.memory_space<semaphore_mem>>) src(%arg18 : memref<128x64xf32, #tpu.memory_space<vmem>>) dst(%dma_wait3A_440 : memref<10752x64xf32, #tpu.memory_space<vmem_shared>>)
      %add3A_441 = arith.constant 8 : i32
      %add3A_442 = arith.addi %mul3A_227, %add3A_441 : i32
      %add3A_443 = arith.constant 3 : i32
      %add3A_444 = arith.addi %add3A_442, %add3A_443 : i32
      %mul3A_445 = arith.constant 128 : i32
      %mul3A_446 = arith.muli %add3A_444, %mul3A_445 : i32
      %dma_start3A_447 = tpu.memref_slice %arg6[%mul3A_446] : memref<10240xi32, #tpu.memory_space<vmem>> -> memref<128xi32, #tpu.memory_space<vmem>>
      %dma_start3A_448 = arith.constant 0 : i32
      %dma_start3A_449 = arith.constant 0 : i32
      %dma_start3A_450 = tpu.memref_slice %arg2[%dma_start3A_448, %dma_start3A_449] : memref<10000x64xf32, #tpu.memory_space<hbm>> -> memref<10000x64xf32, #tpu.memory_space<hbm>>
      tpu.enqueue_indirect_dma source(%dma_start3A_450 : memref<10000x64xf32, #tpu.memory_space<hbm>>) target(%arg18 : memref<128x64xf32, #tpu.memory_space<vmem>>) offsets(%dma_start3A_447 : memref<128xi32, #tpu.memory_space<vmem>>) semaphore(%arg27 : memref<!tpu.dma_semaphore, #tpu.memory_space<semaphore_mem>>)
      %add3A_451 = arith.constant 8 : i32
      %add3A_452 = arith.addi %mul3A_227, %add3A_451 : i32
      %add3A_453 = arith.constant 3 : i32
      %add3A_454 = arith.addi %add3A_452, %add3A_453 : i32
      %mul3A_455 = arith.constant 128 : i32
      %mul3A_456 = arith.muli %add3A_454, %mul3A_455 : i32
      %add3A_457 = arith.addi %multiple_of3A_5, %mul3A_456 : i32
      %dma_start3A_458 = tpu.memref_slice %arg4[%add3A_457] : memref<327680xi32, #tpu.memory_space<hbm>> -> memref<128xi32, #tpu.memory_space<hbm>>
      %dma_start3A_459 = tpu.memref_slice %arg4[%add3A_457] : memref<327680xi32, #tpu.memory_space<hbm>> -> memref<128xi32, #tpu.memory_space<hbm>>
      tpu.enqueue_dma source(%dma_start3A_459 : memref<128xi32, #tpu.memory_space<hbm>>) target(%arg10 : memref<128xi32, #tpu.memory_space<vmem>>) target_semaphore(%arg43 : memref<!tpu.dma_semaphore, #tpu.memory_space<semaphore_mem>>)
      %dma_wait3A_460 = arith.constant 0 : i32
      %dma_wait3A_461 = arith.constant 0 : i32
      %dma_wait3A_462 = tpu.memref_slice %arg23[%dma_wait3A_460, %dma_wait3A_461] : memref<10752x64xf32, #tpu.memory_space<vmem_shared>> -> memref<10752x64xf32, #tpu.memory_space<vmem_shared>>
      tpu.wait_indirect_dma semaphore(%arg36 : memref<!tpu.dma_semaphore, #tpu.memory_space<semaphore_mem>>) src(%arg19 : memref<128x64xf32, #tpu.memory_space<vmem>>) dst(%dma_wait3A_462 : memref<10752x64xf32, #tpu.memory_space<vmem_shared>>)
      %add3A_463 = arith.constant 8 : i32
      %add3A_464 = arith.addi %mul3A_227, %add3A_463 : i32
      %add3A_465 = arith.constant 4 : i32
      %add3A_466 = arith.addi %add3A_464, %add3A_465 : i32
      %mul3A_467 = arith.constant 128 : i32
      %mul3A_468 = arith.muli %add3A_466, %mul3A_467 : i32
      %dma_start3A_469 = tpu.memref_slice %arg6[%mul3A_468] : memref<10240xi32, #tpu.memory_space<vmem>> -> memref<128xi32, #tpu.memory_space<vmem>>
      %dma_start3A_470 = arith.constant 0 : i32
      %dma_start3A_471 = arith.constant 0 : i32
      %dma_start3A_472 = tpu.memref_slice %arg2[%dma_start3A_470, %dma_start3A_471] : memref<10000x64xf32, #tpu.memory_space<hbm>> -> memref<10000x64xf32, #tpu.memory_space<hbm>>
      tpu.enqueue_indirect_dma source(%dma_start3A_472 : memref<10000x64xf32, #tpu.memory_space<hbm>>) target(%arg19 : memref<128x64xf32, #tpu.memory_space<vmem>>) offsets(%dma_start3A_469 : memref<128xi32, #tpu.memory_space<vmem>>) semaphore(%arg28 : memref<!tpu.dma_semaphore, #tpu.memory_space<semaphore_mem>>)
      %add3A_473 = arith.constant 8 : i32
      %add3A_474 = arith.addi %mul3A_227, %add3A_473 : i32
      %add3A_475 = arith.constant 4 : i32
      %add3A_476 = arith.addi %add3A_474, %add3A_475 : i32
      %mul3A_477 = arith.constant 128 : i32
      %mul3A_478 = arith.muli %add3A_476, %mul3A_477 : i32
      %add3A_479 = arith.addi %multiple_of3A_5, %mul3A_478 : i32
      %dma_start3A_480 = tpu.memref_slice %arg4[%add3A_479] : memref<327680xi32, #tpu.memory_space<hbm>> -> memref<128xi32, #tpu.memory_space<hbm>>
      %dma_start3A_481 = tpu.memref_slice %arg4[%add3A_479] : memref<327680xi32, #tpu.memory_space<hbm>> -> memref<128xi32, #tpu.memory_space<hbm>>
      tpu.enqueue_dma source(%dma_start3A_481 : memref<128xi32, #tpu.memory_space<hbm>>) target(%arg11 : memref<128xi32, #tpu.memory_space<vmem>>) target_semaphore(%arg44 : memref<!tpu.dma_semaphore, #tpu.memory_space<semaphore_mem>>)
      %dma_wait3A_482 = arith.constant 0 : i32
      %dma_wait3A_483 = arith.constant 0 : i32
      %dma_wait3A_484 = tpu.memref_slice %arg23[%dma_wait3A_482, %dma_wait3A_483] : memref<10752x64xf32, #tpu.memory_space<vmem_shared>> -> memref<10752x64xf32, #tpu.memory_space<vmem_shared>>
      tpu.wait_indirect_dma semaphore(%arg37 : memref<!tpu.dma_semaphore, #tpu.memory_space<semaphore_mem>>) src(%arg20 : memref<128x64xf32, #tpu.memory_space<vmem>>) dst(%dma_wait3A_484 : memref<10752x64xf32, #tpu.memory_space<vmem_shared>>)
      %add3A_485 = arith.constant 8 : i32
      %add3A_486 = arith.addi %mul3A_227, %add3A_485 : i32
      %add3A_487 = arith.constant 5 : i32
      %add3A_488 = arith.addi %add3A_486, %add3A_487 : i32
      %mul3A_489 = arith.constant 128 : i32
      %mul3A_490 = arith.muli %add3A_488, %mul3A_489 : i32
      %dma_start3A_491 = tpu.memref_slice %arg6[%mul3A_490] : memref<10240xi32, #tpu.memory_space<vmem>> -> memref<128xi32, #tpu.memory_space<vmem>>
      %dma_start3A_492 = arith.constant 0 : i32
      %dma_start3A_493 = arith.constant 0 : i32
      %dma_start3A_494 = tpu.memref_slice %arg2[%dma_start3A_492, %dma_start3A_493] : memref<10000x64xf32, #tpu.memory_space<hbm>> -> memref<10000x64xf32, #tpu.memory_space<hbm>>
      tpu.enqueue_indirect_dma source(%dma_start3A_494 : memref<10000x64xf32, #tpu.memory_space<hbm>>) target(%arg20 : memref<128x64xf32, #tpu.memory_space<vmem>>) offsets(%dma_start3A_491 : memref<128xi32, #tpu.memory_space<vmem>>) semaphore(%arg29 : memref<!tpu.dma_semaphore, #tpu.memory_space<semaphore_mem>>)
      %add3A_495 = arith.constant 8 : i32
      %add3A_496 = arith.addi %mul3A_227, %add3A_495 : i32
      %add3A_497 = arith.constant 5 : i32
      %add3A_498 = arith.addi %add3A_496, %add3A_497 : i32
      %mul3A_499 = arith.constant 128 : i32
      %mul3A_500 = arith.muli %add3A_498, %mul3A_499 : i32
      %add3A_501 = arith.addi %multiple_of3A_5, %mul3A_500 : i32
      %dma_start3A_502 = tpu.memref_slice %arg4[%add3A_501] : memref<327680xi32, #tpu.memory_space<hbm>> -> memref<128xi32, #tpu.memory_space<hbm>>
      %dma_start3A_503 = tpu.memref_slice %arg4[%add3A_501] : memref<327680xi32, #tpu.memory_space<hbm>> -> memref<128xi32, #tpu.memory_space<hbm>>
      tpu.enqueue_dma source(%dma_start3A_503 : memref<128xi32, #tpu.memory_space<hbm>>) target(%arg12 : memref<128xi32, #tpu.memory_space<vmem>>) target_semaphore(%arg45 : memref<!tpu.dma_semaphore, #tpu.memory_space<semaphore_mem>>)
      %dma_wait3A_504 = arith.constant 0 : i32
      %dma_wait3A_505 = arith.constant 0 : i32
      %dma_wait3A_506 = tpu.memref_slice %arg23[%dma_wait3A_504, %dma_wait3A_505] : memref<10752x64xf32, #tpu.memory_space<vmem_shared>> -> memref<10752x64xf32, #tpu.memory_space<vmem_shared>>
      tpu.wait_indirect_dma semaphore(%arg38 : memref<!tpu.dma_semaphore, #tpu.memory_space<semaphore_mem>>) src(%arg21 : memref<128x64xf32, #tpu.memory_space<vmem>>) dst(%dma_wait3A_506 : memref<10752x64xf32, #tpu.memory_space<vmem_shared>>)
      %add3A_507 = arith.constant 8 : i32
      %add3A_508 = arith.addi %mul3A_227, %add3A_507 : i32
      %add3A_509 = arith.constant 6 : i32
      %add3A_510 = arith.addi %add3A_508, %add3A_509 : i32
      %mul3A_511 = arith.constant 128 : i32
      %mul3A_512 = arith.muli %add3A_510, %mul3A_511 : i32
      %dma_start3A_513 = tpu.memref_slice %arg6[%mul3A_512] : memref<10240xi32, #tpu.memory_space<vmem>> -> memref<128xi32, #tpu.memory_space<vmem>>
      %dma_start3A_514 = arith.constant 0 : i32
      %dma_start3A_515 = arith.constant 0 : i32
      %dma_start3A_516 = tpu.memref_slice %arg2[%dma_start3A_514, %dma_start3A_515] : memref<10000x64xf32, #tpu.memory_space<hbm>> -> memref<10000x64xf32, #tpu.memory_space<hbm>>
      tpu.enqueue_indirect_dma source(%dma_start3A_516 : memref<10000x64xf32, #tpu.memory_space<hbm>>) target(%arg21 : memref<128x64xf32, #tpu.memory_space<vmem>>) offsets(%dma_start3A_513 : memref<128xi32, #tpu.memory_space<vmem>>) semaphore(%arg30 : memref<!tpu.dma_semaphore, #tpu.memory_space<semaphore_mem>>)
      %add3A_517 = arith.constant 8 : i32
      %add3A_518 = arith.addi %mul3A_227, %add3A_517 : i32
      %add3A_519 = arith.constant 6 : i32
      %add3A_520 = arith.addi %add3A_518, %add3A_519 : i32
      %mul3A_521 = arith.constant 128 : i32
      %mul3A_522 = arith.muli %add3A_520, %mul3A_521 : i32
      %add3A_523 = arith.addi %multiple_of3A_5, %mul3A_522 : i32
      %dma_start3A_524 = tpu.memref_slice %arg4[%add3A_523] : memref<327680xi32, #tpu.memory_space<hbm>> -> memref<128xi32, #tpu.memory_space<hbm>>
      %dma_start3A_525 = tpu.memref_slice %arg4[%add3A_523] : memref<327680xi32, #tpu.memory_space<hbm>> -> memref<128xi32, #tpu.memory_space<hbm>>
      tpu.enqueue_dma source(%dma_start3A_525 : memref<128xi32, #tpu.memory_space<hbm>>) target(%arg13 : memref<128xi32, #tpu.memory_space<vmem>>) target_semaphore(%arg46 : memref<!tpu.dma_semaphore, #tpu.memory_space<semaphore_mem>>)
      %dma_wait3A_526 = arith.constant 0 : i32
      %dma_wait3A_527 = arith.constant 0 : i32
      %dma_wait3A_528 = tpu.memref_slice %arg23[%dma_wait3A_526, %dma_wait3A_527] : memref<10752x64xf32, #tpu.memory_space<vmem_shared>> -> memref<10752x64xf32, #tpu.memory_space<vmem_shared>>
      tpu.wait_indirect_dma semaphore(%arg39 : memref<!tpu.dma_semaphore, #tpu.memory_space<semaphore_mem>>) src(%arg22 : memref<128x64xf32, #tpu.memory_space<vmem>>) dst(%dma_wait3A_528 : memref<10752x64xf32, #tpu.memory_space<vmem_shared>>)
      %add3A_529 = arith.constant 8 : i32
      %add3A_530 = arith.addi %mul3A_227, %add3A_529 : i32
      %add3A_531 = arith.constant 7 : i32
      %add3A_532 = arith.addi %add3A_530, %add3A_531 : i32
      %mul3A_533 = arith.constant 128 : i32
      %mul3A_534 = arith.muli %add3A_532, %mul3A_533 : i32
      %dma_start3A_535 = tpu.memref_slice %arg6[%mul3A_534] : memref<10240xi32, #tpu.memory_space<vmem>> -> memref<128xi32, #tpu.memory_space<vmem>>
      %dma_start3A_536 = arith.constant 0 : i32
      %dma_start3A_537 = arith.constant 0 : i32
      %dma_start3A_538 = tpu.memref_slice %arg2[%dma_start3A_536, %dma_start3A_537] : memref<10000x64xf32, #tpu.memory_space<hbm>> -> memref<10000x64xf32, #tpu.memory_space<hbm>>
      tpu.enqueue_indirect_dma source(%dma_start3A_538 : memref<10000x64xf32, #tpu.memory_space<hbm>>) target(%arg22 : memref<128x64xf32, #tpu.memory_space<vmem>>) offsets(%dma_start3A_535 : memref<128xi32, #tpu.memory_space<vmem>>) semaphore(%arg31 : memref<!tpu.dma_semaphore, #tpu.memory_space<semaphore_mem>>)
      %add3A_539 = arith.constant 8 : i32
      %add3A_540 = arith.addi %mul3A_227, %add3A_539 : i32
      %add3A_541 = arith.constant 7 : i32
      %add3A_542 = arith.addi %add3A_540, %add3A_541 : i32
      %mul3A_543 = arith.constant 128 : i32
      %mul3A_544 = arith.muli %add3A_542, %mul3A_543 : i32
      %add3A_545 = arith.addi %multiple_of3A_5, %mul3A_544 : i32
      %dma_start3A_546 = tpu.memref_slice %arg4[%add3A_545] : memref<327680xi32, #tpu.memory_space<hbm>> -> memref<128xi32, #tpu.memory_space<hbm>>
      %dma_start3A_547 = tpu.memref_slice %arg4[%add3A_545] : memref<327680xi32, #tpu.memory_space<hbm>> -> memref<128xi32, #tpu.memory_space<hbm>>
      tpu.enqueue_dma source(%dma_start3A_547 : memref<128xi32, #tpu.memory_space<hbm>>) target(%arg14 : memref<128xi32, #tpu.memory_space<vmem>>) target_semaphore(%arg47 : memref<!tpu.dma_semaphore, #tpu.memory_space<semaphore_mem>>)
    }
    %scan3A_95 = arith.constant 9 : i32
    %dma_wait3A = arith.constant 9216 : i32
    %dma_wait3A_96 = tpu.memref_slice %arg6[%dma_wait3A] : memref<10240xi32, #tpu.memory_space<vmem>> -> memref<128xi32, #tpu.memory_space<vmem>>
    %dma_wait3A_97 = arith.constant 0 : i32
    %dma_wait3A_98 = arith.constant 0 : i32
    %dma_wait3A_99 = tpu.memref_slice %arg2[%dma_wait3A_97, %dma_wait3A_98] : memref<10000x64xf32, #tpu.memory_space<hbm>> -> memref<10000x64xf32, #tpu.memory_space<hbm>>
    tpu.wait_indirect_dma semaphore(%arg24 : memref<!tpu.dma_semaphore, #tpu.memory_space<semaphore_mem>>) src(%dma_wait3A_99 : memref<10000x64xf32, #tpu.memory_space<hbm>>) dst(%arg15 : memref<128x64xf32, #tpu.memory_space<vmem>>)
    %add3A_100 = arith.constant 9216 : i32
    %add3A_101 = arith.addi %multiple_of3A_5, %add3A_100 : i32
    %dma_wait3A_102 = tpu.memref_slice %arg4[%add3A_101] : memref<327680xi32, #tpu.memory_space<hbm>> -> memref<128xi32, #tpu.memory_space<hbm>>
    %dma_wait3A_103 = tpu.memref_slice %arg4[%add3A_101] : memref<327680xi32, #tpu.memory_space<hbm>> -> memref<128xi32, #tpu.memory_space<hbm>>
    tpu.wait_dma2 semaphore(%arg40 : memref<!tpu.dma_semaphore, #tpu.memory_space<semaphore_mem>>) src(%dma_wait3A_103 : memref<128xi32, #tpu.memory_space<hbm>>) dst(%arg7 : memref<128xi32, #tpu.memory_space<vmem>>)
    %dma_start3A_104 = arith.constant 0 : i32
    %dma_start3A_105 = arith.constant 0 : i32
    %dma_start3A_106 = tpu.memref_slice %arg23[%dma_start3A_104, %dma_start3A_105] : memref<10752x64xf32, #tpu.memory_space<vmem_shared>> -> memref<10752x64xf32, #tpu.memory_space<vmem_shared>>
    tpu.enqueue_indirect_dma source(%arg15 : memref<128x64xf32, #tpu.memory_space<vmem>>) target(%dma_start3A_106 : memref<10752x64xf32, #tpu.memory_space<vmem_shared>>) offsets(%arg7 : memref<128xi32, #tpu.memory_space<vmem>>) semaphore(%arg32 : memref<!tpu.dma_semaphore, #tpu.memory_space<semaphore_mem>>) {add = true}
    %dma_wait3A_107 = arith.constant 9344 : i32
    %dma_wait3A_108 = tpu.memref_slice %arg6[%dma_wait3A_107] : memref<10240xi32, #tpu.memory_space<vmem>> -> memref<128xi32, #tpu.memory_space<vmem>>
    %dma_wait3A_109 = arith.constant 0 : i32
    %dma_wait3A_110 = arith.constant 0 : i32
    %dma_wait3A_111 = tpu.memref_slice %arg2[%dma_wait3A_109, %dma_wait3A_110] : memref<10000x64xf32, #tpu.memory_space<hbm>> -> memref<10000x64xf32, #tpu.memory_space<hbm>>
    tpu.wait_indirect_dma semaphore(%arg25 : memref<!tpu.dma_semaphore, #tpu.memory_space<semaphore_mem>>) src(%dma_wait3A_111 : memref<10000x64xf32, #tpu.memory_space<hbm>>) dst(%arg16 : memref<128x64xf32, #tpu.memory_space<vmem>>)
    %add3A_112 = arith.constant 9344 : i32
    %add3A_113 = arith.addi %multiple_of3A_5, %add3A_112 : i32
    %dma_wait3A_114 = tpu.memref_slice %arg4[%add3A_113] : memref<327680xi32, #tpu.memory_space<hbm>> -> memref<128xi32, #tpu.memory_space<hbm>>
    %dma_wait3A_115 = tpu.memref_slice %arg4[%add3A_113] : memref<327680xi32, #tpu.memory_space<hbm>> -> memref<128xi32, #tpu.memory_space<hbm>>
    tpu.wait_dma2 semaphore(%arg41 : memref<!tpu.dma_semaphore, #tpu.memory_space<semaphore_mem>>) src(%dma_wait3A_115 : memref<128xi32, #tpu.memory_space<hbm>>) dst(%arg8 : memref<128xi32, #tpu.memory_space<vmem>>)
    %dma_start3A_116 = arith.constant 0 : i32
    %dma_start3A_117 = arith.constant 0 : i32
    %dma_start3A_118 = tpu.memref_slice %arg23[%dma_start3A_116, %dma_start3A_117] : memref<10752x64xf32, #tpu.memory_space<vmem_shared>> -> memref<10752x64xf32, #tpu.memory_space<vmem_shared>>
    tpu.enqueue_indirect_dma source(%arg16 : memref<128x64xf32, #tpu.memory_space<vmem>>) target(%dma_start3A_118 : memref<10752x64xf32, #tpu.memory_space<vmem_shared>>) offsets(%arg8 : memref<128xi32, #tpu.memory_space<vmem>>) semaphore(%arg33 : memref<!tpu.dma_semaphore, #tpu.memory_space<semaphore_mem>>) {add = true}
    %dma_wait3A_119 = arith.constant 9472 : i32
    %dma_wait3A_120 = tpu.memref_slice %arg6[%dma_wait3A_119] : memref<10240xi32, #tpu.memory_space<vmem>> -> memref<128xi32, #tpu.memory_space<vmem>>
    %dma_wait3A_121 = arith.constant 0 : i32
    %dma_wait3A_122 = arith.constant 0 : i32
    %dma_wait3A_123 = tpu.memref_slice %arg2[%dma_wait3A_121, %dma_wait3A_122] : memref<10000x64xf32, #tpu.memory_space<hbm>> -> memref<10000x64xf32, #tpu.memory_space<hbm>>
    tpu.wait_indirect_dma semaphore(%arg26 : memref<!tpu.dma_semaphore, #tpu.memory_space<semaphore_mem>>) src(%dma_wait3A_123 : memref<10000x64xf32, #tpu.memory_space<hbm>>) dst(%arg17 : memref<128x64xf32, #tpu.memory_space<vmem>>)
    %add3A_124 = arith.constant 9472 : i32
    %add3A_125 = arith.addi %multiple_of3A_5, %add3A_124 : i32
    %dma_wait3A_126 = tpu.memref_slice %arg4[%add3A_125] : memref<327680xi32, #tpu.memory_space<hbm>> -> memref<128xi32, #tpu.memory_space<hbm>>
    %dma_wait3A_127 = tpu.memref_slice %arg4[%add3A_125] : memref<327680xi32, #tpu.memory_space<hbm>> -> memref<128xi32, #tpu.memory_space<hbm>>
    tpu.wait_dma2 semaphore(%arg42 : memref<!tpu.dma_semaphore, #tpu.memory_space<semaphore_mem>>) src(%dma_wait3A_127 : memref<128xi32, #tpu.memory_space<hbm>>) dst(%arg9 : memref<128xi32, #tpu.memory_space<vmem>>)
    %dma_start3A_128 = arith.constant 0 : i32
    %dma_start3A_129 = arith.constant 0 : i32
    %dma_start3A_130 = tpu.memref_slice %arg23[%dma_start3A_128, %dma_start3A_129] : memref<10752x64xf32, #tpu.memory_space<vmem_shared>> -> memref<10752x64xf32, #tpu.memory_space<vmem_shared>>
    tpu.enqueue_indirect_dma source(%arg17 : memref<128x64xf32, #tpu.memory_space<vmem>>) target(%dma_start3A_130 : memref<10752x64xf32, #tpu.memory_space<vmem_shared>>) offsets(%arg9 : memref<128xi32, #tpu.memory_space<vmem>>) semaphore(%arg34 : memref<!tpu.dma_semaphore, #tpu.memory_space<semaphore_mem>>) {add = true}
    %dma_wait3A_131 = arith.constant 9600 : i32
    %dma_wait3A_132 = tpu.memref_slice %arg6[%dma_wait3A_131] : memref<10240xi32, #tpu.memory_space<vmem>> -> memref<128xi32, #tpu.memory_space<vmem>>
    %dma_wait3A_133 = arith.constant 0 : i32
    %dma_wait3A_134 = arith.constant 0 : i32
    %dma_wait3A_135 = tpu.memref_slice %arg2[%dma_wait3A_133, %dma_wait3A_134] : memref<10000x64xf32, #tpu.memory_space<hbm>> -> memref<10000x64xf32, #tpu.memory_space<hbm>>
    tpu.wait_indirect_dma semaphore(%arg27 : memref<!tpu.dma_semaphore, #tpu.memory_space<semaphore_mem>>) src(%dma_wait3A_135 : memref<10000x64xf32, #tpu.memory_space<hbm>>) dst(%arg18 : memref<128x64xf32, #tpu.memory_space<vmem>>)
    %add3A_136 = arith.constant 9600 : i32
    %add3A_137 = arith.addi %multiple_of3A_5, %add3A_136 : i32
    %dma_wait3A_138 = tpu.memref_slice %arg4[%add3A_137] : memref<327680xi32, #tpu.memory_space<hbm>> -> memref<128xi32, #tpu.memory_space<hbm>>
    %dma_wait3A_139 = tpu.memref_slice %arg4[%add3A_137] : memref<327680xi32, #tpu.memory_space<hbm>> -> memref<128xi32, #tpu.memory_space<hbm>>
    tpu.wait_dma2 semaphore(%arg43 : memref<!tpu.dma_semaphore, #tpu.memory_space<semaphore_mem>>) src(%dma_wait3A_139 : memref<128xi32, #tpu.memory_space<hbm>>) dst(%arg10 : memref<128xi32, #tpu.memory_space<vmem>>)
    %dma_start3A_140 = arith.constant 0 : i32
    %dma_start3A_141 = arith.constant 0 : i32
    %dma_start3A_142 = tpu.memref_slice %arg23[%dma_start3A_140, %dma_start3A_141] : memref<10752x64xf32, #tpu.memory_space<vmem_shared>> -> memref<10752x64xf32, #tpu.memory_space<vmem_shared>>
    tpu.enqueue_indirect_dma source(%arg18 : memref<128x64xf32, #tpu.memory_space<vmem>>) target(%dma_start3A_142 : memref<10752x64xf32, #tpu.memory_space<vmem_shared>>) offsets(%arg10 : memref<128xi32, #tpu.memory_space<vmem>>) semaphore(%arg35 : memref<!tpu.dma_semaphore, #tpu.memory_space<semaphore_mem>>) {add = true}
    %dma_wait3A_143 = arith.constant 9728 : i32
    %dma_wait3A_144 = tpu.memref_slice %arg6[%dma_wait3A_143] : memref<10240xi32, #tpu.memory_space<vmem>> -> memref<128xi32, #tpu.memory_space<vmem>>
    %dma_wait3A_145 = arith.constant 0 : i32
    %dma_wait3A_146 = arith.constant 0 : i32
    %dma_wait3A_147 = tpu.memref_slice %arg2[%dma_wait3A_145, %dma_wait3A_146] : memref<10000x64xf32, #tpu.memory_space<hbm>> -> memref<10000x64xf32, #tpu.memory_space<hbm>>
    tpu.wait_indirect_dma semaphore(%arg28 : memref<!tpu.dma_semaphore, #tpu.memory_space<semaphore_mem>>) src(%dma_wait3A_147 : memref<10000x64xf32, #tpu.memory_space<hbm>>) dst(%arg19 : memref<128x64xf32, #tpu.memory_space<vmem>>)
    %add3A_148 = arith.constant 9728 : i32
    %add3A_149 = arith.addi %multiple_of3A_5, %add3A_148 : i32
    %dma_wait3A_150 = tpu.memref_slice %arg4[%add3A_149] : memref<327680xi32, #tpu.memory_space<hbm>> -> memref<128xi32, #tpu.memory_space<hbm>>
    %dma_wait3A_151 = tpu.memref_slice %arg4[%add3A_149] : memref<327680xi32, #tpu.memory_space<hbm>> -> memref<128xi32, #tpu.memory_space<hbm>>
    tpu.wait_dma2 semaphore(%arg44 : memref<!tpu.dma_semaphore, #tpu.memory_space<semaphore_mem>>) src(%dma_wait3A_151 : memref<128xi32, #tpu.memory_space<hbm>>) dst(%arg11 : memref<128xi32, #tpu.memory_space<vmem>>)
    %dma_start3A_152 = arith.constant 0 : i32
    %dma_start3A_153 = arith.constant 0 : i32
    %dma_start3A_154 = tpu.memref_slice %arg23[%dma_start3A_152, %dma_start3A_153] : memref<10752x64xf32, #tpu.memory_space<vmem_shared>> -> memref<10752x64xf32, #tpu.memory_space<vmem_shared>>
    tpu.enqueue_indirect_dma source(%arg19 : memref<128x64xf32, #tpu.memory_space<vmem>>) target(%dma_start3A_154 : memref<10752x64xf32, #tpu.memory_space<vmem_shared>>) offsets(%arg11 : memref<128xi32, #tpu.memory_space<vmem>>) semaphore(%arg36 : memref<!tpu.dma_semaphore, #tpu.memory_space<semaphore_mem>>) {add = true}
    %dma_wait3A_155 = arith.constant 9856 : i32
    %dma_wait3A_156 = tpu.memref_slice %arg6[%dma_wait3A_155] : memref<10240xi32, #tpu.memory_space<vmem>> -> memref<128xi32, #tpu.memory_space<vmem>>
    %dma_wait3A_157 = arith.constant 0 : i32
    %dma_wait3A_158 = arith.constant 0 : i32
    %dma_wait3A_159 = tpu.memref_slice %arg2[%dma_wait3A_157, %dma_wait3A_158] : memref<10000x64xf32, #tpu.memory_space<hbm>> -> memref<10000x64xf32, #tpu.memory_space<hbm>>
    tpu.wait_indirect_dma semaphore(%arg29 : memref<!tpu.dma_semaphore, #tpu.memory_space<semaphore_mem>>) src(%dma_wait3A_159 : memref<10000x64xf32, #tpu.memory_space<hbm>>) dst(%arg20 : memref<128x64xf32, #tpu.memory_space<vmem>>)
    %add3A_160 = arith.constant 9856 : i32
    %add3A_161 = arith.addi %multiple_of3A_5, %add3A_160 : i32
    %dma_wait3A_162 = tpu.memref_slice %arg4[%add3A_161] : memref<327680xi32, #tpu.memory_space<hbm>> -> memref<128xi32, #tpu.memory_space<hbm>>
    %dma_wait3A_163 = tpu.memref_slice %arg4[%add3A_161] : memref<327680xi32, #tpu.memory_space<hbm>> -> memref<128xi32, #tpu.memory_space<hbm>>
    tpu.wait_dma2 semaphore(%arg45 : memref<!tpu.dma_semaphore, #tpu.memory_space<semaphore_mem>>) src(%dma_wait3A_163 : memref<128xi32, #tpu.memory_space<hbm>>) dst(%arg12 : memref<128xi32, #tpu.memory_space<vmem>>)
    %dma_start3A_164 = arith.constant 0 : i32
    %dma_start3A_165 = arith.constant 0 : i32
    %dma_start3A_166 = tpu.memref_slice %arg23[%dma_start3A_164, %dma_start3A_165] : memref<10752x64xf32, #tpu.memory_space<vmem_shared>> -> memref<10752x64xf32, #tpu.memory_space<vmem_shared>>
    tpu.enqueue_indirect_dma source(%arg20 : memref<128x64xf32, #tpu.memory_space<vmem>>) target(%dma_start3A_166 : memref<10752x64xf32, #tpu.memory_space<vmem_shared>>) offsets(%arg12 : memref<128xi32, #tpu.memory_space<vmem>>) semaphore(%arg37 : memref<!tpu.dma_semaphore, #tpu.memory_space<semaphore_mem>>) {add = true}
    %dma_wait3A_167 = arith.constant 9984 : i32
    %dma_wait3A_168 = tpu.memref_slice %arg6[%dma_wait3A_167] : memref<10240xi32, #tpu.memory_space<vmem>> -> memref<128xi32, #tpu.memory_space<vmem>>
    %dma_wait3A_169 = arith.constant 0 : i32
    %dma_wait3A_170 = arith.constant 0 : i32
    %dma_wait3A_171 = tpu.memref_slice %arg2[%dma_wait3A_169, %dma_wait3A_170] : memref<10000x64xf32, #tpu.memory_space<hbm>> -> memref<10000x64xf32, #tpu.memory_space<hbm>>
    tpu.wait_indirect_dma semaphore(%arg30 : memref<!tpu.dma_semaphore, #tpu.memory_space<semaphore_mem>>) src(%dma_wait3A_171 : memref<10000x64xf32, #tpu.memory_space<hbm>>) dst(%arg21 : memref<128x64xf32, #tpu.memory_space<vmem>>)
    %add3A_172 = arith.constant 9984 : i32
    %add3A_173 = arith.addi %multiple_of3A_5, %add3A_172 : i32
    %dma_wait3A_174 = tpu.memref_slice %arg4[%add3A_173] : memref<327680xi32, #tpu.memory_space<hbm>> -> memref<128xi32, #tpu.memory_space<hbm>>
    %dma_wait3A_175 = tpu.memref_slice %arg4[%add3A_173] : memref<327680xi32, #tpu.memory_space<hbm>> -> memref<128xi32, #tpu.memory_space<hbm>>
    tpu.wait_dma2 semaphore(%arg46 : memref<!tpu.dma_semaphore, #tpu.memory_space<semaphore_mem>>) src(%dma_wait3A_175 : memref<128xi32, #tpu.memory_space<hbm>>) dst(%arg13 : memref<128xi32, #tpu.memory_space<vmem>>)
    %dma_start3A_176 = arith.constant 0 : i32
    %dma_start3A_177 = arith.constant 0 : i32
    %dma_start3A_178 = tpu.memref_slice %arg23[%dma_start3A_176, %dma_start3A_177] : memref<10752x64xf32, #tpu.memory_space<vmem_shared>> -> memref<10752x64xf32, #tpu.memory_space<vmem_shared>>
    tpu.enqueue_indirect_dma source(%arg21 : memref<128x64xf32, #tpu.memory_space<vmem>>) target(%dma_start3A_178 : memref<10752x64xf32, #tpu.memory_space<vmem_shared>>) offsets(%arg13 : memref<128xi32, #tpu.memory_space<vmem>>) semaphore(%arg38 : memref<!tpu.dma_semaphore, #tpu.memory_space<semaphore_mem>>) {add = true}
    %dma_wait3A_179 = arith.constant 10112 : i32
    %dma_wait3A_180 = tpu.memref_slice %arg6[%dma_wait3A_179] : memref<10240xi32, #tpu.memory_space<vmem>> -> memref<128xi32, #tpu.memory_space<vmem>>
    %dma_wait3A_181 = arith.constant 0 : i32
    %dma_wait3A_182 = arith.constant 0 : i32
    %dma_wait3A_183 = tpu.memref_slice %arg2[%dma_wait3A_181, %dma_wait3A_182] : memref<10000x64xf32, #tpu.memory_space<hbm>> -> memref<10000x64xf32, #tpu.memory_space<hbm>>
    tpu.wait_indirect_dma semaphore(%arg31 : memref<!tpu.dma_semaphore, #tpu.memory_space<semaphore_mem>>) src(%dma_wait3A_183 : memref<10000x64xf32, #tpu.memory_space<hbm>>) dst(%arg22 : memref<128x64xf32, #tpu.memory_space<vmem>>)
    %add3A_184 = arith.constant 10112 : i32
    %add3A_185 = arith.addi %multiple_of3A_5, %add3A_184 : i32
    %dma_wait3A_186 = tpu.memref_slice %arg4[%add3A_185] : memref<327680xi32, #tpu.memory_space<hbm>> -> memref<128xi32, #tpu.memory_space<hbm>>
    %dma_wait3A_187 = tpu.memref_slice %arg4[%add3A_185] : memref<327680xi32, #tpu.memory_space<hbm>> -> memref<128xi32, #tpu.memory_space<hbm>>
    tpu.wait_dma2 semaphore(%arg47 : memref<!tpu.dma_semaphore, #tpu.memory_space<semaphore_mem>>) src(%dma_wait3A_187 : memref<128xi32, #tpu.memory_space<hbm>>) dst(%arg14 : memref<128xi32, #tpu.memory_space<vmem>>)
    %dma_start3A_188 = arith.constant 0 : i32
    %dma_start3A_189 = arith.constant 0 : i32
    %dma_start3A_190 = tpu.memref_slice %arg23[%dma_start3A_188, %dma_start3A_189] : memref<10752x64xf32, #tpu.memory_space<vmem_shared>> -> memref<10752x64xf32, #tpu.memory_space<vmem_shared>>
    tpu.enqueue_indirect_dma source(%arg22 : memref<128x64xf32, #tpu.memory_space<vmem>>) target(%dma_start3A_190 : memref<10752x64xf32, #tpu.memory_space<vmem_shared>>) offsets(%arg14 : memref<128xi32, #tpu.memory_space<vmem>>) semaphore(%arg39 : memref<!tpu.dma_semaphore, #tpu.memory_space<semaphore_mem>>) {add = true}
    %dma_wait3A_191 = arith.constant 0 : i32
    %dma_wait3A_192 = arith.constant 0 : i32
    %dma_wait3A_193 = tpu.memref_slice %arg23[%dma_wait3A_191, %dma_wait3A_192] : memref<10752x64xf32, #tpu.memory_space<vmem_shared>> -> memref<10752x64xf32, #tpu.memory_space<vmem_shared>>
    tpu.wait_indirect_dma semaphore(%arg32 : memref<!tpu.dma_semaphore, #tpu.memory_space<semaphore_mem>>) src(%arg15 : memref<128x64xf32, #tpu.memory_space<vmem>>) dst(%dma_wait3A_193 : memref<10752x64xf32, #tpu.memory_space<vmem_shared>>)
    %dma_wait3A_194 = arith.constant 0 : i32
    %dma_wait3A_195 = arith.constant 0 : i32
    %dma_wait3A_196 = tpu.memref_slice %arg23[%dma_wait3A_194, %dma_wait3A_195] : memref<10752x64xf32, #tpu.memory_space<vmem_shared>> -> memref<10752x64xf32, #tpu.memory_space<vmem_shared>>
    tpu.wait_indirect_dma semaphore(%arg33 : memref<!tpu.dma_semaphore, #tpu.memory_space<semaphore_mem>>) src(%arg16 : memref<128x64xf32, #tpu.memory_space<vmem>>) dst(%dma_wait3A_196 : memref<10752x64xf32, #tpu.memory_space<vmem_shared>>)
    %dma_wait3A_197 = arith.constant 0 : i32
    %dma_wait3A_198 = arith.constant 0 : i32
    %dma_wait3A_199 = tpu.memref_slice %arg23[%dma_wait3A_197, %dma_wait3A_198] : memref<10752x64xf32, #tpu.memory_space<vmem_shared>> -> memref<10752x64xf32, #tpu.memory_space<vmem_shared>>
    tpu.wait_indirect_dma semaphore(%arg34 : memref<!tpu.dma_semaphore, #tpu.memory_space<semaphore_mem>>) src(%arg17 : memref<128x64xf32, #tpu.memory_space<vmem>>) dst(%dma_wait3A_199 : memref<10752x64xf32, #tpu.memory_space<vmem_shared>>)
    %dma_wait3A_200 = arith.constant 0 : i32
    %dma_wait3A_201 = arith.constant 0 : i32
    %dma_wait3A_202 = tpu.memref_slice %arg23[%dma_wait3A_200, %dma_wait3A_201] : memref<10752x64xf32, #tpu.memory_space<vmem_shared>> -> memref<10752x64xf32, #tpu.memory_space<vmem_shared>>
    tpu.wait_indirect_dma semaphore(%arg35 : memref<!tpu.dma_semaphore, #tpu.memory_space<semaphore_mem>>) src(%arg18 : memref<128x64xf32, #tpu.memory_space<vmem>>) dst(%dma_wait3A_202 : memref<10752x64xf32, #tpu.memory_space<vmem_shared>>)
    %dma_wait3A_203 = arith.constant 0 : i32
    %dma_wait3A_204 = arith.constant 0 : i32
    %dma_wait3A_205 = tpu.memref_slice %arg23[%dma_wait3A_203, %dma_wait3A_204] : memref<10752x64xf32, #tpu.memory_space<vmem_shared>> -> memref<10752x64xf32, #tpu.memory_space<vmem_shared>>
    tpu.wait_indirect_dma semaphore(%arg36 : memref<!tpu.dma_semaphore, #tpu.memory_space<semaphore_mem>>) src(%arg19 : memref<128x64xf32, #tpu.memory_space<vmem>>) dst(%dma_wait3A_205 : memref<10752x64xf32, #tpu.memory_space<vmem_shared>>)
    %dma_wait3A_206 = arith.constant 0 : i32
    %dma_wait3A_207 = arith.constant 0 : i32
    %dma_wait3A_208 = tpu.memref_slice %arg23[%dma_wait3A_206, %dma_wait3A_207] : memref<10752x64xf32, #tpu.memory_space<vmem_shared>> -> memref<10752x64xf32, #tpu.memory_space<vmem_shared>>
    tpu.wait_indirect_dma semaphore(%arg37 : memref<!tpu.dma_semaphore, #tpu.memory_space<semaphore_mem>>) src(%arg20 : memref<128x64xf32, #tpu.memory_space<vmem>>) dst(%dma_wait3A_208 : memref<10752x64xf32, #tpu.memory_space<vmem_shared>>)
    %dma_wait3A_209 = arith.constant 0 : i32
    %dma_wait3A_210 = arith.constant 0 : i32
    %dma_wait3A_211 = tpu.memref_slice %arg23[%dma_wait3A_209, %dma_wait3A_210] : memref<10752x64xf32, #tpu.memory_space<vmem_shared>> -> memref<10752x64xf32, #tpu.memory_space<vmem_shared>>
    tpu.wait_indirect_dma semaphore(%arg38 : memref<!tpu.dma_semaphore, #tpu.memory_space<semaphore_mem>>) src(%arg21 : memref<128x64xf32, #tpu.memory_space<vmem>>) dst(%dma_wait3A_211 : memref<10752x64xf32, #tpu.memory_space<vmem_shared>>)
    %dma_wait3A_212 = arith.constant 0 : i32
    %dma_wait3A_213 = arith.constant 0 : i32
    %dma_wait3A_214 = tpu.memref_slice %arg23[%dma_wait3A_212, %dma_wait3A_213] : memref<10752x64xf32, #tpu.memory_space<vmem_shared>> -> memref<10752x64xf32, #tpu.memory_space<vmem_shared>>
    tpu.wait_indirect_dma semaphore(%arg39 : memref<!tpu.dma_semaphore, #tpu.memory_space<semaphore_mem>>) src(%arg22 : memref<128x64xf32, #tpu.memory_space<vmem>>) dst(%dma_wait3A_214 : memref<10752x64xf32, #tpu.memory_space<vmem_shared>>)
    %barrier3A_215 = arith.constant 0 : index
    tpu.barrier barrier_id(%barrier3A_215)
    %scan3A_216 = arith.constant 0 : i32
    %scan3A_217 = arith.constant 0 : i32
    %scan3A_218 = arith.constant 5 : i32
    %scan3A_219 = arith.addi %scan3A_217, %scan3A_218 : i32
    %scan3A_220 = arith.constant 1 : i32
    scf.for %scan3A_225 = %scan3A_217 to %scan3A_219 step %scan3A_220  : i32 {
      %mul3A_226 = arith.constant 128 : i32
      %mul3A_227 = arith.muli %scan3A_225, %mul3A_226 : i32
      %add3A_228 = arith.addi %multiple_of3A, %mul3A_227 : i32
      %multiple_of3A_229 = tpu.assume_multiple %add3A_228, 8 : i32
      "tpu.region"() ({
        %run_scoped3A = tpu.sem_alloc : memref<!tpu.dma_semaphore, #tpu.memory_space<semaphore_mem>>
        %dma_start3A_230 = arith.constant 0 : i32
        %dma_start3A_231 = tpu.memref_slice %arg23[%multiple_of3A_229, %dma_start3A_230] : memref<10752x64xf32, #tpu.memory_space<vmem_shared>> -> memref<128x64xf32, #tpu.memory_space<vmem_shared>>
        %dma_start3A_232 = arith.constant 0 : i32
        %dma_start3A_233 = tpu.memref_slice %arg23[%multiple_of3A_229, %dma_start3A_232] : memref<10752x64xf32, #tpu.memory_space<vmem_shared>> -> memref<128x64xf32, #tpu.memory_space<vmem_shared>>
        tpu.enqueue_dma source(%dma_start3A_233 : memref<128x64xf32, #tpu.memory_space<vmem_shared>>) target(%arg16 : memref<128x64xf32, #tpu.memory_space<vmem>>) target_semaphore(%run_scoped3A : memref<!tpu.dma_semaphore, #tpu.memory_space<semaphore_mem>>)
        %dma_wait3A_234 = arith.constant 0 : i32
        %dma_wait3A_235 = tpu.memref_slice %arg23[%multiple_of3A_229, %dma_wait3A_234] : memref<10752x64xf32, #tpu.memory_space<vmem_shared>> -> memref<128x64xf32, #tpu.memory_space<vmem_shared>>
        %dma_wait3A_236 = arith.constant 0 : i32
        %dma_wait3A_237 = tpu.memref_slice %arg23[%multiple_of3A_229, %dma_wait3A_236] : memref<10752x64xf32, #tpu.memory_space<vmem_shared>> -> memref<128x64xf32, #tpu.memory_space<vmem_shared>>
        tpu.wait_dma2 semaphore(%run_scoped3A : memref<!tpu.dma_semaphore, #tpu.memory_space<semaphore_mem>>) src(%dma_wait3A_237 : memref<128x64xf32, #tpu.memory_space<vmem_shared>>) dst(%arg16 : memref<128x64xf32, #tpu.memory_space<vmem>>)
        tpu.yield
      }) : () -> ()
      "tpu.region"() ({
        %run_scoped3A = tpu.sem_alloc : memref<!tpu.dma_semaphore, #tpu.memory_space<semaphore_mem>>
        %dma_start3A_230 = arith.constant 0 : i32
        %dma_start3A_231 = tpu.memref_slice %arg5[%arg0, %multiple_of3A_229, %dma_start3A_230] : memref<2x10752x64xf32, #tpu.memory_space<hbm>> -> memref<1x128x64xf32, #tpu.memory_space<hbm>>
        %dma_start3A_232 = tpu.memref_squeeze %dma_start3A_231 : memref<1x128x64xf32, #tpu.memory_space<hbm>> -> memref<128x64xf32, #tpu.memory_space<hbm>>
        %dma_start3A_233 = arith.constant 0 : i32
        %dma_start3A_234 = tpu.memref_slice %arg5[%arg0, %multiple_of3A_229, %dma_start3A_233] : memref<2x10752x64xf32, #tpu.memory_space<hbm>> -> memref<1x128x64xf32, #tpu.memory_space<hbm>>
        %dma_start3A_235 = tpu.memref_squeeze %dma_start3A_234 : memref<1x128x64xf32, #tpu.memory_space<hbm>> -> memref<128x64xf32, #tpu.memory_space<hbm>>
        tpu.enqueue_dma source(%arg16 : memref<128x64xf32, #tpu.memory_space<vmem>>) target(%dma_start3A_235 : memref<128x64xf32, #tpu.memory_space<hbm>>) target_semaphore(%run_scoped3A : memref<!tpu.dma_semaphore, #tpu.memory_space<semaphore_mem>>)
        %dma_wait3A_236 = arith.constant 0 : i32
        %dma_wait3A_237 = tpu.memref_slice %arg5[%arg0, %multiple_of3A_229, %dma_wait3A_236] : memref<2x10752x64xf32, #tpu.memory_space<hbm>> -> memref<1x128x64xf32, #tpu.memory_space<hbm>>
        %dma_wait3A_238 = tpu.memref_squeeze %dma_wait3A_237 : memref<1x128x64xf32, #tpu.memory_space<hbm>> -> memref<128x64xf32, #tpu.memory_space<hbm>>
        %dma_wait3A_239 = arith.constant 0 : i32
        %dma_wait3A_240 = tpu.memref_slice %arg5[%arg0, %multiple_of3A_229, %dma_wait3A_239] : memref<2x10752x64xf32, #tpu.memory_space<hbm>> -> memref<1x128x64xf32, #tpu.memory_space<hbm>>
        %dma_wait3A_241 = tpu.memref_squeeze %dma_wait3A_240 : memref<1x128x64xf32, #tpu.memory_space<hbm>> -> memref<128x64xf32, #tpu.memory_space<hbm>>
        tpu.wait_dma2 semaphore(%run_scoped3A : memref<!tpu.dma_semaphore, #tpu.memory_space<semaphore_mem>>) src(%arg16 : memref<128x64xf32, #tpu.memory_space<vmem>>) dst(%dma_wait3A_241 : memref<128x64xf32, #tpu.memory_space<hbm>>)
        tpu.yield
      }) : () -> ()
    }
    %scan3A_221 = arith.constant 5 : i32
    %add3A_222 = arith.constant 640 : i32
    %add3A_223 = arith.addi %multiple_of3A, %add3A_222 : i32
    %multiple_of3A_224 = tpu.assume_multiple %add3A_223, 8 : i32
    "tpu.region"() ({
      %run_scoped3A = tpu.sem_alloc : memref<!tpu.dma_semaphore, #tpu.memory_space<semaphore_mem>>
      %dma_start3A_225 = arith.constant 0 : i32
      %dma_start3A_226 = arith.constant 0 : i32
      %dma_start3A_227 = tpu.memref_slice %arg16[%dma_start3A_225, %dma_start3A_226] : memref<128x64xf32, #tpu.memory_space<vmem>> -> memref<32x64xf32, #tpu.memory_space<vmem>>
      %dma_start3A_228 = arith.constant 0 : i32
      %dma_start3A_229 = tpu.memref_slice %arg23[%multiple_of3A_224, %dma_start3A_228] : memref<10752x64xf32, #tpu.memory_space<vmem_shared>> -> memref<32x64xf32, #tpu.memory_space<vmem_shared>>
      %dma_start3A_230 = arith.constant 0 : i32
      %dma_start3A_231 = arith.constant 0 : i32
      %dma_start3A_232 = tpu.memref_slice %arg16[%dma_start3A_230, %dma_start3A_231] : memref<128x64xf32, #tpu.memory_space<vmem>> -> memref<32x64xf32, #tpu.memory_space<vmem>>
      %dma_start3A_233 = arith.constant 0 : i32
      %dma_start3A_234 = tpu.memref_slice %arg23[%multiple_of3A_224, %dma_start3A_233] : memref<10752x64xf32, #tpu.memory_space<vmem_shared>> -> memref<32x64xf32, #tpu.memory_space<vmem_shared>>
      tpu.enqueue_dma source(%dma_start3A_234 : memref<32x64xf32, #tpu.memory_space<vmem_shared>>) target(%dma_start3A_232 : memref<32x64xf32, #tpu.memory_space<vmem>>) target_semaphore(%run_scoped3A : memref<!tpu.dma_semaphore, #tpu.memory_space<semaphore_mem>>)
      %dma_wait3A_235 = arith.constant 0 : i32
      %dma_wait3A_236 = arith.constant 0 : i32
      %dma_wait3A_237 = tpu.memref_slice %arg16[%dma_wait3A_235, %dma_wait3A_236] : memref<128x64xf32, #tpu.memory_space<vmem>> -> memref<32x64xf32, #tpu.memory_space<vmem>>
      %dma_wait3A_238 = arith.constant 0 : i32
      %dma_wait3A_239 = tpu.memref_slice %arg23[%multiple_of3A_224, %dma_wait3A_238] : memref<10752x64xf32, #tpu.memory_space<vmem_shared>> -> memref<32x64xf32, #tpu.memory_space<vmem_shared>>
      %dma_wait3A_240 = arith.constant 0 : i32
      %dma_wait3A_241 = arith.constant 0 : i32
      %dma_wait3A_242 = tpu.memref_slice %arg16[%dma_wait3A_240, %dma_wait3A_241] : memref<128x64xf32, #tpu.memory_space<vmem>> -> memref<32x64xf32, #tpu.memory_space<vmem>>
      %dma_wait3A_243 = arith.constant 0 : i32
      %dma_wait3A_244 = tpu.memref_slice %arg23[%multiple_of3A_224, %dma_wait3A_243] : memref<10752x64xf32, #tpu.memory_space<vmem_shared>> -> memref<32x64xf32, #tpu.memory_space<vmem_shared>>
      tpu.wait_dma2 semaphore(%run_scoped3A : memref<!tpu.dma_semaphore, #tpu.memory_space<semaphore_mem>>) src(%dma_wait3A_244 : memref<32x64xf32, #tpu.memory_space<vmem_shared>>) dst(%dma_wait3A_242 : memref<32x64xf32, #tpu.memory_space<vmem>>)
      tpu.yield
    }) : () -> ()
    "tpu.region"() ({
      %run_scoped3A = tpu.sem_alloc : memref<!tpu.dma_semaphore, #tpu.memory_space<semaphore_mem>>
      %dma_start3A_225 = arith.constant 0 : i32
      %dma_start3A_226 = arith.constant 0 : i32
      %dma_start3A_227 = tpu.memref_slice %arg16[%dma_start3A_225, %dma_start3A_226] : memref<128x64xf32, #tpu.memory_space<vmem>> -> memref<32x64xf32, #tpu.memory_space<vmem>>
      %dma_start3A_228 = arith.constant 0 : i32
      %dma_start3A_229 = tpu.memref_slice %arg5[%arg0, %multiple_of3A_224, %dma_start3A_228] : memref<2x10752x64xf32, #tpu.memory_space<hbm>> -> memref<1x32x64xf32, #tpu.memory_space<hbm>>
      %dma_start3A_230 = tpu.memref_squeeze %dma_start3A_229 : memref<1x32x64xf32, #tpu.memory_space<hbm>> -> memref<32x64xf32, #tpu.memory_space<hbm>>
      %dma_start3A_231 = arith.constant 0 : i32
      %dma_start3A_232 = tpu.memref_slice %arg5[%arg0, %multiple_of3A_224, %dma_start3A_231] : memref<2x10752x64xf32, #tpu.memory_space<hbm>> -> memref<1x32x64xf32, #tpu.memory_space<hbm>>
      %dma_start3A_233 = tpu.memref_squeeze %dma_start3A_232 : memref<1x32x64xf32, #tpu.memory_space<hbm>> -> memref<32x64xf32, #tpu.memory_space<hbm>>
      %dma_start3A_234 = arith.constant 0 : i32
      %dma_start3A_235 = arith.constant 0 : i32
      %dma_start3A_236 = tpu.memref_slice %arg16[%dma_start3A_234, %dma_start3A_235] : memref<128x64xf32, #tpu.memory_space<vmem>> -> memref<32x64xf32, #tpu.memory_space<vmem>>
      tpu.enqueue_dma source(%dma_start3A_236 : memref<32x64xf32, #tpu.memory_space<vmem>>) target(%dma_start3A_233 : memref<32x64xf32, #tpu.memory_space<hbm>>) target_semaphore(%run_scoped3A : memref<!tpu.dma_semaphore, #tpu.memory_space<semaphore_mem>>)
      %dma_wait3A_237 = arith.constant 0 : i32
      %dma_wait3A_238 = arith.constant 0 : i32
      %dma_wait3A_239 = tpu.memref_slice %arg16[%dma_wait3A_237, %dma_wait3A_238] : memref<128x64xf32, #tpu.memory_space<vmem>> -> memref<32x64xf32, #tpu.memory_space<vmem>>
      %dma_wait3A_240 = arith.constant 0 : i32
      %dma_wait3A_241 = tpu.memref_slice %arg5[%arg0, %multiple_of3A_224, %dma_wait3A_240] : memref<2x10752x64xf32, #tpu.memory_space<hbm>> -> memref<1x32x64xf32, #tpu.memory_space<hbm>>
      %dma_wait3A_242 = tpu.memref_squeeze %dma_wait3A_241 : memref<1x32x64xf32, #tpu.memory_space<hbm>> -> memref<32x64xf32, #tpu.memory_space<hbm>>
      %dma_wait3A_243 = arith.constant 0 : i32
      %dma_wait3A_244 = tpu.memref_slice %arg5[%arg0, %multiple_of3A_224, %dma_wait3A_243] : memref<2x10752x64xf32, #tpu.memory_space<hbm>> -> memref<1x32x64xf32, #tpu.memory_space<hbm>>
      %dma_wait3A_245 = tpu.memref_squeeze %dma_wait3A_244 : memref<1x32x64xf32, #tpu.memory_space<hbm>> -> memref<32x64xf32, #tpu.memory_space<hbm>>
      %dma_wait3A_246 = arith.constant 0 : i32
      %dma_wait3A_247 = arith.constant 0 : i32
      %dma_wait3A_248 = tpu.memref_slice %arg16[%dma_wait3A_246, %dma_wait3A_247] : memref<128x64xf32, #tpu.memory_space<vmem>> -> memref<32x64xf32, #tpu.memory_space<vmem>>
      tpu.wait_dma2 semaphore(%run_scoped3A : memref<!tpu.dma_semaphore, #tpu.memory_space<semaphore_mem>>) src(%dma_wait3A_248 : memref<32x64xf32, #tpu.memory_space<vmem>>) dst(%dma_wait3A_245 : memref<32x64xf32, #tpu.memory_space<hbm>>)
      tpu.yield
    }) : () -> ()
    return
  }
}

#map = affine_map<(d0, d1) -> (0, 0)>
#map1 = affine_map<(d0, d1) -> (0)>
#map2 = affine_map<(d0, d1) -> (0, 0, 0)>
module attributes {stable_mosaic.version = 14 : i64} {
  func.func @_aggn_body(%arg0: i32, %arg1: i32, %arg2: memref<10000x128xf32, #tpu.memory_space<hbm>>, %arg3: memref<327680xi32, #tpu.memory_space<hbm>>, %arg4: memref<327680xi32, #tpu.memory_space<hbm>>, %arg5: memref<2x10752x128xf32, #tpu.memory_space<hbm>>, %arg6: memref<10240xi32, #tpu.memory_space<vmem>>, %arg7: memref<32xi32, #tpu.memory_space<vmem>>, %arg8: memref<32xi32, #tpu.memory_space<vmem>>, %arg9: memref<32xi32, #tpu.memory_space<vmem>>, %arg10: memref<32xi32, #tpu.memory_space<vmem>>, %arg11: memref<32xi32, #tpu.memory_space<vmem>>, %arg12: memref<32xi32, #tpu.memory_space<vmem>>, %arg13: memref<32xi32, #tpu.memory_space<vmem>>, %arg14: memref<32xi32, #tpu.memory_space<vmem>>, %arg15: memref<32x128xf32, #tpu.memory_space<vmem>>, %arg16: memref<32x128xf32, #tpu.memory_space<vmem>>, %arg17: memref<32x128xf32, #tpu.memory_space<vmem>>, %arg18: memref<32x128xf32, #tpu.memory_space<vmem>>, %arg19: memref<32x128xf32, #tpu.memory_space<vmem>>, %arg20: memref<32x128xf32, #tpu.memory_space<vmem>>, %arg21: memref<32x128xf32, #tpu.memory_space<vmem>>, %arg22: memref<32x128xf32, #tpu.memory_space<vmem>>, %arg23: memref<10752x128xf32, #tpu.memory_space<vmem_shared>>, %arg24: memref<!tpu.dma_semaphore, #tpu.memory_space<semaphore_mem>>, %arg25: memref<!tpu.dma_semaphore, #tpu.memory_space<semaphore_mem>>, %arg26: memref<!tpu.dma_semaphore, #tpu.memory_space<semaphore_mem>>, %arg27: memref<!tpu.dma_semaphore, #tpu.memory_space<semaphore_mem>>, %arg28: memref<!tpu.dma_semaphore, #tpu.memory_space<semaphore_mem>>, %arg29: memref<!tpu.dma_semaphore, #tpu.memory_space<semaphore_mem>>, %arg30: memref<!tpu.dma_semaphore, #tpu.memory_space<semaphore_mem>>, %arg31: memref<!tpu.dma_semaphore, #tpu.memory_space<semaphore_mem>>, %arg32: memref<!tpu.dma_semaphore, #tpu.memory_space<semaphore_mem>>, %arg33: memref<!tpu.dma_semaphore, #tpu.memory_space<semaphore_mem>>, %arg34: memref<!tpu.dma_semaphore, #tpu.memory_space<semaphore_mem>>, %arg35: memref<!tpu.dma_semaphore, #tpu.memory_space<semaphore_mem>>, %arg36: memref<!tpu.dma_semaphore, #tpu.memory_space<semaphore_mem>>, %arg37: memref<!tpu.dma_semaphore, #tpu.memory_space<semaphore_mem>>, %arg38: memref<!tpu.dma_semaphore, #tpu.memory_space<semaphore_mem>>, %arg39: memref<!tpu.dma_semaphore, #tpu.memory_space<semaphore_mem>>, %arg40: memref<!tpu.dma_semaphore, #tpu.memory_space<semaphore_mem>>, %arg41: memref<!tpu.dma_semaphore, #tpu.memory_space<semaphore_mem>>, %arg42: memref<!tpu.dma_semaphore, #tpu.memory_space<semaphore_mem>>, %arg43: memref<!tpu.dma_semaphore, #tpu.memory_space<semaphore_mem>>, %arg44: memref<!tpu.dma_semaphore, #tpu.memory_space<semaphore_mem>>, %arg45: memref<!tpu.dma_semaphore, #tpu.memory_space<semaphore_mem>>, %arg46: memref<!tpu.dma_semaphore, #tpu.memory_space<semaphore_mem>>, %arg47: memref<!tpu.dma_semaphore, #tpu.memory_space<semaphore_mem>>) attributes {dimension_semantics = [#tpu.dimension_semantics<core_parallel>, #tpu.dimension_semantics<subcore_parallel>], iteration_bounds = array<i64: 2, 16>, scalar_prefetch = 0 : i64, scratch_operands = 42 : i64, tpu.core_type = #tpu.core_type<sc_vector_subcore>, window_params = [{transform_indices = #map}, {transform_indices = #map1}, {transform_indices = #map1}, {transform_indices = #map2}]} {
    %mul3A = arith.constant 16 : i32
    %mul3A_0 = arith.muli %arg0, %mul3A : i32
    %add3A = arith.addi %mul3A_0, %arg1 : i32
    %mul3A_1 = arith.constant 672 : i32
    %mul3A_2 = arith.muli %arg1, %mul3A_1 : i32
    %multiple_of3A = tpu.assume_multiple %mul3A_2, 8 : i32
    %mul3A_3 = arith.constant 10240 : i32
    %mul3A_4 = arith.muli %add3A, %mul3A_3 : i32
    %multiple_of3A_5 = tpu.assume_multiple %mul3A_4, 8 : i32
    "tpu.region"() ({
      %run_scoped3A = tpu.sem_alloc : memref<!tpu.dma_semaphore, #tpu.memory_space<semaphore_mem>>
      %dma_start3A_220 = tpu.memref_slice %arg3[%multiple_of3A_5] : memref<327680xi32, #tpu.memory_space<hbm>> -> memref<10240xi32, #tpu.memory_space<hbm>>
      %dma_start3A_221 = tpu.memref_slice %arg3[%multiple_of3A_5] : memref<327680xi32, #tpu.memory_space<hbm>> -> memref<10240xi32, #tpu.memory_space<hbm>>
      tpu.enqueue_dma source(%dma_start3A_221 : memref<10240xi32, #tpu.memory_space<hbm>>) target(%arg6 : memref<10240xi32, #tpu.memory_space<vmem>>) target_semaphore(%run_scoped3A : memref<!tpu.dma_semaphore, #tpu.memory_space<semaphore_mem>>)
      %dma_wait3A_222 = tpu.memref_slice %arg3[%multiple_of3A_5] : memref<327680xi32, #tpu.memory_space<hbm>> -> memref<10240xi32, #tpu.memory_space<hbm>>
      %dma_wait3A_223 = tpu.memref_slice %arg3[%multiple_of3A_5] : memref<327680xi32, #tpu.memory_space<hbm>> -> memref<10240xi32, #tpu.memory_space<hbm>>
      tpu.wait_dma2 semaphore(%run_scoped3A : memref<!tpu.dma_semaphore, #tpu.memory_space<semaphore_mem>>) src(%dma_wait3A_223 : memref<10240xi32, #tpu.memory_space<hbm>>) dst(%arg6 : memref<10240xi32, #tpu.memory_space<vmem>>)
      tpu.yield
    }) : () -> ()
    %scan3A = arith.constant 0 : i32
    %scan3A_6 = arith.constant 0 : i32
    %scan3A_7 = arith.constant 32 : i32
    %scan3A_8 = arith.addi %scan3A_6, %scan3A_7 : i32
    %scan3A_9 = arith.constant 1 : i32
    scf.for %scan3A_220 = %scan3A_6 to %scan3A_8 step %scan3A_9  : i32 {
      %broadcast_in_dim3A = arith.constant 0.000000e+00 : f32
      %broadcast_in_dim3A_221 = vector.broadcast %broadcast_in_dim3A : f32 to vector<16xf32>
      %swap3A = arith.index_cast %scan3A_220 : i32 to index
      %swap3A_222 = arith.constant 0 : index
      %swap3A_223 = tpu.vector_load %arg15[%swap3A, %swap3A_222] {strides = array<i32>} : memref<32x128xf32, #tpu.memory_space<vmem>>, vector<1x16xf32>,
      %swap3A_224 = vector.shape_cast %swap3A_223 : vector<1x16xf32> to vector<16xf32>
      %swap3A_225 = vector.shape_cast %broadcast_in_dim3A_221 : vector<16xf32> to vector<1x16xf32>
      tpu.vector_store %arg15[%swap3A, %swap3A_222], %swap3A_225 {strides = array<i32>} : memref<32x128xf32, #tpu.memory_space<vmem>>, vector<1x16xf32>,
      %broadcast_in_dim3A_226 = arith.constant 0.000000e+00 : f32
      %broadcast_in_dim3A_227 = vector.broadcast %broadcast_in_dim3A_226 : f32 to vector<16xf32>
      %swap3A_228 = arith.index_cast %scan3A_220 : i32 to index
      %swap3A_229 = arith.constant 16 : index
      %swap3A_230 = tpu.vector_load %arg15[%swap3A_228, %swap3A_229] {strides = array<i32>} : memref<32x128xf32, #tpu.memory_space<vmem>>, vector<1x16xf32>,
      %swap3A_231 = vector.shape_cast %swap3A_230 : vector<1x16xf32> to vector<16xf32>
      %swap3A_232 = vector.shape_cast %broadcast_in_dim3A_227 : vector<16xf32> to vector<1x16xf32>
      tpu.vector_store %arg15[%swap3A_228, %swap3A_229], %swap3A_232 {strides = array<i32>} : memref<32x128xf32, #tpu.memory_space<vmem>>, vector<1x16xf32>,
      %broadcast_in_dim3A_233 = arith.constant 0.000000e+00 : f32
      %broadcast_in_dim3A_234 = vector.broadcast %broadcast_in_dim3A_233 : f32 to vector<16xf32>
      %swap3A_235 = arith.index_cast %scan3A_220 : i32 to index
      %swap3A_236 = arith.constant 32 : index
      %swap3A_237 = tpu.vector_load %arg15[%swap3A_235, %swap3A_236] {strides = array<i32>} : memref<32x128xf32, #tpu.memory_space<vmem>>, vector<1x16xf32>,
      %swap3A_238 = vector.shape_cast %swap3A_237 : vector<1x16xf32> to vector<16xf32>
      %swap3A_239 = vector.shape_cast %broadcast_in_dim3A_234 : vector<16xf32> to vector<1x16xf32>
      tpu.vector_store %arg15[%swap3A_235, %swap3A_236], %swap3A_239 {strides = array<i32>} : memref<32x128xf32, #tpu.memory_space<vmem>>, vector<1x16xf32>,
      %broadcast_in_dim3A_240 = arith.constant 0.000000e+00 : f32
      %broadcast_in_dim3A_241 = vector.broadcast %broadcast_in_dim3A_240 : f32 to vector<16xf32>
      %swap3A_242 = arith.index_cast %scan3A_220 : i32 to index
      %swap3A_243 = arith.constant 48 : index
      %swap3A_244 = tpu.vector_load %arg15[%swap3A_242, %swap3A_243] {strides = array<i32>} : memref<32x128xf32, #tpu.memory_space<vmem>>, vector<1x16xf32>,
      %swap3A_245 = vector.shape_cast %swap3A_244 : vector<1x16xf32> to vector<16xf32>
      %swap3A_246 = vector.shape_cast %broadcast_in_dim3A_241 : vector<16xf32> to vector<1x16xf32>
      tpu.vector_store %arg15[%swap3A_242, %swap3A_243], %swap3A_246 {strides = array<i32>} : memref<32x128xf32, #tpu.memory_space<vmem>>, vector<1x16xf32>,
      %broadcast_in_dim3A_247 = arith.constant 0.000000e+00 : f32
      %broadcast_in_dim3A_248 = vector.broadcast %broadcast_in_dim3A_247 : f32 to vector<16xf32>
      %swap3A_249 = arith.index_cast %scan3A_220 : i32 to index
      %swap3A_250 = arith.constant 64 : index
      %swap3A_251 = tpu.vector_load %arg15[%swap3A_249, %swap3A_250] {strides = array<i32>} : memref<32x128xf32, #tpu.memory_space<vmem>>, vector<1x16xf32>,
      %swap3A_252 = vector.shape_cast %swap3A_251 : vector<1x16xf32> to vector<16xf32>
      %swap3A_253 = vector.shape_cast %broadcast_in_dim3A_248 : vector<16xf32> to vector<1x16xf32>
      tpu.vector_store %arg15[%swap3A_249, %swap3A_250], %swap3A_253 {strides = array<i32>} : memref<32x128xf32, #tpu.memory_space<vmem>>, vector<1x16xf32>,
      %broadcast_in_dim3A_254 = arith.constant 0.000000e+00 : f32
      %broadcast_in_dim3A_255 = vector.broadcast %broadcast_in_dim3A_254 : f32 to vector<16xf32>
      %swap3A_256 = arith.index_cast %scan3A_220 : i32 to index
      %swap3A_257 = arith.constant 80 : index
      %swap3A_258 = tpu.vector_load %arg15[%swap3A_256, %swap3A_257] {strides = array<i32>} : memref<32x128xf32, #tpu.memory_space<vmem>>, vector<1x16xf32>,
      %swap3A_259 = vector.shape_cast %swap3A_258 : vector<1x16xf32> to vector<16xf32>
      %swap3A_260 = vector.shape_cast %broadcast_in_dim3A_255 : vector<16xf32> to vector<1x16xf32>
      tpu.vector_store %arg15[%swap3A_256, %swap3A_257], %swap3A_260 {strides = array<i32>} : memref<32x128xf32, #tpu.memory_space<vmem>>, vector<1x16xf32>,
      %broadcast_in_dim3A_261 = arith.constant 0.000000e+00 : f32
      %broadcast_in_dim3A_262 = vector.broadcast %broadcast_in_dim3A_261 : f32 to vector<16xf32>
      %swap3A_263 = arith.index_cast %scan3A_220 : i32 to index
      %swap3A_264 = arith.constant 96 : index
      %swap3A_265 = tpu.vector_load %arg15[%swap3A_263, %swap3A_264] {strides = array<i32>} : memref<32x128xf32, #tpu.memory_space<vmem>>, vector<1x16xf32>,
      %swap3A_266 = vector.shape_cast %swap3A_265 : vector<1x16xf32> to vector<16xf32>
      %swap3A_267 = vector.shape_cast %broadcast_in_dim3A_262 : vector<16xf32> to vector<1x16xf32>
      tpu.vector_store %arg15[%swap3A_263, %swap3A_264], %swap3A_267 {strides = array<i32>} : memref<32x128xf32, #tpu.memory_space<vmem>>, vector<1x16xf32>,
      %broadcast_in_dim3A_268 = arith.constant 0.000000e+00 : f32
      %broadcast_in_dim3A_269 = vector.broadcast %broadcast_in_dim3A_268 : f32 to vector<16xf32>
      %swap3A_270 = arith.index_cast %scan3A_220 : i32 to index
      %swap3A_271 = arith.constant 112 : index
      %swap3A_272 = tpu.vector_load %arg15[%swap3A_270, %swap3A_271] {strides = array<i32>} : memref<32x128xf32, #tpu.memory_space<vmem>>, vector<1x16xf32>,
      %swap3A_273 = vector.shape_cast %swap3A_272 : vector<1x16xf32> to vector<16xf32>
      %swap3A_274 = vector.shape_cast %broadcast_in_dim3A_269 : vector<16xf32> to vector<1x16xf32>
      tpu.vector_store %arg15[%swap3A_270, %swap3A_271], %swap3A_274 {strides = array<i32>} : memref<32x128xf32, #tpu.memory_space<vmem>>, vector<1x16xf32>,
    }
    %scan3A_10 = arith.constant 32 : i32
    %scan3A_11 = arith.constant 0 : i32
    %scan3A_12 = arith.constant 0 : i32
    %scan3A_13 = arith.constant 21 : i32
    %scan3A_14 = arith.addi %scan3A_12, %scan3A_13 : i32
    %scan3A_15 = arith.constant 1 : i32
    scf.for %scan3A_220 = %scan3A_12 to %scan3A_14 step %scan3A_15  : i32 {
      %mul3A_221 = arith.constant 32 : i32
      %mul3A_222 = arith.muli %scan3A_220, %mul3A_221 : i32
      %add3A_223 = arith.addi %multiple_of3A, %mul3A_222 : i32
      "tpu.region"() ({
        %run_scoped3A = tpu.sem_alloc : memref<!tpu.dma_semaphore, #tpu.memory_space<semaphore_mem>>
        %dma_start3A_224 = arith.constant 0 : i32
        %dma_start3A_225 = tpu.memref_slice %arg23[%add3A_223, %dma_start3A_224] : memref<10752x128xf32, #tpu.memory_space<vmem_shared>> -> memref<32x128xf32, #tpu.memory_space<vmem_shared>>
        %dma_start3A_226 = arith.constant 0 : i32
        %dma_start3A_227 = tpu.memref_slice %arg23[%add3A_223, %dma_start3A_226] : memref<10752x128xf32, #tpu.memory_space<vmem_shared>> -> memref<32x128xf32, #tpu.memory_space<vmem_shared>>
        tpu.enqueue_dma source(%arg15 : memref<32x128xf32, #tpu.memory_space<vmem>>) target(%dma_start3A_227 : memref<32x128xf32, #tpu.memory_space<vmem_shared>>) target_semaphore(%run_scoped3A : memref<!tpu.dma_semaphore, #tpu.memory_space<semaphore_mem>>)
        %dma_wait3A_228 = arith.constant 0 : i32
        %dma_wait3A_229 = tpu.memref_slice %arg23[%add3A_223, %dma_wait3A_228] : memref<10752x128xf32, #tpu.memory_space<vmem_shared>> -> memref<32x128xf32, #tpu.memory_space<vmem_shared>>
        %dma_wait3A_230 = arith.constant 0 : i32
        %dma_wait3A_231 = tpu.memref_slice %arg23[%add3A_223, %dma_wait3A_230] : memref<10752x128xf32, #tpu.memory_space<vmem_shared>> -> memref<32x128xf32, #tpu.memory_space<vmem_shared>>
        tpu.wait_dma2 semaphore(%run_scoped3A : memref<!tpu.dma_semaphore, #tpu.memory_space<semaphore_mem>>) src(%arg15 : memref<32x128xf32, #tpu.memory_space<vmem>>) dst(%dma_wait3A_231 : memref<32x128xf32, #tpu.memory_space<vmem_shared>>)
        tpu.yield
      }) : () -> ()
    }
    %scan3A_16 = arith.constant 21 : i32
    %barrier3A = arith.constant 0 : index
    tpu.barrier barrier_id(%barrier3A)
    %add3A_17 = arith.constant 0 : i32
    %add3A_18 = arith.addi %multiple_of3A_5, %add3A_17 : i32
    %dma_start3A = tpu.memref_slice %arg4[%add3A_18] : memref<327680xi32, #tpu.memory_space<hbm>> -> memref<32xi32, #tpu.memory_space<hbm>>
    %dma_start3A_19 = tpu.memref_slice %arg4[%add3A_18] : memref<327680xi32, #tpu.memory_space<hbm>> -> memref<32xi32, #tpu.memory_space<hbm>>
    tpu.enqueue_dma source(%dma_start3A_19 : memref<32xi32, #tpu.memory_space<hbm>>) target(%arg7 : memref<32xi32, #tpu.memory_space<vmem>>) target_semaphore(%arg40 : memref<!tpu.dma_semaphore, #tpu.memory_space<semaphore_mem>>)
    %dma_start3A_20 = arith.constant 0 : i32
    %dma_start3A_21 = tpu.memref_slice %arg6[%dma_start3A_20] : memref<10240xi32, #tpu.memory_space<vmem>> -> memref<32xi32, #tpu.memory_space<vmem>>
    %dma_start3A_22 = arith.constant 0 : i32
    %dma_start3A_23 = arith.constant 0 : i32
    %dma_start3A_24 = tpu.memref_slice %arg2[%dma_start3A_22, %dma_start3A_23] : memref<10000x128xf32, #tpu.memory_space<hbm>> -> memref<10000x128xf32, #tpu.memory_space<hbm>>
    tpu.enqueue_indirect_dma source(%dma_start3A_24 : memref<10000x128xf32, #tpu.memory_space<hbm>>) target(%arg15 : memref<32x128xf32, #tpu.memory_space<vmem>>) offsets(%dma_start3A_21 : memref<32xi32, #tpu.memory_space<vmem>>) semaphore(%arg24 : memref<!tpu.dma_semaphore, #tpu.memory_space<semaphore_mem>>)
    %add3A_25 = arith.constant 32 : i32
    %add3A_26 = arith.addi %multiple_of3A_5, %add3A_25 : i32
    %dma_start3A_27 = tpu.memref_slice %arg4[%add3A_26] : memref<327680xi32, #tpu.memory_space<hbm>> -> memref<32xi32, #tpu.memory_space<hbm>>
    %dma_start3A_28 = tpu.memref_slice %arg4[%add3A_26] : memref<327680xi32, #tpu.memory_space<hbm>> -> memref<32xi32, #tpu.memory_space<hbm>>
    tpu.enqueue_dma source(%dma_start3A_28 : memref<32xi32, #tpu.memory_space<hbm>>) target(%arg8 : memref<32xi32, #tpu.memory_space<vmem>>) target_semaphore(%arg41 : memref<!tpu.dma_semaphore, #tpu.memory_space<semaphore_mem>>)
    %dma_start3A_29 = arith.constant 32 : i32
    %dma_start3A_30 = tpu.memref_slice %arg6[%dma_start3A_29] : memref<10240xi32, #tpu.memory_space<vmem>> -> memref<32xi32, #tpu.memory_space<vmem>>
    %dma_start3A_31 = arith.constant 0 : i32
    %dma_start3A_32 = arith.constant 0 : i32
    %dma_start3A_33 = tpu.memref_slice %arg2[%dma_start3A_31, %dma_start3A_32] : memref<10000x128xf32, #tpu.memory_space<hbm>> -> memref<10000x128xf32, #tpu.memory_space<hbm>>
    tpu.enqueue_indirect_dma source(%dma_start3A_33 : memref<10000x128xf32, #tpu.memory_space<hbm>>) target(%arg16 : memref<32x128xf32, #tpu.memory_space<vmem>>) offsets(%dma_start3A_30 : memref<32xi32, #tpu.memory_space<vmem>>) semaphore(%arg25 : memref<!tpu.dma_semaphore, #tpu.memory_space<semaphore_mem>>)
    %add3A_34 = arith.constant 64 : i32
    %add3A_35 = arith.addi %multiple_of3A_5, %add3A_34 : i32
    %dma_start3A_36 = tpu.memref_slice %arg4[%add3A_35] : memref<327680xi32, #tpu.memory_space<hbm>> -> memref<32xi32, #tpu.memory_space<hbm>>
    %dma_start3A_37 = tpu.memref_slice %arg4[%add3A_35] : memref<327680xi32, #tpu.memory_space<hbm>> -> memref<32xi32, #tpu.memory_space<hbm>>
    tpu.enqueue_dma source(%dma_start3A_37 : memref<32xi32, #tpu.memory_space<hbm>>) target(%arg9 : memref<32xi32, #tpu.memory_space<vmem>>) target_semaphore(%arg42 : memref<!tpu.dma_semaphore, #tpu.memory_space<semaphore_mem>>)
    %dma_start3A_38 = arith.constant 64 : i32
    %dma_start3A_39 = tpu.memref_slice %arg6[%dma_start3A_38] : memref<10240xi32, #tpu.memory_space<vmem>> -> memref<32xi32, #tpu.memory_space<vmem>>
    %dma_start3A_40 = arith.constant 0 : i32
    %dma_start3A_41 = arith.constant 0 : i32
    %dma_start3A_42 = tpu.memref_slice %arg2[%dma_start3A_40, %dma_start3A_41] : memref<10000x128xf32, #tpu.memory_space<hbm>> -> memref<10000x128xf32, #tpu.memory_space<hbm>>
    tpu.enqueue_indirect_dma source(%dma_start3A_42 : memref<10000x128xf32, #tpu.memory_space<hbm>>) target(%arg17 : memref<32x128xf32, #tpu.memory_space<vmem>>) offsets(%dma_start3A_39 : memref<32xi32, #tpu.memory_space<vmem>>) semaphore(%arg26 : memref<!tpu.dma_semaphore, #tpu.memory_space<semaphore_mem>>)
    %add3A_43 = arith.constant 96 : i32
    %add3A_44 = arith.addi %multiple_of3A_5, %add3A_43 : i32
    %dma_start3A_45 = tpu.memref_slice %arg4[%add3A_44] : memref<327680xi32, #tpu.memory_space<hbm>> -> memref<32xi32, #tpu.memory_space<hbm>>
    %dma_start3A_46 = tpu.memref_slice %arg4[%add3A_44] : memref<327680xi32, #tpu.memory_space<hbm>> -> memref<32xi32, #tpu.memory_space<hbm>>
    tpu.enqueue_dma source(%dma_start3A_46 : memref<32xi32, #tpu.memory_space<hbm>>) target(%arg10 : memref<32xi32, #tpu.memory_space<vmem>>) target_semaphore(%arg43 : memref<!tpu.dma_semaphore, #tpu.memory_space<semaphore_mem>>)
    %dma_start3A_47 = arith.constant 96 : i32
    %dma_start3A_48 = tpu.memref_slice %arg6[%dma_start3A_47] : memref<10240xi32, #tpu.memory_space<vmem>> -> memref<32xi32, #tpu.memory_space<vmem>>
    %dma_start3A_49 = arith.constant 0 : i32
    %dma_start3A_50 = arith.constant 0 : i32
    %dma_start3A_51 = tpu.memref_slice %arg2[%dma_start3A_49, %dma_start3A_50] : memref<10000x128xf32, #tpu.memory_space<hbm>> -> memref<10000x128xf32, #tpu.memory_space<hbm>>
    tpu.enqueue_indirect_dma source(%dma_start3A_51 : memref<10000x128xf32, #tpu.memory_space<hbm>>) target(%arg18 : memref<32x128xf32, #tpu.memory_space<vmem>>) offsets(%dma_start3A_48 : memref<32xi32, #tpu.memory_space<vmem>>) semaphore(%arg27 : memref<!tpu.dma_semaphore, #tpu.memory_space<semaphore_mem>>)
    %add3A_52 = arith.constant 128 : i32
    %add3A_53 = arith.addi %multiple_of3A_5, %add3A_52 : i32
    %dma_start3A_54 = tpu.memref_slice %arg4[%add3A_53] : memref<327680xi32, #tpu.memory_space<hbm>> -> memref<32xi32, #tpu.memory_space<hbm>>
    %dma_start3A_55 = tpu.memref_slice %arg4[%add3A_53] : memref<327680xi32, #tpu.memory_space<hbm>> -> memref<32xi32, #tpu.memory_space<hbm>>
    tpu.enqueue_dma source(%dma_start3A_55 : memref<32xi32, #tpu.memory_space<hbm>>) target(%arg11 : memref<32xi32, #tpu.memory_space<vmem>>) target_semaphore(%arg44 : memref<!tpu.dma_semaphore, #tpu.memory_space<semaphore_mem>>)
    %dma_start3A_56 = arith.constant 128 : i32
    %dma_start3A_57 = tpu.memref_slice %arg6[%dma_start3A_56] : memref<10240xi32, #tpu.memory_space<vmem>> -> memref<32xi32, #tpu.memory_space<vmem>>
    %dma_start3A_58 = arith.constant 0 : i32
    %dma_start3A_59 = arith.constant 0 : i32
    %dma_start3A_60 = tpu.memref_slice %arg2[%dma_start3A_58, %dma_start3A_59] : memref<10000x128xf32, #tpu.memory_space<hbm>> -> memref<10000x128xf32, #tpu.memory_space<hbm>>
    tpu.enqueue_indirect_dma source(%dma_start3A_60 : memref<10000x128xf32, #tpu.memory_space<hbm>>) target(%arg19 : memref<32x128xf32, #tpu.memory_space<vmem>>) offsets(%dma_start3A_57 : memref<32xi32, #tpu.memory_space<vmem>>) semaphore(%arg28 : memref<!tpu.dma_semaphore, #tpu.memory_space<semaphore_mem>>)
    %add3A_61 = arith.constant 160 : i32
    %add3A_62 = arith.addi %multiple_of3A_5, %add3A_61 : i32
    %dma_start3A_63 = tpu.memref_slice %arg4[%add3A_62] : memref<327680xi32, #tpu.memory_space<hbm>> -> memref<32xi32, #tpu.memory_space<hbm>>
    %dma_start3A_64 = tpu.memref_slice %arg4[%add3A_62] : memref<327680xi32, #tpu.memory_space<hbm>> -> memref<32xi32, #tpu.memory_space<hbm>>
    tpu.enqueue_dma source(%dma_start3A_64 : memref<32xi32, #tpu.memory_space<hbm>>) target(%arg12 : memref<32xi32, #tpu.memory_space<vmem>>) target_semaphore(%arg45 : memref<!tpu.dma_semaphore, #tpu.memory_space<semaphore_mem>>)
    %dma_start3A_65 = arith.constant 160 : i32
    %dma_start3A_66 = tpu.memref_slice %arg6[%dma_start3A_65] : memref<10240xi32, #tpu.memory_space<vmem>> -> memref<32xi32, #tpu.memory_space<vmem>>
    %dma_start3A_67 = arith.constant 0 : i32
    %dma_start3A_68 = arith.constant 0 : i32
    %dma_start3A_69 = tpu.memref_slice %arg2[%dma_start3A_67, %dma_start3A_68] : memref<10000x128xf32, #tpu.memory_space<hbm>> -> memref<10000x128xf32, #tpu.memory_space<hbm>>
    tpu.enqueue_indirect_dma source(%dma_start3A_69 : memref<10000x128xf32, #tpu.memory_space<hbm>>) target(%arg20 : memref<32x128xf32, #tpu.memory_space<vmem>>) offsets(%dma_start3A_66 : memref<32xi32, #tpu.memory_space<vmem>>) semaphore(%arg29 : memref<!tpu.dma_semaphore, #tpu.memory_space<semaphore_mem>>)
    %add3A_70 = arith.constant 192 : i32
    %add3A_71 = arith.addi %multiple_of3A_5, %add3A_70 : i32
    %dma_start3A_72 = tpu.memref_slice %arg4[%add3A_71] : memref<327680xi32, #tpu.memory_space<hbm>> -> memref<32xi32, #tpu.memory_space<hbm>>
    %dma_start3A_73 = tpu.memref_slice %arg4[%add3A_71] : memref<327680xi32, #tpu.memory_space<hbm>> -> memref<32xi32, #tpu.memory_space<hbm>>
    tpu.enqueue_dma source(%dma_start3A_73 : memref<32xi32, #tpu.memory_space<hbm>>) target(%arg13 : memref<32xi32, #tpu.memory_space<vmem>>) target_semaphore(%arg46 : memref<!tpu.dma_semaphore, #tpu.memory_space<semaphore_mem>>)
    %dma_start3A_74 = arith.constant 192 : i32
    %dma_start3A_75 = tpu.memref_slice %arg6[%dma_start3A_74] : memref<10240xi32, #tpu.memory_space<vmem>> -> memref<32xi32, #tpu.memory_space<vmem>>
    %dma_start3A_76 = arith.constant 0 : i32
    %dma_start3A_77 = arith.constant 0 : i32
    %dma_start3A_78 = tpu.memref_slice %arg2[%dma_start3A_76, %dma_start3A_77] : memref<10000x128xf32, #tpu.memory_space<hbm>> -> memref<10000x128xf32, #tpu.memory_space<hbm>>
    tpu.enqueue_indirect_dma source(%dma_start3A_78 : memref<10000x128xf32, #tpu.memory_space<hbm>>) target(%arg21 : memref<32x128xf32, #tpu.memory_space<vmem>>) offsets(%dma_start3A_75 : memref<32xi32, #tpu.memory_space<vmem>>) semaphore(%arg30 : memref<!tpu.dma_semaphore, #tpu.memory_space<semaphore_mem>>)
    %add3A_79 = arith.constant 224 : i32
    %add3A_80 = arith.addi %multiple_of3A_5, %add3A_79 : i32
    %dma_start3A_81 = tpu.memref_slice %arg4[%add3A_80] : memref<327680xi32, #tpu.memory_space<hbm>> -> memref<32xi32, #tpu.memory_space<hbm>>
    %dma_start3A_82 = tpu.memref_slice %arg4[%add3A_80] : memref<327680xi32, #tpu.memory_space<hbm>> -> memref<32xi32, #tpu.memory_space<hbm>>
    tpu.enqueue_dma source(%dma_start3A_82 : memref<32xi32, #tpu.memory_space<hbm>>) target(%arg14 : memref<32xi32, #tpu.memory_space<vmem>>) target_semaphore(%arg47 : memref<!tpu.dma_semaphore, #tpu.memory_space<semaphore_mem>>)
    %dma_start3A_83 = arith.constant 224 : i32
    %dma_start3A_84 = tpu.memref_slice %arg6[%dma_start3A_83] : memref<10240xi32, #tpu.memory_space<vmem>> -> memref<32xi32, #tpu.memory_space<vmem>>
    %dma_start3A_85 = arith.constant 0 : i32
    %dma_start3A_86 = arith.constant 0 : i32
    %dma_start3A_87 = tpu.memref_slice %arg2[%dma_start3A_85, %dma_start3A_86] : memref<10000x128xf32, #tpu.memory_space<hbm>> -> memref<10000x128xf32, #tpu.memory_space<hbm>>
    tpu.enqueue_indirect_dma source(%dma_start3A_87 : memref<10000x128xf32, #tpu.memory_space<hbm>>) target(%arg22 : memref<32x128xf32, #tpu.memory_space<vmem>>) offsets(%dma_start3A_84 : memref<32xi32, #tpu.memory_space<vmem>>) semaphore(%arg31 : memref<!tpu.dma_semaphore, #tpu.memory_space<semaphore_mem>>)
    %scan3A_88 = arith.constant 0 : i32
    %scan3A_89 = arith.constant 0 : i32
    %scan3A_90 = arith.constant 39 : i32
    %scan3A_91 = arith.addi %scan3A_89, %scan3A_90 : i32
    %scan3A_92 = arith.constant 1 : i32
    scf.for %scan3A_220 = %scan3A_89 to %scan3A_91 step %scan3A_92  : i32 {
      %mul3A_221 = arith.constant 8 : i32
      %mul3A_222 = arith.muli %scan3A_220, %mul3A_221 : i32
      %add3A_223 = arith.constant 0 : i32
      %add3A_224 = arith.addi %mul3A_222, %add3A_223 : i32
      %mul3A_225 = arith.constant 32 : i32
      %mul3A_226 = arith.muli %add3A_224, %mul3A_225 : i32
      %dma_wait3A_227 = tpu.memref_slice %arg6[%mul3A_226] : memref<10240xi32, #tpu.memory_space<vmem>> -> memref<32xi32, #tpu.memory_space<vmem>>
      %dma_wait3A_228 = arith.constant 0 : i32
      %dma_wait3A_229 = arith.constant 0 : i32
      %dma_wait3A_230 = tpu.memref_slice %arg2[%dma_wait3A_228, %dma_wait3A_229] : memref<10000x128xf32, #tpu.memory_space<hbm>> -> memref<10000x128xf32, #tpu.memory_space<hbm>>
      tpu.wait_indirect_dma semaphore(%arg24 : memref<!tpu.dma_semaphore, #tpu.memory_space<semaphore_mem>>) src(%dma_wait3A_230 : memref<10000x128xf32, #tpu.memory_space<hbm>>) dst(%arg15 : memref<32x128xf32, #tpu.memory_space<vmem>>)
      %add3A_231 = arith.constant 0 : i32
      %add3A_232 = arith.addi %mul3A_222, %add3A_231 : i32
      %mul3A_233 = arith.constant 32 : i32
      %mul3A_234 = arith.muli %add3A_232, %mul3A_233 : i32
      %add3A_235 = arith.addi %multiple_of3A_5, %mul3A_234 : i32
      %dma_wait3A_236 = tpu.memref_slice %arg4[%add3A_235] : memref<327680xi32, #tpu.memory_space<hbm>> -> memref<32xi32, #tpu.memory_space<hbm>>
      %dma_wait3A_237 = tpu.memref_slice %arg4[%add3A_235] : memref<327680xi32, #tpu.memory_space<hbm>> -> memref<32xi32, #tpu.memory_space<hbm>>
      tpu.wait_dma2 semaphore(%arg40 : memref<!tpu.dma_semaphore, #tpu.memory_space<semaphore_mem>>) src(%dma_wait3A_237 : memref<32xi32, #tpu.memory_space<hbm>>) dst(%arg7 : memref<32xi32, #tpu.memory_space<vmem>>)
      %dma_start3A_238 = arith.constant 0 : i32
      %dma_start3A_239 = arith.constant 0 : i32
      %dma_start3A_240 = tpu.memref_slice %arg23[%dma_start3A_238, %dma_start3A_239] : memref<10752x128xf32, #tpu.memory_space<vmem_shared>> -> memref<10752x128xf32, #tpu.memory_space<vmem_shared>>
      tpu.enqueue_indirect_dma source(%arg15 : memref<32x128xf32, #tpu.memory_space<vmem>>) target(%dma_start3A_240 : memref<10752x128xf32, #tpu.memory_space<vmem_shared>>) offsets(%arg7 : memref<32xi32, #tpu.memory_space<vmem>>) semaphore(%arg32 : memref<!tpu.dma_semaphore, #tpu.memory_space<semaphore_mem>>) {add = true}
      %add3A_241 = arith.constant 1 : i32
      %add3A_242 = arith.addi %mul3A_222, %add3A_241 : i32
      %mul3A_243 = arith.constant 32 : i32
      %mul3A_244 = arith.muli %add3A_242, %mul3A_243 : i32
      %dma_wait3A_245 = tpu.memref_slice %arg6[%mul3A_244] : memref<10240xi32, #tpu.memory_space<vmem>> -> memref<32xi32, #tpu.memory_space<vmem>>
      %dma_wait3A_246 = arith.constant 0 : i32
      %dma_wait3A_247 = arith.constant 0 : i32
      %dma_wait3A_248 = tpu.memref_slice %arg2[%dma_wait3A_246, %dma_wait3A_247] : memref<10000x128xf32, #tpu.memory_space<hbm>> -> memref<10000x128xf32, #tpu.memory_space<hbm>>
      tpu.wait_indirect_dma semaphore(%arg25 : memref<!tpu.dma_semaphore, #tpu.memory_space<semaphore_mem>>) src(%dma_wait3A_248 : memref<10000x128xf32, #tpu.memory_space<hbm>>) dst(%arg16 : memref<32x128xf32, #tpu.memory_space<vmem>>)
      %add3A_249 = arith.constant 1 : i32
      %add3A_250 = arith.addi %mul3A_222, %add3A_249 : i32
      %mul3A_251 = arith.constant 32 : i32
      %mul3A_252 = arith.muli %add3A_250, %mul3A_251 : i32
      %add3A_253 = arith.addi %multiple_of3A_5, %mul3A_252 : i32
      %dma_wait3A_254 = tpu.memref_slice %arg4[%add3A_253] : memref<327680xi32, #tpu.memory_space<hbm>> -> memref<32xi32, #tpu.memory_space<hbm>>
      %dma_wait3A_255 = tpu.memref_slice %arg4[%add3A_253] : memref<327680xi32, #tpu.memory_space<hbm>> -> memref<32xi32, #tpu.memory_space<hbm>>
      tpu.wait_dma2 semaphore(%arg41 : memref<!tpu.dma_semaphore, #tpu.memory_space<semaphore_mem>>) src(%dma_wait3A_255 : memref<32xi32, #tpu.memory_space<hbm>>) dst(%arg8 : memref<32xi32, #tpu.memory_space<vmem>>)
      %dma_start3A_256 = arith.constant 0 : i32
      %dma_start3A_257 = arith.constant 0 : i32
      %dma_start3A_258 = tpu.memref_slice %arg23[%dma_start3A_256, %dma_start3A_257] : memref<10752x128xf32, #tpu.memory_space<vmem_shared>> -> memref<10752x128xf32, #tpu.memory_space<vmem_shared>>
      tpu.enqueue_indirect_dma source(%arg16 : memref<32x128xf32, #tpu.memory_space<vmem>>) target(%dma_start3A_258 : memref<10752x128xf32, #tpu.memory_space<vmem_shared>>) offsets(%arg8 : memref<32xi32, #tpu.memory_space<vmem>>) semaphore(%arg33 : memref<!tpu.dma_semaphore, #tpu.memory_space<semaphore_mem>>) {add = true}
      %add3A_259 = arith.constant 2 : i32
      %add3A_260 = arith.addi %mul3A_222, %add3A_259 : i32
      %mul3A_261 = arith.constant 32 : i32
      %mul3A_262 = arith.muli %add3A_260, %mul3A_261 : i32
      %dma_wait3A_263 = tpu.memref_slice %arg6[%mul3A_262] : memref<10240xi32, #tpu.memory_space<vmem>> -> memref<32xi32, #tpu.memory_space<vmem>>
      %dma_wait3A_264 = arith.constant 0 : i32
      %dma_wait3A_265 = arith.constant 0 : i32
      %dma_wait3A_266 = tpu.memref_slice %arg2[%dma_wait3A_264, %dma_wait3A_265] : memref<10000x128xf32, #tpu.memory_space<hbm>> -> memref<10000x128xf32, #tpu.memory_space<hbm>>
      tpu.wait_indirect_dma semaphore(%arg26 : memref<!tpu.dma_semaphore, #tpu.memory_space<semaphore_mem>>) src(%dma_wait3A_266 : memref<10000x128xf32, #tpu.memory_space<hbm>>) dst(%arg17 : memref<32x128xf32, #tpu.memory_space<vmem>>)
      %add3A_267 = arith.constant 2 : i32
      %add3A_268 = arith.addi %mul3A_222, %add3A_267 : i32
      %mul3A_269 = arith.constant 32 : i32
      %mul3A_270 = arith.muli %add3A_268, %mul3A_269 : i32
      %add3A_271 = arith.addi %multiple_of3A_5, %mul3A_270 : i32
      %dma_wait3A_272 = tpu.memref_slice %arg4[%add3A_271] : memref<327680xi32, #tpu.memory_space<hbm>> -> memref<32xi32, #tpu.memory_space<hbm>>
      %dma_wait3A_273 = tpu.memref_slice %arg4[%add3A_271] : memref<327680xi32, #tpu.memory_space<hbm>> -> memref<32xi32, #tpu.memory_space<hbm>>
      tpu.wait_dma2 semaphore(%arg42 : memref<!tpu.dma_semaphore, #tpu.memory_space<semaphore_mem>>) src(%dma_wait3A_273 : memref<32xi32, #tpu.memory_space<hbm>>) dst(%arg9 : memref<32xi32, #tpu.memory_space<vmem>>)
      %dma_start3A_274 = arith.constant 0 : i32
      %dma_start3A_275 = arith.constant 0 : i32
      %dma_start3A_276 = tpu.memref_slice %arg23[%dma_start3A_274, %dma_start3A_275] : memref<10752x128xf32, #tpu.memory_space<vmem_shared>> -> memref<10752x128xf32, #tpu.memory_space<vmem_shared>>
      tpu.enqueue_indirect_dma source(%arg17 : memref<32x128xf32, #tpu.memory_space<vmem>>) target(%dma_start3A_276 : memref<10752x128xf32, #tpu.memory_space<vmem_shared>>) offsets(%arg9 : memref<32xi32, #tpu.memory_space<vmem>>) semaphore(%arg34 : memref<!tpu.dma_semaphore, #tpu.memory_space<semaphore_mem>>) {add = true}
      %add3A_277 = arith.constant 3 : i32
      %add3A_278 = arith.addi %mul3A_222, %add3A_277 : i32
      %mul3A_279 = arith.constant 32 : i32
      %mul3A_280 = arith.muli %add3A_278, %mul3A_279 : i32
      %dma_wait3A_281 = tpu.memref_slice %arg6[%mul3A_280] : memref<10240xi32, #tpu.memory_space<vmem>> -> memref<32xi32, #tpu.memory_space<vmem>>
      %dma_wait3A_282 = arith.constant 0 : i32
      %dma_wait3A_283 = arith.constant 0 : i32
      %dma_wait3A_284 = tpu.memref_slice %arg2[%dma_wait3A_282, %dma_wait3A_283] : memref<10000x128xf32, #tpu.memory_space<hbm>> -> memref<10000x128xf32, #tpu.memory_space<hbm>>
      tpu.wait_indirect_dma semaphore(%arg27 : memref<!tpu.dma_semaphore, #tpu.memory_space<semaphore_mem>>) src(%dma_wait3A_284 : memref<10000x128xf32, #tpu.memory_space<hbm>>) dst(%arg18 : memref<32x128xf32, #tpu.memory_space<vmem>>)
      %add3A_285 = arith.constant 3 : i32
      %add3A_286 = arith.addi %mul3A_222, %add3A_285 : i32
      %mul3A_287 = arith.constant 32 : i32
      %mul3A_288 = arith.muli %add3A_286, %mul3A_287 : i32
      %add3A_289 = arith.addi %multiple_of3A_5, %mul3A_288 : i32
      %dma_wait3A_290 = tpu.memref_slice %arg4[%add3A_289] : memref<327680xi32, #tpu.memory_space<hbm>> -> memref<32xi32, #tpu.memory_space<hbm>>
      %dma_wait3A_291 = tpu.memref_slice %arg4[%add3A_289] : memref<327680xi32, #tpu.memory_space<hbm>> -> memref<32xi32, #tpu.memory_space<hbm>>
      tpu.wait_dma2 semaphore(%arg43 : memref<!tpu.dma_semaphore, #tpu.memory_space<semaphore_mem>>) src(%dma_wait3A_291 : memref<32xi32, #tpu.memory_space<hbm>>) dst(%arg10 : memref<32xi32, #tpu.memory_space<vmem>>)
      %dma_start3A_292 = arith.constant 0 : i32
      %dma_start3A_293 = arith.constant 0 : i32
      %dma_start3A_294 = tpu.memref_slice %arg23[%dma_start3A_292, %dma_start3A_293] : memref<10752x128xf32, #tpu.memory_space<vmem_shared>> -> memref<10752x128xf32, #tpu.memory_space<vmem_shared>>
      tpu.enqueue_indirect_dma source(%arg18 : memref<32x128xf32, #tpu.memory_space<vmem>>) target(%dma_start3A_294 : memref<10752x128xf32, #tpu.memory_space<vmem_shared>>) offsets(%arg10 : memref<32xi32, #tpu.memory_space<vmem>>) semaphore(%arg35 : memref<!tpu.dma_semaphore, #tpu.memory_space<semaphore_mem>>) {add = true}
      %add3A_295 = arith.constant 4 : i32
      %add3A_296 = arith.addi %mul3A_222, %add3A_295 : i32
      %mul3A_297 = arith.constant 32 : i32
      %mul3A_298 = arith.muli %add3A_296, %mul3A_297 : i32
      %dma_wait3A_299 = tpu.memref_slice %arg6[%mul3A_298] : memref<10240xi32, #tpu.memory_space<vmem>> -> memref<32xi32, #tpu.memory_space<vmem>>
      %dma_wait3A_300 = arith.constant 0 : i32
      %dma_wait3A_301 = arith.constant 0 : i32
      %dma_wait3A_302 = tpu.memref_slice %arg2[%dma_wait3A_300, %dma_wait3A_301] : memref<10000x128xf32, #tpu.memory_space<hbm>> -> memref<10000x128xf32, #tpu.memory_space<hbm>>
      tpu.wait_indirect_dma semaphore(%arg28 : memref<!tpu.dma_semaphore, #tpu.memory_space<semaphore_mem>>) src(%dma_wait3A_302 : memref<10000x128xf32, #tpu.memory_space<hbm>>) dst(%arg19 : memref<32x128xf32, #tpu.memory_space<vmem>>)
      %add3A_303 = arith.constant 4 : i32
      %add3A_304 = arith.addi %mul3A_222, %add3A_303 : i32
      %mul3A_305 = arith.constant 32 : i32
      %mul3A_306 = arith.muli %add3A_304, %mul3A_305 : i32
      %add3A_307 = arith.addi %multiple_of3A_5, %mul3A_306 : i32
      %dma_wait3A_308 = tpu.memref_slice %arg4[%add3A_307] : memref<327680xi32, #tpu.memory_space<hbm>> -> memref<32xi32, #tpu.memory_space<hbm>>
      %dma_wait3A_309 = tpu.memref_slice %arg4[%add3A_307] : memref<327680xi32, #tpu.memory_space<hbm>> -> memref<32xi32, #tpu.memory_space<hbm>>
      tpu.wait_dma2 semaphore(%arg44 : memref<!tpu.dma_semaphore, #tpu.memory_space<semaphore_mem>>) src(%dma_wait3A_309 : memref<32xi32, #tpu.memory_space<hbm>>) dst(%arg11 : memref<32xi32, #tpu.memory_space<vmem>>)
      %dma_start3A_310 = arith.constant 0 : i32
      %dma_start3A_311 = arith.constant 0 : i32
      %dma_start3A_312 = tpu.memref_slice %arg23[%dma_start3A_310, %dma_start3A_311] : memref<10752x128xf32, #tpu.memory_space<vmem_shared>> -> memref<10752x128xf32, #tpu.memory_space<vmem_shared>>
      tpu.enqueue_indirect_dma source(%arg19 : memref<32x128xf32, #tpu.memory_space<vmem>>) target(%dma_start3A_312 : memref<10752x128xf32, #tpu.memory_space<vmem_shared>>) offsets(%arg11 : memref<32xi32, #tpu.memory_space<vmem>>) semaphore(%arg36 : memref<!tpu.dma_semaphore, #tpu.memory_space<semaphore_mem>>) {add = true}
      %add3A_313 = arith.constant 5 : i32
      %add3A_314 = arith.addi %mul3A_222, %add3A_313 : i32
      %mul3A_315 = arith.constant 32 : i32
      %mul3A_316 = arith.muli %add3A_314, %mul3A_315 : i32
      %dma_wait3A_317 = tpu.memref_slice %arg6[%mul3A_316] : memref<10240xi32, #tpu.memory_space<vmem>> -> memref<32xi32, #tpu.memory_space<vmem>>
      %dma_wait3A_318 = arith.constant 0 : i32
      %dma_wait3A_319 = arith.constant 0 : i32
      %dma_wait3A_320 = tpu.memref_slice %arg2[%dma_wait3A_318, %dma_wait3A_319] : memref<10000x128xf32, #tpu.memory_space<hbm>> -> memref<10000x128xf32, #tpu.memory_space<hbm>>
      tpu.wait_indirect_dma semaphore(%arg29 : memref<!tpu.dma_semaphore, #tpu.memory_space<semaphore_mem>>) src(%dma_wait3A_320 : memref<10000x128xf32, #tpu.memory_space<hbm>>) dst(%arg20 : memref<32x128xf32, #tpu.memory_space<vmem>>)
      %add3A_321 = arith.constant 5 : i32
      %add3A_322 = arith.addi %mul3A_222, %add3A_321 : i32
      %mul3A_323 = arith.constant 32 : i32
      %mul3A_324 = arith.muli %add3A_322, %mul3A_323 : i32
      %add3A_325 = arith.addi %multiple_of3A_5, %mul3A_324 : i32
      %dma_wait3A_326 = tpu.memref_slice %arg4[%add3A_325] : memref<327680xi32, #tpu.memory_space<hbm>> -> memref<32xi32, #tpu.memory_space<hbm>>
      %dma_wait3A_327 = tpu.memref_slice %arg4[%add3A_325] : memref<327680xi32, #tpu.memory_space<hbm>> -> memref<32xi32, #tpu.memory_space<hbm>>
      tpu.wait_dma2 semaphore(%arg45 : memref<!tpu.dma_semaphore, #tpu.memory_space<semaphore_mem>>) src(%dma_wait3A_327 : memref<32xi32, #tpu.memory_space<hbm>>) dst(%arg12 : memref<32xi32, #tpu.memory_space<vmem>>)
      %dma_start3A_328 = arith.constant 0 : i32
      %dma_start3A_329 = arith.constant 0 : i32
      %dma_start3A_330 = tpu.memref_slice %arg23[%dma_start3A_328, %dma_start3A_329] : memref<10752x128xf32, #tpu.memory_space<vmem_shared>> -> memref<10752x128xf32, #tpu.memory_space<vmem_shared>>
      tpu.enqueue_indirect_dma source(%arg20 : memref<32x128xf32, #tpu.memory_space<vmem>>) target(%dma_start3A_330 : memref<10752x128xf32, #tpu.memory_space<vmem_shared>>) offsets(%arg12 : memref<32xi32, #tpu.memory_space<vmem>>) semaphore(%arg37 : memref<!tpu.dma_semaphore, #tpu.memory_space<semaphore_mem>>) {add = true}
      %add3A_331 = arith.constant 6 : i32
      %add3A_332 = arith.addi %mul3A_222, %add3A_331 : i32
      %mul3A_333 = arith.constant 32 : i32
      %mul3A_334 = arith.muli %add3A_332, %mul3A_333 : i32
      %dma_wait3A_335 = tpu.memref_slice %arg6[%mul3A_334] : memref<10240xi32, #tpu.memory_space<vmem>> -> memref<32xi32, #tpu.memory_space<vmem>>
      %dma_wait3A_336 = arith.constant 0 : i32
      %dma_wait3A_337 = arith.constant 0 : i32
      %dma_wait3A_338 = tpu.memref_slice %arg2[%dma_wait3A_336, %dma_wait3A_337] : memref<10000x128xf32, #tpu.memory_space<hbm>> -> memref<10000x128xf32, #tpu.memory_space<hbm>>
      tpu.wait_indirect_dma semaphore(%arg30 : memref<!tpu.dma_semaphore, #tpu.memory_space<semaphore_mem>>) src(%dma_wait3A_338 : memref<10000x128xf32, #tpu.memory_space<hbm>>) dst(%arg21 : memref<32x128xf32, #tpu.memory_space<vmem>>)
      %add3A_339 = arith.constant 6 : i32
      %add3A_340 = arith.addi %mul3A_222, %add3A_339 : i32
      %mul3A_341 = arith.constant 32 : i32
      %mul3A_342 = arith.muli %add3A_340, %mul3A_341 : i32
      %add3A_343 = arith.addi %multiple_of3A_5, %mul3A_342 : i32
      %dma_wait3A_344 = tpu.memref_slice %arg4[%add3A_343] : memref<327680xi32, #tpu.memory_space<hbm>> -> memref<32xi32, #tpu.memory_space<hbm>>
      %dma_wait3A_345 = tpu.memref_slice %arg4[%add3A_343] : memref<327680xi32, #tpu.memory_space<hbm>> -> memref<32xi32, #tpu.memory_space<hbm>>
      tpu.wait_dma2 semaphore(%arg46 : memref<!tpu.dma_semaphore, #tpu.memory_space<semaphore_mem>>) src(%dma_wait3A_345 : memref<32xi32, #tpu.memory_space<hbm>>) dst(%arg13 : memref<32xi32, #tpu.memory_space<vmem>>)
      %dma_start3A_346 = arith.constant 0 : i32
      %dma_start3A_347 = arith.constant 0 : i32
      %dma_start3A_348 = tpu.memref_slice %arg23[%dma_start3A_346, %dma_start3A_347] : memref<10752x128xf32, #tpu.memory_space<vmem_shared>> -> memref<10752x128xf32, #tpu.memory_space<vmem_shared>>
      tpu.enqueue_indirect_dma source(%arg21 : memref<32x128xf32, #tpu.memory_space<vmem>>) target(%dma_start3A_348 : memref<10752x128xf32, #tpu.memory_space<vmem_shared>>) offsets(%arg13 : memref<32xi32, #tpu.memory_space<vmem>>) semaphore(%arg38 : memref<!tpu.dma_semaphore, #tpu.memory_space<semaphore_mem>>) {add = true}
      %add3A_349 = arith.constant 7 : i32
      %add3A_350 = arith.addi %mul3A_222, %add3A_349 : i32
      %mul3A_351 = arith.constant 32 : i32
      %mul3A_352 = arith.muli %add3A_350, %mul3A_351 : i32
      %dma_wait3A_353 = tpu.memref_slice %arg6[%mul3A_352] : memref<10240xi32, #tpu.memory_space<vmem>> -> memref<32xi32, #tpu.memory_space<vmem>>
      %dma_wait3A_354 = arith.constant 0 : i32
      %dma_wait3A_355 = arith.constant 0 : i32
      %dma_wait3A_356 = tpu.memref_slice %arg2[%dma_wait3A_354, %dma_wait3A_355] : memref<10000x128xf32, #tpu.memory_space<hbm>> -> memref<10000x128xf32, #tpu.memory_space<hbm>>
      tpu.wait_indirect_dma semaphore(%arg31 : memref<!tpu.dma_semaphore, #tpu.memory_space<semaphore_mem>>) src(%dma_wait3A_356 : memref<10000x128xf32, #tpu.memory_space<hbm>>) dst(%arg22 : memref<32x128xf32, #tpu.memory_space<vmem>>)
      %add3A_357 = arith.constant 7 : i32
      %add3A_358 = arith.addi %mul3A_222, %add3A_357 : i32
      %mul3A_359 = arith.constant 32 : i32
      %mul3A_360 = arith.muli %add3A_358, %mul3A_359 : i32
      %add3A_361 = arith.addi %multiple_of3A_5, %mul3A_360 : i32
      %dma_wait3A_362 = tpu.memref_slice %arg4[%add3A_361] : memref<327680xi32, #tpu.memory_space<hbm>> -> memref<32xi32, #tpu.memory_space<hbm>>
      %dma_wait3A_363 = tpu.memref_slice %arg4[%add3A_361] : memref<327680xi32, #tpu.memory_space<hbm>> -> memref<32xi32, #tpu.memory_space<hbm>>
      tpu.wait_dma2 semaphore(%arg47 : memref<!tpu.dma_semaphore, #tpu.memory_space<semaphore_mem>>) src(%dma_wait3A_363 : memref<32xi32, #tpu.memory_space<hbm>>) dst(%arg14 : memref<32xi32, #tpu.memory_space<vmem>>)
      %dma_start3A_364 = arith.constant 0 : i32
      %dma_start3A_365 = arith.constant 0 : i32
      %dma_start3A_366 = tpu.memref_slice %arg23[%dma_start3A_364, %dma_start3A_365] : memref<10752x128xf32, #tpu.memory_space<vmem_shared>> -> memref<10752x128xf32, #tpu.memory_space<vmem_shared>>
      tpu.enqueue_indirect_dma source(%arg22 : memref<32x128xf32, #tpu.memory_space<vmem>>) target(%dma_start3A_366 : memref<10752x128xf32, #tpu.memory_space<vmem_shared>>) offsets(%arg14 : memref<32xi32, #tpu.memory_space<vmem>>) semaphore(%arg39 : memref<!tpu.dma_semaphore, #tpu.memory_space<semaphore_mem>>) {add = true}
      %dma_wait3A_367 = arith.constant 0 : i32
      %dma_wait3A_368 = arith.constant 0 : i32
      %dma_wait3A_369 = tpu.memref_slice %arg23[%dma_wait3A_367, %dma_wait3A_368] : memref<10752x128xf32, #tpu.memory_space<vmem_shared>> -> memref<10752x128xf32, #tpu.memory_space<vmem_shared>>
      tpu.wait_indirect_dma semaphore(%arg32 : memref<!tpu.dma_semaphore, #tpu.memory_space<semaphore_mem>>) src(%arg15 : memref<32x128xf32, #tpu.memory_space<vmem>>) dst(%dma_wait3A_369 : memref<10752x128xf32, #tpu.memory_space<vmem_shared>>)
      %add3A_370 = arith.constant 8 : i32
      %add3A_371 = arith.addi %mul3A_222, %add3A_370 : i32
      %add3A_372 = arith.constant 0 : i32
      %add3A_373 = arith.addi %add3A_371, %add3A_372 : i32
      %mul3A_374 = arith.constant 32 : i32
      %mul3A_375 = arith.muli %add3A_373, %mul3A_374 : i32
      %dma_start3A_376 = tpu.memref_slice %arg6[%mul3A_375] : memref<10240xi32, #tpu.memory_space<vmem>> -> memref<32xi32, #tpu.memory_space<vmem>>
      %dma_start3A_377 = arith.constant 0 : i32
      %dma_start3A_378 = arith.constant 0 : i32
      %dma_start3A_379 = tpu.memref_slice %arg2[%dma_start3A_377, %dma_start3A_378] : memref<10000x128xf32, #tpu.memory_space<hbm>> -> memref<10000x128xf32, #tpu.memory_space<hbm>>
      tpu.enqueue_indirect_dma source(%dma_start3A_379 : memref<10000x128xf32, #tpu.memory_space<hbm>>) target(%arg15 : memref<32x128xf32, #tpu.memory_space<vmem>>) offsets(%dma_start3A_376 : memref<32xi32, #tpu.memory_space<vmem>>) semaphore(%arg24 : memref<!tpu.dma_semaphore, #tpu.memory_space<semaphore_mem>>)
      %add3A_380 = arith.constant 8 : i32
      %add3A_381 = arith.addi %mul3A_222, %add3A_380 : i32
      %add3A_382 = arith.constant 0 : i32
      %add3A_383 = arith.addi %add3A_381, %add3A_382 : i32
      %mul3A_384 = arith.constant 32 : i32
      %mul3A_385 = arith.muli %add3A_383, %mul3A_384 : i32
      %add3A_386 = arith.addi %multiple_of3A_5, %mul3A_385 : i32
      %dma_start3A_387 = tpu.memref_slice %arg4[%add3A_386] : memref<327680xi32, #tpu.memory_space<hbm>> -> memref<32xi32, #tpu.memory_space<hbm>>
      %dma_start3A_388 = tpu.memref_slice %arg4[%add3A_386] : memref<327680xi32, #tpu.memory_space<hbm>> -> memref<32xi32, #tpu.memory_space<hbm>>
      tpu.enqueue_dma source(%dma_start3A_388 : memref<32xi32, #tpu.memory_space<hbm>>) target(%arg7 : memref<32xi32, #tpu.memory_space<vmem>>) target_semaphore(%arg40 : memref<!tpu.dma_semaphore, #tpu.memory_space<semaphore_mem>>)
      %dma_wait3A_389 = arith.constant 0 : i32
      %dma_wait3A_390 = arith.constant 0 : i32
      %dma_wait3A_391 = tpu.memref_slice %arg23[%dma_wait3A_389, %dma_wait3A_390] : memref<10752x128xf32, #tpu.memory_space<vmem_shared>> -> memref<10752x128xf32, #tpu.memory_space<vmem_shared>>
      tpu.wait_indirect_dma semaphore(%arg33 : memref<!tpu.dma_semaphore, #tpu.memory_space<semaphore_mem>>) src(%arg16 : memref<32x128xf32, #tpu.memory_space<vmem>>) dst(%dma_wait3A_391 : memref<10752x128xf32, #tpu.memory_space<vmem_shared>>)
      %add3A_392 = arith.constant 8 : i32
      %add3A_393 = arith.addi %mul3A_222, %add3A_392 : i32
      %add3A_394 = arith.constant 1 : i32
      %add3A_395 = arith.addi %add3A_393, %add3A_394 : i32
      %mul3A_396 = arith.constant 32 : i32
      %mul3A_397 = arith.muli %add3A_395, %mul3A_396 : i32
      %dma_start3A_398 = tpu.memref_slice %arg6[%mul3A_397] : memref<10240xi32, #tpu.memory_space<vmem>> -> memref<32xi32, #tpu.memory_space<vmem>>
      %dma_start3A_399 = arith.constant 0 : i32
      %dma_start3A_400 = arith.constant 0 : i32
      %dma_start3A_401 = tpu.memref_slice %arg2[%dma_start3A_399, %dma_start3A_400] : memref<10000x128xf32, #tpu.memory_space<hbm>> -> memref<10000x128xf32, #tpu.memory_space<hbm>>
      tpu.enqueue_indirect_dma source(%dma_start3A_401 : memref<10000x128xf32, #tpu.memory_space<hbm>>) target(%arg16 : memref<32x128xf32, #tpu.memory_space<vmem>>) offsets(%dma_start3A_398 : memref<32xi32, #tpu.memory_space<vmem>>) semaphore(%arg25 : memref<!tpu.dma_semaphore, #tpu.memory_space<semaphore_mem>>)
      %add3A_402 = arith.constant 8 : i32
      %add3A_403 = arith.addi %mul3A_222, %add3A_402 : i32
      %add3A_404 = arith.constant 1 : i32
      %add3A_405 = arith.addi %add3A_403, %add3A_404 : i32
      %mul3A_406 = arith.constant 32 : i32
      %mul3A_407 = arith.muli %add3A_405, %mul3A_406 : i32
      %add3A_408 = arith.addi %multiple_of3A_5, %mul3A_407 : i32
      %dma_start3A_409 = tpu.memref_slice %arg4[%add3A_408] : memref<327680xi32, #tpu.memory_space<hbm>> -> memref<32xi32, #tpu.memory_space<hbm>>
      %dma_start3A_410 = tpu.memref_slice %arg4[%add3A_408] : memref<327680xi32, #tpu.memory_space<hbm>> -> memref<32xi32, #tpu.memory_space<hbm>>
      tpu.enqueue_dma source(%dma_start3A_410 : memref<32xi32, #tpu.memory_space<hbm>>) target(%arg8 : memref<32xi32, #tpu.memory_space<vmem>>) target_semaphore(%arg41 : memref<!tpu.dma_semaphore, #tpu.memory_space<semaphore_mem>>)
      %dma_wait3A_411 = arith.constant 0 : i32
      %dma_wait3A_412 = arith.constant 0 : i32
      %dma_wait3A_413 = tpu.memref_slice %arg23[%dma_wait3A_411, %dma_wait3A_412] : memref<10752x128xf32, #tpu.memory_space<vmem_shared>> -> memref<10752x128xf32, #tpu.memory_space<vmem_shared>>
      tpu.wait_indirect_dma semaphore(%arg34 : memref<!tpu.dma_semaphore, #tpu.memory_space<semaphore_mem>>) src(%arg17 : memref<32x128xf32, #tpu.memory_space<vmem>>) dst(%dma_wait3A_413 : memref<10752x128xf32, #tpu.memory_space<vmem_shared>>)
      %add3A_414 = arith.constant 8 : i32
      %add3A_415 = arith.addi %mul3A_222, %add3A_414 : i32
      %add3A_416 = arith.constant 2 : i32
      %add3A_417 = arith.addi %add3A_415, %add3A_416 : i32
      %mul3A_418 = arith.constant 32 : i32
      %mul3A_419 = arith.muli %add3A_417, %mul3A_418 : i32
      %dma_start3A_420 = tpu.memref_slice %arg6[%mul3A_419] : memref<10240xi32, #tpu.memory_space<vmem>> -> memref<32xi32, #tpu.memory_space<vmem>>
      %dma_start3A_421 = arith.constant 0 : i32
      %dma_start3A_422 = arith.constant 0 : i32
      %dma_start3A_423 = tpu.memref_slice %arg2[%dma_start3A_421, %dma_start3A_422] : memref<10000x128xf32, #tpu.memory_space<hbm>> -> memref<10000x128xf32, #tpu.memory_space<hbm>>
      tpu.enqueue_indirect_dma source(%dma_start3A_423 : memref<10000x128xf32, #tpu.memory_space<hbm>>) target(%arg17 : memref<32x128xf32, #tpu.memory_space<vmem>>) offsets(%dma_start3A_420 : memref<32xi32, #tpu.memory_space<vmem>>) semaphore(%arg26 : memref<!tpu.dma_semaphore, #tpu.memory_space<semaphore_mem>>)
      %add3A_424 = arith.constant 8 : i32
      %add3A_425 = arith.addi %mul3A_222, %add3A_424 : i32
      %add3A_426 = arith.constant 2 : i32
      %add3A_427 = arith.addi %add3A_425, %add3A_426 : i32
      %mul3A_428 = arith.constant 32 : i32
      %mul3A_429 = arith.muli %add3A_427, %mul3A_428 : i32
      %add3A_430 = arith.addi %multiple_of3A_5, %mul3A_429 : i32
      %dma_start3A_431 = tpu.memref_slice %arg4[%add3A_430] : memref<327680xi32, #tpu.memory_space<hbm>> -> memref<32xi32, #tpu.memory_space<hbm>>
      %dma_start3A_432 = tpu.memref_slice %arg4[%add3A_430] : memref<327680xi32, #tpu.memory_space<hbm>> -> memref<32xi32, #tpu.memory_space<hbm>>
      tpu.enqueue_dma source(%dma_start3A_432 : memref<32xi32, #tpu.memory_space<hbm>>) target(%arg9 : memref<32xi32, #tpu.memory_space<vmem>>) target_semaphore(%arg42 : memref<!tpu.dma_semaphore, #tpu.memory_space<semaphore_mem>>)
      %dma_wait3A_433 = arith.constant 0 : i32
      %dma_wait3A_434 = arith.constant 0 : i32
      %dma_wait3A_435 = tpu.memref_slice %arg23[%dma_wait3A_433, %dma_wait3A_434] : memref<10752x128xf32, #tpu.memory_space<vmem_shared>> -> memref<10752x128xf32, #tpu.memory_space<vmem_shared>>
      tpu.wait_indirect_dma semaphore(%arg35 : memref<!tpu.dma_semaphore, #tpu.memory_space<semaphore_mem>>) src(%arg18 : memref<32x128xf32, #tpu.memory_space<vmem>>) dst(%dma_wait3A_435 : memref<10752x128xf32, #tpu.memory_space<vmem_shared>>)
      %add3A_436 = arith.constant 8 : i32
      %add3A_437 = arith.addi %mul3A_222, %add3A_436 : i32
      %add3A_438 = arith.constant 3 : i32
      %add3A_439 = arith.addi %add3A_437, %add3A_438 : i32
      %mul3A_440 = arith.constant 32 : i32
      %mul3A_441 = arith.muli %add3A_439, %mul3A_440 : i32
      %dma_start3A_442 = tpu.memref_slice %arg6[%mul3A_441] : memref<10240xi32, #tpu.memory_space<vmem>> -> memref<32xi32, #tpu.memory_space<vmem>>
      %dma_start3A_443 = arith.constant 0 : i32
      %dma_start3A_444 = arith.constant 0 : i32
      %dma_start3A_445 = tpu.memref_slice %arg2[%dma_start3A_443, %dma_start3A_444] : memref<10000x128xf32, #tpu.memory_space<hbm>> -> memref<10000x128xf32, #tpu.memory_space<hbm>>
      tpu.enqueue_indirect_dma source(%dma_start3A_445 : memref<10000x128xf32, #tpu.memory_space<hbm>>) target(%arg18 : memref<32x128xf32, #tpu.memory_space<vmem>>) offsets(%dma_start3A_442 : memref<32xi32, #tpu.memory_space<vmem>>) semaphore(%arg27 : memref<!tpu.dma_semaphore, #tpu.memory_space<semaphore_mem>>)
      %add3A_446 = arith.constant 8 : i32
      %add3A_447 = arith.addi %mul3A_222, %add3A_446 : i32
      %add3A_448 = arith.constant 3 : i32
      %add3A_449 = arith.addi %add3A_447, %add3A_448 : i32
      %mul3A_450 = arith.constant 32 : i32
      %mul3A_451 = arith.muli %add3A_449, %mul3A_450 : i32
      %add3A_452 = arith.addi %multiple_of3A_5, %mul3A_451 : i32
      %dma_start3A_453 = tpu.memref_slice %arg4[%add3A_452] : memref<327680xi32, #tpu.memory_space<hbm>> -> memref<32xi32, #tpu.memory_space<hbm>>
      %dma_start3A_454 = tpu.memref_slice %arg4[%add3A_452] : memref<327680xi32, #tpu.memory_space<hbm>> -> memref<32xi32, #tpu.memory_space<hbm>>
      tpu.enqueue_dma source(%dma_start3A_454 : memref<32xi32, #tpu.memory_space<hbm>>) target(%arg10 : memref<32xi32, #tpu.memory_space<vmem>>) target_semaphore(%arg43 : memref<!tpu.dma_semaphore, #tpu.memory_space<semaphore_mem>>)
      %dma_wait3A_455 = arith.constant 0 : i32
      %dma_wait3A_456 = arith.constant 0 : i32
      %dma_wait3A_457 = tpu.memref_slice %arg23[%dma_wait3A_455, %dma_wait3A_456] : memref<10752x128xf32, #tpu.memory_space<vmem_shared>> -> memref<10752x128xf32, #tpu.memory_space<vmem_shared>>
      tpu.wait_indirect_dma semaphore(%arg36 : memref<!tpu.dma_semaphore, #tpu.memory_space<semaphore_mem>>) src(%arg19 : memref<32x128xf32, #tpu.memory_space<vmem>>) dst(%dma_wait3A_457 : memref<10752x128xf32, #tpu.memory_space<vmem_shared>>)
      %add3A_458 = arith.constant 8 : i32
      %add3A_459 = arith.addi %mul3A_222, %add3A_458 : i32
      %add3A_460 = arith.constant 4 : i32
      %add3A_461 = arith.addi %add3A_459, %add3A_460 : i32
      %mul3A_462 = arith.constant 32 : i32
      %mul3A_463 = arith.muli %add3A_461, %mul3A_462 : i32
      %dma_start3A_464 = tpu.memref_slice %arg6[%mul3A_463] : memref<10240xi32, #tpu.memory_space<vmem>> -> memref<32xi32, #tpu.memory_space<vmem>>
      %dma_start3A_465 = arith.constant 0 : i32
      %dma_start3A_466 = arith.constant 0 : i32
      %dma_start3A_467 = tpu.memref_slice %arg2[%dma_start3A_465, %dma_start3A_466] : memref<10000x128xf32, #tpu.memory_space<hbm>> -> memref<10000x128xf32, #tpu.memory_space<hbm>>
      tpu.enqueue_indirect_dma source(%dma_start3A_467 : memref<10000x128xf32, #tpu.memory_space<hbm>>) target(%arg19 : memref<32x128xf32, #tpu.memory_space<vmem>>) offsets(%dma_start3A_464 : memref<32xi32, #tpu.memory_space<vmem>>) semaphore(%arg28 : memref<!tpu.dma_semaphore, #tpu.memory_space<semaphore_mem>>)
      %add3A_468 = arith.constant 8 : i32
      %add3A_469 = arith.addi %mul3A_222, %add3A_468 : i32
      %add3A_470 = arith.constant 4 : i32
      %add3A_471 = arith.addi %add3A_469, %add3A_470 : i32
      %mul3A_472 = arith.constant 32 : i32
      %mul3A_473 = arith.muli %add3A_471, %mul3A_472 : i32
      %add3A_474 = arith.addi %multiple_of3A_5, %mul3A_473 : i32
      %dma_start3A_475 = tpu.memref_slice %arg4[%add3A_474] : memref<327680xi32, #tpu.memory_space<hbm>> -> memref<32xi32, #tpu.memory_space<hbm>>
      %dma_start3A_476 = tpu.memref_slice %arg4[%add3A_474] : memref<327680xi32, #tpu.memory_space<hbm>> -> memref<32xi32, #tpu.memory_space<hbm>>
      tpu.enqueue_dma source(%dma_start3A_476 : memref<32xi32, #tpu.memory_space<hbm>>) target(%arg11 : memref<32xi32, #tpu.memory_space<vmem>>) target_semaphore(%arg44 : memref<!tpu.dma_semaphore, #tpu.memory_space<semaphore_mem>>)
      %dma_wait3A_477 = arith.constant 0 : i32
      %dma_wait3A_478 = arith.constant 0 : i32
      %dma_wait3A_479 = tpu.memref_slice %arg23[%dma_wait3A_477, %dma_wait3A_478] : memref<10752x128xf32, #tpu.memory_space<vmem_shared>> -> memref<10752x128xf32, #tpu.memory_space<vmem_shared>>
      tpu.wait_indirect_dma semaphore(%arg37 : memref<!tpu.dma_semaphore, #tpu.memory_space<semaphore_mem>>) src(%arg20 : memref<32x128xf32, #tpu.memory_space<vmem>>) dst(%dma_wait3A_479 : memref<10752x128xf32, #tpu.memory_space<vmem_shared>>)
      %add3A_480 = arith.constant 8 : i32
      %add3A_481 = arith.addi %mul3A_222, %add3A_480 : i32
      %add3A_482 = arith.constant 5 : i32
      %add3A_483 = arith.addi %add3A_481, %add3A_482 : i32
      %mul3A_484 = arith.constant 32 : i32
      %mul3A_485 = arith.muli %add3A_483, %mul3A_484 : i32
      %dma_start3A_486 = tpu.memref_slice %arg6[%mul3A_485] : memref<10240xi32, #tpu.memory_space<vmem>> -> memref<32xi32, #tpu.memory_space<vmem>>
      %dma_start3A_487 = arith.constant 0 : i32
      %dma_start3A_488 = arith.constant 0 : i32
      %dma_start3A_489 = tpu.memref_slice %arg2[%dma_start3A_487, %dma_start3A_488] : memref<10000x128xf32, #tpu.memory_space<hbm>> -> memref<10000x128xf32, #tpu.memory_space<hbm>>
      tpu.enqueue_indirect_dma source(%dma_start3A_489 : memref<10000x128xf32, #tpu.memory_space<hbm>>) target(%arg20 : memref<32x128xf32, #tpu.memory_space<vmem>>) offsets(%dma_start3A_486 : memref<32xi32, #tpu.memory_space<vmem>>) semaphore(%arg29 : memref<!tpu.dma_semaphore, #tpu.memory_space<semaphore_mem>>)
      %add3A_490 = arith.constant 8 : i32
      %add3A_491 = arith.addi %mul3A_222, %add3A_490 : i32
      %add3A_492 = arith.constant 5 : i32
      %add3A_493 = arith.addi %add3A_491, %add3A_492 : i32
      %mul3A_494 = arith.constant 32 : i32
      %mul3A_495 = arith.muli %add3A_493, %mul3A_494 : i32
      %add3A_496 = arith.addi %multiple_of3A_5, %mul3A_495 : i32
      %dma_start3A_497 = tpu.memref_slice %arg4[%add3A_496] : memref<327680xi32, #tpu.memory_space<hbm>> -> memref<32xi32, #tpu.memory_space<hbm>>
      %dma_start3A_498 = tpu.memref_slice %arg4[%add3A_496] : memref<327680xi32, #tpu.memory_space<hbm>> -> memref<32xi32, #tpu.memory_space<hbm>>
      tpu.enqueue_dma source(%dma_start3A_498 : memref<32xi32, #tpu.memory_space<hbm>>) target(%arg12 : memref<32xi32, #tpu.memory_space<vmem>>) target_semaphore(%arg45 : memref<!tpu.dma_semaphore, #tpu.memory_space<semaphore_mem>>)
      %dma_wait3A_499 = arith.constant 0 : i32
      %dma_wait3A_500 = arith.constant 0 : i32
      %dma_wait3A_501 = tpu.memref_slice %arg23[%dma_wait3A_499, %dma_wait3A_500] : memref<10752x128xf32, #tpu.memory_space<vmem_shared>> -> memref<10752x128xf32, #tpu.memory_space<vmem_shared>>
      tpu.wait_indirect_dma semaphore(%arg38 : memref<!tpu.dma_semaphore, #tpu.memory_space<semaphore_mem>>) src(%arg21 : memref<32x128xf32, #tpu.memory_space<vmem>>) dst(%dma_wait3A_501 : memref<10752x128xf32, #tpu.memory_space<vmem_shared>>)
      %add3A_502 = arith.constant 8 : i32
      %add3A_503 = arith.addi %mul3A_222, %add3A_502 : i32
      %add3A_504 = arith.constant 6 : i32
      %add3A_505 = arith.addi %add3A_503, %add3A_504 : i32
      %mul3A_506 = arith.constant 32 : i32
      %mul3A_507 = arith.muli %add3A_505, %mul3A_506 : i32
      %dma_start3A_508 = tpu.memref_slice %arg6[%mul3A_507] : memref<10240xi32, #tpu.memory_space<vmem>> -> memref<32xi32, #tpu.memory_space<vmem>>
      %dma_start3A_509 = arith.constant 0 : i32
      %dma_start3A_510 = arith.constant 0 : i32
      %dma_start3A_511 = tpu.memref_slice %arg2[%dma_start3A_509, %dma_start3A_510] : memref<10000x128xf32, #tpu.memory_space<hbm>> -> memref<10000x128xf32, #tpu.memory_space<hbm>>
      tpu.enqueue_indirect_dma source(%dma_start3A_511 : memref<10000x128xf32, #tpu.memory_space<hbm>>) target(%arg21 : memref<32x128xf32, #tpu.memory_space<vmem>>) offsets(%dma_start3A_508 : memref<32xi32, #tpu.memory_space<vmem>>) semaphore(%arg30 : memref<!tpu.dma_semaphore, #tpu.memory_space<semaphore_mem>>)
      %add3A_512 = arith.constant 8 : i32
      %add3A_513 = arith.addi %mul3A_222, %add3A_512 : i32
      %add3A_514 = arith.constant 6 : i32
      %add3A_515 = arith.addi %add3A_513, %add3A_514 : i32
      %mul3A_516 = arith.constant 32 : i32
      %mul3A_517 = arith.muli %add3A_515, %mul3A_516 : i32
      %add3A_518 = arith.addi %multiple_of3A_5, %mul3A_517 : i32
      %dma_start3A_519 = tpu.memref_slice %arg4[%add3A_518] : memref<327680xi32, #tpu.memory_space<hbm>> -> memref<32xi32, #tpu.memory_space<hbm>>
      %dma_start3A_520 = tpu.memref_slice %arg4[%add3A_518] : memref<327680xi32, #tpu.memory_space<hbm>> -> memref<32xi32, #tpu.memory_space<hbm>>
      tpu.enqueue_dma source(%dma_start3A_520 : memref<32xi32, #tpu.memory_space<hbm>>) target(%arg13 : memref<32xi32, #tpu.memory_space<vmem>>) target_semaphore(%arg46 : memref<!tpu.dma_semaphore, #tpu.memory_space<semaphore_mem>>)
      %dma_wait3A_521 = arith.constant 0 : i32
      %dma_wait3A_522 = arith.constant 0 : i32
      %dma_wait3A_523 = tpu.memref_slice %arg23[%dma_wait3A_521, %dma_wait3A_522] : memref<10752x128xf32, #tpu.memory_space<vmem_shared>> -> memref<10752x128xf32, #tpu.memory_space<vmem_shared>>
      tpu.wait_indirect_dma semaphore(%arg39 : memref<!tpu.dma_semaphore, #tpu.memory_space<semaphore_mem>>) src(%arg22 : memref<32x128xf32, #tpu.memory_space<vmem>>) dst(%dma_wait3A_523 : memref<10752x128xf32, #tpu.memory_space<vmem_shared>>)
      %add3A_524 = arith.constant 8 : i32
      %add3A_525 = arith.addi %mul3A_222, %add3A_524 : i32
      %add3A_526 = arith.constant 7 : i32
      %add3A_527 = arith.addi %add3A_525, %add3A_526 : i32
      %mul3A_528 = arith.constant 32 : i32
      %mul3A_529 = arith.muli %add3A_527, %mul3A_528 : i32
      %dma_start3A_530 = tpu.memref_slice %arg6[%mul3A_529] : memref<10240xi32, #tpu.memory_space<vmem>> -> memref<32xi32, #tpu.memory_space<vmem>>
      %dma_start3A_531 = arith.constant 0 : i32
      %dma_start3A_532 = arith.constant 0 : i32
      %dma_start3A_533 = tpu.memref_slice %arg2[%dma_start3A_531, %dma_start3A_532] : memref<10000x128xf32, #tpu.memory_space<hbm>> -> memref<10000x128xf32, #tpu.memory_space<hbm>>
      tpu.enqueue_indirect_dma source(%dma_start3A_533 : memref<10000x128xf32, #tpu.memory_space<hbm>>) target(%arg22 : memref<32x128xf32, #tpu.memory_space<vmem>>) offsets(%dma_start3A_530 : memref<32xi32, #tpu.memory_space<vmem>>) semaphore(%arg31 : memref<!tpu.dma_semaphore, #tpu.memory_space<semaphore_mem>>)
      %add3A_534 = arith.constant 8 : i32
      %add3A_535 = arith.addi %mul3A_222, %add3A_534 : i32
      %add3A_536 = arith.constant 7 : i32
      %add3A_537 = arith.addi %add3A_535, %add3A_536 : i32
      %mul3A_538 = arith.constant 32 : i32
      %mul3A_539 = arith.muli %add3A_537, %mul3A_538 : i32
      %add3A_540 = arith.addi %multiple_of3A_5, %mul3A_539 : i32
      %dma_start3A_541 = tpu.memref_slice %arg4[%add3A_540] : memref<327680xi32, #tpu.memory_space<hbm>> -> memref<32xi32, #tpu.memory_space<hbm>>
      %dma_start3A_542 = tpu.memref_slice %arg4[%add3A_540] : memref<327680xi32, #tpu.memory_space<hbm>> -> memref<32xi32, #tpu.memory_space<hbm>>
      tpu.enqueue_dma source(%dma_start3A_542 : memref<32xi32, #tpu.memory_space<hbm>>) target(%arg14 : memref<32xi32, #tpu.memory_space<vmem>>) target_semaphore(%arg47 : memref<!tpu.dma_semaphore, #tpu.memory_space<semaphore_mem>>)
    }
    %scan3A_93 = arith.constant 39 : i32
    %dma_wait3A = arith.constant 9984 : i32
    %dma_wait3A_94 = tpu.memref_slice %arg6[%dma_wait3A] : memref<10240xi32, #tpu.memory_space<vmem>> -> memref<32xi32, #tpu.memory_space<vmem>>
    %dma_wait3A_95 = arith.constant 0 : i32
    %dma_wait3A_96 = arith.constant 0 : i32
    %dma_wait3A_97 = tpu.memref_slice %arg2[%dma_wait3A_95, %dma_wait3A_96] : memref<10000x128xf32, #tpu.memory_space<hbm>> -> memref<10000x128xf32, #tpu.memory_space<hbm>>
    tpu.wait_indirect_dma semaphore(%arg24 : memref<!tpu.dma_semaphore, #tpu.memory_space<semaphore_mem>>) src(%dma_wait3A_97 : memref<10000x128xf32, #tpu.memory_space<hbm>>) dst(%arg15 : memref<32x128xf32, #tpu.memory_space<vmem>>)
    %add3A_98 = arith.constant 9984 : i32
    %add3A_99 = arith.addi %multiple_of3A_5, %add3A_98 : i32
    %dma_wait3A_100 = tpu.memref_slice %arg4[%add3A_99] : memref<327680xi32, #tpu.memory_space<hbm>> -> memref<32xi32, #tpu.memory_space<hbm>>
    %dma_wait3A_101 = tpu.memref_slice %arg4[%add3A_99] : memref<327680xi32, #tpu.memory_space<hbm>> -> memref<32xi32, #tpu.memory_space<hbm>>
    tpu.wait_dma2 semaphore(%arg40 : memref<!tpu.dma_semaphore, #tpu.memory_space<semaphore_mem>>) src(%dma_wait3A_101 : memref<32xi32, #tpu.memory_space<hbm>>) dst(%arg7 : memref<32xi32, #tpu.memory_space<vmem>>)
    %dma_start3A_102 = arith.constant 0 : i32
    %dma_start3A_103 = arith.constant 0 : i32
    %dma_start3A_104 = tpu.memref_slice %arg23[%dma_start3A_102, %dma_start3A_103] : memref<10752x128xf32, #tpu.memory_space<vmem_shared>> -> memref<10752x128xf32, #tpu.memory_space<vmem_shared>>
    tpu.enqueue_indirect_dma source(%arg15 : memref<32x128xf32, #tpu.memory_space<vmem>>) target(%dma_start3A_104 : memref<10752x128xf32, #tpu.memory_space<vmem_shared>>) offsets(%arg7 : memref<32xi32, #tpu.memory_space<vmem>>) semaphore(%arg32 : memref<!tpu.dma_semaphore, #tpu.memory_space<semaphore_mem>>) {add = true}
    %dma_wait3A_105 = arith.constant 10016 : i32
    %dma_wait3A_106 = tpu.memref_slice %arg6[%dma_wait3A_105] : memref<10240xi32, #tpu.memory_space<vmem>> -> memref<32xi32, #tpu.memory_space<vmem>>
    %dma_wait3A_107 = arith.constant 0 : i32
    %dma_wait3A_108 = arith.constant 0 : i32
    %dma_wait3A_109 = tpu.memref_slice %arg2[%dma_wait3A_107, %dma_wait3A_108] : memref<10000x128xf32, #tpu.memory_space<hbm>> -> memref<10000x128xf32, #tpu.memory_space<hbm>>
    tpu.wait_indirect_dma semaphore(%arg25 : memref<!tpu.dma_semaphore, #tpu.memory_space<semaphore_mem>>) src(%dma_wait3A_109 : memref<10000x128xf32, #tpu.memory_space<hbm>>) dst(%arg16 : memref<32x128xf32, #tpu.memory_space<vmem>>)
    %add3A_110 = arith.constant 10016 : i32
    %add3A_111 = arith.addi %multiple_of3A_5, %add3A_110 : i32
    %dma_wait3A_112 = tpu.memref_slice %arg4[%add3A_111] : memref<327680xi32, #tpu.memory_space<hbm>> -> memref<32xi32, #tpu.memory_space<hbm>>
    %dma_wait3A_113 = tpu.memref_slice %arg4[%add3A_111] : memref<327680xi32, #tpu.memory_space<hbm>> -> memref<32xi32, #tpu.memory_space<hbm>>
    tpu.wait_dma2 semaphore(%arg41 : memref<!tpu.dma_semaphore, #tpu.memory_space<semaphore_mem>>) src(%dma_wait3A_113 : memref<32xi32, #tpu.memory_space<hbm>>) dst(%arg8 : memref<32xi32, #tpu.memory_space<vmem>>)
    %dma_start3A_114 = arith.constant 0 : i32
    %dma_start3A_115 = arith.constant 0 : i32
    %dma_start3A_116 = tpu.memref_slice %arg23[%dma_start3A_114, %dma_start3A_115] : memref<10752x128xf32, #tpu.memory_space<vmem_shared>> -> memref<10752x128xf32, #tpu.memory_space<vmem_shared>>
    tpu.enqueue_indirect_dma source(%arg16 : memref<32x128xf32, #tpu.memory_space<vmem>>) target(%dma_start3A_116 : memref<10752x128xf32, #tpu.memory_space<vmem_shared>>) offsets(%arg8 : memref<32xi32, #tpu.memory_space<vmem>>) semaphore(%arg33 : memref<!tpu.dma_semaphore, #tpu.memory_space<semaphore_mem>>) {add = true}
    %dma_wait3A_117 = arith.constant 10048 : i32
    %dma_wait3A_118 = tpu.memref_slice %arg6[%dma_wait3A_117] : memref<10240xi32, #tpu.memory_space<vmem>> -> memref<32xi32, #tpu.memory_space<vmem>>
    %dma_wait3A_119 = arith.constant 0 : i32
    %dma_wait3A_120 = arith.constant 0 : i32
    %dma_wait3A_121 = tpu.memref_slice %arg2[%dma_wait3A_119, %dma_wait3A_120] : memref<10000x128xf32, #tpu.memory_space<hbm>> -> memref<10000x128xf32, #tpu.memory_space<hbm>>
    tpu.wait_indirect_dma semaphore(%arg26 : memref<!tpu.dma_semaphore, #tpu.memory_space<semaphore_mem>>) src(%dma_wait3A_121 : memref<10000x128xf32, #tpu.memory_space<hbm>>) dst(%arg17 : memref<32x128xf32, #tpu.memory_space<vmem>>)
    %add3A_122 = arith.constant 10048 : i32
    %add3A_123 = arith.addi %multiple_of3A_5, %add3A_122 : i32
    %dma_wait3A_124 = tpu.memref_slice %arg4[%add3A_123] : memref<327680xi32, #tpu.memory_space<hbm>> -> memref<32xi32, #tpu.memory_space<hbm>>
    %dma_wait3A_125 = tpu.memref_slice %arg4[%add3A_123] : memref<327680xi32, #tpu.memory_space<hbm>> -> memref<32xi32, #tpu.memory_space<hbm>>
    tpu.wait_dma2 semaphore(%arg42 : memref<!tpu.dma_semaphore, #tpu.memory_space<semaphore_mem>>) src(%dma_wait3A_125 : memref<32xi32, #tpu.memory_space<hbm>>) dst(%arg9 : memref<32xi32, #tpu.memory_space<vmem>>)
    %dma_start3A_126 = arith.constant 0 : i32
    %dma_start3A_127 = arith.constant 0 : i32
    %dma_start3A_128 = tpu.memref_slice %arg23[%dma_start3A_126, %dma_start3A_127] : memref<10752x128xf32, #tpu.memory_space<vmem_shared>> -> memref<10752x128xf32, #tpu.memory_space<vmem_shared>>
    tpu.enqueue_indirect_dma source(%arg17 : memref<32x128xf32, #tpu.memory_space<vmem>>) target(%dma_start3A_128 : memref<10752x128xf32, #tpu.memory_space<vmem_shared>>) offsets(%arg9 : memref<32xi32, #tpu.memory_space<vmem>>) semaphore(%arg34 : memref<!tpu.dma_semaphore, #tpu.memory_space<semaphore_mem>>) {add = true}
    %dma_wait3A_129 = arith.constant 10080 : i32
    %dma_wait3A_130 = tpu.memref_slice %arg6[%dma_wait3A_129] : memref<10240xi32, #tpu.memory_space<vmem>> -> memref<32xi32, #tpu.memory_space<vmem>>
    %dma_wait3A_131 = arith.constant 0 : i32
    %dma_wait3A_132 = arith.constant 0 : i32
    %dma_wait3A_133 = tpu.memref_slice %arg2[%dma_wait3A_131, %dma_wait3A_132] : memref<10000x128xf32, #tpu.memory_space<hbm>> -> memref<10000x128xf32, #tpu.memory_space<hbm>>
    tpu.wait_indirect_dma semaphore(%arg27 : memref<!tpu.dma_semaphore, #tpu.memory_space<semaphore_mem>>) src(%dma_wait3A_133 : memref<10000x128xf32, #tpu.memory_space<hbm>>) dst(%arg18 : memref<32x128xf32, #tpu.memory_space<vmem>>)
    %add3A_134 = arith.constant 10080 : i32
    %add3A_135 = arith.addi %multiple_of3A_5, %add3A_134 : i32
    %dma_wait3A_136 = tpu.memref_slice %arg4[%add3A_135] : memref<327680xi32, #tpu.memory_space<hbm>> -> memref<32xi32, #tpu.memory_space<hbm>>
    %dma_wait3A_137 = tpu.memref_slice %arg4[%add3A_135] : memref<327680xi32, #tpu.memory_space<hbm>> -> memref<32xi32, #tpu.memory_space<hbm>>
    tpu.wait_dma2 semaphore(%arg43 : memref<!tpu.dma_semaphore, #tpu.memory_space<semaphore_mem>>) src(%dma_wait3A_137 : memref<32xi32, #tpu.memory_space<hbm>>) dst(%arg10 : memref<32xi32, #tpu.memory_space<vmem>>)
    %dma_start3A_138 = arith.constant 0 : i32
    %dma_start3A_139 = arith.constant 0 : i32
    %dma_start3A_140 = tpu.memref_slice %arg23[%dma_start3A_138, %dma_start3A_139] : memref<10752x128xf32, #tpu.memory_space<vmem_shared>> -> memref<10752x128xf32, #tpu.memory_space<vmem_shared>>
    tpu.enqueue_indirect_dma source(%arg18 : memref<32x128xf32, #tpu.memory_space<vmem>>) target(%dma_start3A_140 : memref<10752x128xf32, #tpu.memory_space<vmem_shared>>) offsets(%arg10 : memref<32xi32, #tpu.memory_space<vmem>>) semaphore(%arg35 : memref<!tpu.dma_semaphore, #tpu.memory_space<semaphore_mem>>) {add = true}
    %dma_wait3A_141 = arith.constant 10112 : i32
    %dma_wait3A_142 = tpu.memref_slice %arg6[%dma_wait3A_141] : memref<10240xi32, #tpu.memory_space<vmem>> -> memref<32xi32, #tpu.memory_space<vmem>>
    %dma_wait3A_143 = arith.constant 0 : i32
    %dma_wait3A_144 = arith.constant 0 : i32
    %dma_wait3A_145 = tpu.memref_slice %arg2[%dma_wait3A_143, %dma_wait3A_144] : memref<10000x128xf32, #tpu.memory_space<hbm>> -> memref<10000x128xf32, #tpu.memory_space<hbm>>
    tpu.wait_indirect_dma semaphore(%arg28 : memref<!tpu.dma_semaphore, #tpu.memory_space<semaphore_mem>>) src(%dma_wait3A_145 : memref<10000x128xf32, #tpu.memory_space<hbm>>) dst(%arg19 : memref<32x128xf32, #tpu.memory_space<vmem>>)
    %add3A_146 = arith.constant 10112 : i32
    %add3A_147 = arith.addi %multiple_of3A_5, %add3A_146 : i32
    %dma_wait3A_148 = tpu.memref_slice %arg4[%add3A_147] : memref<327680xi32, #tpu.memory_space<hbm>> -> memref<32xi32, #tpu.memory_space<hbm>>
    %dma_wait3A_149 = tpu.memref_slice %arg4[%add3A_147] : memref<327680xi32, #tpu.memory_space<hbm>> -> memref<32xi32, #tpu.memory_space<hbm>>
    tpu.wait_dma2 semaphore(%arg44 : memref<!tpu.dma_semaphore, #tpu.memory_space<semaphore_mem>>) src(%dma_wait3A_149 : memref<32xi32, #tpu.memory_space<hbm>>) dst(%arg11 : memref<32xi32, #tpu.memory_space<vmem>>)
    %dma_start3A_150 = arith.constant 0 : i32
    %dma_start3A_151 = arith.constant 0 : i32
    %dma_start3A_152 = tpu.memref_slice %arg23[%dma_start3A_150, %dma_start3A_151] : memref<10752x128xf32, #tpu.memory_space<vmem_shared>> -> memref<10752x128xf32, #tpu.memory_space<vmem_shared>>
    tpu.enqueue_indirect_dma source(%arg19 : memref<32x128xf32, #tpu.memory_space<vmem>>) target(%dma_start3A_152 : memref<10752x128xf32, #tpu.memory_space<vmem_shared>>) offsets(%arg11 : memref<32xi32, #tpu.memory_space<vmem>>) semaphore(%arg36 : memref<!tpu.dma_semaphore, #tpu.memory_space<semaphore_mem>>) {add = true}
    %dma_wait3A_153 = arith.constant 10144 : i32
    %dma_wait3A_154 = tpu.memref_slice %arg6[%dma_wait3A_153] : memref<10240xi32, #tpu.memory_space<vmem>> -> memref<32xi32, #tpu.memory_space<vmem>>
    %dma_wait3A_155 = arith.constant 0 : i32
    %dma_wait3A_156 = arith.constant 0 : i32
    %dma_wait3A_157 = tpu.memref_slice %arg2[%dma_wait3A_155, %dma_wait3A_156] : memref<10000x128xf32, #tpu.memory_space<hbm>> -> memref<10000x128xf32, #tpu.memory_space<hbm>>
    tpu.wait_indirect_dma semaphore(%arg29 : memref<!tpu.dma_semaphore, #tpu.memory_space<semaphore_mem>>) src(%dma_wait3A_157 : memref<10000x128xf32, #tpu.memory_space<hbm>>) dst(%arg20 : memref<32x128xf32, #tpu.memory_space<vmem>>)
    %add3A_158 = arith.constant 10144 : i32
    %add3A_159 = arith.addi %multiple_of3A_5, %add3A_158 : i32
    %dma_wait3A_160 = tpu.memref_slice %arg4[%add3A_159] : memref<327680xi32, #tpu.memory_space<hbm>> -> memref<32xi32, #tpu.memory_space<hbm>>
    %dma_wait3A_161 = tpu.memref_slice %arg4[%add3A_159] : memref<327680xi32, #tpu.memory_space<hbm>> -> memref<32xi32, #tpu.memory_space<hbm>>
    tpu.wait_dma2 semaphore(%arg45 : memref<!tpu.dma_semaphore, #tpu.memory_space<semaphore_mem>>) src(%dma_wait3A_161 : memref<32xi32, #tpu.memory_space<hbm>>) dst(%arg12 : memref<32xi32, #tpu.memory_space<vmem>>)
    %dma_start3A_162 = arith.constant 0 : i32
    %dma_start3A_163 = arith.constant 0 : i32
    %dma_start3A_164 = tpu.memref_slice %arg23[%dma_start3A_162, %dma_start3A_163] : memref<10752x128xf32, #tpu.memory_space<vmem_shared>> -> memref<10752x128xf32, #tpu.memory_space<vmem_shared>>
    tpu.enqueue_indirect_dma source(%arg20 : memref<32x128xf32, #tpu.memory_space<vmem>>) target(%dma_start3A_164 : memref<10752x128xf32, #tpu.memory_space<vmem_shared>>) offsets(%arg12 : memref<32xi32, #tpu.memory_space<vmem>>) semaphore(%arg37 : memref<!tpu.dma_semaphore, #tpu.memory_space<semaphore_mem>>) {add = true}
    %dma_wait3A_165 = arith.constant 10176 : i32
    %dma_wait3A_166 = tpu.memref_slice %arg6[%dma_wait3A_165] : memref<10240xi32, #tpu.memory_space<vmem>> -> memref<32xi32, #tpu.memory_space<vmem>>
    %dma_wait3A_167 = arith.constant 0 : i32
    %dma_wait3A_168 = arith.constant 0 : i32
    %dma_wait3A_169 = tpu.memref_slice %arg2[%dma_wait3A_167, %dma_wait3A_168] : memref<10000x128xf32, #tpu.memory_space<hbm>> -> memref<10000x128xf32, #tpu.memory_space<hbm>>
    tpu.wait_indirect_dma semaphore(%arg30 : memref<!tpu.dma_semaphore, #tpu.memory_space<semaphore_mem>>) src(%dma_wait3A_169 : memref<10000x128xf32, #tpu.memory_space<hbm>>) dst(%arg21 : memref<32x128xf32, #tpu.memory_space<vmem>>)
    %add3A_170 = arith.constant 10176 : i32
    %add3A_171 = arith.addi %multiple_of3A_5, %add3A_170 : i32
    %dma_wait3A_172 = tpu.memref_slice %arg4[%add3A_171] : memref<327680xi32, #tpu.memory_space<hbm>> -> memref<32xi32, #tpu.memory_space<hbm>>
    %dma_wait3A_173 = tpu.memref_slice %arg4[%add3A_171] : memref<327680xi32, #tpu.memory_space<hbm>> -> memref<32xi32, #tpu.memory_space<hbm>>
    tpu.wait_dma2 semaphore(%arg46 : memref<!tpu.dma_semaphore, #tpu.memory_space<semaphore_mem>>) src(%dma_wait3A_173 : memref<32xi32, #tpu.memory_space<hbm>>) dst(%arg13 : memref<32xi32, #tpu.memory_space<vmem>>)
    %dma_start3A_174 = arith.constant 0 : i32
    %dma_start3A_175 = arith.constant 0 : i32
    %dma_start3A_176 = tpu.memref_slice %arg23[%dma_start3A_174, %dma_start3A_175] : memref<10752x128xf32, #tpu.memory_space<vmem_shared>> -> memref<10752x128xf32, #tpu.memory_space<vmem_shared>>
    tpu.enqueue_indirect_dma source(%arg21 : memref<32x128xf32, #tpu.memory_space<vmem>>) target(%dma_start3A_176 : memref<10752x128xf32, #tpu.memory_space<vmem_shared>>) offsets(%arg13 : memref<32xi32, #tpu.memory_space<vmem>>) semaphore(%arg38 : memref<!tpu.dma_semaphore, #tpu.memory_space<semaphore_mem>>) {add = true}
    %dma_wait3A_177 = arith.constant 10208 : i32
    %dma_wait3A_178 = tpu.memref_slice %arg6[%dma_wait3A_177] : memref<10240xi32, #tpu.memory_space<vmem>> -> memref<32xi32, #tpu.memory_space<vmem>>
    %dma_wait3A_179 = arith.constant 0 : i32
    %dma_wait3A_180 = arith.constant 0 : i32
    %dma_wait3A_181 = tpu.memref_slice %arg2[%dma_wait3A_179, %dma_wait3A_180] : memref<10000x128xf32, #tpu.memory_space<hbm>> -> memref<10000x128xf32, #tpu.memory_space<hbm>>
    tpu.wait_indirect_dma semaphore(%arg31 : memref<!tpu.dma_semaphore, #tpu.memory_space<semaphore_mem>>) src(%dma_wait3A_181 : memref<10000x128xf32, #tpu.memory_space<hbm>>) dst(%arg22 : memref<32x128xf32, #tpu.memory_space<vmem>>)
    %add3A_182 = arith.constant 10208 : i32
    %add3A_183 = arith.addi %multiple_of3A_5, %add3A_182 : i32
    %dma_wait3A_184 = tpu.memref_slice %arg4[%add3A_183] : memref<327680xi32, #tpu.memory_space<hbm>> -> memref<32xi32, #tpu.memory_space<hbm>>
    %dma_wait3A_185 = tpu.memref_slice %arg4[%add3A_183] : memref<327680xi32, #tpu.memory_space<hbm>> -> memref<32xi32, #tpu.memory_space<hbm>>
    tpu.wait_dma2 semaphore(%arg47 : memref<!tpu.dma_semaphore, #tpu.memory_space<semaphore_mem>>) src(%dma_wait3A_185 : memref<32xi32, #tpu.memory_space<hbm>>) dst(%arg14 : memref<32xi32, #tpu.memory_space<vmem>>)
    %dma_start3A_186 = arith.constant 0 : i32
    %dma_start3A_187 = arith.constant 0 : i32
    %dma_start3A_188 = tpu.memref_slice %arg23[%dma_start3A_186, %dma_start3A_187] : memref<10752x128xf32, #tpu.memory_space<vmem_shared>> -> memref<10752x128xf32, #tpu.memory_space<vmem_shared>>
    tpu.enqueue_indirect_dma source(%arg22 : memref<32x128xf32, #tpu.memory_space<vmem>>) target(%dma_start3A_188 : memref<10752x128xf32, #tpu.memory_space<vmem_shared>>) offsets(%arg14 : memref<32xi32, #tpu.memory_space<vmem>>) semaphore(%arg39 : memref<!tpu.dma_semaphore, #tpu.memory_space<semaphore_mem>>) {add = true}
    %dma_wait3A_189 = arith.constant 0 : i32
    %dma_wait3A_190 = arith.constant 0 : i32
    %dma_wait3A_191 = tpu.memref_slice %arg23[%dma_wait3A_189, %dma_wait3A_190] : memref<10752x128xf32, #tpu.memory_space<vmem_shared>> -> memref<10752x128xf32, #tpu.memory_space<vmem_shared>>
    tpu.wait_indirect_dma semaphore(%arg32 : memref<!tpu.dma_semaphore, #tpu.memory_space<semaphore_mem>>) src(%arg15 : memref<32x128xf32, #tpu.memory_space<vmem>>) dst(%dma_wait3A_191 : memref<10752x128xf32, #tpu.memory_space<vmem_shared>>)
    %dma_wait3A_192 = arith.constant 0 : i32
    %dma_wait3A_193 = arith.constant 0 : i32
    %dma_wait3A_194 = tpu.memref_slice %arg23[%dma_wait3A_192, %dma_wait3A_193] : memref<10752x128xf32, #tpu.memory_space<vmem_shared>> -> memref<10752x128xf32, #tpu.memory_space<vmem_shared>>
    tpu.wait_indirect_dma semaphore(%arg33 : memref<!tpu.dma_semaphore, #tpu.memory_space<semaphore_mem>>) src(%arg16 : memref<32x128xf32, #tpu.memory_space<vmem>>) dst(%dma_wait3A_194 : memref<10752x128xf32, #tpu.memory_space<vmem_shared>>)
    %dma_wait3A_195 = arith.constant 0 : i32
    %dma_wait3A_196 = arith.constant 0 : i32
    %dma_wait3A_197 = tpu.memref_slice %arg23[%dma_wait3A_195, %dma_wait3A_196] : memref<10752x128xf32, #tpu.memory_space<vmem_shared>> -> memref<10752x128xf32, #tpu.memory_space<vmem_shared>>
    tpu.wait_indirect_dma semaphore(%arg34 : memref<!tpu.dma_semaphore, #tpu.memory_space<semaphore_mem>>) src(%arg17 : memref<32x128xf32, #tpu.memory_space<vmem>>) dst(%dma_wait3A_197 : memref<10752x128xf32, #tpu.memory_space<vmem_shared>>)
    %dma_wait3A_198 = arith.constant 0 : i32
    %dma_wait3A_199 = arith.constant 0 : i32
    %dma_wait3A_200 = tpu.memref_slice %arg23[%dma_wait3A_198, %dma_wait3A_199] : memref<10752x128xf32, #tpu.memory_space<vmem_shared>> -> memref<10752x128xf32, #tpu.memory_space<vmem_shared>>
    tpu.wait_indirect_dma semaphore(%arg35 : memref<!tpu.dma_semaphore, #tpu.memory_space<semaphore_mem>>) src(%arg18 : memref<32x128xf32, #tpu.memory_space<vmem>>) dst(%dma_wait3A_200 : memref<10752x128xf32, #tpu.memory_space<vmem_shared>>)
    %dma_wait3A_201 = arith.constant 0 : i32
    %dma_wait3A_202 = arith.constant 0 : i32
    %dma_wait3A_203 = tpu.memref_slice %arg23[%dma_wait3A_201, %dma_wait3A_202] : memref<10752x128xf32, #tpu.memory_space<vmem_shared>> -> memref<10752x128xf32, #tpu.memory_space<vmem_shared>>
    tpu.wait_indirect_dma semaphore(%arg36 : memref<!tpu.dma_semaphore, #tpu.memory_space<semaphore_mem>>) src(%arg19 : memref<32x128xf32, #tpu.memory_space<vmem>>) dst(%dma_wait3A_203 : memref<10752x128xf32, #tpu.memory_space<vmem_shared>>)
    %dma_wait3A_204 = arith.constant 0 : i32
    %dma_wait3A_205 = arith.constant 0 : i32
    %dma_wait3A_206 = tpu.memref_slice %arg23[%dma_wait3A_204, %dma_wait3A_205] : memref<10752x128xf32, #tpu.memory_space<vmem_shared>> -> memref<10752x128xf32, #tpu.memory_space<vmem_shared>>
    tpu.wait_indirect_dma semaphore(%arg37 : memref<!tpu.dma_semaphore, #tpu.memory_space<semaphore_mem>>) src(%arg20 : memref<32x128xf32, #tpu.memory_space<vmem>>) dst(%dma_wait3A_206 : memref<10752x128xf32, #tpu.memory_space<vmem_shared>>)
    %dma_wait3A_207 = arith.constant 0 : i32
    %dma_wait3A_208 = arith.constant 0 : i32
    %dma_wait3A_209 = tpu.memref_slice %arg23[%dma_wait3A_207, %dma_wait3A_208] : memref<10752x128xf32, #tpu.memory_space<vmem_shared>> -> memref<10752x128xf32, #tpu.memory_space<vmem_shared>>
    tpu.wait_indirect_dma semaphore(%arg38 : memref<!tpu.dma_semaphore, #tpu.memory_space<semaphore_mem>>) src(%arg21 : memref<32x128xf32, #tpu.memory_space<vmem>>) dst(%dma_wait3A_209 : memref<10752x128xf32, #tpu.memory_space<vmem_shared>>)
    %dma_wait3A_210 = arith.constant 0 : i32
    %dma_wait3A_211 = arith.constant 0 : i32
    %dma_wait3A_212 = tpu.memref_slice %arg23[%dma_wait3A_210, %dma_wait3A_211] : memref<10752x128xf32, #tpu.memory_space<vmem_shared>> -> memref<10752x128xf32, #tpu.memory_space<vmem_shared>>
    tpu.wait_indirect_dma semaphore(%arg39 : memref<!tpu.dma_semaphore, #tpu.memory_space<semaphore_mem>>) src(%arg22 : memref<32x128xf32, #tpu.memory_space<vmem>>) dst(%dma_wait3A_212 : memref<10752x128xf32, #tpu.memory_space<vmem_shared>>)
    %barrier3A_213 = arith.constant 0 : index
    tpu.barrier barrier_id(%barrier3A_213)
    %scan3A_214 = arith.constant 0 : i32
    %scan3A_215 = arith.constant 0 : i32
    %scan3A_216 = arith.constant 21 : i32
    %scan3A_217 = arith.addi %scan3A_215, %scan3A_216 : i32
    %scan3A_218 = arith.constant 1 : i32
    scf.for %scan3A_220 = %scan3A_215 to %scan3A_217 step %scan3A_218  : i32 {
      %mul3A_221 = arith.constant 32 : i32
      %mul3A_222 = arith.muli %scan3A_220, %mul3A_221 : i32
      %add3A_223 = arith.addi %multiple_of3A, %mul3A_222 : i32
      %multiple_of3A_224 = tpu.assume_multiple %add3A_223, 8 : i32
      "tpu.region"() ({
        %run_scoped3A = tpu.sem_alloc : memref<!tpu.dma_semaphore, #tpu.memory_space<semaphore_mem>>
        %dma_start3A_225 = arith.constant 0 : i32
        %dma_start3A_226 = tpu.memref_slice %arg23[%multiple_of3A_224, %dma_start3A_225] : memref<10752x128xf32, #tpu.memory_space<vmem_shared>> -> memref<32x128xf32, #tpu.memory_space<vmem_shared>>
        %dma_start3A_227 = arith.constant 0 : i32
        %dma_start3A_228 = tpu.memref_slice %arg23[%multiple_of3A_224, %dma_start3A_227] : memref<10752x128xf32, #tpu.memory_space<vmem_shared>> -> memref<32x128xf32, #tpu.memory_space<vmem_shared>>
        tpu.enqueue_dma source(%dma_start3A_228 : memref<32x128xf32, #tpu.memory_space<vmem_shared>>) target(%arg16 : memref<32x128xf32, #tpu.memory_space<vmem>>) target_semaphore(%run_scoped3A : memref<!tpu.dma_semaphore, #tpu.memory_space<semaphore_mem>>)
        %dma_wait3A_229 = arith.constant 0 : i32
        %dma_wait3A_230 = tpu.memref_slice %arg23[%multiple_of3A_224, %dma_wait3A_229] : memref<10752x128xf32, #tpu.memory_space<vmem_shared>> -> memref<32x128xf32, #tpu.memory_space<vmem_shared>>
        %dma_wait3A_231 = arith.constant 0 : i32
        %dma_wait3A_232 = tpu.memref_slice %arg23[%multiple_of3A_224, %dma_wait3A_231] : memref<10752x128xf32, #tpu.memory_space<vmem_shared>> -> memref<32x128xf32, #tpu.memory_space<vmem_shared>>
        tpu.wait_dma2 semaphore(%run_scoped3A : memref<!tpu.dma_semaphore, #tpu.memory_space<semaphore_mem>>) src(%dma_wait3A_232 : memref<32x128xf32, #tpu.memory_space<vmem_shared>>) dst(%arg16 : memref<32x128xf32, #tpu.memory_space<vmem>>)
        tpu.yield
      }) : () -> ()
      "tpu.region"() ({
        %run_scoped3A = tpu.sem_alloc : memref<!tpu.dma_semaphore, #tpu.memory_space<semaphore_mem>>
        %dma_start3A_225 = arith.constant 0 : i32
        %dma_start3A_226 = tpu.memref_slice %arg5[%arg0, %multiple_of3A_224, %dma_start3A_225] : memref<2x10752x128xf32, #tpu.memory_space<hbm>> -> memref<1x32x128xf32, #tpu.memory_space<hbm>>
        %dma_start3A_227 = tpu.memref_squeeze %dma_start3A_226 : memref<1x32x128xf32, #tpu.memory_space<hbm>> -> memref<32x128xf32, #tpu.memory_space<hbm>>
        %dma_start3A_228 = arith.constant 0 : i32
        %dma_start3A_229 = tpu.memref_slice %arg5[%arg0, %multiple_of3A_224, %dma_start3A_228] : memref<2x10752x128xf32, #tpu.memory_space<hbm>> -> memref<1x32x128xf32, #tpu.memory_space<hbm>>
        %dma_start3A_230 = tpu.memref_squeeze %dma_start3A_229 : memref<1x32x128xf32, #tpu.memory_space<hbm>> -> memref<32x128xf32, #tpu.memory_space<hbm>>
        tpu.enqueue_dma source(%arg16 : memref<32x128xf32, #tpu.memory_space<vmem>>) target(%dma_start3A_230 : memref<32x128xf32, #tpu.memory_space<hbm>>) target_semaphore(%run_scoped3A : memref<!tpu.dma_semaphore, #tpu.memory_space<semaphore_mem>>)
        %dma_wait3A_231 = arith.constant 0 : i32
        %dma_wait3A_232 = tpu.memref_slice %arg5[%arg0, %multiple_of3A_224, %dma_wait3A_231] : memref<2x10752x128xf32, #tpu.memory_space<hbm>> -> memref<1x32x128xf32, #tpu.memory_space<hbm>>
        %dma_wait3A_233 = tpu.memref_squeeze %dma_wait3A_232 : memref<1x32x128xf32, #tpu.memory_space<hbm>> -> memref<32x128xf32, #tpu.memory_space<hbm>>
        %dma_wait3A_234 = arith.constant 0 : i32
        %dma_wait3A_235 = tpu.memref_slice %arg5[%arg0, %multiple_of3A_224, %dma_wait3A_234] : memref<2x10752x128xf32, #tpu.memory_space<hbm>> -> memref<1x32x128xf32, #tpu.memory_space<hbm>>
        %dma_wait3A_236 = tpu.memref_squeeze %dma_wait3A_235 : memref<1x32x128xf32, #tpu.memory_space<hbm>> -> memref<32x128xf32, #tpu.memory_space<hbm>>
        tpu.wait_dma2 semaphore(%run_scoped3A : memref<!tpu.dma_semaphore, #tpu.memory_space<semaphore_mem>>) src(%arg16 : memref<32x128xf32, #tpu.memory_space<vmem>>) dst(%dma_wait3A_236 : memref<32x128xf32, #tpu.memory_space<hbm>>)
        tpu.yield
      }) : () -> ()
    }
    %scan3A_219 = arith.constant 21 : i32
    return
  }
}

module attributes {stable_mosaic.version = 14 : i64} {
  func.func @_m1_body(%arg0: i32, %arg1: memref<400x128xf32, #tpu.memory_space<vmem>>, %arg2: memref<128x128xf32, #tpu.memory_space<vmem>>, %arg3: memref<400x128xf32, #tpu.memory_space<vmem>>, %arg4: memref<400x128xf32, #tpu.memory_space<vmem>>) attributes {dimension_semantics = [#tpu.dimension_semantics<arbitrary>], iteration_bounds = array<i64: 25>, scalar_prefetch = 0 : i64, scratch_operands = 0 : i64, tpu.core_type = #tpu.core_type<tc>, window_params = [{transform_indices = @transform_0, window_bounds = array<i64: 400, 128>}, {pipeline_mode = #tpu.pipeline_mode<synchronous>, transform_indices = @transform_1, window_bounds = array<i64: 128, 128>}, {transform_indices = @transform_2, window_bounds = array<i64: 400, 128>}, {transform_indices = @transform_3, window_bounds = array<i64: 400, 128>}]} {
    %get3A = arith.constant 0 : index
    %get3A_0 = arith.constant 0 : index
    %get3A_1 = vector.load %arg1[%get3A, %get3A_0] : memref<400x128xf32, #tpu.memory_space<vmem>>, vector<400x128xf32>
    %get3A_2 = arith.constant 0 : index
    %get3A_3 = arith.constant 0 : index
    %get3A_4 = vector.load %arg2[%get3A_2, %get3A_3] : memref<128x128xf32, #tpu.memory_space<vmem>>, vector<128x128xf32>
    %dot_general3A = arith.constant dense<0.000000e+00> : vector<400x128xf32>
    %dot_general3A_5 = tpu.matmul %get3A_1, %get3A_4, %dot_general3A {dimension_numbers = #tpu.dot_dimension_numbers<[1], [0], [0], [1], [0, 0, 1, 1], [], []>, transpose_lhs_hint = false} : vector<400x128xf32>, vector<128x128xf32>, vector<400x128xf32> -> vector<400x128xf32>
    %get3A_6 = arith.constant 0 : index
    %get3A_7 = arith.constant 0 : index
    %get3A_8 = vector.load %arg3[%get3A_6, %get3A_7] : memref<400x128xf32, #tpu.memory_space<vmem>>, vector<400x128xf32>
    %mul3A = arith.mulf %dot_general3A_5, %get3A_8 : vector<400x128xf32>
    %swap3A = arith.constant 0 : index
    %swap3A_9 = arith.constant 0 : index
    %swap3A_10 = vector.load %arg4[%swap3A, %swap3A_9] : memref<400x128xf32, #tpu.memory_space<vmem>>, vector<400x128xf32>
    tpu.vector_store %arg4[%swap3A, %swap3A_9], %mul3A {strides = array<i32>} : memref<400x128xf32, #tpu.memory_space<vmem>>, vector<400x128xf32>,
    return
  }
  func.func @transform_0(%arg0: i32) -> (i32, i32) {
    %c0_i32 = arith.constant 0 : i32
    %c0_i32_0 = arith.constant 0 : i32
    return %arg0, %c0_i32 : i32, i32
  }
  func.func @transform_1(%arg0: i32) -> (i32, i32) {
    %c0_i32 = arith.constant 0 : i32
    %c0_i32_0 = arith.constant 0 : i32
    %c0_i32_1 = arith.constant 0 : i32
    return %c0_i32, %c0_i32_0 : i32, i32
  }
  func.func @transform_2(%arg0: i32) -> (i32, i32) {
    %c0_i32 = arith.constant 0 : i32
    %c0_i32_0 = arith.constant 0 : i32
    return %arg0, %c0_i32 : i32, i32
  }
  func.func @transform_3(%arg0: i32) -> (i32, i32) {
    %c0_i32 = arith.constant 0 : i32
    %c0_i32_0 = arith.constant 0 : i32
    return %arg0, %c0_i32 : i32, i32
  }
}

module attributes {stable_mosaic.version = 14 : i64} {
  func.func @_l2_body(%arg0: i32, %arg1: memref<1x400x128xf32, #tpu.memory_space<vmem>>, %arg2: memref<1x400x128xf32, #tpu.memory_space<vmem>>, %arg3: memref<400x128xf32, #tpu.memory_space<vmem>>, %arg4: memref<400x128xf32, #tpu.memory_space<vmem>>, %arg5: memref<1x128xf32, #tpu.memory_space<vmem>>, %arg6: memref<128x64xf32, #tpu.memory_space<vmem>>, %arg7: memref<400x64xf32, #tpu.memory_space<vmem>>) attributes {dimension_semantics = [#tpu.dimension_semantics<arbitrary>], iteration_bounds = array<i64: 25>, scalar_prefetch = 0 : i64, scratch_operands = 0 : i64, tpu.core_type = #tpu.core_type<tc>, window_params = [{transform_indices = @transform_0, window_bounds = array<i64: 1, 400, 128>}, {transform_indices = @transform_1, window_bounds = array<i64: 1, 400, 128>}, {transform_indices = @transform_2, window_bounds = array<i64: 400, 128>}, {transform_indices = @transform_3, window_bounds = array<i64: 400, 128>}, {pipeline_mode = #tpu.pipeline_mode<synchronous>, transform_indices = @transform_4, window_bounds = array<i64: 1, 128>}, {pipeline_mode = #tpu.pipeline_mode<synchronous>, transform_indices = @transform_5, window_bounds = array<i64: 128, 64>}, {transform_indices = @transform_6, window_bounds = array<i64: 400, 64>}]} {
    %get3A = arith.constant 0 : index
    %get3A_0 = arith.constant 0 : index
    %get3A_1 = arith.constant 0 : index
    %get3A_2 = vector.load %arg1[%get3A, %get3A_0, %get3A_1] : memref<1x400x128xf32, #tpu.memory_space<vmem>>, vector<1x400x128xf32>
    %get3A_3 = vector.shape_cast %get3A_2 : vector<1x400x128xf32> to vector<400x128xf32>
    %get3A_4 = arith.constant 0 : index
    %get3A_5 = arith.constant 0 : index
    %get3A_6 = arith.constant 0 : index
    %get3A_7 = vector.load %arg2[%get3A_4, %get3A_5, %get3A_6] : memref<1x400x128xf32, #tpu.memory_space<vmem>>, vector<1x400x128xf32>
    %get3A_8 = vector.shape_cast %get3A_7 : vector<1x400x128xf32> to vector<400x128xf32>
    %add3A = arith.addf %get3A_3, %get3A_8 : vector<400x128xf32>
    %get3A_9 = arith.constant 0 : index
    %get3A_10 = arith.constant 0 : index
    %get3A_11 = vector.load %arg3[%get3A_9, %get3A_10] : memref<400x128xf32, #tpu.memory_space<vmem>>, vector<400x128xf32>
    %add3A_12 = arith.addf %add3A, %get3A_11 : vector<400x128xf32>
    %get3A_13 = arith.constant 0 : index
    %get3A_14 = arith.constant 0 : index
    %get3A_15 = vector.load %arg4[%get3A_13, %get3A_14] : memref<400x128xf32, #tpu.memory_space<vmem>>, vector<400x128xf32>
    %mul3A = arith.mulf %add3A_12, %get3A_15 : vector<400x128xf32>
    %get3A_16 = arith.constant 0 : index
    %get3A_17 = arith.constant 0 : index
    %get3A_18 = vector.load %arg5[%get3A_16, %get3A_17] : memref<1x128xf32, #tpu.memory_space<vmem>>, vector<1x128xf32>
    %add3A_19 = vector.broadcast %get3A_18 : vector<1x128xf32> to vector<400x128xf32>
    %add3A_20 = arith.addf %mul3A, %add3A_19 : vector<400x128xf32>
    %max3A = arith.constant 0.000000e+00 : f32
    %max3A_21 = vector.broadcast %max3A : f32 to vector<400x128xf32>
    %max3A_22 = arith.maximumf %add3A_20, %max3A_21 : vector<400x128xf32>
    %get3A_23 = arith.constant 0 : index
    %get3A_24 = arith.constant 0 : index
    %get3A_25 = vector.load %arg6[%get3A_23, %get3A_24] : memref<128x64xf32, #tpu.memory_space<vmem>>, vector<128x64xf32>
    %dot_general3A = arith.constant dense<0.000000e+00> : vector<400x64xf32>
    %dot_general3A_26 = tpu.matmul %max3A_22, %get3A_25, %dot_general3A {dimension_numbers = #tpu.dot_dimension_numbers<[1], [0], [0], [1], [0, 0, 1, 1], [], []>, transpose_lhs_hint = false} : vector<400x128xf32>, vector<128x64xf32>, vector<400x64xf32> -> vector<400x64xf32>
    %get3A_27 = arith.constant 0 : index
    %get3A_28 = arith.constant 0 : index
    %get3A_29 = vector.load %arg4[%get3A_27, %get3A_28] : memref<400x128xf32, #tpu.memory_space<vmem>>, vector<400x64xf32>
    %mul3A_30 = arith.mulf %dot_general3A_26, %get3A_29 : vector<400x64xf32>
    %swap3A = arith.constant 0 : index
    %swap3A_31 = arith.constant 0 : index
    %swap3A_32 = vector.load %arg7[%swap3A, %swap3A_31] : memref<400x64xf32, #tpu.memory_space<vmem>>, vector<400x64xf32>
    tpu.vector_store %arg7[%swap3A, %swap3A_31], %mul3A_30 {strides = array<i32>} : memref<400x64xf32, #tpu.memory_space<vmem>>, vector<400x64xf32>,
    return
  }
  func.func @transform_0(%arg0: i32) -> (i32, i32, i32) {
    %c0_i32 = arith.constant 0 : i32
    %c0_i32_0 = arith.constant 0 : i32
    %c0_i32_1 = arith.constant 0 : i32
    return %c0_i32, %arg0, %c0_i32_0 : i32, i32, i32
  }
  func.func @transform_1(%arg0: i32) -> (i32, i32, i32) {
    %c1_i32 = arith.constant 1 : i32
    %c0_i32 = arith.constant 0 : i32
    %c0_i32_0 = arith.constant 0 : i32
    return %c1_i32, %arg0, %c0_i32 : i32, i32, i32
  }
  func.func @transform_2(%arg0: i32) -> (i32, i32) {
    %c0_i32 = arith.constant 0 : i32
    %c0_i32_0 = arith.constant 0 : i32
    return %arg0, %c0_i32 : i32, i32
  }
  func.func @transform_3(%arg0: i32) -> (i32, i32) {
    %c0_i32 = arith.constant 0 : i32
    %c0_i32_0 = arith.constant 0 : i32
    return %arg0, %c0_i32 : i32, i32
  }
  func.func @transform_4(%arg0: i32) -> (i32, i32) {
    %c0_i32 = arith.constant 0 : i32
    %c0_i32_0 = arith.constant 0 : i32
    %c0_i32_1 = arith.constant 0 : i32
    return %c0_i32, %c0_i32_0 : i32, i32
  }
  func.func @transform_5(%arg0: i32) -> (i32, i32) {
    %c0_i32 = arith.constant 0 : i32
    %c0_i32_0 = arith.constant 0 : i32
    %c0_i32_1 = arith.constant 0 : i32
    return %c0_i32, %c0_i32_0 : i32, i32
  }
  func.func @transform_6(%arg0: i32) -> (i32, i32) {
    %c0_i32 = arith.constant 0 : i32
    %c0_i32_0 = arith.constant 0 : i32
    return %arg0, %c0_i32 : i32, i32
  }
}

module attributes {stable_mosaic.version = 14 : i64} {
  func.func @_fin_body(%arg0: i32, %arg1: memref<1x400x64xf32, #tpu.memory_space<vmem>>, %arg2: memref<1x400x64xf32, #tpu.memory_space<vmem>>, %arg3: memref<400x64xf32, #tpu.memory_space<vmem>>, %arg4: memref<400x128xf32, #tpu.memory_space<vmem>>, %arg5: memref<1x64xf32, #tpu.memory_space<vmem>>, %arg6: memref<400x64xf32, #tpu.memory_space<vmem>>) attributes {dimension_semantics = [#tpu.dimension_semantics<arbitrary>], iteration_bounds = array<i64: 25>, scalar_prefetch = 0 : i64, scratch_operands = 0 : i64, tpu.core_type = #tpu.core_type<tc>, window_params = [{transform_indices = @transform_0, window_bounds = array<i64: 1, 400, 64>}, {transform_indices = @transform_1, window_bounds = array<i64: 1, 400, 64>}, {transform_indices = @transform_2, window_bounds = array<i64: 400, 64>}, {transform_indices = @transform_3, window_bounds = array<i64: 400, 128>}, {pipeline_mode = #tpu.pipeline_mode<synchronous>, transform_indices = @transform_4, window_bounds = array<i64: 1, 64>}, {transform_indices = @transform_5, window_bounds = array<i64: 400, 64>}]} {
    %get3A = arith.constant 0 : index
    %get3A_0 = arith.constant 0 : index
    %get3A_1 = arith.constant 0 : index
    %get3A_2 = vector.load %arg1[%get3A, %get3A_0, %get3A_1] : memref<1x400x64xf32, #tpu.memory_space<vmem>>, vector<1x400x64xf32>
    %get3A_3 = vector.shape_cast %get3A_2 : vector<1x400x64xf32> to vector<400x64xf32>
    %get3A_4 = arith.constant 0 : index
    %get3A_5 = arith.constant 0 : index
    %get3A_6 = arith.constant 0 : index
    %get3A_7 = vector.load %arg2[%get3A_4, %get3A_5, %get3A_6] : memref<1x400x64xf32, #tpu.memory_space<vmem>>, vector<1x400x64xf32>
    %get3A_8 = vector.shape_cast %get3A_7 : vector<1x400x64xf32> to vector<400x64xf32>
    %add3A = arith.addf %get3A_3, %get3A_8 : vector<400x64xf32>
    %get3A_9 = arith.constant 0 : index
    %get3A_10 = arith.constant 0 : index
    %get3A_11 = vector.load %arg3[%get3A_9, %get3A_10] : memref<400x64xf32, #tpu.memory_space<vmem>>, vector<400x64xf32>
    %add3A_12 = arith.addf %add3A, %get3A_11 : vector<400x64xf32>
    %get3A_13 = arith.constant 0 : index
    %get3A_14 = arith.constant 0 : index
    %get3A_15 = vector.load %arg4[%get3A_13, %get3A_14] : memref<400x128xf32, #tpu.memory_space<vmem>>, vector<400x64xf32>
    %mul3A = arith.mulf %add3A_12, %get3A_15 : vector<400x64xf32>
    %get3A_16 = arith.constant 0 : index
    %get3A_17 = arith.constant 0 : index
    %get3A_18 = vector.load %arg5[%get3A_16, %get3A_17] : memref<1x64xf32, #tpu.memory_space<vmem>>, vector<1x64xf32>
    %add3A_19 = vector.broadcast %get3A_18 : vector<1x64xf32> to vector<400x64xf32>
    %add3A_20 = arith.addf %mul3A, %add3A_19 : vector<400x64xf32>
    %logistic3A = arith.negf %add3A_20 : vector<400x64xf32>
    %logistic3A_21 = math.exp %logistic3A : vector<400x64xf32>
    %logistic3A_22 = arith.constant 1.000000e+00 : f32
    %logistic3A_23 = vector.broadcast %logistic3A_22 : f32 to vector<400x64xf32>
    %logistic3A_24 = arith.addf %logistic3A_23, %logistic3A_21 : vector<400x64xf32>
    %logistic3A_25 = arith.divf %logistic3A_23, %logistic3A_24 : vector<400x64xf32>
    %swap3A = arith.constant 0 : index
    %swap3A_26 = arith.constant 0 : index
    %swap3A_27 = vector.load %arg6[%swap3A, %swap3A_26] : memref<400x64xf32, #tpu.memory_space<vmem>>, vector<400x64xf32>
    tpu.vector_store %arg6[%swap3A, %swap3A_26], %logistic3A_25 {strides = array<i32>} : memref<400x64xf32, #tpu.memory_space<vmem>>, vector<400x64xf32>,
    return
  }
  func.func @transform_0(%arg0: i32) -> (i32, i32, i32) {
    %c0_i32 = arith.constant 0 : i32
    %c0_i32_0 = arith.constant 0 : i32
    %c0_i32_1 = arith.constant 0 : i32
    return %c0_i32, %arg0, %c0_i32_0 : i32, i32, i32
  }
  func.func @transform_1(%arg0: i32) -> (i32, i32, i32) {
    %c1_i32 = arith.constant 1 : i32
    %c0_i32 = arith.constant 0 : i32
    %c0_i32_0 = arith.constant 0 : i32
    return %c1_i32, %arg0, %c0_i32 : i32, i32, i32
  }
  func.func @transform_2(%arg0: i32) -> (i32, i32) {
    %c0_i32 = arith.constant 0 : i32
    %c0_i32_0 = arith.constant 0 : i32
    return %arg0, %c0_i32 : i32, i32
  }
  func.func @transform_3(%arg0: i32) -> (i32, i32) {
    %c0_i32 = arith.constant 0 : i32
    %c0_i32_0 = arith.constant 0 : i32
    return %arg0, %c0_i32 : i32, i32
  }
  func.func @transform_4(%arg0: i32) -> (i32, i32) {
    %c0_i32 = arith.constant 0 : i32
    %c0_i32_0 = arith.constant 0 : i32
    %c0_i32_1 = arith.constant 0 : i32
    return %c0_i32, %c0_i32_0 : i32, i32
  }
  func.func @transform_5(%arg0: i32) -> (i32, i32) {
    %c0_i32 = arith.constant 0 : i32
    %c0_i32_0 = arith.constant 0 : i32
    return %arg0, %c0_i32 : i32, i32
  }
}

</mosaic_0001>

<sc_bundles>
// kernel: kernel.11.cloned.1.call-start
scs
__scs_entry_jumppad:
0x0: {  	(pc) =	sbr.rel $0x88, $3  }
0x1: {  	(tag) =	ssettag $0x0;
	lr =	simm.s32 $0x1  }
0x2: {  	[smem:$0x3F9B] =	sst lr;
	_ =	strace $0xD0000000  }
0x3: {  	_ = 	snop  }
0x4: {  	_ = 	snop  }
0x5: {  	_ = 	snop  }
0x6: {  	_ = 	snop  }
0x7: {  	_ = 	snop  }
__scs_overlays_trampoline_lowered:
0x8: {  	[smem:$0x3FAA] =	sst s0  }
0x9: {  	[smem:$0x3FAB] =	sst s1  }
0xa: {  	[smem:$0x3FAC] =	sst s2  }
0xb: {  	[smem:$0x3FAD] =	sst s3  }
0xc: {  	[smem:$0x3FAE] =	sst s4  }
0xd: {  	[smem:$0x3FAF] =	sst s5  }
0xe: {  	[smem:$0x3FB0] =	sst s6  }
0xf: {  	[smem:$0x3FB1] =	sst s7  }
0x10: {  	[smem:$0x3FB2] =	sst s8  }
0x11: {  	[smem:$0x3FB3] =	sst s9;
	s0 =	simm.s32 @!p0 $0x0  }
0x12: {  	s1 =	sld [smem:$0x3F99];
	s0 =	simm.s32 @p0 $0x1  }
0x13: {  	[smem:$0x3FB4] =	sst s0;
	s0 =	simm.s32 @!p1 $0x0  }
0x14: {  	s2 =	sld [smem:$0x3F98];
	s0 =	simm.s32 @p1 $0x1  }
0x15: {  	[smem:$0x3FB5] =	sst s0;
	s0 =	simm.s32 @!p2 $0x0  }
0x16: {  	s3 =	sld [smem:$0x3FDB];
	s0 =	simm.s32 @p2 $0x1  }
0x17: {  	s4 =	simm.s32 $0x1BF5;
	[smem:$0x3FB7] =	sst s0  }
0x18: {  	s0 =	sld [smem:$0x3F9A];
	_ =	swait.ge [sflag:s4], $0x0  }
0x19: {  	s7 =	sld [smem:$0x3F9B]  }
0x1a: {  	s8 =	sadd.s32 $0xFFFFE003, lr  }
0x1b: {  	s9 =	sadd.s32 $0xFFFFFEF7, lr;
	s5 =	simm.s32 $0xFFFFFFFF;
	p2 =	slt.u32 s8, $0xFFFFF086  }
0x1c: {  	p1 =	slt.u32 s9, $0xF7A;
	s5 =	simm.s32 @!p2 $0x0  }
0x1d: {  	s5 =	simm.s32 @p1 $0x1;
	p0 =	seq.s32 s7, s2  }
0x1e: {  	s7 =	smul.u32 @!p0 $0xF7A, s2;
	p2 =	seq.s32 @!p0 s5, $0x0  }
0x1f: {  	s9 =	smul.u32 $0xF7A, s1;
	s8 =	simm.s32 @!p0 $0x1BF5;
	p2 =	por !p2, p0  }
0x20: {  	[sflag:s8] =	ssyncset.s32 @!p0 $0xFFFFF086;
	s6 =	sadd.s32 @!p0 s3, s7;
	s7 =	simm.s32 @!p0 $0x108  }
0x21: {  	s3 =	sadd.s32 s3, s9;
	s6 =	sadd.s32 @!p0 $0x88, s6;
	s7 =	simm.s32 @p2 $0x1082  }
0x22: {  	[simem:s7], [sflag:s8] =	dma.local @!p0 [hbm:s6], $0xF7A  }
0x23: {  	s9 =	sor.u32 $0xD0000000, s2;
	s6 =	simm.s32 $0x108;
	_ =	swait.ge @!p0 [sflag:s8], $0x0  }
0x24: {  	s3 =	sadd.s32 $0x88, s3;
	s6 =	simm.s32 @!p1 $0x1082;
	[sflag:s4] =	ssyncset.s32 $0xFFFFF086  }
0x25: {  	[simem:s6], [sflag:s4] =	dma.local [hbm:s3], $0xF7A  }
0x26: {  	[smem:$0x3F9B] =	sst s1;
	(tag) =	ssettag s2;
	_ =	strace s9  }
0x27: {  	s1 =	sld [smem:$0x3FAB]  }
0x28: {  	s2 =	sld [smem:$0x3FAC]  }
0x29: {  	s4 =	sld [smem:$0x3FAE]  }
0x2a: {  	p0 =	seq.s32 s5, $0x0;
	s5 =	sld [smem:$0x3FAF]  }
0x2b: {  	s6 =	sld [smem:$0x3FB0]  }
0x2c: {  	s7 =	sld [smem:$0x3FB1]  }
0x2d: {  	s3 =	simm.s32 $0x108;
	s8 =	sld [smem:$0x3FB2]  }
0x2e: {  	s3 =	simm.s32 @!p0 $0x1082;
	s9 =	sld [smem:$0x3FB3]  }
0x2f: {  	lr =	sadd.s32 s0, s3;
	s0 =	sld [smem:$0x3FAA]  }
0x30: {  	s3 =	sld [smem:$0x3FAD]  }
0x31: {  	[smem:$0x3FB6] =	sst s10  }
0x32: {  	s10 =	sld [smem:$0x3FB4];
	_ =	sdelay $0x3  }
0x33: {  	p0 =	seq.s32 s10, $0x1;
	s10 =	sld [smem:$0x3FB6];
	_ =	sdelay $0x3  }
0x34: {  	[smem:$0x3FB6] =	sst s10  }
0x35: {  	s10 =	sld [smem:$0x3FB5];
	_ =	sdelay $0x3  }
0x36: {  	p1 =	seq.s32 s10, $0x1;
	s10 =	sld [smem:$0x3FB6];
	_ =	sdelay $0x3  }
0x37: {  	[smem:$0x3FB6] =	sst s10  }
0x38: {  	s10 =	sld [smem:$0x3FB7]  }
0x39: {  	_ = 	snop;
	(pc) =	sbr.ind lr, $3  }
0x3a: {  	_ = 	snop  }
0x3b: {  	_ = 	snop  }
0x3c: {  	p2 =	seq.s32 s10, $0x1;
	s10 =	sld [smem:$0x3FB6]  }
0x3d: {  	_ =	shalt  }
0x3e: {  	_ =	shalt  }
0x3f: {  	_ =	shalt  }
0x40: {  	_ =	shalt  }
0x41: {  	_ =	shalt  }
0x42: {  	_ =	shalt  }
0x43: {  	_ =	shalt  }
0x44: {  	_ =	shalt  }
0x45: {  	_ =	shalt  }
0x46: {  	_ =	shalt  }
0x47: {  	_ =	shalt  }
0x48: {  	_ =	shalt  }
0x49: {  	_ =	shalt  }
0x4a: {  	_ =	shalt  }
0x4b: {  	_ =	shalt  }
0x4c: {  	_ =	shalt  }
0x4d: {  	_ =	shalt  }
0x4e: {  	_ =	shalt  }
0x4f: {  	_ =	shalt  }
0x50: {  	_ =	shalt  }
0x51: {  	_ =	shalt  }
0x52: {  	_ =	shalt  }
0x53: {  	_ =	shalt  }
0x54: {  	_ =	shalt  }
0x55: {  	_ =	shalt  }
0x56: {  	_ =	shalt  }
0x57: {  	_ =	shalt  }
0x58: {  	_ =	shalt  }
0x59: {  	_ =	shalt  }
0x5a: {  	_ =	shalt  }
0x5b: {  	_ =	shalt  }
0x5c: {  	_ =	shalt  }
0x5d: {  	_ =	shalt  }
0x5e: {  	_ =	shalt  }
0x5f: {  	_ =	shalt  }
0x60: {  	_ =	shalt  }
0x61: {  	_ =	shalt  }
0x62: {  	_ =	shalt  }
0x63: {  	_ =	shalt  }
0x64: {  	_ =	shalt  }
0x65: {  	_ =	shalt  }
0x66: {  	_ =	shalt  }
0x67: {  	_ =	shalt  }
0x68: {  	_ =	shalt  }
0x69: {  	_ =	shalt  }
0x6a: {  	_ =	shalt  }
0x6b: {  	_ =	shalt  }
0x6c: {  	_ =	shalt  }
0x6d: {  	_ =	shalt  }
0x6e: {  	_ =	shalt  }
0x6f: {  	_ =	shalt  }
0x70: {  	_ =	shalt  }
0x71: {  	_ =	shalt  }
0x72: {  	_ =	shalt  }
0x73: {  	_ =	shalt  }
0x74: {  	_ =	shalt  }
0x75: {  	_ =	shalt  }
0x76: {  	_ =	shalt  }
0x77: {  	_ =	shalt  }
0x78: {  	_ =	shalt  }
0x79: {  	_ =	shalt  }
0x7a: {  	_ =	shalt  }
0x7b: {  	_ =	shalt  }
0x7c: {  	_ =	shalt  }
0x7d: {  	_ =	shalt  }
0x7e: {  	_ =	shalt  }
0x7f: {  	_ =	shalt  }
0x80: {  	_ =	shalt  }
0x81: {  	_ =	shalt  }
0x82: {  	_ =	shalt  }
0x83: {  	_ =	shalt  }
0x84: {  	_ =	shalt  }
0x85: {  	_ =	shalt  }
0x86: {  	_ =	shalt  }
0x87: {  	_ =	shalt  }
.Lfunc_end0:
.L_simem_size_0:
called_computation.1_lowered:
.L_overlay_start_0:
0x88: {  	s2 =	sld [smem:$0x3FD9]  }
0x89: {  	s3 =	sld [smem:$0x3FFE];
	_ =	sdelay $0x1  }
0x8a: {  	s1 =	srdreg.scid  }
0x8b: {  	s0 =	sand.u32 $0x1, s1  }
0x8c: {  	s16 =	sshll.u32 s0, $0xA;
	s2 =	sadd.s32 s3, s2  }
0x8d: {  	s2 =	sadd.s32 s2, s16  }
0x8e: {  	[smem:$0x3FC2] =	sst s2  }
0x8f: {  	_ = 	snop  }
0x90: {  	(tm) =	ssettm $0x1  }
0x91: {  	s17 =	sld [smem:$0x3FFB];
	_ =	sdelay $0x3  }
0x92: {  	_ =	strace s17  }
0x93: {  	s2 =	sld [smem:$0x3FFC];
	_ =	sdelay $0x3  }
0x94: {  	_ =	strace s2  }
0x95: {  	s2 =	sld [smem:$0x3FFD];
	_ =	sdelay $0x3  }
0x96: {  	_ =	strace s2  }
0x97: {  	_ =	strace $0x8FFFFFFF  }
0x98: {  	s18 =	sld [smem:$0x3FDB];
	_ =	sdelay $0x1  }
0x99: {  	s19 =	simm.s32 $_scs_section_size  }
0x9a: {  	s4 =	simm.s32 $_size__tile_overlayer_lowered;
	s5 =	simm.s32 $_tile_overlayer_lowered  }
0x9b: {  	s22 =	simm.s32 $0x1BFF;
	s21 =	sshll.u32 s5, $0x1;
	s2 =	sadd.s32 s19, s18  }
0x9c: {  	s6 =	simm.s32 $0x0;
	s20 =	sshll.u32 s4, $0x1;
	s4 =	sadd.s32 s21, s2  }
0x9d: {  	[timem:s6], [sflag:s22] =	dma.local [hbm:s4], s20  }
0x9e: {  	_ =	swait.ge [sflag:s22], s20  }
0x9f: {  	s3 =	ssub.s32 $0x0, s20;
	[sflag:s22] =	ssyncset.done $0x0  }
0xa0: {  	[sflag:s22] =	ssyncadd.s32 s3;
	_ =	sdelay $0x1  }
0xa1: {  	s23 =	simm.s32 $0x1B8B  }
0xa2: {  	_ =	swait.ge [sflag:s23], $0x1  }
0xa3: {  	[sflag:s23] =	ssyncset.done $0x0  }
0xa4: {  	s25 =	simm.s32 $0x1B8E;
	s24 =	sld [smem:$0x3FFE];
	[sflag:s23] =	ssyncadd.s32 $0xFFFFFFFF  }
0xa5: {  	s26 =	simm.s32 $execute0_lowered;
	[smem:$0x3FD2] =	sst s25  }
0xa6: {  	s4 =	sshll.u32 s26, $0x1;
	_ =	strace $0x80000049;
	[dreg:$0x1] =	wrdreg $0xFFFFFFFF  }
0xa7: {  	s28 =	simm.s32 $_size_execute0_lowered;
	s2 =	sadd.s32 s2, s4;
	[dreg:$0x0] =	wrdreg $0x0  }
0xa8: {  	s4 =	sshll.u32 s28, $0x1;
	[dreg:$0x2] =	wrdreg s2  }
0xa9: {  	[dreg:$0x3] =	wrdreg s4  }
0xaa: {  	[dreg:$0x4] =	wrdreg $0xC0  }
0xab: {  	_ =	task [dreg:s6], $0x5FFFF  }
0xac: {  	[dreg:$0x1] =	wrdreg $0xFFFFFFFF  }
0xad: {  	[dreg:$0x0] =	wrdreg $0x60  }
0xae: {  	[dreg:$0x2] =	wrdreg s24  }
0xaf: {  	[dreg:$0x3] =	wrdreg $0xAC000  }
0xb0: {  	[dreg:$0x4] =	wrdreg $0x9  }
0xb1: {  	_ =	task.clear_ibuf [dreg:s6], $0x5FFFF;
	_ =	strace $0x90000049  }
0xb2: {  	s29 =	simm.s32 $0x9;
	_ =	strace $0x8000004B  }
0xb3: {  	_ =	swait.ge [sflag:s29], $0x1  }
0xb4: {  	[sflag:s29] =	ssyncadd.s32 $0xFFFFFFFF  }
0xb5: {  	_ =	strace $0x9000004B  }
0xb6: {  	_ =	sfence  }
0xb7: {  	s30 =	sld [smem:$0x0];
	_ =	sdelay $0x2  }
0xb8: {  	s31 =	sshll.u32 s1, $0xD;
	s1 =	sshrl.u32 s1, $0x2  }
0xb9: {  	s3 =	sand.u32 $0x4000, s31;
	s1 =	sadd.s32 s1, s30  }
0xba: {  	s0 =	sor.u32 s3, s0;
	s1 =	sshll.u32 s1, $0x11  }
0xbb: {  	s0 =	sor.u32 s1, s0  }
0xbc: {  	s0 =	sadd.s32 $0x8F2B, s0  }
0xbd: {  	[sflag:s0] =	ssyncadd.remote.s32 $0x1  }
0xbe: {  	_ =	sfence.sel $0xFFFF  }
0xbf: {  	[dreg:$0x0] =	wrdreg $0xFFFFFFFF;
	(pc) =	sbr.abs _section_cstart, $3  }
0xc0: {  	[dreg:$0x1] =	wrdreg $0xFFFFFFFF  }
0xc1: {  	_ =	task.clear_ibuf [dreg:s6], $0x2FFFF;
	_ =	strace $0x9FFFFFFF  }
0xc2: {  	(tm) =	ssettm $0x7FFFFFFF  }
0xc3: {  	_ =	shalt  }
tec
execute0_lowered:
.L_overlay_start_1:
0x0: {  	(tag) =	ssettag $0x1  }
0x1: {  	s0 =	srdreg.scid;
	s5 =	rddreg [dreg:$0x0]  }
0x2: {  	s11 =	stileid.u32;
	s2 =	rddreg [dreg:$0x1]  }
0x3: {  	s3 =	simm.s32 $0x0;
	s31 =	simm.s32 $0x3C00;
	s28 =	simm.s32 $0x12  }
0x4: {  	s0 =	sand.u32 $0x1, s0;
	[smem:$0x7FF] =	sst s3;
	s9 =	smul.u32 $0x54000, s11  }
0x5: {  	s7 =	smul.u32 $0x15000, s11;
	s4 =	sadd.s32 $0x16000, s5;
	s12 =	sadd.s32 $0x2000, s5  }
0x6: {  	s1 =	sshll.u32 s0, $0x4;
	s6 =	smul.u32 $0x150000, s0;
	s23 =	sshrl.u32 s9, $0x2  }
0x7: {  	_ =	strace $0x8000004A;
	[dreg:$0xb] =	wrdreg s12;
	s9 =	sadd.s32 s23, s2  }
0x8: {  	s21 =	ssub.s32 $0x2, s0;
	s13 =	sadd.s32 $0x1000, s9;
	[dreg:$0xd] =	wrdreg s9  }
0x9: {  	s1 =	sor.u32 s11, s1;
	s14 =	sadd.s32 $0x2000, s9;
	[dreg:$0x17] =	wrdreg s13  }
0xa: {  	s10 =	sshrl.u32 s21, $0x1;
	s15 =	sadd.s32 $0x3000, s9;
	[dreg:$0x18] =	wrdreg s14  }
0xb: {  	s1 =	smul.u32 $0x2800, s1;
	s17 =	sadd.s32 $0x4000, s9;
	[dreg:$0x19] =	wrdreg s15  }
0xc: {  	s6 =	sadd.s32 s7, s6;
	[dreg:$0x1a] =	wrdreg s17;
	s13 =	sadd.s32 $0x7000, s9  }
0xd: {  	s22 =	ssub.s32 s21, s10;
	s14 =	sadd.s32 $0x8000, s9;
	[dreg:$0x1d] =	wrdreg s13  }
0xe: {  	s6 =	sshrl.u32 s6, $0x3;
	s15 =	sadd.s32 $0x9000, s9;
	[dreg:$0x1e] =	wrdreg s14  }
0xf: {  	s1 =	sshrl.u32 s1, $0x3;
	s17 =	sadd.s32 $0xB000, s9;
	[smem:$0x7F2] =	sst s15  }
0x10: {  	s8 =	sadd.s32 s1, s5;
	s24 =	sadd.s32 s12, s1;
	[smem:$0x7F4] =	sst s17  }
0x11: {  	s5 =	sadd.s32 s6, s5;
	s6 =	smax.u32 s22, $0x1;
	[dreg:$0xe] =	wrdreg s24  }
0x12: {  	s29 =	simm.s32 $0x3;
	s8 =	sadd.s32 $0xC000, s8;
	[dreg:$0x16] =	wrdreg s6  }
0x13: {  	s0 =	smul.u32 $0x28000, s0;
	s1 =	sadd.s32 $0x4, s24;
	[dreg:$0xc] =	wrdreg s8  }
0x14: {  	s10 =	smul.u32 $0x2800, s11;
	s25 =	sadd.s32 $0x8, s24;
	[dreg:$0xf] =	wrdreg s1  }
0x15: {  	s30 =	simm.s32 $0x13;
	s26 =	sadd.s32 $0xC, s24;
	[dreg:$0x10] =	wrdreg s25  }
0x16: {  	s0 =	sadd.s32 s10, s0;
	s11 =	sadd.s32 $0x14, s24;
	[dreg:$0x11] =	wrdreg s26  }
0x17: {  	s16 =	sor.u32 $0x1C0, s0;
	s12 =	sadd.s32 $0x18, s24;
	[dreg:$0x13] =	wrdreg s11  }
0x18: {  	s18 =	sor.u32 $0x1A0, s0;
	s7 =	sadd.s32 $0x1C, s24;
	[dreg:$0x14] =	wrdreg s12  }
0x19: {  	s20 =	sor.u32 $0x180, s0;
	s19 =	sshrl.u32 s18, $0x3;
	[dreg:$0x15] =	wrdreg s7  }
0x1a: {  	s22 =	sor.u32 $0x160, s0;
	s21 =	sshrl.u32 s20, $0x3;
	[dreg:$0x4] =	wrdreg s19  }
0x1b: {  	s13 =	simm.s32 $0x19;
	s23 =	sshrl.u32 s22, $0x3;
	[dreg:$0x5] =	wrdreg s21  }
0x1c: {  	s14 =	simm.s32 $0x2A80;
	s18 =	sadd.s32 $0xC000, s9;
	[dreg:$0x6] =	wrdreg s23  }
0x1d: {  	s15 =	simm.s32 $0x2B00;
	s20 =	sadd.s32 $0xE000, s9;
	[smem:$0x7F5] =	sst s18  }
0x1e: {  	s17 =	simm.s32 $0x9C00;
	s22 =	sadd.s32 $0x10000, s9;
	[smem:$0x7F7] =	sst s20  }
0x1f: {  	s6 =	simm.s32 $0x2C00;
	s8 =	sadd.s32 $0x10, s24;
	[smem:$0x7F9] =	sst s22  }
0x20: {  	s1 =	sshrl.u32 s16, $0x3;
	s24 =	sor.u32 $0x140, s0;
	[dreg:$0x12] =	wrdreg s8  }
0x21: {  	s26 =	sor.u32 $0x120, s0;
	s11 =	sadd.s32 $0x5000, s9;
	[dreg:$0x3] =	wrdreg s1  }
0x22: {  	s12 =	sadd.s32 $0x6000, s9;
	s16 =	sadd.s32 $0xA000, s9;
	[dreg:$0x1b] =	wrdreg s11  }
0x23: {  	s19 =	sadd.s32 $0xD000, s9;
	s21 =	sadd.s32 $0xF000, s9;
	[dreg:$0x1c] =	wrdreg s12  }
0x24: {  	s23 =	sadd.s32 $0x11000, s9;
	s22 =	simm.s32 $0x5C00;
	[smem:$0x7F3] =	sst s16  }
0x25: {  	s20 =	simm.s32 $0x6C00;
	s18 =	simm.s32 $0x4;
	[smem:$0x7F6] =	sst s19  }
0x26: {  	s25 =	sshrl.u32 s24, $0x3;
	s7 =	sshrl.u32 s26, $0x3;
	[smem:$0x7F8] =	sst s21  }
0x27: {  	s8 =	sor.u32 $0x100, s0;
	s0 =	sor.u32 $0x1E0, s0;
	[smem:$0x7FA] =	sst s23  }
0x28: {  	s24 =	sadd.s32 $0x12000, s9;
	s26 =	sadd.s32 $0x14000, s9;
	s11 =	simm.s32 $0x2800  }
0x29: {  	s16 =	simm.s32 $0x20;
	s12 =	simm.s32 $0x2880;
	[dreg:$0x7] =	wrdreg s25  }
0x2a: {  	s21 =	simm.s32 $0x2900;
	s19 =	simm.s32 $0x2980;
	[dreg:$0x8] =	wrdreg s7  }
0x2b: {  	s23 =	simm.s32 $0x1;
	s1 =	simm.s32 $0x0;
	[smem:$0x7FB] =	sst s24  }
0x2c: {  	s10 =	sshrl.u32 s8, $0x3;
	s0 =	sshrl.u32 s0, $0x3;
	[smem:$0x7FD] =	sst s26  }
0x2d: {  	s25 =	sadd.s32 $0x13000, s9;
	s7 =	simm.s32 $0x2A00;
	[dreg:$0x9] =	wrdreg s10  }
0x2e: {  	s8 =	simm.s32 $0x7C00;
	s24 =	simm.s32 $0x11;
	[dreg:$0xa] =	wrdreg s0  }
0x2f: {  	s26 =	simm.s32 $0x2;
	s10 =	sadd.s32 $0x3D200, s5;
	[smem:$0x7FC] =	sst s25  }
0x30: {  	v0 =	vimm.f32 $0.0e+00;
	s25 =	simm.s32 $0x4C00;
	s5 =	simm.s32 $0x8C00;
	[dreg:$0x1f] =	wrdreg s10  }
.LBB2_1:
0x31: {  	[smem:$0x7F1] =	sst s1  }
0x32: {  	s0 =	rddreg [dreg:$0xc]  }
0x33: {  	[tilespmem:s3], [sflag:$0x19] =	stream.linear.gather [hbm4b:s0+s3], $0x2800, $0x38;
	[tilespmem:$0x1FC00] =	vst v63  }
0x34: {  	_ =	swait.ge [sflag:s13], $0x2800  }
0x35: {  	[sflag:s13] =	ssyncset.done $0x0  }
0x36: {  	s1 =	simm.s32 $0x200;
	s0 =	simm.s32 $0x0;
	[sflag:s13] =	ssyncadd.s32 $0xFFFFD800  }
.LBB2_2:
0x37: {  	p0 =	sne.s32 s1, $0x3E00;
	[tilespmem:s0+$0x2C70] =	vst v0  }
0x38: {  	[tilespmem:s0+$0x2C00] =	vst v0  }
0x39: {  	[tilespmem:s0+$0x2C10] =	vst v0  }
.Ltmp0:
0x3a: {  	[tilespmem:s0+$0x2C20] =	vst v0;
	(pc) =	sbr.rel @p0 .LBB2_2-.Ltmp0, $4  }
0x3b: {  	[tilespmem:s0+$0x2C30] =	vst v0  }
0x3c: {  	[tilespmem:s0+$0x2C40] =	vst v0  }
0x3d: {  	[tilespmem:s0+$0x2C50] =	vst v0  }
0x3e: {  	[tilespmem:s0+$0x2C60] =	vst v0;
	s0 =	sshra.s32 s1, $0x2;
	s1 =	sadd.s32 $0x200, s1  }
0x3f: {  	[tilespmem:s0+$0x2C70] =	vst v0  }
0x40: {  	[tilespmem:s0+$0x2C00] =	vst v0  }
0x41: {  	[tilespmem:s0+$0x2C10] =	vst v0  }
0x42: {  	[tilespmem:s0+$0x2C20] =	vst v0  }
0x43: {  	[tilespmem:s0+$0x2C30] =	vst v0  }
0x44: {  	[tilespmem:s0+$0x2C40] =	vst v0  }
0x45: {  	[tilespmem:s0+$0x2C50] =	vst v0  }
0x46: {  	[tilespmem:s0+$0x2C60] =	vst v0  }
0x47: {  	[spmem:s9] =	stream.linear.scatter [tilespmem:s6], [sflag:$0x19], $0x1000, $0x38;
	[tilespmem:$0x1FC00] =	vst v63  }
0x48: {  	_ =	swait.ge [sflag:s13], $0x1000  }
0x49: {  	[sflag:s13] =	ssyncset.done $0x0  }
0x4a: {  	s1 =	rddreg [dreg:$0x17];
	[sflag:s13] =	ssyncadd.s32 $0xFFFFF000  }
0x4b: {  	[spmem:s1] =	stream.linear.scatter [tilespmem:s6], [sflag:$0x19], $0x1000, $0x38;
	[tilespmem:$0x1FC00] =	vst v63  }
0x4c: {  	_ =	swait.ge [sflag:s13], $0x1000  }
0x4d: {  	[sflag:s13] =	ssyncset.done $0x0  }
0x4e: {  	s9 =	rddreg [dreg:$0x18];
	[sflag:s13] =	ssyncadd.s32 $0xFFFFF000  }
0x4f: {  	[spmem:s9] =	stream.linear.scatter [tilespmem:s6], [sflag:$0x19], $0x1000, $0x38;
	[tilespmem:$0x1FC00] =	vst v63  }
0x50: {  	_ =	swait.ge [sflag:s13], $0x1000  }
0x51: {  	[sflag:s13] =	ssyncset.done $0x0  }
0x52: {  	s10 =	rddreg [dreg:$0x19];
	[sflag:s13] =	ssyncadd.s32 $0xFFFFF000  }
0x53: {  	[spmem:s10] =	stream.linear.scatter [tilespmem:s6], [sflag:$0x19], $0x1000, $0x38;
	[tilespmem:$0x1FC00] =	vst v63  }
0x54: {  	_ =	swait.ge [sflag:s13], $0x1000  }
0x55: {  	[sflag:s13] =	ssyncset.done $0x0  }
0x56: {  	s1 =	rddreg [dreg:$0x1a];
	[sflag:s13] =	ssyncadd.s32 $0xFFFFF000  }
0x57: {  	[spmem:s1] =	stream.linear.scatter [tilespmem:s6], [sflag:$0x19], $0x1000, $0x38;
	[tilespmem:$0x1FC00] =	vst v63  }
0x58: {  	_ =	swait.ge [sflag:s13], $0x1000  }
0x59: {  	[sflag:s13] =	ssyncset.done $0x0  }
0x5a: {  	s9 =	rddreg [dreg:$0x1b];
	[sflag:s13] =	ssyncadd.s32 $0xFFFFF000  }
0x5b: {  	[spmem:s9] =	stream.linear.scatter [tilespmem:s6], [sflag:$0x19], $0x1000, $0x38;
	[tilespmem:$0x1FC00] =	vst v63  }
0x5c: {  	_ =	swait.ge [sflag:s13], $0x1000  }
0x5d: {  	[sflag:s13] =	ssyncset.done $0x0  }
0x5e: {  	s10 =	rddreg [dreg:$0x1c];
	[sflag:s13] =	ssyncadd.s32 $0xFFFFF000  }
0x5f: {  	[spmem:s10] =	stream.linear.scatter [tilespmem:s6], [sflag:$0x19], $0x1000, $0x38;
	[tilespmem:$0x1FC00] =	vst v63  }
0x60: {  	_ =	swait.ge [sflag:s13], $0x1000  }
0x61: {  	[sflag:s13] =	ssyncset.done $0x0  }
0x62: {  	s1 =	rddreg [dreg:$0x1d];
	[sflag:s13] =	ssyncadd.s32 $0xFFFFF000  }
0x63: {  	[spmem:s1] =	stream.linear.scatter [tilespmem:s6], [sflag:$0x19], $0x1000, $0x38;
	[tilespmem:$0x1FC00] =	vst v63  }
0x64: {  	_ =	swait.ge [sflag:s13], $0x1000  }
0x65: {  	[sflag:s13] =	ssyncset.done $0x0  }
0x66: {  	s9 =	rddreg [dreg:$0x1e];
	[sflag:s13] =	ssyncadd.s32 $0xFFFFF000  }
0x67: {  	[spmem:s9] =	stream.linear.scatter [tilespmem:s6], [sflag:$0x19], $0x1000, $0x38;
	[tilespmem:$0x1FC00] =	vst v63  }
0x68: {  	_ =	swait.ge [sflag:s13], $0x1000  }
0x69: {  	s10 =	sld [smem:$0x7F2]  }
0x6a: {  	[sflag:s13] =	ssyncset.done $0x0  }
0x6b: {  	[sflag:s13] =	ssyncadd.s32 $0xFFFFF000  }
0x6c: {  	[spmem:s10] =	stream.linear.scatter [tilespmem:s6], [sflag:$0x19], $0x1000, $0x38;
	[tilespmem:$0x1FC00] =	vst v63  }
0x6d: {  	_ =	swait.ge [sflag:s13], $0x1000  }
0x6e: {  	s1 =	sld [smem:$0x7F3]  }
0x6f: {  	[sflag:s13] =	ssyncset.done $0x0  }
0x70: {  	[sflag:s13] =	ssyncadd.s32 $0xFFFFF000  }
0x71: {  	[spmem:s1] =	stream.linear.scatter [tilespmem:s6], [sflag:$0x19], $0x1000, $0x38;
	[tilespmem:$0x1FC00] =	vst v63  }
0x72: {  	_ =	swait.ge [sflag:s13], $0x1000  }
0x73: {  	s9 =	sld [smem:$0x7F4]  }
0x74: {  	[sflag:s13] =	ssyncset.done $0x0  }
0x75: {  	[sflag:s13] =	ssyncadd.s32 $0xFFFFF000  }
0x76: {  	[spmem:s9] =	stream.linear.scatter [tilespmem:s6], [sflag:$0x19], $0x1000, $0x38;
	[tilespmem:$0x1FC00] =	vst v63  }
0x77: {  	_ =	swait.ge [sflag:s13], $0x1000  }
0x78: {  	s10 =	sld [smem:$0x7F5]  }
0x79: {  	[sflag:s13] =	ssyncset.done $0x0  }
0x7a: {  	[sflag:s13] =	ssyncadd.s32 $0xFFFFF000  }
0x7b: {  	[spmem:s10] =	stream.linear.scatter [tilespmem:s6], [sflag:$0x19], $0x1000, $0x38;
	[tilespmem:$0x1FC00] =	vst v63  }
0x7c: {  	_ =	swait.ge [sflag:s13], $0x1000  }
0x7d: {  	s1 =	sld [smem:$0x7F6]  }
0x7e: {  	[sflag:s13] =	ssyncset.done $0x0  }
0x7f: {  	[sflag:s13] =	ssyncadd.s32 $0xFFFFF000  }
0x80: {  	[spmem:s1] =	stream.linear.scatter [tilespmem:s6], [sflag:$0x19], $0x1000, $0x38;
	[tilespmem:$0x1FC00] =	vst v63  }
0x81: {  	_ =	swait.ge [sflag:s13], $0x1000  }
0x82: {  	s9 =	sld [smem:$0x7F7]  }
0x83: {  	[sflag:s13] =	ssyncset.done $0x0  }
0x84: {  	[sflag:s13] =	ssyncadd.s32 $0xFFFFF000  }
0x85: {  	[spmem:s9] =	stream.linear.scatter [tilespmem:s6], [sflag:$0x19], $0x1000, $0x38;
	[tilespmem:$0x1FC00] =	vst v63  }
0x86: {  	_ =	swait.ge [sflag:s13], $0x1000  }
0x87: {  	s10 =	sld [smem:$0x7F8]  }
0x88: {  	[sflag:s13] =	ssyncset.done $0x0  }
0x89: {  	[sflag:s13] =	ssyncadd.s32 $0xFFFFF000  }
0x8a: {  	[spmem:s10] =	stream.linear.scatter [tilespmem:s6], [sflag:$0x19], $0x1000, $0x38;
	[tilespmem:$0x1FC00] =	vst v63  }
0x8b: {  	_ =	swait.ge [sflag:s13], $0x1000  }
0x8c: {  	s1 =	sld [smem:$0x7F9]  }
0x8d: {  	[sflag:s13] =	ssyncset.done $0x0  }
0x8e: {  	[sflag:s13] =	ssyncadd.s32 $0xFFFFF000  }
0x8f: {  	[spmem:s1] =	stream.linear.scatter [tilespmem:s6], [sflag:$0x19], $0x1000, $0x38;
	[tilespmem:$0x1FC00] =	vst v63  }
0x90: {  	_ =	swait.ge [sflag:s13], $0x1000  }
0x91: {  	s9 =	sld [smem:$0x7FA]  }
0x92: {  	[sflag:s13] =	ssyncset.done $0x0  }
0x93: {  	[sflag:s13] =	ssyncadd.s32 $0xFFFFF000  }
0x94: {  	[spmem:s9] =	stream.linear.scatter [tilespmem:s6], [sflag:$0x19], $0x1000, $0x38;
	[tilespmem:$0x1FC00] =	vst v63  }
0x95: {  	_ =	swait.ge [sflag:s13], $0x1000  }
0x96: {  	s10 =	sld [smem:$0x7FB]  }
0x97: {  	[sflag:s13] =	ssyncset.done $0x0  }
0x98: {  	[sflag:s13] =	ssyncadd.s32 $0xFFFFF000  }
0x99: {  	[spmem:s10] =	stream.linear.scatter [tilespmem:s6], [sflag:$0x19], $0x1000, $0x38;
	[tilespmem:$0x1FC00] =	vst v63  }
0x9a: {  	_ =	swait.ge [sflag:s13], $0x1000  }
0x9b: {  	s1 =	sld [smem:$0x7FC]  }
0x9c: {  	[sflag:s13] =	ssyncset.done $0x0  }
0x9d: {  	[sflag:s13] =	ssyncadd.s32 $0xFFFFF000  }
0x9e: {  	[spmem:s1] =	stream.linear.scatter [tilespmem:s6], [sflag:$0x19], $0x1000, $0x38;
	[tilespmem:$0x1FC00] =	vst v63  }
0x9f: {  	_ =	swait.ge [sflag:s13], $0x1000  }
0xa0: {  	s9 =	sld [smem:$0x7FD]  }
0xa1: {  	[sflag:s13] =	ssyncset.done $0x0  }
0xa2: {  	[sflag:s13] =	ssyncadd.s32 $0xFFFFF000  }
0xa3: {  	[spmem:s9] =	stream.linear.scatter [tilespmem:s6], [sflag:$0x19], $0x1000, $0x38;
	[tilespmem:$0x1FC00] =	vst v63  }
0xa4: {  	_ =	swait.ge [sflag:s13], $0x1000  }
0xa5: {  	[sflag:s13] =	ssyncset.done $0x0  }
0xa6: {  	[sflag:s13] =	ssyncadd.s32 $0xFFFFF000  }
0xa7: {  	[bflag:$0x0] =	sbarrier.arrive $0xFFFF  }
0xa8: {  	s0 =	simm.s32 $0x0;
	s1 =	rddreg [dreg:$0xe]  }
0xa9: {  	[tilespmem:s11], [sflag:$0x11] =	stream.linear.gather [hbm4b:s1+s0], $0x20, $0x38;
	[tilespmem:$0x1FC00] =	vst v63  }
0xaa: {  	_ = 	snop  }
0xab: {  	[tilespmem:s6], [sflag:$0x1] =	stream.indirect.gather [hbm4b:s4+s16], $0x80, s0, s16, $0xb8;
	[tilespmem:$0x1FC00] =	vst v63  }
0xac: {  	s10 =	rddreg [dreg:$0xf]  }
0xad: {  	[tilespmem:s12], [sflag:$0x12] =	stream.linear.gather [hbm4b:s10+s0], $0x20, $0x38;
	[tilespmem:$0x1FC00] =	vst v63  }
0xae: {  	_ = 	snop  }
0xaf: {  	[tilespmem:s31], [sflag:$0x2] =	stream.indirect.gather [hbm4b:s4+s16], $0x80, s16, s16, $0xb8;
	[tilespmem:$0x1FC00] =	vst v63  }
0xb0: {  	s13 =	rddreg [dreg:$0x10]  }
0xb1: {  	[tilespmem:s21], [sflag:$0x13] =	stream.linear.gather [hbm4b:s13+s0], $0x20, $0x38;
	[tilespmem:$0x1FC00] =	vst v63  }
0xb2: {  	s9 =	simm.s32 $0x40  }
0xb3: {  	[tilespmem:s25], [sflag:$0x3] =	stream.indirect.gather [hbm4b:s4+s16], $0x80, s9, s16, $0xb8;
	[tilespmem:$0x1FC00] =	vst v63  }
0xb4: {  	s10 =	rddreg [dreg:$0x11]  }
0xb5: {  	[tilespmem:s19], [sflag:$0x14] =	stream.linear.gather [hbm4b:s10+s0], $0x20, $0x38;
	[tilespmem:$0x1FC00] =	vst v63  }
0xb6: {  	s13 =	simm.s32 $0x60  }
0xb7: {  	[tilespmem:s22], [sflag:$0x4] =	stream.indirect.gather [hbm4b:s4+s16], $0x80, s13, s16, $0xb8;
	[tilespmem:$0x1FC00] =	vst v63  }
0xb8: {  	s9 =	rddreg [dreg:$0x12]  }
0xb9: {  	[tilespmem:s7], [sflag:$0x15] =	stream.linear.gather [hbm4b:s9+s0], $0x20, $0x38;
	[tilespmem:$0x1FC00] =	vst v63  }
0xba: {  	s10 =	simm.s32 $0x80  }
0xbb: {  	[tilespmem:s20], [sflag:$0x5] =	stream.indirect.gather [hbm4b:s4+s16], $0x80, s10, s16, $0xb8;
	[tilespmem:$0x1FC00] =	vst v63  }
0xbc: {  	s13 =	rddreg [dreg:$0x13]  }
0xbd: {  	[tilespmem:s14], [sflag:$0x16] =	stream.linear.gather [hbm4b:s13+s0], $0x20, $0x38;
	[tilespmem:$0x1FC00] =	vst v63  }
0xbe: {  	s9 =	simm.s32 $0xA0  }
0xbf: {  	[tilespmem:s8], [sflag:$0x6] =	stream.indirect.gather [hbm4b:s4+s16], $0x80, s9, s16, $0xb8;
	[tilespmem:$0x1FC00] =	vst v63  }
0xc0: {  	s10 =	rddreg [dreg:$0x14]  }
0xc1: {  	[tilespmem:s15], [sflag:$0x17] =	stream.linear.gather [hbm4b:s10+s0], $0x20, $0x38;
	[tilespmem:$0x1FC00] =	vst v63  }
0xc2: {  	s13 =	simm.s32 $0xC0  }
0xc3: {  	[tilespmem:s5], [sflag:$0x7] =	stream.indirect.gather [hbm4b:s4+s16], $0x80, s13, s16, $0xb8;
	[tilespmem:$0x1FC00] =	vst v63  }
0xc4: {  	s9 =	rddreg [dreg:$0x15];
	s10 =	simm.s32 $0x2B80  }
0xc5: {  	[tilespmem:s10], [sflag:$0x18] =	stream.linear.gather [hbm4b:s9+s0], $0x20, $0x38;
	[tilespmem:$0x1FC00] =	vst v63  }
0xc6: {  	s13 =	simm.s32 $0xE0  }
0xc7: {  	[tilespmem:s17], [sflag:$0x8] =	stream.indirect.gather [hbm4b:s4+s16], $0x80, s13, s16, $0xb8;
	[tilespmem:$0x1FC00] =	vst v63  }
0xc8: {  	_ =	swait.ge [sflag:s23], $0x1000  }
0xc9: {  	[sflag:s23] =	ssyncset.done $0x0  }
0xca: {  	[sflag:s23] =	ssyncadd.s32 $0xFFFFF000  }
0xcb: {  	_ =	swait.ge [sflag:s24], $0x20  }
0xcc: {  	[sflag:s24] =	ssyncset.done $0x0  }
0xcd: {  	[sflag:s24] =	ssyncadd.s32 $0xFFFFFFE0  }
0xce: {  	[spmem:s2] =	stream.indirect.scatter.add.f32 [tilespmem:s6], [sflag:$0x9], $0x80, s11, s16, $0xb8;
	[tilespmem:$0x1FC00] =	vst v63  }
0xcf: {  	_ =	swait.ge [sflag:s26], $0x1000  }
0xd0: {  	[sflag:s26] =	ssyncset.done $0x0  }
0xd1: {  	[sflag:s26] =	ssyncadd.s32 $0xFFFFF000  }
0xd2: {  	_ =	swait.ge [sflag:s28], $0x20  }
0xd3: {  	[sflag:s28] =	ssyncset.done $0x0  }
0xd4: {  	[sflag:s28] =	ssyncadd.s32 $0xFFFFFFE0  }
0xd5: {  	[spmem:s2] =	stream.indirect.scatter.add.f32 [tilespmem:s31], [sflag:$0xA], $0x80, s12, s16, $0xb8;
	[tilespmem:$0x1FC00] =	vst v63  }
0xd6: {  	_ =	swait.ge [sflag:s29], $0x1000  }
0xd7: {  	[sflag:s29] =	ssyncset.done $0x0  }
0xd8: {  	[sflag:s29] =	ssyncadd.s32 $0xFFFFF000  }
0xd9: {  	_ =	swait.ge [sflag:s30], $0x20  }
0xda: {  	[sflag:s30] =	ssyncset.done $0x0  }
0xdb: {  	[sflag:s30] =	ssyncadd.s32 $0xFFFFFFE0  }
0xdc: {  	[spmem:s2] =	stream.indirect.scatter.add.f32 [tilespmem:s25], [sflag:$0xB], $0x80, s21, s16, $0xb8;
	[tilespmem:$0x1FC00] =	vst v63  }
0xdd: {  	_ =	swait.ge [sflag:s18], $0x1000  }
0xde: {  	[sflag:s18] =	ssyncset.done $0x0  }
0xdf: {  	s21 =	simm.s32 $0x14;
	[sflag:s18] =	ssyncadd.s32 $0xFFFFF000  }
0xe0: {  	_ =	swait.ge [sflag:s21], $0x20  }
0xe1: {  	[sflag:s21] =	ssyncset.done $0x0  }
0xe2: {  	[sflag:s21] =	ssyncadd.s32 $0xFFFFFFE0  }
0xe3: {  	[spmem:s2] =	stream.indirect.scatter.add.f32 [tilespmem:s22], [sflag:$0xC], $0x80, s19, s16, $0xb8;
	[tilespmem:$0x1FC00] =	vst v63  }
0xe4: {  	s22 =	simm.s32 $0x5  }
0xe5: {  	_ =	swait.ge [sflag:s22], $0x1000  }
0xe6: {  	[sflag:s22] =	ssyncset.done $0x0  }
0xe7: {  	s23 =	simm.s32 $0x15;
	[sflag:s22] =	ssyncadd.s32 $0xFFFFF000  }
0xe8: {  	_ =	swait.ge [sflag:s23], $0x20  }
0xe9: {  	[sflag:s23] =	ssyncset.done $0x0  }
0xea: {  	s24 =	simm.s32 $0x6;
	[sflag:s23] =	ssyncadd.s32 $0xFFFFFFE0  }
0xeb: {  	[spmem:s2] =	stream.indirect.scatter.add.f32 [tilespmem:s20], [sflag:$0xD], $0x80, s7, s16, $0xb8;
	[tilespmem:$0x1FC00] =	vst v63  }
0xec: {  	_ =	swait.ge [sflag:s24], $0x1000  }
0xed: {  	[sflag:s24] =	ssyncset.done $0x0  }
0xee: {  	s25 =	simm.s32 $0x16;
	[sflag:s24] =	ssyncadd.s32 $0xFFFFF000  }
0xef: {  	_ =	swait.ge [sflag:s25], $0x20  }
0xf0: {  	[sflag:s25] =	ssyncset.done $0x0  }
0xf1: {  	s30 =	simm.s32 $0x7;
	[sflag:s25] =	ssyncadd.s32 $0xFFFFFFE0  }
0xf2: {  	[spmem:s2] =	stream.indirect.scatter.add.f32 [tilespmem:s8], [sflag:$0xE], $0x80, s14, s16, $0xb8;
	[tilespmem:$0x1FC00] =	vst v63  }
0xf3: {  	_ =	swait.ge [sflag:s30], $0x1000  }
0xf4: {  	[sflag:s30] =	ssyncset.done $0x0  }
0xf5: {  	s1 =	simm.s32 $0x17;
	[sflag:s30] =	ssyncadd.s32 $0xFFFFF000  }
0xf6: {  	_ =	swait.ge [sflag:s1], $0x20  }
0xf7: {  	[sflag:s1] =	ssyncset.done $0x0  }
0xf8: {  	s8 =	simm.s32 $0x8;
	[sflag:s1] =	ssyncadd.s32 $0xFFFFFFE0  }
0xf9: {  	[spmem:s2] =	stream.indirect.scatter.add.f32 [tilespmem:s5], [sflag:$0xF], $0x80, s15, s16, $0xb8;
	[tilespmem:$0x1FC00] =	vst v63  }
0xfa: {  	_ =	swait.ge [sflag:s8], $0x1000  }
0xfb: {  	[sflag:s8] =	ssyncset.done $0x0  }
0xfc: {  	s9 =	simm.s32 $0x18;
	[sflag:s8] =	ssyncadd.s32 $0xFFFFF000  }
0xfd: {  	_ =	swait.ge [sflag:s9], $0x20  }
0xfe: {  	[sflag:s9] =	ssyncset.done $0x0  }
0xff: {  	s13 =	simm.s32 $0x9;
	[sflag:s9] =	ssyncadd.s32 $0xFFFFFFE0  }
0x100: {  	[spmem:s2] =	stream.indirect.scatter.add.f32 [tilespmem:s17], [sflag:$0x10], $0x80, s10, s16, $0xb8;
	[tilespmem:$0x1FC00] =	vst v63  }
0x101: {  	_ =	swait.ge [sflag:s13], $0x1000  }
0x102: {  	[sflag:s13] =	ssyncset.done $0x0;
	s18 =	rddreg [dreg:$0x9]  }
0x103: {  	s19 =	simm.s32 $0x100;
	s9 =	rddreg [dreg:$0xb];
	[sflag:s13] =	ssyncadd.s32 $0xFFFFF000  }
0x104: {  	[tilespmem:s6], [sflag:$0x1] =	stream.indirect.gather [hbm4b:s4+s16], $0x80, s19, s16, $0xb8;
	[tilespmem:$0x1FC00] =	vst v63  }
0x105: {  	s20 =	simm.s32 $0xA;
	s0 =	sadd.s32 s9, s18  }
0x106: {  	[tilespmem:s11], [sflag:$0x11] =	stream.linear.gather [hbm4b:s0+s3], $0x20, $0x38;
	[tilespmem:$0x1FC00] =	vst v63  }
0x107: {  	_ =	swait.ge [sflag:s20], $0x1000  }
0x108: {  	[sflag:s20] =	ssyncset.done $0x0  }
0x109: {  	s22 =	simm.s32 $0x120;
	s21 =	rddreg [dreg:$0x8];
	[sflag:s20] =	ssyncadd.s32 $0xFFFFF000  }
0x10a: {  	[tilespmem:s31], [sflag:$0x2] =	stream.indirect.gather [hbm4b:s4+s16], $0x80, s22, s16, $0xb8;
	[tilespmem:$0x1FC00] =	vst v63  }
0x10b: {  	s23 =	simm.s32 $0xB;
	s0 =	sadd.s32 s9, s21  }
0x10c: {  	[tilespmem:s12], [sflag:$0x12] =	stream.linear.gather [hbm4b:s0+s3], $0x20, $0x38;
	[tilespmem:$0x1FC00] =	vst v63  }
0x10d: {  	_ =	swait.ge [sflag:s23], $0x1000  }
0x10e: {  	s5 =	simm.s32 $0x4C00;
	[sflag:s23] =	ssyncset.done $0x0  }
0x10f: {  	s31 =	simm.s32 $0x140;
	s25 =	rddreg [dreg:$0x7];
	[sflag:s23] =	ssyncadd.s32 $0xFFFFF000  }
0x110: {  	[tilespmem:s5], [sflag:$0x3] =	stream.indirect.gather [hbm4b:s4+s16], $0x80, s31, s16, $0xb8;
	[tilespmem:$0x1FC00] =	vst v63  }
0x111: {  	s28 =	simm.s32 $0x2900;
	s0 =	sadd.s32 s9, s25;
	s5 =	simm.s32 $0xC  }
0x112: {  	[tilespmem:s28], [sflag:$0x13] =	stream.linear.gather [hbm4b:s0+s3], $0x20, $0x38;
	[tilespmem:$0x1FC00] =	vst v63  }
0x113: {  	_ =	swait.ge [sflag:s5], $0x1000  }
0x114: {  	s29 =	simm.s32 $0x5C00;
	[sflag:s5] =	ssyncset.done $0x0  }
0x115: {  	s11 =	simm.s32 $0x160;
	s8 =	rddreg [dreg:$0x6];
	[sflag:s5] =	ssyncadd.s32 $0xFFFFF000  }
0x116: {  	[tilespmem:s29], [sflag:$0x4] =	stream.indirect.gather [hbm4b:s4+s16], $0x80, s11, s16, $0xb8;
	[tilespmem:$0x1FC00] =	vst v63  }
0x117: {  	s24 =	simm.s32 $0x2980;
	s12 =	simm.s32 $0xD;
	s0 =	sadd.s32 s9, s8  }
0x118: {  	[tilespmem:s24], [sflag:$0x14] =	stream.linear.gather [hbm4b:s0+s3], $0x20, $0x38;
	[tilespmem:$0x1FC00] =	vst v63  }
0x119: {  	_ =	swait.ge [sflag:s12], $0x1000  }
0x11a: {  	s26 =	simm.s32 $0x6C00;
	[sflag:s12] =	ssyncset.done $0x0  }
0x11b: {  	s19 =	simm.s32 $0x180;
	s13 =	rddreg [dreg:$0x5];
	[sflag:s12] =	ssyncadd.s32 $0xFFFFF000  }
0x11c: {  	[tilespmem:s26], [sflag:$0x5] =	stream.indirect.gather [hbm4b:s4+s16], $0x80, s19, s16, $0xb8;
	[tilespmem:$0x1FC00] =	vst v63  }
0x11d: {  	s20 =	simm.s32 $0xE;
	s0 =	sadd.s32 s9, s13  }
0x11e: {  	[tilespmem:s7], [sflag:$0x15] =	stream.linear.gather [hbm4b:s0+s3], $0x20, $0x38;
	[tilespmem:$0x1FC00] =	vst v63  }
0x11f: {  	_ =	swait.ge [sflag:s20], $0x1000  }
0x120: {  	s18 =	simm.s32 $0x7C00;
	[sflag:s20] =	ssyncset.done $0x0  }
0x121: {  	s22 =	simm.s32 $0x1A0;
	s21 =	rddreg [dreg:$0x4];
	[sflag:s20] =	ssyncadd.s32 $0xFFFFF000  }
0x122: {  	[tilespmem:s18], [sflag:$0x6] =	stream.indirect.gather [hbm4b:s4+s16], $0x80, s22, s16, $0xb8;
	[tilespmem:$0x1FC00] =	vst v63  }
0x123: {  	s23 =	simm.s32 $0xF;
	s0 =	sadd.s32 s9, s21  }
0x124: {  	[tilespmem:s14], [sflag:$0x16] =	stream.linear.gather [hbm4b:s0+s3], $0x20, $0x38;
	[tilespmem:$0x1FC00] =	vst v63  }
0x125: {  	s1 =	simm.s32 $0x400;
	_ =	swait.ge [sflag:s23], $0x1000  }
0x126: {  	s6 =	simm.s32 $0x8C00;
	s25 =	simm.s32 $0x1C0;
	[sflag:s23] =	ssyncset.done $0x0  }
0x127: {  	s31 =	simm.s32 $0x1E0;
	s24 =	rddreg [dreg:$0x3];
	[sflag:s23] =	ssyncadd.s32 $0xFFFFF000  }
0x128: {  	[tilespmem:s6], [sflag:$0x7] =	stream.indirect.gather [hbm4b:s4+s16], $0x80, s25, s16, $0xb8;
	[tilespmem:$0x1FC00] =	vst v63  }
0x129: {  	s28 =	simm.s32 $0x2;
	s26 =	simm.s32 $0x10;
	s0 =	sadd.s32 s9, s24  }
0x12a: {  	[tilespmem:s15], [sflag:$0x17] =	stream.linear.gather [hbm4b:s0+s3], $0x20, $0x38;
	[tilespmem:$0x1FC00] =	vst v63  }
0x12b: {  	s29 =	simm.s32 $0x12;
	s24 =	simm.s32 $0x1;
	_ =	swait.ge [sflag:s26], $0x1000  }
0x12c: {  	s0 =	sadd.s32 $0x20, s9;
	[sflag:s26] =	ssyncset.done $0x0;
	s30 =	rddreg [dreg:$0xa]  }
0x12d: {  	[sflag:s26] =	ssyncadd.s32 $0xFFFFF000;
	s26 =	simm.s32 $0x11;
	s6 =	sadd.s32 s9, s30  }
0x12e: {  	[tilespmem:s17], [sflag:$0x8] =	stream.indirect.gather [hbm4b:s4+s16], $0x80, s31, s16, $0xb8;
	[tilespmem:$0x1FC00] =	vst v63  }
.LBB2_4:
0x12f: {  	[tilespmem:s10], [sflag:$0x18] =	stream.linear.gather [hbm4b:s6+s3], $0x20, $0x38;
	[tilespmem:$0x1FC00] =	vst v63  }
0x130: {  	_ =	swait.ge [sflag:s24], $0x1000  }
0x131: {  	[sflag:s24] =	ssyncset.done $0x0  }
0x132: {  	[sflag:s24] =	ssyncadd.s32 $0xFFFFF000  }
0x133: {  	_ =	swait.ge [sflag:s26], $0x20  }
0x134: {  	[sflag:s26] =	ssyncset.done $0x0  }
0x135: {  	s15 =	simm.s32 $0x2800;
	s18 =	simm.s32 $0x2C00;
	[sflag:s26] =	ssyncadd.s32 $0xFFFFFFE0  }
0x136: {  	[spmem:s2] =	stream.indirect.scatter.add.f32 [tilespmem:s18], [sflag:$0x9], $0x80, s15, s16, $0xb8;
	[tilespmem:$0x1FC00] =	vst v63  }
0x137: {  	_ =	swait.ge [sflag:s28], $0x1000  }
0x138: {  	[sflag:s28] =	ssyncset.done $0x0  }
0x139: {  	[sflag:s28] =	ssyncadd.s32 $0xFFFFF000  }
0x13a: {  	_ =	swait.ge [sflag:s29], $0x20  }
0x13b: {  	s17 =	simm.s32 $0x3C00;
	[sflag:s29] =	ssyncset.done $0x0  }
0x13c: {  	s13 =	simm.s32 $0x2880;
	s5 =	simm.s32 $0x3;
	[sflag:s29] =	ssyncadd.s32 $0xFFFFFFE0  }
0x13d: {  	[spmem:s2] =	stream.indirect.scatter.add.f32 [tilespmem:s17], [sflag:$0xA], $0x80, s13, s16, $0xb8;
	[tilespmem:$0x1FC00] =	vst v63  }
0x13e: {  	_ =	swait.ge [sflag:s5], $0x1000  }
0x13f: {  	[sflag:s5] =	ssyncset.done $0x0  }
0x140: {  	s9 =	simm.s32 $0x13;
	[sflag:s5] =	ssyncadd.s32 $0xFFFFF000  }
0x141: {  	_ =	swait.ge [sflag:s9], $0x20  }
0x142: {  	s7 =	simm.s32 $0x4C00;
	[sflag:s9] =	ssyncset.done $0x0  }
0x143: {  	s14 =	simm.s32 $0x2900;
	s11 =	simm.s32 $0x4;
	[sflag:s9] =	ssyncadd.s32 $0xFFFFFFE0  }
0x144: {  	[spmem:s2] =	stream.indirect.scatter.add.f32 [tilespmem:s7], [sflag:$0xB], $0x80, s14, s16, $0xb8;
	[tilespmem:$0x1FC00] =	vst v63  }
0x145: {  	_ =	swait.ge [sflag:s11], $0x1000  }
0x146: {  	[sflag:s11] =	ssyncset.done $0x0  }
0x147: {  	s9 =	simm.s32 $0x14;
	[sflag:s11] =	ssyncadd.s32 $0xFFFFF000  }
0x148: {  	_ =	swait.ge [sflag:s9], $0x20  }
0x149: {  	s8 =	simm.s32 $0x5C00;
	[sflag:s9] =	ssyncset.done $0x0  }
0x14a: {  	s12 =	simm.s32 $0x5;
	s11 =	simm.s32 $0x2980;
	[sflag:s9] =	ssyncadd.s32 $0xFFFFFFE0  }
0x14b: {  	[spmem:s2] =	stream.indirect.scatter.add.f32 [tilespmem:s8], [sflag:$0xC], $0x80, s11, s16, $0xb8;
	[tilespmem:$0x1FC00] =	vst v63  }
0x14c: {  	_ =	swait.ge [sflag:s12], $0x1000  }
0x14d: {  	[sflag:s12] =	ssyncset.done $0x0  }
0x14e: {  	s19 =	simm.s32 $0x15;
	[sflag:s12] =	ssyncadd.s32 $0xFFFFF000  }
0x14f: {  	_ =	swait.ge [sflag:s19], $0x20  }
0x150: {  	s23 =	simm.s32 $0x6C00;
	[sflag:s19] =	ssyncset.done $0x0  }
0x151: {  	s20 =	simm.s32 $0x6;
	s12 =	simm.s32 $0x2A00;
	[sflag:s19] =	ssyncadd.s32 $0xFFFFFFE0  }
0x152: {  	[spmem:s2] =	stream.indirect.scatter.add.f32 [tilespmem:s23], [sflag:$0xD], $0x80, s12, s16, $0xb8;
	[tilespmem:$0x1FC00] =	vst v63  }
0x153: {  	_ =	swait.ge [sflag:s20], $0x1000  }
0x154: {  	[sflag:s20] =	ssyncset.done $0x0  }
0x155: {  	s21 =	simm.s32 $0x16;
	[sflag:s20] =	ssyncadd.s32 $0xFFFFF000  }
0x156: {  	_ =	swait.ge [sflag:s21], $0x20  }
0x157: {  	s25 =	simm.s32 $0x2A80;
	[sflag:s21] =	ssyncset.done $0x0  }
0x158: {  	s22 =	simm.s32 $0x7;
	[sflag:s21] =	ssyncadd.s32 $0xFFFFFFE0;
	s21 =	simm.s32 $0x7C00  }
0x159: {  	[spmem:s2] =	stream.indirect.scatter.add.f32 [tilespmem:s21], [sflag:$0xE], $0x80, s25, s16, $0xb8;
	[tilespmem:$0x1FC00] =	vst v63  }
0x15a: {  	_ =	swait.ge [sflag:s22], $0x1000  }
0x15b: {  	[sflag:s22] =	ssyncset.done $0x0  }
0x15c: {  	s5 =	simm.s32 $0x17;
	[sflag:s22] =	ssyncadd.s32 $0xFFFFF000  }
0x15d: {  	_ =	swait.ge [sflag:s5], $0x20  }
0x15e: {  	s9 =	simm.s32 $0x8;
	[sflag:s5] =	ssyncset.done $0x0  }
0x15f: {  	s20 =	simm.s32 $0x8C00;
	s22 =	simm.s32 $0x2B00;
	[sflag:s5] =	ssyncadd.s32 $0xFFFFFFE0  }
0x160: {  	[spmem:s2] =	stream.indirect.scatter.add.f32 [tilespmem:s20], [sflag:$0xF], $0x80, s22, s16, $0xb8;
	[tilespmem:$0x1FC00] =	vst v63  }
0x161: {  	_ =	swait.ge [sflag:s9], $0x1000  }
0x162: {  	[sflag:s9] =	ssyncset.done $0x0  }
0x163: {  	s19 =	simm.s32 $0x18;
	[sflag:s9] =	ssyncadd.s32 $0xFFFFF000  }
0x164: {  	_ =	swait.ge [sflag:s19], $0x20  }
0x165: {  	[sflag:s19] =	ssyncset.done $0x0  }
0x166: {  	s5 =	simm.s32 $0x9;
	[sflag:s19] =	ssyncadd.s32 $0xFFFFFFE0;
	s19 =	simm.s32 $0x9C00  }
0x167: {  	[spmem:s2] =	stream.indirect.scatter.add.f32 [tilespmem:s19], [sflag:$0x10], $0x80, s10, s16, $0xb8;
	[tilespmem:$0x1FC00] =	vst v63  }
0x168: {  	s6 =	smov.u32 s1;
	_ =	swait.ge [sflag:s5], $0x1000  }
0x169: {  	s6 =	sshra.s32 s6, $0x2;
	[sflag:s5] =	ssyncset.done $0x0  }
0x16a: {  	s9 =	rddreg [dreg:$0x9];
	[sflag:s5] =	ssyncadd.s32 $0xFFFFF000;
	s5 =	sadd.s32 $0x100, s6  }
0x16b: {  	[tilespmem:s18], [sflag:$0x1] =	stream.indirect.gather [hbm4b:s4+s16], $0x80, s5, s16, $0xb8;
	[tilespmem:$0x1FC00] =	vst v63  }
0x16c: {  	s9 =	sadd.s32 s0, s9  }
0x16d: {  	[tilespmem:s15], [sflag:$0x11] =	stream.linear.gather [hbm4b:s9+s3], $0x20, $0x38;
	[tilespmem:$0x1FC00] =	vst v63  }
0x16e: {  	s15 =	simm.s32 $0xA  }
0x16f: {  	_ =	swait.ge [sflag:s15], $0x1000  }
0x170: {  	[sflag:s15] =	ssyncset.done $0x0  }
0x171: {  	s5 =	sadd.s32 $0x120, s6;
	s18 =	rddreg [dreg:$0x8];
	[sflag:s15] =	ssyncadd.s32 $0xFFFFF000  }
0x172: {  	[tilespmem:s17], [sflag:$0x2] =	stream.indirect.gather [hbm4b:s4+s16], $0x80, s5, s16, $0xb8;
	[tilespmem:$0x1FC00] =	vst v63  }
0x173: {  	s9 =	sadd.s32 s0, s18;
	s15 =	simm.s32 $0xB  }
0x174: {  	[tilespmem:s13], [sflag:$0x12] =	stream.linear.gather [hbm4b:s9+s3], $0x20, $0x38;
	[tilespmem:$0x1FC00] =	vst v63  }
0x175: {  	_ =	swait.ge [sflag:s15], $0x1000  }
0x176: {  	[sflag:s15] =	ssyncset.done $0x0  }
0x177: {  	s13 =	sadd.s32 $0x140, s6;
	s17 =	rddreg [dreg:$0x7];
	[sflag:s15] =	ssyncadd.s32 $0xFFFFF000  }
0x178: {  	[tilespmem:s7], [sflag:$0x3] =	stream.indirect.gather [hbm4b:s4+s16], $0x80, s13, s16, $0xb8;
	[tilespmem:$0x1FC00] =	vst v63  }
0x179: {  	s9 =	sadd.s32 s0, s17  }
0x17a: {  	[tilespmem:s14], [sflag:$0x13] =	stream.linear.gather [hbm4b:s9+s3], $0x20, $0x38;
	[tilespmem:$0x1FC00] =	vst v63  }
0x17b: {  	s14 =	simm.s32 $0xC  }
0x17c: {  	_ =	swait.ge [sflag:s14], $0x1000  }
0x17d: {  	[sflag:s14] =	ssyncset.done $0x0  }
0x17e: {  	s5 =	sadd.s32 $0x160, s6;
	s17 =	rddreg [dreg:$0x6];
	[sflag:s14] =	ssyncadd.s32 $0xFFFFF000  }
0x17f: {  	[tilespmem:s8], [sflag:$0x4] =	stream.indirect.gather [hbm4b:s4+s16], $0x80, s5, s16, $0xb8;
	[tilespmem:$0x1FC00] =	vst v63  }
0x180: {  	s9 =	sadd.s32 s0, s17  }
0x181: {  	[tilespmem:s11], [sflag:$0x14] =	stream.linear.gather [hbm4b:s9+s3], $0x20, $0x38;
	[tilespmem:$0x1FC00] =	vst v63  }
0x182: {  	s11 =	simm.s32 $0xD  }
0x183: {  	_ =	swait.ge [sflag:s11], $0x1000  }
0x184: {  	[sflag:s11] =	ssyncset.done $0x0  }
0x185: {  	s17 =	rddreg [dreg:$0x5];
	[sflag:s11] =	ssyncadd.s32 $0xFFFFF000;
	s11 =	sadd.s32 $0x180, s6  }
0x186: {  	[tilespmem:s23], [sflag:$0x5] =	stream.indirect.gather [hbm4b:s4+s16], $0x80, s11, s16, $0xb8;
	[tilespmem:$0x1FC00] =	vst v63  }
0x187: {  	s9 =	sadd.s32 s0, s17  }
0x188: {  	[tilespmem:s12], [sflag:$0x15] =	stream.linear.gather [hbm4b:s9+s3], $0x20, $0x38;
	[tilespmem:$0x1FC00] =	vst v63  }
0x189: {  	s12 =	simm.s32 $0xE  }
0x18a: {  	_ =	swait.ge [sflag:s12], $0x1000  }
0x18b: {  	p0 =	sne.s32 s1, $0x9800;
	[sflag:s12] =	ssyncset.done $0x0  }
0x18c: {  	s5 =	sadd.s32 $0x1A0, s6;
	s17 =	rddreg [dreg:$0x4];
	[sflag:s12] =	ssyncadd.s32 $0xFFFFF000  }
0x18d: {  	[tilespmem:s21], [sflag:$0x6] =	stream.indirect.gather [hbm4b:s4+s16], $0x80, s5, s16, $0xb8;
	[tilespmem:$0x1FC00] =	vst v63  }
0x18e: {  	s1 =	sadd.s32 $0x400, s1;
	s30 =	simm.s32 $0x2C00;
	s9 =	sadd.s32 s0, s17  }
0x18f: {  	[tilespmem:s25], [sflag:$0x16] =	stream.linear.gather [hbm4b:s9+s3], $0x20, $0x38;
	[tilespmem:$0x1FC00] =	vst v63  }
0x190: {  	s31 =	simm.s32 $0x2800;
	s10 =	simm.s32 $0x2B80;
	s9 =	simm.s32 $0xF  }
0x191: {  	s18 =	simm.s32 $0x2880;
	s15 =	simm.s32 $0x4C00;
	_ =	swait.ge [sflag:s9], $0x1000  }
0x192: {  	s13 =	simm.s32 $0x2900;
	s7 =	simm.s32 $0x5C00;
	[sflag:s9] =	ssyncset.done $0x0  }
0x193: {  	s17 =	sadd.s32 $0x1C0, s6;
	s12 =	rddreg [dreg:$0x3];
	[sflag:s9] =	ssyncadd.s32 $0xFFFFF000  }
0x194: {  	[tilespmem:s20], [sflag:$0x7] =	stream.indirect.gather [hbm4b:s4+s16], $0x80, s17, s16, $0xb8;
	[tilespmem:$0x1FC00] =	vst v63  }
0x195: {  	s14 =	simm.s32 $0x2980;
	s8 =	simm.s32 $0x6C00;
	s9 =	sadd.s32 s0, s12  }
0x196: {  	[tilespmem:s22], [sflag:$0x17] =	stream.linear.gather [hbm4b:s9+s3], $0x20, $0x38;
	[tilespmem:$0x1FC00] =	vst v63  }
0x197: {  	s11 =	simm.s32 $0x2A00;
	s23 =	simm.s32 $0x7C00;
	s22 =	simm.s32 $0x10  }
.Ltmp1:
0x198: {  	s6 =	sadd.s32 $0x1E0, s6;
	_ =	swait.ge [sflag:s22], $0x1000;
	(pc) =	sbr.rel @p0 .LBB2_4-.Ltmp1, $4  }
0x199: {  	s5 =	simm.s32 $0x2A80;
	s21 =	simm.s32 $0x8C00;
	[sflag:s22] =	ssyncset.done $0x0  }
0x19a: {  	s20 =	simm.s32 $0x2B00;
	s25 =	rddreg [dreg:$0xa];
	[sflag:s22] =	ssyncadd.s32 $0xFFFFF000  }
0x19b: {  	[tilespmem:s19], [sflag:$0x8] =	stream.indirect.gather [hbm4b:s4+s16], $0x80, s6, s16, $0xb8;
	[tilespmem:$0x1FC00] =	vst v63  }
0x19c: {  	s17 =	simm.s32 $0x9C00;
	s6 =	sadd.s32 s0, s25;
	s0 =	sadd.s32 $0x20, s0  }
0x19d: {  	[tilespmem:s10], [sflag:$0x18] =	stream.linear.gather [hbm4b:s6+s3], $0x20, $0x38;
	[tilespmem:$0x1FC00] =	vst v63  }
0x19e: {  	_ =	swait.ge [sflag:s24], $0x1000  }
0x19f: {  	[sflag:s24] =	ssyncset.done $0x0  }
0x1a0: {  	[sflag:s24] =	ssyncadd.s32 $0xFFFFF000  }
0x1a1: {  	_ =	swait.ge [sflag:s26], $0x20  }
0x1a2: {  	[sflag:s26] =	ssyncset.done $0x0  }
0x1a3: {  	[sflag:s26] =	ssyncadd.s32 $0xFFFFFFE0  }
0x1a4: {  	[spmem:s2] =	stream.indirect.scatter.add.f32 [tilespmem:s30], [sflag:$0x9], $0x80, s31, s16, $0xb8;
	[tilespmem:$0x1FC00] =	vst v63  }
0x1a5: {  	_ =	swait.ge [sflag:s28], $0x1000  }
0x1a6: {  	[sflag:s28] =	ssyncset.done $0x0  }
0x1a7: {  	[sflag:s28] =	ssyncadd.s32 $0xFFFFF000  }
0x1a8: {  	_ =	swait.ge [sflag:s29], $0x20  }
0x1a9: {  	[sflag:s29] =	ssyncset.done $0x0  }
0x1aa: {  	s1 =	simm.s32 $0x3C00;
	s0 =	simm.s32 $0x3;
	[sflag:s29] =	ssyncadd.s32 $0xFFFFFFE0  }
0x1ab: {  	[spmem:s2] =	stream.indirect.scatter.add.f32 [tilespmem:s1], [sflag:$0xA], $0x80, s18, s16, $0xb8;
	[tilespmem:$0x1FC00] =	vst v63  }
0x1ac: {  	_ =	swait.ge [sflag:s0], $0x1000  }
0x1ad: {  	[sflag:s0] =	ssyncset.done $0x0  }
0x1ae: {  	s24 =	simm.s32 $0x13;
	[sflag:s0] =	ssyncadd.s32 $0xFFFFF000  }
0x1af: {  	_ =	swait.ge [sflag:s24], $0x20  }
0x1b0: {  	[sflag:s24] =	ssyncset.done $0x0  }
0x1b1: {  	s25 =	simm.s32 $0x4;
	[sflag:s24] =	ssyncadd.s32 $0xFFFFFFE0  }
0x1b2: {  	[spmem:s2] =	stream.indirect.scatter.add.f32 [tilespmem:s15], [sflag:$0xB], $0x80, s13, s16, $0xb8;
	[tilespmem:$0x1FC00] =	vst v63  }
0x1b3: {  	_ =	swait.ge [sflag:s25], $0x1000  }
0x1b4: {  	[sflag:s25] =	ssyncset.done $0x0  }
0x1b5: {  	s26 =	simm.s32 $0x14;
	[sflag:s25] =	ssyncadd.s32 $0xFFFFF000  }
0x1b6: {  	_ =	swait.ge [sflag:s26], $0x20  }
0x1b7: {  	[sflag:s26] =	ssyncset.done $0x0  }
0x1b8: {  	s6 =	simm.s32 $0x5;
	[sflag:s26] =	ssyncadd.s32 $0xFFFFFFE0  }
0x1b9: {  	[spmem:s2] =	stream.indirect.scatter.add.f32 [tilespmem:s7], [sflag:$0xC], $0x80, s14, s16, $0xb8;
	[tilespmem:$0x1FC00] =	vst v63  }
0x1ba: {  	_ =	swait.ge [sflag:s6], $0x1000  }
0x1bb: {  	[sflag:s6] =	ssyncset.done $0x0  }
0x1bc: {  	s7 =	simm.s32 $0x15;
	[sflag:s6] =	ssyncadd.s32 $0xFFFFF000  }
0x1bd: {  	_ =	swait.ge [sflag:s7], $0x20  }
0x1be: {  	[sflag:s7] =	ssyncset.done $0x0  }
0x1bf: {  	s9 =	simm.s32 $0x6;
	[sflag:s7] =	ssyncadd.s32 $0xFFFFFFE0  }
0x1c0: {  	[spmem:s2] =	stream.indirect.scatter.add.f32 [tilespmem:s8], [sflag:$0xD], $0x80, s11, s16, $0xb8;
	[tilespmem:$0x1FC00] =	vst v63  }
0x1c1: {  	_ =	swait.ge [sflag:s9], $0x1000  }
0x1c2: {  	[sflag:s9] =	ssyncset.done $0x0  }
0x1c3: {  	s11 =	simm.s32 $0x16;
	[sflag:s9] =	ssyncadd.s32 $0xFFFFF000  }
0x1c4: {  	_ =	swait.ge [sflag:s11], $0x20  }
0x1c5: {  	[sflag:s11] =	ssyncset.done $0x0  }
0x1c6: {  	s12 =	simm.s32 $0x7;
	[sflag:s11] =	ssyncadd.s32 $0xFFFFFFE0  }
0x1c7: {  	[spmem:s2] =	stream.indirect.scatter.add.f32 [tilespmem:s23], [sflag:$0xE], $0x80, s5, s16, $0xb8;
	[tilespmem:$0x1FC00] =	vst v63  }
0x1c8: {  	_ =	swait.ge [sflag:s12], $0x1000  }
0x1c9: {  	[sflag:s12] =	ssyncset.done $0x0  }
0x1ca: {  	s13 =	simm.s32 $0x17;
	[sflag:s12] =	ssyncadd.s32 $0xFFFFF000  }
0x1cb: {  	_ =	swait.ge [sflag:s13], $0x20  }
0x1cc: {  	[sflag:s13] =	ssyncset.done $0x0  }
0x1cd: {  	s14 =	simm.s32 $0x8;
	[sflag:s13] =	ssyncadd.s32 $0xFFFFFFE0  }
0x1ce: {  	[spmem:s2] =	stream.indirect.scatter.add.f32 [tilespmem:s21], [sflag:$0xF], $0x80, s20, s16, $0xb8;
	[tilespmem:$0x1FC00] =	vst v63  }
0x1cf: {  	_ =	swait.ge [sflag:s14], $0x1000  }
0x1d0: {  	[sflag:s14] =	ssyncset.done $0x0  }
0x1d1: {  	s15 =	simm.s32 $0x18;
	[sflag:s14] =	ssyncadd.s32 $0xFFFFF000  }
0x1d2: {  	_ =	swait.ge [sflag:s15], $0x20  }
0x1d3: {  	[sflag:s15] =	ssyncset.done $0x0  }
0x1d4: {  	s18 =	simm.s32 $0x9;
	[sflag:s15] =	ssyncadd.s32 $0xFFFFFFE0  }
0x1d5: {  	[spmem:s2] =	stream.indirect.scatter.add.f32 [tilespmem:s17], [sflag:$0x10], $0x80, s10, s16, $0xb8;
	[tilespmem:$0x1FC00] =	vst v63  }
0x1d6: {  	_ =	swait.ge [sflag:s18], $0x1000  }
0x1d7: {  	[sflag:s18] =	ssyncset.done $0x0  }
0x1d8: {  	s19 =	simm.s32 $0xA;
	[sflag:s18] =	ssyncadd.s32 $0xFFFFF000  }
0x1d9: {  	_ =	swait.ge [sflag:s19], $0x1000  }
0x1da: {  	[sflag:s19] =	ssyncset.done $0x0  }
0x1db: {  	s20 =	simm.s32 $0xB;
	[sflag:s19] =	ssyncadd.s32 $0xFFFFF000  }
0x1dc: {  	_ =	swait.ge [sflag:s20], $0x1000  }
0x1dd: {  	[sflag:s20] =	ssyncset.done $0x0  }
0x1de: {  	s21 =	simm.s32 $0xC;
	[sflag:s20] =	ssyncadd.s32 $0xFFFFF000  }
0x1df: {  	_ =	swait.ge [sflag:s21], $0x1000  }
0x1e0: {  	[sflag:s21] =	ssyncset.done $0x0  }
0x1e1: {  	s22 =	simm.s32 $0xD;
	[sflag:s21] =	ssyncadd.s32 $0xFFFFF000  }
0x1e2: {  	_ =	swait.ge [sflag:s22], $0x1000  }
0x1e3: {  	[sflag:s22] =	ssyncset.done $0x0  }
0x1e4: {  	s23 =	simm.s32 $0xE;
	[sflag:s22] =	ssyncadd.s32 $0xFFFFF000  }
0x1e5: {  	_ =	swait.ge [sflag:s23], $0x1000  }
0x1e6: {  	[sflag:s23] =	ssyncset.done $0x0  }
0x1e7: {  	s24 =	simm.s32 $0xF;
	[sflag:s23] =	ssyncadd.s32 $0xFFFFF000  }
0x1e8: {  	s30 =	simm.s32 $0x13;
	s31 =	simm.s32 $0x3C00;
	_ =	swait.ge [sflag:s24], $0x1000  }
0x1e9: {  	s28 =	simm.s32 $0x12;
	s29 =	simm.s32 $0x3;
	[sflag:s24] =	ssyncset.done $0x0  }
0x1ea: {  	s0 =	simm.s32 $0x200;
	s25 =	simm.s32 $0x10;
	[sflag:s24] =	ssyncadd.s32 $0xFFFFF000  }
0x1eb: {  	s7 =	simm.s32 $0x2A00;
	s8 =	simm.s32 $0x7C00;
	_ =	swait.ge [sflag:s25], $0x1000  }
0x1ec: {  	s11 =	simm.s32 $0x2800;
	s5 =	simm.s32 $0x8C00;
	[sflag:s25] =	ssyncset.done $0x0  }
0x1ed: {  	s12 =	simm.s32 $0x2880;
	s13 =	simm.s32 $0x19;
	[sflag:s25] =	ssyncadd.s32 $0xFFFFF000  }
0x1ee: {  	s14 =	simm.s32 $0x2A80;
	s15 =	simm.s32 $0x2B00;
	[bflag:$0x0] =	sbarrier.arrive $0xFFFF  }
0x1ef: {  	s17 =	simm.s32 $0x9C00;
	s18 =	simm.s32 $0x4;
	s9 =	rddreg [dreg:$0xd]  }
0x1f0: {  	[tilespmem:s1], [sflag:$0x19] =	stream.linear.gather [spmem:s9], $0x1000, $0x38;
	[tilespmem:$0x1FC00] =	vst v63  }
0x1f1: {  	s19 =	simm.s32 $0x2980;
	s20 =	simm.s32 $0x6C00;
	_ =	swait.ge [sflag:s13], $0x1000  }
0x1f2: {  	s21 =	simm.s32 $0x2900;
	[sflag:s13] =	ssyncset.done $0x0;
	s10 =	rddreg [dreg:$0x1f]  }
0x1f3: {  	s22 =	simm.s32 $0x5C00;
	[sflag:s13] =	ssyncadd.s32 $0xFFFFF000;
	s26 =	sadd.s32 $0x0, s10  }
0x1f4: {  	[hbm4b:s26+s3] =	stream.linear.scatter [tilespmem:s1], [sflag:$0x19], $0x1000, $0x38;
	[tilespmem:$0x1FC00] =	vst v63  }
0x1f5: {  	s24 =	simm.s32 $0x11;
	s25 =	simm.s32 $0x4C00;
	_ =	swait.ge [sflag:s13], $0x1000  }
0x1f6: {  	s1 =	smov.u32 s9;
	s26 =	simm.s32 $0x2;
	[sflag:s13] =	ssyncset.done $0x0  }
.LBB2_6:
0x1f7: {  	p0 =	sne.s32 s0, $0x2800;
	[sflag:s13] =	ssyncadd.s32 $0xFFFFF000;
	s1 =	sadd.s32 $0x1000, s1  }
0x1f8: {  	[tilespmem:s31], [sflag:$0x19] =	stream.linear.gather [spmem:s1], $0x1000, $0x38;
	[tilespmem:$0x1FC00] =	vst v63  }
0x1f9: {  	s6 =	smov.u32 s0;
	s0 =	sadd.s32 $0x200, s0;
	_ =	swait.ge [sflag:s13], $0x1000  }
.Ltmp2:
0x1fa: {  	[sflag:s13] =	ssyncset.done $0x0;
	(pc) =	sbr.rel @p0 .LBB2_6-.Ltmp2, $4  }
0x1fb: {  	s6 =	sadd.s32 s6, s10;
	[sflag:s13] =	ssyncadd.s32 $0xFFFFF000  }
0x1fc: {  	[hbm4b:s6+s3] =	stream.linear.scatter [tilespmem:s31], [sflag:$0x19], $0x1000, $0x38;
	[tilespmem:$0x1FC00] =	vst v63  }
0x1fd: {  	_ =	swait.ge [sflag:s13], $0x1000  }
0x1fe: {  	[sflag:s13] =	ssyncset.done $0x0  }
0x1ff: {  	s1 =	sld [smem:$0x7F1];
	_ =	sdelay $0x2  }
0x200: {  	s0 =	rddreg [dreg:$0x16];
	s1 =	sadd.s32 $0x1, s1  }
0x201: {  	p0 =	sne.s32 s1, s0  }
.Ltmp3:
0x202: {  	_ = 	snop;
	(pc) =	sbr.rel @p0 .LBB2_1-.Ltmp3, $2  }
0x203: {  	_ =	sdelay $0x2  }
0x204: {  	[sflag:s13] =	ssyncadd.s32 $0xFFFFF000;
	s6 =	simm.s32 $0x2C00;
	s23 =	simm.s32 $0x1  }
0x205: {  	_ =	sfence.sel $0x180000  }
0x206: {  	[bflag:$0x0] =	sbarrier.arrive $0xFFFF  }
0x207: {  	_ =	strace $0x9000004A  }
0x208: {  	s0 =	stileid.u32;
	[bflag:$0x2] =	sbarrier.arrive $0xFFFF  }
0x209: {  	p0 =	sne.s32 s0, $0x0;
	s0 =	rddreg [dreg:$0x2]  }
0x20a: {  	s0 =	sadd.s32 @!p0 $0x100000, s0  }
0x20b: {  	[sflag:s0] =	ssyncadd.tile.s32 @!p0 $0x1;
	_ =	shalt  }
.Lfunc_end2:
_tile_overlayer_lowered:
.L_overlay_start_2:
0x20c: {  	(tag) =	ssettag $0x2  }
0x20d: {  	s0 =	rddreg [dreg:$0x0];
	s2 =	stileid.u32  }
0x20e: {  	s1 =	rddreg [dreg:$0x1];
	p0 =	sne.s32 s2, $0x0  }
0x20f: {  	s3 =	rddreg [dreg:$0x2];
	[bflag:$0x3] =	sbarrier.arrive $0xFFFF;
	s2 =	simm.s32 @!p0 $0x1C19  }
0x210: {  	[timem:s3], [sflag:s2] =	dma.local @!p0 [hbm:s0], s1  }
0x211: {  	s0 =	simm.s32 @!p0 $0x19  }
0x212: {  	_ =	swait.ge @!p0 [sflag:s0], s1  }
0x213: {  	s1 =	ssub.s32 @!p0 $0x0, s1;
	[sflag:s0] =	ssyncset.done @!p0 $0x0  }
0x214: {  	[sflag:s0] =	ssyncadd.s32 @!p0 s1  }
0x215: {  	[bflag:$0x3] =	sbarrier.arrive $0xFFFF  }
0x216: {  	_ =	shalt  }

// kernel: kernel.14.cloned.1.call-start
scs
__scs_entry_jumppad:
0x0: {  	(pc) =	sbr.rel $0x88, $3  }
0x1: {  	(tag) =	ssettag $0x0;
	lr =	simm.s32 $0x1  }
0x2: {  	[smem:$0x3F9B] =	sst lr;
	_ =	strace $0xD0000000  }
0x3: {  	_ = 	snop  }
0x4: {  	_ = 	snop  }
0x5: {  	_ = 	snop  }
0x6: {  	_ = 	snop  }
0x7: {  	_ = 	snop  }
__scs_overlays_trampoline_lowered:
0x8: {  	[smem:$0x3FAA] =	sst s0  }
0x9: {  	[smem:$0x3FAB] =	sst s1  }
0xa: {  	[smem:$0x3FAC] =	sst s2  }
0xb: {  	[smem:$0x3FAD] =	sst s3  }
0xc: {  	[smem:$0x3FAE] =	sst s4  }
0xd: {  	[smem:$0x3FAF] =	sst s5  }
0xe: {  	[smem:$0x3FB0] =	sst s6  }
0xf: {  	[smem:$0x3FB1] =	sst s7  }
0x10: {  	[smem:$0x3FB2] =	sst s8  }
0x11: {  	[smem:$0x3FB3] =	sst s9;
	s0 =	simm.s32 @!p0 $0x0  }
0x12: {  	s1 =	sld [smem:$0x3F99];
	s0 =	simm.s32 @p0 $0x1  }
0x13: {  	[smem:$0x3FB4] =	sst s0;
	s0 =	simm.s32 @!p1 $0x0  }
0x14: {  	s2 =	sld [smem:$0x3F98];
	s0 =	simm.s32 @p1 $0x1  }
0x15: {  	[smem:$0x3FB5] =	sst s0;
	s0 =	simm.s32 @!p2 $0x0  }
0x16: {  	s3 =	sld [smem:$0x3FDB];
	s0 =	simm.s32 @p2 $0x1  }
0x17: {  	s4 =	simm.s32 $0x1BF5;
	[smem:$0x3FB7] =	sst s0  }
0x18: {  	s0 =	sld [smem:$0x3F9A];
	_ =	swait.ge [sflag:s4], $0x0  }
0x19: {  	s7 =	sld [smem:$0x3F9B]  }
0x1a: {  	s8 =	sadd.s32 $0xFFFFE003, lr  }
0x1b: {  	s9 =	sadd.s32 $0xFFFFFEF7, lr;
	s5 =	simm.s32 $0xFFFFFFFF;
	p2 =	slt.u32 s8, $0xFFFFF086  }
0x1c: {  	p1 =	slt.u32 s9, $0xF7A;
	s5 =	simm.s32 @!p2 $0x0  }
0x1d: {  	s5 =	simm.s32 @p1 $0x1;
	p0 =	seq.s32 s7, s2  }
0x1e: {  	s7 =	smul.u32 @!p0 $0xF7A, s2;
	p2 =	seq.s32 @!p0 s5, $0x0  }
0x1f: {  	s9 =	smul.u32 $0xF7A, s1;
	s8 =	simm.s32 @!p0 $0x1BF5;
	p2 =	por !p2, p0  }
0x20: {  	[sflag:s8] =	ssyncset.s32 @!p0 $0xFFFFF086;
	s6 =	sadd.s32 @!p0 s3, s7;
	s7 =	simm.s32 @!p0 $0x108  }
0x21: {  	s3 =	sadd.s32 s3, s9;
	s6 =	sadd.s32 @!p0 $0x88, s6;
	s7 =	simm.s32 @p2 $0x1082  }
0x22: {  	[simem:s7], [sflag:s8] =	dma.local @!p0 [hbm:s6], $0xF7A  }
0x23: {  	s9 =	sor.u32 $0xD0000000, s2;
	s6 =	simm.s32 $0x108;
	_ =	swait.ge @!p0 [sflag:s8], $0x0  }
0x24: {  	s3 =	sadd.s32 $0x88, s3;
	s6 =	simm.s32 @!p1 $0x1082;
	[sflag:s4] =	ssyncset.s32 $0xFFFFF086  }
0x25: {  	[simem:s6], [sflag:s4] =	dma.local [hbm:s3], $0xF7A  }
0x26: {  	[smem:$0x3F9B] =	sst s1;
	(tag) =	ssettag s2;
	_ =	strace s9  }
0x27: {  	s1 =	sld [smem:$0x3FAB]  }
0x28: {  	s2 =	sld [smem:$0x3FAC]  }
0x29: {  	s4 =	sld [smem:$0x3FAE]  }
0x2a: {  	p0 =	seq.s32 s5, $0x0;
	s5 =	sld [smem:$0x3FAF]  }
0x2b: {  	s6 =	sld [smem:$0x3FB0]  }
0x2c: {  	s7 =	sld [smem:$0x3FB1]  }
0x2d: {  	s3 =	simm.s32 $0x108;
	s8 =	sld [smem:$0x3FB2]  }
0x2e: {  	s3 =	simm.s32 @!p0 $0x1082;
	s9 =	sld [smem:$0x3FB3]  }
0x2f: {  	lr =	sadd.s32 s0, s3;
	s0 =	sld [smem:$0x3FAA]  }
0x30: {  	s3 =	sld [smem:$0x3FAD]  }
0x31: {  	[smem:$0x3FB6] =	sst s10  }
0x32: {  	s10 =	sld [smem:$0x3FB4];
	_ =	sdelay $0x3  }
0x33: {  	p0 =	seq.s32 s10, $0x1;
	s10 =	sld [smem:$0x3FB6];
	_ =	sdelay $0x3  }
0x34: {  	[smem:$0x3FB6] =	sst s10  }
0x35: {  	s10 =	sld [smem:$0x3FB5];
	_ =	sdelay $0x3  }
0x36: {  	p1 =	seq.s32 s10, $0x1;
	s10 =	sld [smem:$0x3FB6];
	_ =	sdelay $0x3  }
0x37: {  	[smem:$0x3FB6] =	sst s10  }
0x38: {  	s10 =	sld [smem:$0x3FB7]  }
0x39: {  	_ = 	snop;
	(pc) =	sbr.ind lr, $3  }
0x3a: {  	_ = 	snop  }
0x3b: {  	_ = 	snop  }
0x3c: {  	p2 =	seq.s32 s10, $0x1;
	s10 =	sld [smem:$0x3FB6]  }
0x3d: {  	_ =	shalt  }
0x3e: {  	_ =	shalt  }
0x3f: {  	_ =	shalt  }
0x40: {  	_ =	shalt  }
0x41: {  	_ =	shalt  }
0x42: {  	_ =	shalt  }
0x43: {  	_ =	shalt  }
0x44: {  	_ =	shalt  }
0x45: {  	_ =	shalt  }
0x46: {  	_ =	shalt  }
0x47: {  	_ =	shalt  }
0x48: {  	_ =	shalt  }
0x49: {  	_ =	shalt  }
0x4a: {  	_ =	shalt  }
0x4b: {  	_ =	shalt  }
0x4c: {  	_ =	shalt  }
0x4d: {  	_ =	shalt  }
0x4e: {  	_ =	shalt  }
0x4f: {  	_ =	shalt  }
0x50: {  	_ =	shalt  }
0x51: {  	_ =	shalt  }
0x52: {  	_ =	shalt  }
0x53: {  	_ =	shalt  }
0x54: {  	_ =	shalt  }
0x55: {  	_ =	shalt  }
0x56: {  	_ =	shalt  }
0x57: {  	_ =	shalt  }
0x58: {  	_ =	shalt  }
0x59: {  	_ =	shalt  }
0x5a: {  	_ =	shalt  }
0x5b: {  	_ =	shalt  }
0x5c: {  	_ =	shalt  }
0x5d: {  	_ =	shalt  }
0x5e: {  	_ =	shalt  }
0x5f: {  	_ =	shalt  }
0x60: {  	_ =	shalt  }
0x61: {  	_ =	shalt  }
0x62: {  	_ =	shalt  }
0x63: {  	_ =	shalt  }
0x64: {  	_ =	shalt  }
0x65: {  	_ =	shalt  }
0x66: {  	_ =	shalt  }
0x67: {  	_ =	shalt  }
0x68: {  	_ =	shalt  }
0x69: {  	_ =	shalt  }
0x6a: {  	_ =	shalt  }
0x6b: {  	_ =	shalt  }
0x6c: {  	_ =	shalt  }
0x6d: {  	_ =	shalt  }
0x6e: {  	_ =	shalt  }
0x6f: {  	_ =	shalt  }
0x70: {  	_ =	shalt  }
0x71: {  	_ =	shalt  }
0x72: {  	_ =	shalt  }
0x73: {  	_ =	shalt  }
0x74: {  	_ =	shalt  }
0x75: {  	_ =	shalt  }
0x76: {  	_ =	shalt  }
0x77: {  	_ =	shalt  }
0x78: {  	_ =	shalt  }
0x79: {  	_ =	shalt  }
0x7a: {  	_ =	shalt  }
0x7b: {  	_ =	shalt  }
0x7c: {  	_ =	shalt  }
0x7d: {  	_ =	shalt  }
0x7e: {  	_ =	shalt  }
0x7f: {  	_ =	shalt  }
0x80: {  	_ =	shalt  }
0x81: {  	_ =	shalt  }
0x82: {  	_ =	shalt  }
0x83: {  	_ =	shalt  }
0x84: {  	_ =	shalt  }
0x85: {  	_ =	shalt  }
0x86: {  	_ =	shalt  }
0x87: {  	_ =	shalt  }
.Lfunc_end0:
.L_simem_size_0:
called_computation.2_lowered:
.L_overlay_start_0:
0x88: {  	s2 =	sld [smem:$0x3FD9]  }
0x89: {  	s3 =	sld [smem:$0x3FFE];
	_ =	sdelay $0x1  }
0x8a: {  	s1 =	srdreg.scid  }
0x8b: {  	s0 =	sand.u32 $0x1, s1  }
0x8c: {  	s17 =	sshll.u32 s0, $0xA;
	s2 =	sadd.s32 s3, s2  }
0x8d: {  	s2 =	sadd.s32 s2, s17  }
0x8e: {  	[smem:$0x3FC2] =	sst s2  }
0x8f: {  	_ = 	snop  }
0x90: {  	s2 =	sld [smem:$0x3FD0];
	(tm) =	ssettm $0x1  }
0x91: {  	s18 =	sld [smem:$0x3FFB];
	_ =	sdelay $0x3  }
0x92: {  	_ =	strace s18  }
0x93: {  	s3 =	sld [smem:$0x3FFC];
	_ =	sdelay $0x3  }
0x94: {  	_ =	strace s3  }
0x95: {  	s3 =	sld [smem:$0x3FFD];
	_ =	sdelay $0x3  }
0x96: {  	_ =	strace s3  }
0x97: {  	_ =	strace $0x8FFFFFFF  }
0x98: {  	s19 =	sld [smem:$0x3FDB];
	_ =	sdelay $0x1  }
0x99: {  	s4 =	simm.s32 $_scs_section_size  }
0x9a: {  	s5 =	simm.s32 $_size__tile_overlayer_lowered;
	s6 =	simm.s32 $_tile_overlayer_lowered  }
0x9b: {  	s22 =	simm.s32 $0x1BFF;
	s21 =	sshll.u32 s6, $0x1;
	s3 =	sadd.s32 s4, s19  }
0x9c: {  	s7 =	simm.s32 $0x0;
	s20 =	sshll.u32 s5, $0x1;
	s5 =	sadd.s32 s21, s3  }
0x9d: {  	[timem:s7], [sflag:s22] =	dma.local [hbm:s5], s20  }
0x9e: {  	_ =	swait.ge [sflag:s22], s20  }
0x9f: {  	s4 =	ssub.s32 $0x0, s20;
	[sflag:s22] =	ssyncset.done $0x0  }
0xa0: {  	[sflag:s22] =	ssyncadd.s32 s4;
	_ =	sdelay $0x1  }
0xa1: {  	s23 =	simm.s32 $0x1B8B  }
0xa2: {  	_ =	swait.ge [sflag:s23], $0x1  }
0xa3: {  	[sflag:s23] =	ssyncset.done $0x0  }
0xa4: {  	s25 =	simm.s32 $0x1B8E;
	s24 =	sld [smem:$0x3FFE];
	[sflag:s23] =	ssyncadd.s32 $0xFFFFFFFF  }
0xa5: {  	s26 =	simm.s32 $execute0_lowered;
	[smem:$0x3FD2] =	sst s25  }
0xa6: {  	s5 =	sshll.u32 s26, $0x1;
	_ =	strace $0x8000004C;
	[dreg:$0x1] =	wrdreg $0xFFFFFFFF  }
0xa7: {  	s28 =	simm.s32 $_size_execute0_lowered;
	s3 =	sadd.s32 s3, s5;
	[dreg:$0x0] =	wrdreg $0x0  }
0xa8: {  	s5 =	sshll.u32 s28, $0x1;
	[dreg:$0x2] =	wrdreg s3  }
0xa9: {  	[dreg:$0x3] =	wrdreg s5  }
0xaa: {  	[dreg:$0x4] =	wrdreg $0xC0  }
0xab: {  	_ =	task [dreg:s7], $0x5FFFF  }
0xac: {  	[dreg:$0x1] =	wrdreg $0xFFFFFFFF  }
0xad: {  	[dreg:$0x0] =	wrdreg $0x60  }
0xae: {  	[dreg:$0x2] =	wrdreg s2  }
0xaf: {  	[dreg:$0x3] =	wrdreg s24  }
0xb0: {  	[dreg:$0x4] =	wrdreg $0x12C000  }
0xb1: {  	[dreg:$0x5] =	wrdreg $0x9  }
0xb2: {  	_ =	task.clear_ibuf [dreg:s7], $0x6FFFF;
	_ =	strace $0x9000004C  }
0xb3: {  	s29 =	simm.s32 $0x9;
	_ =	strace $0x8000004E  }
0xb4: {  	_ =	swait.ge [sflag:s29], $0x1  }
0xb5: {  	[sflag:s29] =	ssyncadd.s32 $0xFFFFFFFF  }
0xb6: {  	_ =	strace $0x9000004E  }
0xb7: {  	_ =	sfence  }
0xb8: {  	s30 =	sld [smem:$0x0];
	_ =	sdelay $0x2  }
0xb9: {  	s31 =	sshll.u32 s1, $0xD;
	s1 =	sshrl.u32 s1, $0x2  }
0xba: {  	s3 =	sand.u32 $0x4000, s31;
	s1 =	sadd.s32 s1, s30  }
0xbb: {  	s0 =	sor.u32 s3, s0;
	s1 =	sshll.u32 s1, $0x11  }
0xbc: {  	s0 =	sor.u32 s1, s0  }
0xbd: {  	s0 =	sadd.s32 $0x8F2B, s0  }
0xbe: {  	[sflag:s0] =	ssyncadd.remote.s32 $0x1  }
0xbf: {  	_ =	sfence.sel $0xFFFF  }
0xc0: {  	[dreg:$0x0] =	wrdreg $0xFFFFFFFF;
	(pc) =	sbr.abs _section_cstart, $3  }
0xc1: {  	[dreg:$0x1] =	wrdreg $0xFFFFFFFF  }
0xc2: {  	_ =	task.clear_ibuf [dreg:s7], $0x2FFFF;
	_ =	strace $0x9FFFFFFF  }
0xc3: {  	(tm) =	ssettm $0x7FFFFFFF  }
tec
execute0_lowered:
.L_overlay_start_1:
0x0: {  	(tag) =	ssettag $0x1  }
0x1: {  	s0 =	srdreg.scid;
	s1 =	rddreg [dreg:$0x0]  }
0x2: {  	s11 =	stileid.u32;
	s5 =	rddreg [dreg:$0x1]  }
0x3: {  	s3 =	rddreg [dreg:$0x2];
	s4 =	simm.s32 $0x0;
	s8 =	smul.u32 $0x2A000, s11  }
0x4: {  	s0 =	sand.u32 $0x1, s0;
	[smem:$0x7FF] =	sst s4;
	s10 =	smul.u32 $0xA800, s11  }
0x5: {  	s12 =	sadd.s32 $0x2000, s5;
	s23 =	smul.u32 $0x2800, s11;
	s2 =	sshll.u32 s0, $0x4  }
0x6: {  	_ =	strace $0x8000004D;
	s7 =	ssub.s32 $0x2, s0;
	[dreg:$0xc] =	wrdreg s12  }
0x7: {  	s2 =	sor.u32 s11, s2;
	s9 =	sshrl.u32 s7, $0x1;
	s8 =	sshrl.u32 s8, $0x2  }
0x8: {  	s18 =	sadd.s32 $0xA000, s10;
	s11 =	sadd.s32 $0x4000, s10;
	s2 =	smul.u32 $0x2800, s2  }
0x9: {  	s7 =	ssub.s32 s7, s9;
	s9 =	smul.u32 $0xA8000, s0;
	s13 =	sadd.s32 s8, s3  }
0xa: {  	s28 =	sadd.s32 s18, s3;
	s0 =	smul.u32 $0x28000, s0;
	[dreg:$0xe] =	wrdreg s13  }
0xb: {  	[dreg:$0xf] =	wrdreg s28;
	s2 =	sshrl.u32 s2, $0x3;
	s19 =	sadd.s32 s9, s18  }
0xc: {  	s25 =	sadd.s32 s9, s11;
	s6 =	sadd.s32 s2, s5;
	s14 =	sadd.s32 s12, s2  }
0xd: {  	s0 =	sadd.s32 s23, s0;
	s6 =	sadd.s32 $0xC000, s6;
	[dreg:$0x10] =	wrdreg s14  }
0xe: {  	s5 =	sadd.s32 $0x16000, s5;
	s20 =	sadd.s32 $0x10, s14;
	[dreg:$0xd] =	wrdreg s6  }
0xf: {  	s2 =	sshrl.u32 s19, $0x3;
	s21 =	sadd.s32 $0x20, s14;
	[dreg:$0x11] =	wrdreg s20  }
0x10: {  	s8 =	sor.u32 $0x700, s0;
	s2 =	sadd.s32 s5, s2;
	[dreg:$0x12] =	wrdreg s21  }
0x11: {  	s31 =	sor.u32 $0x680, s0;
	s30 =	sshrl.u32 s8, $0x3;
	[dreg:$0x13] =	wrdreg s2  }
0x12: {  	s15 =	sor.u32 $0x600, s0;
	s12 =	sshrl.u32 s31, $0x3;
	[dreg:$0x4] =	wrdreg s30  }
0x13: {  	s17 =	sor.u32 $0x580, s0;
	s16 =	sshrl.u32 s15, $0x3;
	[dreg:$0x5] =	wrdreg s12  }
0x14: {  	s23 =	sor.u32 $0x400, s0;
	s18 =	sshrl.u32 s17, $0x3;
	[dreg:$0x6] =	wrdreg s16  }
0x15: {  	s26 =	sshrl.u32 s25, $0x3;
	s25 =	sshrl.u32 s23, $0x3;
	[dreg:$0x7] =	wrdreg s18  }
0x16: {  	s15 =	sadd.s32 $0x40, s14;
	[dreg:$0xa] =	wrdreg s25  }
0x17: {  	s17 =	smax.u32 s7, $0x1;
	[dreg:$0x1a] =	wrdreg s15  }
0x18: {  	s19 =	sor.u32 $0x500, s0;
	s23 =	sadd.s32 $0x60, s14;
	[dreg:$0x1c] =	wrdreg s17  }
0x19: {  	s20 =	sshrl.u32 s19, $0x3;
	[smem:$0x7F8] =	sst s23  }
0x1a: {  	s16 =	sadd.s32 s10, s3;
	[dreg:$0x8] =	wrdreg s20  }
0x1b: {  	s22 =	sadd.s32 s9, s10;
	s19 =	sadd.s32 s11, s3;
	[dreg:$0x1b] =	wrdreg s16  }
0x1c: {  	s2 =	sshrl.u32 s22, $0x3;
	s25 =	sadd.s32 $0x2000, s13;
	[dreg:$0x1e] =	wrdreg s19  }
0x1d: {  	s21 =	sor.u32 $0x480, s0;
	s2 =	sadd.s32 s5, s2;
	[smem:$0x7FA] =	sst s25  }
0x1e: {  	s0 =	sor.u32 $0x780, s0;
	s22 =	sshrl.u32 s21, $0x3;
	[dreg:$0x14] =	wrdreg s2  }
0x1f: {  	s6 =	sadd.s32 $0x2000, s10;
	s0 =	sshrl.u32 s0, $0x3;
	[dreg:$0x9] =	wrdreg s22  }
0x20: {  	s30 =	sadd.s32 $0x8000, s10;
	s18 =	sadd.s32 s6, s3;
	[dreg:$0xb] =	wrdreg s0  }
0x21: {  	s24 =	sadd.s32 s9, s6;
	s21 =	sadd.s32 s30, s3;
	[dreg:$0x1d] =	wrdreg s18  }
0x22: {  	s2 =	sshrl.u32 s24, $0x3;
	[smem:$0x7F6] =	sst s21;
	s22 =	sadd.s32 $0x50, s14  }
0x23: {  	s24 =	sadd.s32 $0x6000, s10;
	s2 =	sadd.s32 s5, s2;
	[smem:$0x7F7] =	sst s22  }
0x24: {  	s29 =	simm.s32 $0x19;
	s20 =	sadd.s32 s24, s3;
	[dreg:$0x15] =	wrdreg s2  }
0x25: {  	s12 =	simm.s32 $0x80;
	s2 =	sadd.s32 s5, s26;
	[dreg:$0x1f] =	wrdreg s20  }
0x26: {  	s26 =	sadd.s32 s9, s24;
	s24 =	sadd.s32 $0x70, s14;
	[dreg:$0x16] =	wrdreg s2  }
0x27: {  	s9 =	sadd.s32 s9, s30;
	s30 =	sadd.s32 $0x6000, s13;
	[smem:$0x7F9] =	sst s24  }
0x28: {  	s31 =	sshrl.u32 s9, $0x3;
	s9 =	sadd.s32 $0x30, s14;
	[smem:$0x7FC] =	sst s30  }
0x29: {  	s8 =	sshrl.u32 s26, $0x3;
	s26 =	sadd.s32 $0x4000, s13;
	[dreg:$0x19] =	wrdreg s9  }
0x2a: {  	s23 =	simm.s32 $0xE;
	s8 =	sadd.s32 s5, s8;
	[smem:$0x7FB] =	sst s26  }
0x2b: {  	s0 =	simm.s32 $0x0;
	s5 =	sadd.s32 s5, s31;
	[dreg:$0x17] =	wrdreg s8  }
0x2c: {  	s21 =	simm.s32 $0xC;
	s31 =	sadd.s32 $0x8000, s13;
	[dreg:$0x18] =	wrdreg s5  }
0x2d: {  	v0 =	vimm.f32 $0.0e+00;
	s22 =	simm.s32 $0xD;
	s20 =	simm.s32 $0xB;
	[smem:$0x7FD] =	sst s31  }
.LBB2_1:
0x2e: {  	[smem:$0x7F5] =	sst s0  }
0x2f: {  	s24 =	rddreg [dreg:$0xd]  }
0x30: {  	[tilespmem:s4], [sflag:$0x19] =	stream.linear.gather [hbm4b:s24+s4], $0x2800, $0x38;
	[tilespmem:$0x1D400] =	vst v63  }
0x31: {  	_ =	swait.ge [sflag:s29], $0x2800  }
0x32: {  	[sflag:s29] =	ssyncset.done $0x0  }
0x33: {  	s25 =	simm.s32 $0x100;
	s24 =	simm.s32 $0x0;
	[sflag:s29] =	ssyncadd.s32 $0xFFFFD800  }
.LBB2_2:
0x34: {  	p0 =	sne.s32 s25, $0x7F00;
	[tilespmem:s24+$0x2C30] =	vst v0;
	s26 =	smov.u32 s25;
	s25 =	sadd.s32 $0x100, s25  }
.Ltmp0:
0x35: {  	[tilespmem:s24+$0x2C20] =	vst v0;
	(pc) =	sbr.rel @p0 .LBB2_2-.Ltmp0, $3  }
0x36: {  	[tilespmem:s24+$0x2C00] =	vst v0  }
0x37: {  	[tilespmem:s24+$0x2C10] =	vst v0;
	_ =	sdelay $0x1  }
0x38: {  	s24 =	sshra.s32 s26, $0x2  }
0x39: {  	[tilespmem:s24+$0x2C30] =	vst v0  }
0x3a: {  	[tilespmem:s24+$0x2C20] =	vst v0  }
0x3b: {  	[tilespmem:s24+$0x2C00] =	vst v0  }
0x3c: {  	[tilespmem:s24+$0x2C10] =	vst v0;
	s30 =	rddreg [dreg:$0xe];
	s7 =	simm.s32 $0x2C00  }
0x3d: {  	[spmem:s30] =	stream.linear.scatter [tilespmem:s7], [sflag:$0x19], $0x2000, $0x38;
	[tilespmem:$0x1D400] =	vst v63  }
0x3e: {  	_ =	swait.ge [sflag:s29], $0x2000  }
0x3f: {  	s31 =	sld [smem:$0x7FA]  }
0x40: {  	[sflag:s29] =	ssyncset.done $0x0  }
0x41: {  	[sflag:s29] =	ssyncadd.s32 $0xFFFFE000  }
0x42: {  	[spmem:s31] =	stream.linear.scatter [tilespmem:s7], [sflag:$0x19], $0x2000, $0x38;
	[tilespmem:$0x1D400] =	vst v63  }
0x43: {  	_ =	swait.ge [sflag:s29], $0x2000  }
0x44: {  	s0 =	sld [smem:$0x7FB]  }
0x45: {  	[sflag:s29] =	ssyncset.done $0x0  }
0x46: {  	[sflag:s29] =	ssyncadd.s32 $0xFFFFE000  }
0x47: {  	[spmem:s0] =	stream.linear.scatter [tilespmem:s7], [sflag:$0x19], $0x2000, $0x38;
	[tilespmem:$0x1D400] =	vst v63  }
0x48: {  	_ =	swait.ge [sflag:s29], $0x2000  }
0x49: {  	s2 =	sld [smem:$0x7FC]  }
0x4a: {  	[sflag:s29] =	ssyncset.done $0x0  }
0x4b: {  	[sflag:s29] =	ssyncadd.s32 $0xFFFFE000  }
0x4c: {  	[spmem:s2] =	stream.linear.scatter [tilespmem:s7], [sflag:$0x19], $0x2000, $0x38;
	[tilespmem:$0x1D400] =	vst v63  }
0x4d: {  	_ =	swait.ge [sflag:s29], $0x2000  }
0x4e: {  	s5 =	sld [smem:$0x7FD]  }
0x4f: {  	[sflag:s29] =	ssyncset.done $0x0  }
0x50: {  	[sflag:s29] =	ssyncadd.s32 $0xFFFFE000  }
0x51: {  	[spmem:s5] =	stream.linear.scatter [tilespmem:s7], [sflag:$0x19], $0x2000, $0x38;
	[tilespmem:$0x1D400] =	vst v63  }
0x52: {  	_ =	swait.ge [sflag:s29], $0x2000  }
0x53: {  	[sflag:s29] =	ssyncset.done $0x0  }
0x54: {  	[sflag:s29] =	ssyncadd.s32 $0xFFFFE000  }
0x55: {  	[spmem:s28] =	stream.linear.scatter [tilespmem:s7], [sflag:$0x19], $0x800, $0x38;
	[tilespmem:$0x1D400] =	vst v63  }
0x56: {  	_ =	swait.ge [sflag:s29], $0x800  }
0x57: {  	[sflag:s29] =	ssyncset.done $0x0  }
0x58: {  	[sflag:s29] =	ssyncadd.s32 $0xFFFFF800  }
0x59: {  	[bflag:$0x0] =	sbarrier.arrive $0xFFFF  }
0x5a: {  	s24 =	simm.s32 $0x0;
	s18 =	simm.s32 $0x2800;
	s25 =	rddreg [dreg:$0x10]  }
0x5b: {  	[tilespmem:s18], [sflag:$0x11] =	stream.linear.gather [hbm4b:s25+s24], $0x80, $0x38;
	[tilespmem:$0x1D400] =	vst v63  }
0x5c: {  	_ = 	snop  }
0x5d: {  	[tilespmem:s7], [sflag:$0x1] =	stream.indirect.gather [hbm4b:s1+s12], $0x40, s24, s12, $0xb8;
	[tilespmem:$0x1D400] =	vst v63  }
0x5e: {  	s17 =	simm.s32 $0x2880;
	s6 =	rddreg [dreg:$0x11]  }
0x5f: {  	[tilespmem:s17], [sflag:$0x12] =	stream.linear.gather [hbm4b:s6+s24], $0x80, $0x38;
	[tilespmem:$0x1D400] =	vst v63  }
0x60: {  	s0 =	simm.s32 $0x4C00  }
0x61: {  	[tilespmem:s0], [sflag:$0x2] =	stream.indirect.gather [hbm4b:s1+s12], $0x40, s12, s12, $0xb8;
	[tilespmem:$0x1D400] =	vst v63  }
0x62: {  	s15 =	simm.s32 $0x2900;
	s8 =	rddreg [dreg:$0x12]  }
0x63: {  	[tilespmem:s15], [sflag:$0x13] =	stream.linear.gather [hbm4b:s8+s24], $0x80, $0x38;
	[tilespmem:$0x1D400] =	vst v63  }
0x64: {  	s9 =	simm.s32 $0x100;
	s16 =	simm.s32 $0x6C00  }
0x65: {  	[tilespmem:s16], [sflag:$0x3] =	stream.indirect.gather [hbm4b:s1+s12], $0x40, s9, s12, $0xb8;
	[tilespmem:$0x1D400] =	vst v63  }
0x66: {  	s13 =	simm.s32 $0x2980;
	s10 =	rddreg [dreg:$0x19]  }
0x67: {  	[tilespmem:s13], [sflag:$0x14] =	stream.linear.gather [hbm4b:s10+s24], $0x80, $0x38;
	[tilespmem:$0x1D400] =	vst v63  }
0x68: {  	s11 =	simm.s32 $0x180;
	s14 =	simm.s32 $0x8C00  }
0x69: {  	[tilespmem:s14], [sflag:$0x4] =	stream.indirect.gather [hbm4b:s1+s12], $0x40, s11, s12, $0xb8;
	[tilespmem:$0x1D400] =	vst v63  }
0x6a: {  	s19 =	rddreg [dreg:$0x1a];
	s10 =	simm.s32 $0x2A00  }
0x6b: {  	[tilespmem:s10], [sflag:$0x15] =	stream.linear.gather [hbm4b:s19+s24], $0x80, $0x38;
	[tilespmem:$0x1D400] =	vst v63  }
0x6c: {  	s26 =	simm.s32 $0x200;
	s28 =	sld [smem:$0x7F7];
	s11 =	simm.s32 $0xAC00  }
0x6d: {  	[tilespmem:s11], [sflag:$0x5] =	stream.indirect.gather [hbm4b:s1+s12], $0x40, s26, s12, $0xb8;
	[tilespmem:$0x1D400] =	vst v63  }
0x6e: {  	s8 =	simm.s32 $0x2A80  }
0x6f: {  	[tilespmem:s8], [sflag:$0x16] =	stream.linear.gather [hbm4b:s28+s24], $0x80, $0x38;
	[tilespmem:$0x1D400] =	vst v63  }
0x70: {  	s30 =	simm.s32 $0x280;
	s31 =	sld [smem:$0x7F8];
	s9 =	simm.s32 $0xCC00  }
0x71: {  	[tilespmem:s9], [sflag:$0x6] =	stream.indirect.gather [hbm4b:s1+s12], $0x40, s30, s12, $0xb8;
	[tilespmem:$0x1D400] =	vst v63  }
0x72: {  	s29 =	simm.s32 $0x2B00  }
0x73: {  	[tilespmem:s29], [sflag:$0x17] =	stream.linear.gather [hbm4b:s31+s24], $0x80, $0x38;
	[tilespmem:$0x1D400] =	vst v63  }
0x74: {  	s2 =	simm.s32 $0x300;
	s5 =	sld [smem:$0x7F9];
	s6 =	simm.s32 $0xEC00  }
0x75: {  	[tilespmem:s6], [sflag:$0x7] =	stream.indirect.gather [hbm4b:s1+s12], $0x40, s2, s12, $0xb8;
	[tilespmem:$0x1D400] =	vst v63  }
0x76: {  	s2 =	simm.s32 $0x2B80  }
0x77: {  	[tilespmem:s2], [sflag:$0x18] =	stream.linear.gather [hbm4b:s5+s24], $0x80, $0x38;
	[tilespmem:$0x1D400] =	vst v63  }
0x78: {  	s19 =	simm.s32 $0x380;
	s5 =	simm.s32 $0x10C00  }
0x79: {  	[tilespmem:s5], [sflag:$0x8] =	stream.indirect.gather [hbm4b:s1+s12], $0x40, s19, s12, $0xb8;
	[tilespmem:$0x1D400] =	vst v63  }
0x7a: {  	s19 =	simm.s32 $0x1  }
0x7b: {  	_ =	swait.ge [sflag:s19], $0x2000  }
0x7c: {  	[sflag:s19] =	ssyncset.done $0x0  }
0x7d: {  	s25 =	simm.s32 $0x11;
	[sflag:s19] =	ssyncadd.s32 $0xFFFFE000  }
0x7e: {  	_ =	swait.ge [sflag:s25], $0x80  }
0x7f: {  	[sflag:s25] =	ssyncset.done $0x0  }
0x80: {  	s26 =	simm.s32 $0x2;
	[sflag:s25] =	ssyncadd.s32 $0xFFFFFF80  }
0x81: {  	[spmem:s3] =	stream.indirect.scatter.add.f32 [tilespmem:s7], [sflag:$0x9], $0x40, s18, s12, $0xb8;
	[tilespmem:$0x1D400] =	vst v63  }
0x82: {  	_ =	swait.ge [sflag:s26], $0x2000  }
0x83: {  	[sflag:s26] =	ssyncset.done $0x0  }
0x84: {  	s28 =	simm.s32 $0x12;
	[sflag:s26] =	ssyncadd.s32 $0xFFFFE000  }
0x85: {  	_ =	swait.ge [sflag:s28], $0x80  }
0x86: {  	[sflag:s28] =	ssyncset.done $0x0  }
0x87: {  	s30 =	simm.s32 $0x3;
	[sflag:s28] =	ssyncadd.s32 $0xFFFFFF80  }
0x88: {  	[spmem:s3] =	stream.indirect.scatter.add.f32 [tilespmem:s0], [sflag:$0xA], $0x40, s17, s12, $0xb8;
	[tilespmem:$0x1D400] =	vst v63  }
0x89: {  	_ =	swait.ge [sflag:s30], $0x2000  }
0x8a: {  	[sflag:s30] =	ssyncset.done $0x0  }
0x8b: {  	s31 =	simm.s32 $0x13;
	[sflag:s30] =	ssyncadd.s32 $0xFFFFE000  }
0x8c: {  	_ =	swait.ge [sflag:s31], $0x80  }
0x8d: {  	[sflag:s31] =	ssyncset.done $0x0  }
0x8e: {  	s24 =	simm.s32 $0x4;
	[sflag:s31] =	ssyncadd.s32 $0xFFFFFF80  }
0x8f: {  	[spmem:s3] =	stream.indirect.scatter.add.f32 [tilespmem:s16], [sflag:$0xB], $0x40, s15, s12, $0xb8;
	[tilespmem:$0x1D400] =	vst v63  }
0x90: {  	_ =	swait.ge [sflag:s24], $0x2000  }
0x91: {  	[sflag:s24] =	ssyncset.done $0x0  }
0x92: {  	s25 =	simm.s32 $0x14;
	[sflag:s24] =	ssyncadd.s32 $0xFFFFE000  }
0x93: {  	_ =	swait.ge [sflag:s25], $0x80  }
0x94: {  	[sflag:s25] =	ssyncset.done $0x0  }
0x95: {  	s26 =	simm.s32 $0x5;
	[sflag:s25] =	ssyncadd.s32 $0xFFFFFF80  }
0x96: {  	[spmem:s3] =	stream.indirect.scatter.add.f32 [tilespmem:s14], [sflag:$0xC], $0x40, s13, s12, $0xb8;
	[tilespmem:$0x1D400] =	vst v63  }
0x97: {  	_ =	swait.ge [sflag:s26], $0x2000  }
0x98: {  	[sflag:s26] =	ssyncset.done $0x0  }
0x99: {  	s28 =	simm.s32 $0x15;
	[sflag:s26] =	ssyncadd.s32 $0xFFFFE000  }
0x9a: {  	_ =	swait.ge [sflag:s28], $0x80  }
0x9b: {  	[sflag:s28] =	ssyncset.done $0x0  }
0x9c: {  	s30 =	simm.s32 $0x6;
	[sflag:s28] =	ssyncadd.s32 $0xFFFFFF80  }
0x9d: {  	[spmem:s3] =	stream.indirect.scatter.add.f32 [tilespmem:s11], [sflag:$0xD], $0x40, s10, s12, $0xb8;
	[tilespmem:$0x1D400] =	vst v63  }
0x9e: {  	_ =	swait.ge [sflag:s30], $0x2000  }
0x9f: {  	[sflag:s30] =	ssyncset.done $0x0  }
0xa0: {  	s31 =	simm.s32 $0x16;
	[sflag:s30] =	ssyncadd.s32 $0xFFFFE000  }
0xa1: {  	_ =	swait.ge [sflag:s31], $0x80  }
0xa2: {  	[sflag:s31] =	ssyncset.done $0x0  }
0xa3: {  	s24 =	simm.s32 $0x7;
	[sflag:s31] =	ssyncadd.s32 $0xFFFFFF80  }
0xa4: {  	[spmem:s3] =	stream.indirect.scatter.add.f32 [tilespmem:s9], [sflag:$0xE], $0x40, s8, s12, $0xb8;
	[tilespmem:$0x1D400] =	vst v63  }
0xa5: {  	_ =	swait.ge [sflag:s24], $0x2000  }
0xa6: {  	[sflag:s24] =	ssyncset.done $0x0  }
0xa7: {  	s25 =	simm.s32 $0x17;
	[sflag:s24] =	ssyncadd.s32 $0xFFFFE000  }
0xa8: {  	_ =	swait.ge [sflag:s25], $0x80  }
0xa9: {  	[sflag:s25] =	ssyncset.done $0x0  }
0xaa: {  	s26 =	simm.s32 $0x8;
	[sflag:s25] =	ssyncadd.s32 $0xFFFFFF80  }
0xab: {  	[spmem:s3] =	stream.indirect.scatter.add.f32 [tilespmem:s6], [sflag:$0xF], $0x40, s29, s12, $0xb8;
	[tilespmem:$0x1D400] =	vst v63  }
0xac: {  	_ =	swait.ge [sflag:s26], $0x2000  }
0xad: {  	[sflag:s26] =	ssyncset.done $0x0  }
0xae: {  	s28 =	simm.s32 $0x18;
	[sflag:s26] =	ssyncadd.s32 $0xFFFFE000  }
0xaf: {  	_ =	swait.ge [sflag:s28], $0x80  }
0xb0: {  	[sflag:s28] =	ssyncset.done $0x0  }
0xb1: {  	s30 =	simm.s32 $0x9;
	[sflag:s28] =	ssyncadd.s32 $0xFFFFFF80  }
0xb2: {  	[spmem:s3] =	stream.indirect.scatter.add.f32 [tilespmem:s5], [sflag:$0x10], $0x40, s2, s12, $0xb8;
	[tilespmem:$0x1D400] =	vst v63  }
0xb3: {  	_ =	swait.ge [sflag:s30], $0x2000  }
0xb4: {  	[sflag:s30] =	ssyncset.done $0x0;
	s31 =	rddreg [dreg:$0xa]  }
0xb5: {  	s19 =	simm.s32 $0x400;
	s28 =	rddreg [dreg:$0xc];
	[sflag:s30] =	ssyncadd.s32 $0xFFFFE000  }
0xb6: {  	[tilespmem:s7], [sflag:$0x1] =	stream.indirect.gather [hbm4b:s1+s12], $0x40, s19, s12, $0xb8;
	[tilespmem:$0x1D400] =	vst v63  }
0xb7: {  	s25 =	simm.s32 $0xA;
	s24 =	sadd.s32 s28, s31  }
0xb8: {  	[tilespmem:s18], [sflag:$0x11] =	stream.linear.gather [hbm4b:s24+s4], $0x80, $0x38;
	[tilespmem:$0x1D400] =	vst v63  }
0xb9: {  	_ =	swait.ge [sflag:s25], $0x2000  }
0xba: {  	[sflag:s25] =	ssyncset.done $0x0  }
0xbb: {  	s30 =	simm.s32 $0x480;
	s26 =	rddreg [dreg:$0x9];
	[sflag:s25] =	ssyncadd.s32 $0xFFFFE000  }
0xbc: {  	[tilespmem:s0], [sflag:$0x2] =	stream.indirect.gather [hbm4b:s1+s12], $0x40, s30, s12, $0xb8;
	[tilespmem:$0x1D400] =	vst v63  }
0xbd: {  	s24 =	sadd.s32 s28, s26  }
0xbe: {  	[tilespmem:s17], [sflag:$0x12] =	stream.linear.gather [hbm4b:s24+s4], $0x80, $0x38;
	[tilespmem:$0x1D400] =	vst v63  }
0xbf: {  	_ =	swait.ge [sflag:s20], $0x2000  }
0xc0: {  	[sflag:s20] =	ssyncset.done $0x0  }
0xc1: {  	s0 =	simm.s32 $0x500;
	s31 =	rddreg [dreg:$0x8];
	[sflag:s20] =	ssyncadd.s32 $0xFFFFE000  }
0xc2: {  	[tilespmem:s16], [sflag:$0x3] =	stream.indirect.gather [hbm4b:s1+s12], $0x40, s0, s12, $0xb8;
	[tilespmem:$0x1D400] =	vst v63  }
0xc3: {  	s24 =	sadd.s32 s28, s31  }
0xc4: {  	[tilespmem:s15], [sflag:$0x13] =	stream.linear.gather [hbm4b:s24+s4], $0x80, $0x38;
	[tilespmem:$0x1D400] =	vst v63  }
0xc5: {  	_ =	swait.ge [sflag:s21], $0x2000  }
0xc6: {  	[sflag:s21] =	ssyncset.done $0x0  }
0xc7: {  	s7 =	simm.s32 $0x580;
	s2 =	rddreg [dreg:$0x7];
	[sflag:s21] =	ssyncadd.s32 $0xFFFFE000  }
0xc8: {  	[tilespmem:s14], [sflag:$0x4] =	stream.indirect.gather [hbm4b:s1+s12], $0x40, s7, s12, $0xb8;
	[tilespmem:$0x1D400] =	vst v63  }
0xc9: {  	s24 =	sadd.s32 s28, s2  }
0xca: {  	[tilespmem:s13], [sflag:$0x14] =	stream.linear.gather [hbm4b:s24+s4], $0x80, $0x38;
	[tilespmem:$0x1D400] =	vst v63  }
0xcb: {  	_ =	swait.ge [sflag:s22], $0x2000  }
0xcc: {  	[sflag:s22] =	ssyncset.done $0x0  }
0xcd: {  	s16 =	simm.s32 $0x600;
	s15 =	rddreg [dreg:$0x6];
	[sflag:s22] =	ssyncadd.s32 $0xFFFFE000  }
0xce: {  	[tilespmem:s11], [sflag:$0x5] =	stream.indirect.gather [hbm4b:s1+s12], $0x40, s16, s12, $0xb8;
	[tilespmem:$0x1D400] =	vst v63  }
0xcf: {  	s24 =	sadd.s32 s28, s15  }
0xd0: {  	[tilespmem:s10], [sflag:$0x15] =	stream.linear.gather [hbm4b:s24+s4], $0x80, $0x38;
	[tilespmem:$0x1D400] =	vst v63  }
0xd1: {  	_ =	swait.ge [sflag:s23], $0x2000  }
0xd2: {  	[sflag:s23] =	ssyncset.done $0x0  }
0xd3: {  	s18 =	simm.s32 $0x680;
	s17 =	rddreg [dreg:$0x5];
	[sflag:s23] =	ssyncadd.s32 $0xFFFFE000  }
0xd4: {  	[tilespmem:s9], [sflag:$0x6] =	stream.indirect.gather [hbm4b:s1+s12], $0x40, s18, s12, $0xb8;
	[tilespmem:$0x1D400] =	vst v63  }
0xd5: {  	s0 =	simm.s32 $0xF;
	s24 =	sadd.s32 s28, s17  }
0xd6: {  	[tilespmem:s8], [sflag:$0x16] =	stream.linear.gather [hbm4b:s24+s4], $0x80, $0x38;
	[tilespmem:$0x1D400] =	vst v63  }
0xd7: {  	_ =	swait.ge [sflag:s0], $0x2000  }
0xd8: {  	[sflag:s0] =	ssyncset.done $0x0  }
0xd9: {  	s26 =	simm.s32 $0x700;
	s19 =	rddreg [dreg:$0x4];
	[sflag:s0] =	ssyncadd.s32 $0xFFFFE000  }
0xda: {  	[tilespmem:s6], [sflag:$0x7] =	stream.indirect.gather [hbm4b:s1+s12], $0x40, s26, s12, $0xb8;
	[tilespmem:$0x1D400] =	vst v63  }
0xdb: {  	s2 =	simm.s32 $0x10;
	s24 =	sadd.s32 s28, s19  }
0xdc: {  	[tilespmem:s29], [sflag:$0x17] =	stream.linear.gather [hbm4b:s24+s4], $0x80, $0x38;
	[tilespmem:$0x1D400] =	vst v63  }
0xdd: {  	s25 =	sadd.s32 $0x80, s28;
	_ =	swait.ge [sflag:s2], $0x2000  }
0xde: {  	s31 =	simm.s32 $0x780;
	[sflag:s2] =	ssyncset.done $0x0;
	s30 =	rddreg [dreg:$0xb]  }
0xdf: {  	s24 =	simm.s32 $0x1000;
	[sflag:s2] =	ssyncadd.s32 $0xFFFFE000;
	s26 =	sadd.s32 s28, s30  }
0xe0: {  	[tilespmem:s5], [sflag:$0x8] =	stream.indirect.gather [hbm4b:s1+s12], $0x40, s31, s12, $0xb8;
	[tilespmem:$0x1D400] =	vst v63  }
.LBB2_4:
0xe1: {  	s28 =	simm.s32 $0x2B80;
	s5 =	simm.s32 $0x1  }
0xe2: {  	[tilespmem:s28], [sflag:$0x18] =	stream.linear.gather [hbm4b:s26+s4], $0x80, $0x38;
	[tilespmem:$0x1D400] =	vst v63  }
0xe3: {  	_ =	swait.ge [sflag:s5], $0x2000  }
0xe4: {  	[sflag:s5] =	ssyncset.done $0x0  }
0xe5: {  	s15 =	simm.s32 $0x11;
	[sflag:s5] =	ssyncadd.s32 $0xFFFFE000  }
0xe6: {  	_ =	swait.ge [sflag:s15], $0x80  }
0xe7: {  	s8 =	simm.s32 $0x2C00;
	[sflag:s15] =	ssyncset.done $0x0  }
0xe8: {  	s31 =	simm.s32 $0x2800;
	s16 =	simm.s32 $0x2;
	[sflag:s15] =	ssyncadd.s32 $0xFFFFFF80  }
0xe9: {  	[spmem:s3] =	stream.indirect.scatter.add.f32 [tilespmem:s8], [sflag:$0x9], $0x40, s31, s12, $0xb8;
	[tilespmem:$0x1D400] =	vst v63  }
0xea: {  	_ =	swait.ge [sflag:s16], $0x2000  }
0xeb: {  	[sflag:s16] =	ssyncset.done $0x0  }
0xec: {  	s17 =	simm.s32 $0x12;
	[sflag:s16] =	ssyncadd.s32 $0xFFFFE000  }
0xed: {  	_ =	swait.ge [sflag:s17], $0x80  }
0xee: {  	s30 =	simm.s32 $0x2880;
	[sflag:s17] =	ssyncset.done $0x0  }
0xef: {  	s6 =	simm.s32 $0x3;
	s5 =	simm.s32 $0x4C00;
	[sflag:s17] =	ssyncadd.s32 $0xFFFFFF80  }
0xf0: {  	[spmem:s3] =	stream.indirect.scatter.add.f32 [tilespmem:s5], [sflag:$0xA], $0x40, s30, s12, $0xb8;
	[tilespmem:$0x1D400] =	vst v63  }
0xf1: {  	_ =	swait.ge [sflag:s6], $0x2000  }
0xf2: {  	[sflag:s6] =	ssyncset.done $0x0  }
0xf3: {  	s18 =	simm.s32 $0x13;
	[sflag:s6] =	ssyncadd.s32 $0xFFFFE000  }
0xf4: {  	_ =	swait.ge [sflag:s18], $0x80  }
0xf5: {  	s19 =	simm.s32 $0x4;
	[sflag:s18] =	ssyncset.done $0x0  }
0xf6: {  	s17 =	simm.s32 $0x2900;
	[sflag:s18] =	ssyncadd.s32 $0xFFFFFF80;
	s18 =	simm.s32 $0x6C00  }
0xf7: {  	[spmem:s3] =	stream.indirect.scatter.add.f32 [tilespmem:s18], [sflag:$0xB], $0x40, s17, s12, $0xb8;
	[tilespmem:$0x1D400] =	vst v63  }
0xf8: {  	_ =	swait.ge [sflag:s19], $0x2000  }
0xf9: {  	[sflag:s19] =	ssyncset.done $0x0  }
0xfa: {  	s7 =	simm.s32 $0x14;
	[sflag:s19] =	ssyncadd.s32 $0xFFFFE000  }
0xfb: {  	_ =	swait.ge [sflag:s7], $0x80  }
0xfc: {  	s9 =	simm.s32 $0x5;
	[sflag:s7] =	ssyncset.done $0x0  }
0xfd: {  	s15 =	simm.s32 $0x2980;
	s16 =	simm.s32 $0x8C00;
	[sflag:s7] =	ssyncadd.s32 $0xFFFFFF80  }
0xfe: {  	[spmem:s3] =	stream.indirect.scatter.add.f32 [tilespmem:s16], [sflag:$0xC], $0x40, s15, s12, $0xb8;
	[tilespmem:$0x1D400] =	vst v63  }
0xff: {  	_ =	swait.ge [sflag:s9], $0x2000  }
0x100: {  	[sflag:s9] =	ssyncset.done $0x0  }
0x101: {  	s10 =	simm.s32 $0x15;
	[sflag:s9] =	ssyncadd.s32 $0xFFFFE000  }
0x102: {  	_ =	swait.ge [sflag:s10], $0x80  }
0x103: {  	s13 =	simm.s32 $0x2A00;
	[sflag:s10] =	ssyncset.done $0x0  }
0x104: {  	s14 =	simm.s32 $0xAC00;
	s11 =	simm.s32 $0x6;
	[sflag:s10] =	ssyncadd.s32 $0xFFFFFF80  }
0x105: {  	[spmem:s3] =	stream.indirect.scatter.add.f32 [tilespmem:s14], [sflag:$0xD], $0x40, s13, s12, $0xb8;
	[tilespmem:$0x1D400] =	vst v63  }
0x106: {  	_ =	swait.ge [sflag:s11], $0x2000  }
0x107: {  	[sflag:s11] =	ssyncset.done $0x0  }
0x108: {  	s19 =	simm.s32 $0x16;
	[sflag:s11] =	ssyncadd.s32 $0xFFFFE000  }
0x109: {  	_ =	swait.ge [sflag:s19], $0x80  }
0x10a: {  	s7 =	simm.s32 $0x7;
	[sflag:s19] =	ssyncset.done $0x0  }
0x10b: {  	s10 =	simm.s32 $0x2A80;
	s11 =	simm.s32 $0xCC00;
	[sflag:s19] =	ssyncadd.s32 $0xFFFFFF80  }
0x10c: {  	[spmem:s3] =	stream.indirect.scatter.add.f32 [tilespmem:s11], [sflag:$0xE], $0x40, s10, s12, $0xb8;
	[tilespmem:$0x1D400] =	vst v63  }
0x10d: {  	_ =	swait.ge [sflag:s7], $0x2000  }
0x10e: {  	[sflag:s7] =	ssyncset.done $0x0  }
0x10f: {  	s9 =	simm.s32 $0x17;
	[sflag:s7] =	ssyncadd.s32 $0xFFFFE000  }
0x110: {  	_ =	swait.ge [sflag:s9], $0x80  }
0x111: {  	[sflag:s9] =	ssyncset.done $0x0  }
0x112: {  	s19 =	simm.s32 $0x8;
	s7 =	simm.s32 $0xEC00;
	[sflag:s9] =	ssyncadd.s32 $0xFFFFFF80  }
0x113: {  	[spmem:s3] =	stream.indirect.scatter.add.f32 [tilespmem:s7], [sflag:$0xF], $0x40, s29, s12, $0xb8;
	[tilespmem:$0x1D400] =	vst v63  }
0x114: {  	_ =	swait.ge [sflag:s19], $0x2000  }
0x115: {  	[sflag:s19] =	ssyncset.done $0x0  }
0x116: {  	s9 =	simm.s32 $0x18;
	[sflag:s19] =	ssyncadd.s32 $0xFFFFE000  }
0x117: {  	_ =	swait.ge [sflag:s9], $0x80  }
0x118: {  	[sflag:s9] =	ssyncset.done $0x0  }
0x119: {  	s6 =	simm.s32 $0x10C00;
	[sflag:s9] =	ssyncadd.s32 $0xFFFFFF80;
	s9 =	simm.s32 $0x9  }
0x11a: {  	[spmem:s3] =	stream.indirect.scatter.add.f32 [tilespmem:s6], [sflag:$0x10], $0x40, s28, s12, $0xb8;
	[tilespmem:$0x1D400] =	vst v63  }
0x11b: {  	s26 =	smov.u32 s24;
	_ =	swait.ge [sflag:s9], $0x2000  }
0x11c: {  	s26 =	sshra.s32 s26, $0x2;
	[sflag:s9] =	ssyncset.done $0x0  }
0x11d: {  	s29 =	sadd.s32 $0x400, s26;
	s19 =	rddreg [dreg:$0xa];
	[sflag:s9] =	ssyncadd.s32 $0xFFFFE000  }
0x11e: {  	[tilespmem:s8], [sflag:$0x1] =	stream.indirect.gather [hbm4b:s1+s12], $0x40, s29, s12, $0xb8;
	[tilespmem:$0x1D400] =	vst v63  }
0x11f: {  	s28 =	sadd.s32 s25, s19;
	s8 =	simm.s32 $0xA  }
0x120: {  	[tilespmem:s31], [sflag:$0x11] =	stream.linear.gather [hbm4b:s28+s4], $0x80, $0x38;
	[tilespmem:$0x1D400] =	vst v63  }
0x121: {  	_ =	swait.ge [sflag:s8], $0x2000  }
0x122: {  	[sflag:s8] =	ssyncset.done $0x0  }
0x123: {  	s29 =	sadd.s32 $0x480, s26;
	s28 =	rddreg [dreg:$0x9];
	[sflag:s8] =	ssyncadd.s32 $0xFFFFE000  }
0x124: {  	[tilespmem:s5], [sflag:$0x2] =	stream.indirect.gather [hbm4b:s1+s12], $0x40, s29, s12, $0xb8;
	[tilespmem:$0x1D400] =	vst v63  }
0x125: {  	s28 =	sadd.s32 s25, s28  }
0x126: {  	[tilespmem:s30], [sflag:$0x12] =	stream.linear.gather [hbm4b:s28+s4], $0x80, $0x38;
	[tilespmem:$0x1D400] =	vst v63  }
0x127: {  	_ =	swait.ge [sflag:s20], $0x2000  }
0x128: {  	[sflag:s20] =	ssyncset.done $0x0  }
0x129: {  	s29 =	sadd.s32 $0x500, s26;
	s5 =	rddreg [dreg:$0x8];
	[sflag:s20] =	ssyncadd.s32 $0xFFFFE000  }
0x12a: {  	[tilespmem:s18], [sflag:$0x3] =	stream.indirect.gather [hbm4b:s1+s12], $0x40, s29, s12, $0xb8;
	[tilespmem:$0x1D400] =	vst v63  }
0x12b: {  	s28 =	sadd.s32 s25, s5  }
0x12c: {  	[tilespmem:s17], [sflag:$0x13] =	stream.linear.gather [hbm4b:s28+s4], $0x80, $0x38;
	[tilespmem:$0x1D400] =	vst v63  }
0x12d: {  	_ =	swait.ge [sflag:s21], $0x2000  }
0x12e: {  	[sflag:s21] =	ssyncset.done $0x0  }
0x12f: {  	s29 =	sadd.s32 $0x580, s26;
	s8 =	rddreg [dreg:$0x7];
	[sflag:s21] =	ssyncadd.s32 $0xFFFFE000  }
0x130: {  	[tilespmem:s16], [sflag:$0x4] =	stream.indirect.gather [hbm4b:s1+s12], $0x40, s29, s12, $0xb8;
	[tilespmem:$0x1D400] =	vst v63  }
0x131: {  	s28 =	sadd.s32 s25, s8  }
0x132: {  	[tilespmem:s15], [sflag:$0x14] =	stream.linear.gather [hbm4b:s28+s4], $0x80, $0x38;
	[tilespmem:$0x1D400] =	vst v63  }
0x133: {  	_ =	swait.ge [sflag:s22], $0x2000  }
0x134: {  	[sflag:s22] =	ssyncset.done $0x0  }
0x135: {  	s29 =	sadd.s32 $0x600, s26;
	s5 =	rddreg [dreg:$0x6];
	[sflag:s22] =	ssyncadd.s32 $0xFFFFE000  }
0x136: {  	[tilespmem:s14], [sflag:$0x5] =	stream.indirect.gather [hbm4b:s1+s12], $0x40, s29, s12, $0xb8;
	[tilespmem:$0x1D400] =	vst v63  }
0x137: {  	s28 =	sadd.s32 s25, s5  }
0x138: {  	[tilespmem:s13], [sflag:$0x15] =	stream.linear.gather [hbm4b:s28+s4], $0x80, $0x38;
	[tilespmem:$0x1D400] =	vst v63  }
0x139: {  	p0 =	sne.s32 s24, $0x8000;
	s24 =	sadd.s32 $0x1000, s24;
	_ =	swait.ge [sflag:s23], $0x2000  }
0x13a: {  	s9 =	simm.s32 $0x2C00;
	s19 =	simm.s32 $0x2800;
	[sflag:s23] =	ssyncset.done $0x0  }
0x13b: {  	s29 =	sadd.s32 $0x680, s26;
	s8 =	rddreg [dreg:$0x5];
	[sflag:s23] =	ssyncadd.s32 $0xFFFFE000  }
0x13c: {  	[tilespmem:s11], [sflag:$0x6] =	stream.indirect.gather [hbm4b:s1+s12], $0x40, s29, s12, $0xb8;
	[tilespmem:$0x1D400] =	vst v63  }
0x13d: {  	s31 =	simm.s32 $0x2880;
	s30 =	simm.s32 $0x6C00;
	s28 =	sadd.s32 s25, s8  }
0x13e: {  	[tilespmem:s10], [sflag:$0x16] =	stream.linear.gather [hbm4b:s28+s4], $0x80, $0x38;
	[tilespmem:$0x1D400] =	vst v63  }
0x13f: {  	s18 =	simm.s32 $0x2900;
	s17 =	simm.s32 $0x8C00;
	_ =	swait.ge [sflag:s0], $0x2000  }
0x140: {  	s16 =	simm.s32 $0x2980;
	s15 =	simm.s32 $0xAC00;
	[sflag:s0] =	ssyncset.done $0x0  }
0x141: {  	s29 =	sadd.s32 $0x700, s26;
	s5 =	rddreg [dreg:$0x4];
	[sflag:s0] =	ssyncadd.s32 $0xFFFFE000  }
0x142: {  	[tilespmem:s7], [sflag:$0x7] =	stream.indirect.gather [hbm4b:s1+s12], $0x40, s29, s12, $0xb8;
	[tilespmem:$0x1D400] =	vst v63  }
0x143: {  	s14 =	simm.s32 $0x2A00;
	s28 =	sadd.s32 s25, s5;
	s29 =	simm.s32 $0x2B00  }
0x144: {  	[tilespmem:s29], [sflag:$0x17] =	stream.linear.gather [hbm4b:s28+s4], $0x80, $0x38;
	[tilespmem:$0x1D400] =	vst v63  }
.Ltmp1:
0x145: {  	s13 =	simm.s32 $0xCC00;
	_ =	swait.ge [sflag:s2], $0x2000;
	(pc) =	sbr.rel @p0 .LBB2_4-.Ltmp1, $4  }
0x146: {  	s8 =	simm.s32 $0xEC00;
	s11 =	simm.s32 $0x2A80;
	[sflag:s2] =	ssyncset.done $0x0  }
0x147: {  	s26 =	sadd.s32 $0x780, s26;
	s10 =	rddreg [dreg:$0xb];
	[sflag:s2] =	ssyncadd.s32 $0xFFFFE000  }
0x148: {  	[tilespmem:s6], [sflag:$0x8] =	stream.indirect.gather [hbm4b:s1+s12], $0x40, s26, s12, $0xb8;
	[tilespmem:$0x1D400] =	vst v63  }
0x149: {  	s5 =	simm.s32 $0x10C00;
	s26 =	sadd.s32 s25, s10;
	s25 =	sadd.s32 $0x80, s25  }
0x14a: {  	s6 =	simm.s32 $0x2B80;
	s7 =	simm.s32 $0x1  }
0x14b: {  	[tilespmem:s6], [sflag:$0x18] =	stream.linear.gather [hbm4b:s26+s4], $0x80, $0x38;
	[tilespmem:$0x1D400] =	vst v63  }
0x14c: {  	_ =	swait.ge [sflag:s7], $0x2000  }
0x14d: {  	[sflag:s7] =	ssyncset.done $0x0  }
0x14e: {  	s10 =	simm.s32 $0x11;
	[sflag:s7] =	ssyncadd.s32 $0xFFFFE000  }
0x14f: {  	_ =	swait.ge [sflag:s10], $0x80  }
0x150: {  	[sflag:s10] =	ssyncset.done $0x0  }
0x151: {  	[sflag:s10] =	ssyncadd.s32 $0xFFFFFF80  }
0x152: {  	[spmem:s3] =	stream.indirect.scatter.add.f32 [tilespmem:s9], [sflag:$0x9], $0x40, s19, s12, $0xb8;
	[tilespmem:$0x1D400] =	vst v63  }
0x153: {  	s19 =	simm.s32 $0x2  }
0x154: {  	_ =	swait.ge [sflag:s19], $0x2000  }
0x155: {  	[sflag:s19] =	ssyncset.done $0x0  }
0x156: {  	s24 =	simm.s32 $0x12;
	[sflag:s19] =	ssyncadd.s32 $0xFFFFE000  }
0x157: {  	_ =	swait.ge [sflag:s24], $0x80  }
0x158: {  	[sflag:s24] =	ssyncset.done $0x0  }
0x159: {  	s25 =	simm.s32 $0x3;
	s9 =	simm.s32 $0x4C00;
	[sflag:s24] =	ssyncadd.s32 $0xFFFFFF80  }
0x15a: {  	[spmem:s3] =	stream.indirect.scatter.add.f32 [tilespmem:s9], [sflag:$0xA], $0x40, s31, s12, $0xb8;
	[tilespmem:$0x1D400] =	vst v63  }
0x15b: {  	_ =	swait.ge [sflag:s25], $0x2000  }
0x15c: {  	[sflag:s25] =	ssyncset.done $0x0  }
0x15d: {  	s26 =	simm.s32 $0x13;
	[sflag:s25] =	ssyncadd.s32 $0xFFFFE000  }
0x15e: {  	_ =	swait.ge [sflag:s26], $0x80  }
0x15f: {  	[sflag:s26] =	ssyncset.done $0x0  }
0x160: {  	s31 =	simm.s32 $0x4;
	[sflag:s26] =	ssyncadd.s32 $0xFFFFFF80  }
0x161: {  	[spmem:s3] =	stream.indirect.scatter.add.f32 [tilespmem:s30], [sflag:$0xB], $0x40, s18, s12, $0xb8;
	[tilespmem:$0x1D400] =	vst v63  }
0x162: {  	_ =	swait.ge [sflag:s31], $0x2000  }
0x163: {  	[sflag:s31] =	ssyncset.done $0x0  }
0x164: {  	s10 =	simm.s32 $0x14;
	[sflag:s31] =	ssyncadd.s32 $0xFFFFE000  }
0x165: {  	_ =	swait.ge [sflag:s10], $0x80  }
0x166: {  	[sflag:s10] =	ssyncset.done $0x0  }
0x167: {  	[sflag:s10] =	ssyncadd.s32 $0xFFFFFF80  }
0x168: {  	[spmem:s3] =	stream.indirect.scatter.add.f32 [tilespmem:s17], [sflag:$0xC], $0x40, s16, s12, $0xb8;
	[tilespmem:$0x1D400] =	vst v63  }
0x169: {  	s17 =	simm.s32 $0x5  }
0x16a: {  	_ =	swait.ge [sflag:s17], $0x2000  }
0x16b: {  	[sflag:s17] =	ssyncset.done $0x0  }
0x16c: {  	s18 =	simm.s32 $0x15;
	[sflag:s17] =	ssyncadd.s32 $0xFFFFE000  }
0x16d: {  	_ =	swait.ge [sflag:s18], $0x80  }
0x16e: {  	[sflag:s18] =	ssyncset.done $0x0  }
0x16f: {  	s19 =	simm.s32 $0x6;
	[sflag:s18] =	ssyncadd.s32 $0xFFFFFF80  }
0x170: {  	[spmem:s3] =	stream.indirect.scatter.add.f32 [tilespmem:s15], [sflag:$0xD], $0x40, s14, s12, $0xb8;
	[tilespmem:$0x1D400] =	vst v63  }
0x171: {  	_ =	swait.ge [sflag:s19], $0x2000  }
0x172: {  	[sflag:s19] =	ssyncset.done $0x0  }
0x173: {  	s24 =	simm.s32 $0x16;
	[sflag:s19] =	ssyncadd.s32 $0xFFFFE000  }
0x174: {  	_ =	swait.ge [sflag:s24], $0x80  }
0x175: {  	[sflag:s24] =	ssyncset.done $0x0  }
0x176: {  	s25 =	simm.s32 $0x7;
	[sflag:s24] =	ssyncadd.s32 $0xFFFFFF80  }
0x177: {  	[spmem:s3] =	stream.indirect.scatter.add.f32 [tilespmem:s13], [sflag:$0xE], $0x40, s11, s12, $0xb8;
	[tilespmem:$0x1D400] =	vst v63  }
0x178: {  	_ =	swait.ge [sflag:s25], $0x2000  }
0x179: {  	[sflag:s25] =	ssyncset.done $0x0  }
0x17a: {  	s26 =	simm.s32 $0x17;
	[sflag:s25] =	ssyncadd.s32 $0xFFFFE000  }
0x17b: {  	_ =	swait.ge [sflag:s26], $0x80  }
0x17c: {  	[sflag:s26] =	ssyncset.done $0x0  }
0x17d: {  	s30 =	simm.s32 $0x8;
	[sflag:s26] =	ssyncadd.s32 $0xFFFFFF80  }
0x17e: {  	[spmem:s3] =	stream.indirect.scatter.add.f32 [tilespmem:s8], [sflag:$0xF], $0x40, s29, s12, $0xb8;
	[tilespmem:$0x1D400] =	vst v63  }
0x17f: {  	_ =	swait.ge [sflag:s30], $0x2000  }
0x180: {  	[sflag:s30] =	ssyncset.done $0x0  }
0x181: {  	s31 =	simm.s32 $0x18;
	[sflag:s30] =	ssyncadd.s32 $0xFFFFE000  }
0x182: {  	_ =	swait.ge [sflag:s31], $0x80  }
0x183: {  	[sflag:s31] =	ssyncset.done $0x0  }
0x184: {  	s8 =	simm.s32 $0x9;
	[sflag:s31] =	ssyncadd.s32 $0xFFFFFF80  }
0x185: {  	[spmem:s3] =	stream.indirect.scatter.add.f32 [tilespmem:s5], [sflag:$0x10], $0x40, s6, s12, $0xb8;
	[tilespmem:$0x1D400] =	vst v63  }
0x186: {  	_ =	swait.ge [sflag:s8], $0x2000  }
0x187: {  	[sflag:s8] =	ssyncset.done $0x0  }
0x188: {  	s10 =	simm.s32 $0xA;
	[sflag:s8] =	ssyncadd.s32 $0xFFFFE000  }
0x189: {  	_ =	swait.ge [sflag:s10], $0x2000  }
0x18a: {  	[sflag:s10] =	ssyncset.done $0x0  }
0x18b: {  	[sflag:s10] =	ssyncadd.s32 $0xFFFFE000  }
0x18c: {  	_ =	swait.ge [sflag:s20], $0x2000  }
0x18d: {  	[sflag:s20] =	ssyncset.done $0x0  }
0x18e: {  	[sflag:s20] =	ssyncadd.s32 $0xFFFFE000  }
0x18f: {  	_ =	swait.ge [sflag:s21], $0x2000  }
0x190: {  	[sflag:s21] =	ssyncset.done $0x0  }
0x191: {  	[sflag:s21] =	ssyncadd.s32 $0xFFFFE000  }
0x192: {  	_ =	swait.ge [sflag:s22], $0x2000  }
0x193: {  	[sflag:s22] =	ssyncset.done $0x0  }
0x194: {  	[sflag:s22] =	ssyncadd.s32 $0xFFFFE000  }
0x195: {  	_ =	swait.ge [sflag:s23], $0x2000  }
0x196: {  	[sflag:s23] =	ssyncset.done $0x0  }
0x197: {  	[sflag:s23] =	ssyncadd.s32 $0xFFFFE000  }
0x198: {  	_ =	swait.ge [sflag:s0], $0x2000  }
0x199: {  	[sflag:s0] =	ssyncset.done $0x0  }
0x19a: {  	[sflag:s0] =	ssyncadd.s32 $0xFFFFE000  }
0x19b: {  	_ =	swait.ge [sflag:s2], $0x2000  }
0x19c: {  	[sflag:s2] =	ssyncset.done $0x0  }
0x19d: {  	[sflag:s2] =	ssyncadd.s32 $0xFFFFE000  }
0x19e: {  	[bflag:$0x0] =	sbarrier.arrive $0xFFFF  }
0x19f: {  	s29 =	simm.s32 $0x19;
	s24 =	rddreg [dreg:$0x1b]  }
0x1a0: {  	[tilespmem:s9], [sflag:$0x19] =	stream.linear.gather [spmem:s24], $0x2000, $0x38;
	[tilespmem:$0x1D400] =	vst v63  }
0x1a1: {  	_ =	swait.ge [sflag:s29], $0x2000  }
0x1a2: {  	[sflag:s29] =	ssyncset.done $0x0  }
0x1a3: {  	s11 =	rddreg [dreg:$0x14];
	[sflag:s29] =	ssyncadd.s32 $0xFFFFE000  }
0x1a4: {  	[hbm4b:s11+s4] =	stream.linear.scatter [tilespmem:s9], [sflag:$0x19], $0x2000, $0x38;
	[tilespmem:$0x1D400] =	vst v63  }
0x1a5: {  	_ =	swait.ge [sflag:s29], $0x2000  }
0x1a6: {  	[sflag:s29] =	ssyncset.done $0x0  }
0x1a7: {  	s13 =	rddreg [dreg:$0x1d];
	[sflag:s29] =	ssyncadd.s32 $0xFFFFE000  }
0x1a8: {  	[tilespmem:s9], [sflag:$0x19] =	stream.linear.gather [spmem:s13], $0x2000, $0x38;
	[tilespmem:$0x1D400] =	vst v63  }
0x1a9: {  	_ =	swait.ge [sflag:s29], $0x2000  }
0x1aa: {  	[sflag:s29] =	ssyncset.done $0x0  }
0x1ab: {  	s14 =	rddreg [dreg:$0x15];
	[sflag:s29] =	ssyncadd.s32 $0xFFFFE000  }
0x1ac: {  	[hbm4b:s14+s4] =	stream.linear.scatter [tilespmem:s9], [sflag:$0x19], $0x2000, $0x38;
	[tilespmem:$0x1D400] =	vst v63  }
0x1ad: {  	_ =	swait.ge [sflag:s29], $0x2000  }
0x1ae: {  	[sflag:s29] =	ssyncset.done $0x0  }
0x1af: {  	s15 =	rddreg [dreg:$0x1e];
	[sflag:s29] =	ssyncadd.s32 $0xFFFFE000  }
0x1b0: {  	[tilespmem:s9], [sflag:$0x19] =	stream.linear.gather [spmem:s15], $0x2000, $0x38;
	[tilespmem:$0x1D400] =	vst v63  }
0x1b1: {  	_ =	swait.ge [sflag:s29], $0x2000  }
0x1b2: {  	[sflag:s29] =	ssyncset.done $0x0  }
0x1b3: {  	s16 =	rddreg [dreg:$0x16];
	[sflag:s29] =	ssyncadd.s32 $0xFFFFE000  }
0x1b4: {  	[hbm4b:s16+s4] =	stream.linear.scatter [tilespmem:s9], [sflag:$0x19], $0x2000, $0x38;
	[tilespmem:$0x1D400] =	vst v63  }
0x1b5: {  	_ =	swait.ge [sflag:s29], $0x2000  }
0x1b6: {  	[sflag:s29] =	ssyncset.done $0x0  }
0x1b7: {  	s17 =	rddreg [dreg:$0x1f];
	[sflag:s29] =	ssyncadd.s32 $0xFFFFE000  }
0x1b8: {  	[tilespmem:s9], [sflag:$0x19] =	stream.linear.gather [spmem:s17], $0x2000, $0x38;
	[tilespmem:$0x1D400] =	vst v63  }
0x1b9: {  	_ =	swait.ge [sflag:s29], $0x2000  }
0x1ba: {  	[sflag:s29] =	ssyncset.done $0x0  }
0x1bb: {  	s18 =	rddreg [dreg:$0x17];
	[sflag:s29] =	ssyncadd.s32 $0xFFFFE000  }
0x1bc: {  	[hbm4b:s18+s4] =	stream.linear.scatter [tilespmem:s9], [sflag:$0x19], $0x2000, $0x38;
	[tilespmem:$0x1D400] =	vst v63  }
0x1bd: {  	_ =	swait.ge [sflag:s29], $0x2000  }
0x1be: {  	s19 =	sld [smem:$0x7F6]  }
0x1bf: {  	[sflag:s29] =	ssyncset.done $0x0  }
0x1c0: {  	[sflag:s29] =	ssyncadd.s32 $0xFFFFE000  }
0x1c1: {  	[tilespmem:s9], [sflag:$0x19] =	stream.linear.gather [spmem:s19], $0x2000, $0x38;
	[tilespmem:$0x1D400] =	vst v63  }
0x1c2: {  	_ =	swait.ge [sflag:s29], $0x2000  }
0x1c3: {  	[sflag:s29] =	ssyncset.done $0x0  }
0x1c4: {  	s25 =	rddreg [dreg:$0x18];
	[sflag:s29] =	ssyncadd.s32 $0xFFFFE000  }
0x1c5: {  	[hbm4b:s25+s4] =	stream.linear.scatter [tilespmem:s9], [sflag:$0x19], $0x2000, $0x38;
	[tilespmem:$0x1D400] =	vst v63  }
0x1c6: {  	_ =	swait.ge [sflag:s29], $0x2000  }
0x1c7: {  	[sflag:s29] =	ssyncset.done $0x0  }
0x1c8: {  	s28 =	rddreg [dreg:$0xf];
	[sflag:s29] =	ssyncadd.s32 $0xFFFFE000  }
0x1c9: {  	[tilespmem:s9], [sflag:$0x19] =	stream.linear.gather [spmem:s28], $0x800, $0x38;
	[tilespmem:$0x1D400] =	vst v63  }
0x1ca: {  	_ =	swait.ge [sflag:s29], $0x800  }
0x1cb: {  	[sflag:s29] =	ssyncset.done $0x0  }
0x1cc: {  	s26 =	rddreg [dreg:$0x13];
	[sflag:s29] =	ssyncadd.s32 $0xFFFFF800  }
0x1cd: {  	[hbm4b:s26+s4] =	stream.linear.scatter [tilespmem:s9], [sflag:$0x19], $0x800, $0x38;
	[tilespmem:$0x1D400] =	vst v63  }
0x1ce: {  	_ =	swait.ge [sflag:s29], $0x800  }
0x1cf: {  	s30 =	sld [smem:$0x7F5];
	_ =	sdelay $0x2  }
0x1d0: {  	s31 =	rddreg [dreg:$0x1c];
	s0 =	sadd.s32 $0x1, s30  }
0x1d1: {  	p0 =	sne.s32 s0, s31  }
.Ltmp2:
0x1d2: {  	_ = 	snop;
	(pc) =	sbr.rel @p0 .LBB2_1-.Ltmp2, $3  }
0x1d3: {  	_ =	sdelay $0x1  }
0x1d4: {  	[sflag:s29] =	ssyncset.done $0x0  }
0x1d5: {  	[sflag:s29] =	ssyncadd.s32 $0xFFFFF800  }
0x1d6: {  	_ =	sfence.sel $0x180000  }
0x1d7: {  	[bflag:$0x0] =	sbarrier.arrive $0xFFFF  }
0x1d8: {  	_ =	strace $0x9000004D  }
0x1d9: {  	s0 =	stileid.u32;
	[bflag:$0x2] =	sbarrier.arrive $0xFFFF  }
0x1da: {  	p0 =	sne.s32 s0, $0x0;
	s0 =	rddreg [dreg:$0x3]  }
0x1db: {  	s0 =	sadd.s32 @!p0 $0x100000, s0  }
0x1dc: {  	[sflag:s0] =	ssyncadd.tile.s32 @!p0 $0x1;
	_ =	shalt  }
.Lfunc_end2:
_tile_overlayer_lowered:
.L_overlay_start_2:
0x1dd: {  	(tag) =	ssettag $0x2  }
0x1de: {  	s0 =	rddreg [dreg:$0x0];
	s2 =	stileid.u32  }
0x1df: {  	s1 =	rddreg [dreg:$0x1];
	p0 =	sne.s32 s2, $0x0  }
0x1e0: {  	s3 =	rddreg [dreg:$0x2];
	[bflag:$0x3] =	sbarrier.arrive $0xFFFF;
	s2 =	simm.s32 @!p0 $0x1C19  }
0x1e1: {  	[timem:s3], [sflag:s2] =	dma.local @!p0 [hbm:s0], s1  }
0x1e2: {  	s0 =	simm.s32 @!p0 $0x19  }
0x1e3: {  	_ =	swait.ge @!p0 [sflag:s0], s1  }
0x1e4: {  	s1 =	ssub.s32 @!p0 $0x0, s1;
	[sflag:s0] =	ssyncset.done @!p0 $0x0  }
0x1e5: {  	[sflag:s0] =	ssyncadd.s32 @!p0 s1  }
0x1e6: {  	[bflag:$0x3] =	sbarrier.arrive $0xFFFF  }
0x1e7: {  	_ =	shalt  }

// kernel: kernel.8.cloned.1.call-start
scs
__scs_entry_jumppad:
0x0: {  	(pc) =	sbr.rel $0x88, $3  }
0x1: {  	(tag) =	ssettag $0x0;
	lr =	simm.s32 $0x1  }
0x2: {  	[smem:$0x3F9B] =	sst lr;
	_ =	strace $0xD0000000  }
0x3: {  	_ = 	snop  }
0x4: {  	_ = 	snop  }
0x5: {  	_ = 	snop  }
0x6: {  	_ = 	snop  }
0x7: {  	_ = 	snop  }
__scs_overlays_trampoline_lowered:
0x8: {  	[smem:$0x3FAA] =	sst s0  }
0x9: {  	[smem:$0x3FAB] =	sst s1  }
0xa: {  	[smem:$0x3FAC] =	sst s2  }
0xb: {  	[smem:$0x3FAD] =	sst s3  }
0xc: {  	[smem:$0x3FAE] =	sst s4  }
0xd: {  	[smem:$0x3FAF] =	sst s5  }
0xe: {  	[smem:$0x3FB0] =	sst s6  }
0xf: {  	[smem:$0x3FB1] =	sst s7  }
0x10: {  	[smem:$0x3FB2] =	sst s8  }
0x11: {  	[smem:$0x3FB3] =	sst s9;
	s0 =	simm.s32 @!p0 $0x0  }
0x12: {  	s1 =	sld [smem:$0x3F99];
	s0 =	simm.s32 @p0 $0x1  }
0x13: {  	[smem:$0x3FB4] =	sst s0;
	s0 =	simm.s32 @!p1 $0x0  }
0x14: {  	s2 =	sld [smem:$0x3F98];
	s0 =	simm.s32 @p1 $0x1  }
0x15: {  	[smem:$0x3FB5] =	sst s0;
	s0 =	simm.s32 @!p2 $0x0  }
0x16: {  	s3 =	sld [smem:$0x3FDB];
	s0 =	simm.s32 @p2 $0x1  }
0x17: {  	s4 =	simm.s32 $0x1BF5;
	[smem:$0x3FB7] =	sst s0  }
0x18: {  	s0 =	sld [smem:$0x3F9A];
	_ =	swait.ge [sflag:s4], $0x0  }
0x19: {  	s7 =	sld [smem:$0x3F9B]  }
0x1a: {  	s8 =	sadd.s32 $0xFFFFE003, lr  }
0x1b: {  	s9 =	sadd.s32 $0xFFFFFEF7, lr;
	s5 =	simm.s32 $0xFFFFFFFF;
	p2 =	slt.u32 s8, $0xFFFFF086  }
0x1c: {  	p1 =	slt.u32 s9, $0xF7A;
	s5 =	simm.s32 @!p2 $0x0  }
0x1d: {  	s5 =	simm.s32 @p1 $0x1;
	p0 =	seq.s32 s7, s2  }
0x1e: {  	s7 =	smul.u32 @!p0 $0xF7A, s2;
	p2 =	seq.s32 @!p0 s5, $0x0  }
0x1f: {  	s9 =	smul.u32 $0xF7A, s1;
	s8 =	simm.s32 @!p0 $0x1BF5;
	p2 =	por !p2, p0  }
0x20: {  	[sflag:s8] =	ssyncset.s32 @!p0 $0xFFFFF086;
	s6 =	sadd.s32 @!p0 s3, s7;
	s7 =	simm.s32 @!p0 $0x108  }
0x21: {  	s3 =	sadd.s32 s3, s9;
	s6 =	sadd.s32 @!p0 $0x88, s6;
	s7 =	simm.s32 @p2 $0x1082  }
0x22: {  	[simem:s7], [sflag:s8] =	dma.local @!p0 [hbm:s6], $0xF7A  }
0x23: {  	s9 =	sor.u32 $0xD0000000, s2;
	s6 =	simm.s32 $0x108;
	_ =	swait.ge @!p0 [sflag:s8], $0x0  }
0x24: {  	s3 =	sadd.s32 $0x88, s3;
	s6 =	simm.s32 @!p1 $0x1082;
	[sflag:s4] =	ssyncset.s32 $0xFFFFF086  }
0x25: {  	[simem:s6], [sflag:s4] =	dma.local [hbm:s3], $0xF7A  }
0x26: {  	[smem:$0x3F9B] =	sst s1;
	(tag) =	ssettag s2;
	_ =	strace s9  }
0x27: {  	s1 =	sld [smem:$0x3FAB]  }
0x28: {  	s2 =	sld [smem:$0x3FAC]  }
0x29: {  	s4 =	sld [smem:$0x3FAE]  }
0x2a: {  	p0 =	seq.s32 s5, $0x0;
	s5 =	sld [smem:$0x3FAF]  }
0x2b: {  	s6 =	sld [smem:$0x3FB0]  }
0x2c: {  	s7 =	sld [smem:$0x3FB1]  }
0x2d: {  	s3 =	simm.s32 $0x108;
	s8 =	sld [smem:$0x3FB2]  }
0x2e: {  	s3 =	simm.s32 @!p0 $0x1082;
	s9 =	sld [smem:$0x3FB3]  }
0x2f: {  	lr =	sadd.s32 s0, s3;
	s0 =	sld [smem:$0x3FAA]  }
0x30: {  	s3 =	sld [smem:$0x3FAD]  }
0x31: {  	[smem:$0x3FB6] =	sst s10  }
0x32: {  	s10 =	sld [smem:$0x3FB4];
	_ =	sdelay $0x3  }
0x33: {  	p0 =	seq.s32 s10, $0x1;
	s10 =	sld [smem:$0x3FB6];
	_ =	sdelay $0x3  }
0x34: {  	[smem:$0x3FB6] =	sst s10  }
0x35: {  	s10 =	sld [smem:$0x3FB5];
	_ =	sdelay $0x3  }
0x36: {  	p1 =	seq.s32 s10, $0x1;
	s10 =	sld [smem:$0x3FB6];
	_ =	sdelay $0x3  }
0x37: {  	[smem:$0x3FB6] =	sst s10  }
0x38: {  	s10 =	sld [smem:$0x3FB7]  }
0x39: {  	_ = 	snop;
	(pc) =	sbr.ind lr, $3  }
0x3a: {  	_ = 	snop  }
0x3b: {  	_ = 	snop  }
0x3c: {  	p2 =	seq.s32 s10, $0x1;
	s10 =	sld [smem:$0x3FB6]  }
0x3d: {  	_ =	shalt  }
0x3e: {  	_ =	shalt  }
0x3f: {  	_ =	shalt  }
0x40: {  	_ =	shalt  }
0x41: {  	_ =	shalt  }
0x42: {  	_ =	shalt  }
0x43: {  	_ =	shalt  }
0x44: {  	_ =	shalt  }
0x45: {  	_ =	shalt  }
0x46: {  	_ =	shalt  }
0x47: {  	_ =	shalt  }
0x48: {  	_ =	shalt  }
0x49: {  	_ =	shalt  }
0x4a: {  	_ =	shalt  }
0x4b: {  	_ =	shalt  }
0x4c: {  	_ =	shalt  }
0x4d: {  	_ =	shalt  }
0x4e: {  	_ =	shalt  }
0x4f: {  	_ =	shalt  }
0x50: {  	_ =	shalt  }
0x51: {  	_ =	shalt  }
0x52: {  	_ =	shalt  }
0x53: {  	_ =	shalt  }
0x54: {  	_ =	shalt  }
0x55: {  	_ =	shalt  }
0x56: {  	_ =	shalt  }
0x57: {  	_ =	shalt  }
0x58: {  	_ =	shalt  }
0x59: {  	_ =	shalt  }
0x5a: {  	_ =	shalt  }
0x5b: {  	_ =	shalt  }
0x5c: {  	_ =	shalt  }
0x5d: {  	_ =	shalt  }
0x5e: {  	_ =	shalt  }
0x5f: {  	_ =	shalt  }
0x60: {  	_ =	shalt  }
0x61: {  	_ =	shalt  }
0x62: {  	_ =	shalt  }
0x63: {  	_ =	shalt  }
0x64: {  	_ =	shalt  }
0x65: {  	_ =	shalt  }
0x66: {  	_ =	shalt  }
0x67: {  	_ =	shalt  }
0x68: {  	_ =	shalt  }
0x69: {  	_ =	shalt  }
0x6a: {  	_ =	shalt  }
0x6b: {  	_ =	shalt  }
0x6c: {  	_ =	shalt  }
0x6d: {  	_ =	shalt  }
0x6e: {  	_ =	shalt  }
0x6f: {  	_ =	shalt  }
0x70: {  	_ =	shalt  }
0x71: {  	_ =	shalt  }
0x72: {  	_ =	shalt  }
0x73: {  	_ =	shalt  }
0x74: {  	_ =	shalt  }
0x75: {  	_ =	shalt  }
0x76: {  	_ =	shalt  }
0x77: {  	_ =	shalt  }
0x78: {  	_ =	shalt  }
0x79: {  	_ =	shalt  }
0x7a: {  	_ =	shalt  }
0x7b: {  	_ =	shalt  }
0x7c: {  	_ =	shalt  }
0x7d: {  	_ =	shalt  }
0x7e: {  	_ =	shalt  }
0x7f: {  	_ =	shalt  }
0x80: {  	_ =	shalt  }
0x81: {  	_ =	shalt  }
0x82: {  	_ =	shalt  }
0x83: {  	_ =	shalt  }
0x84: {  	_ =	shalt  }
0x85: {  	_ =	shalt  }
0x86: {  	_ =	shalt  }
0x87: {  	_ =	shalt  }
.Lfunc_end0:
.L_simem_size_0:
called_computation_lowered:
.L_overlay_start_0:
0x88: {  	s2 =	sld [smem:$0x3FD9]  }
0x89: {  	s3 =	sld [smem:$0x3FFE];
	_ =	sdelay $0x1  }
0x8a: {  	s1 =	srdreg.scid  }
0x8b: {  	s0 =	sand.u32 $0x1, s1  }
0x8c: {  	s17 =	sshll.u32 s0, $0xA;
	s2 =	sadd.s32 s3, s2  }
0x8d: {  	s2 =	sadd.s32 s2, s17  }
0x8e: {  	[smem:$0x3FC2] =	sst s2  }
0x8f: {  	_ = 	snop  }
0x90: {  	s2 =	sld [smem:$0x3FD0];
	(tm) =	ssettm $0x1  }
0x91: {  	s18 =	sld [smem:$0x3FFB];
	_ =	sdelay $0x3  }
0x92: {  	_ =	strace s18  }
0x93: {  	s3 =	sld [smem:$0x3FFC];
	_ =	sdelay $0x3  }
0x94: {  	_ =	strace s3  }
0x95: {  	s3 =	sld [smem:$0x3FFD];
	_ =	sdelay $0x3  }
0x96: {  	_ =	strace s3  }
0x97: {  	_ =	strace $0x8FFFFFFF  }
0x98: {  	s19 =	sld [smem:$0x3FDB];
	_ =	sdelay $0x1  }
0x99: {  	s4 =	simm.s32 $_scs_section_size  }
0x9a: {  	s5 =	simm.s32 $_size__tile_overlayer_lowered;
	s6 =	simm.s32 $_tile_overlayer_lowered  }
0x9b: {  	s22 =	simm.s32 $0x1BFF;
	s21 =	sshll.u32 s6, $0x1;
	s3 =	sadd.s32 s4, s19  }
0x9c: {  	s7 =	simm.s32 $0x0;
	s20 =	sshll.u32 s5, $0x1;
	s5 =	sadd.s32 s21, s3  }
0x9d: {  	[timem:s7], [sflag:s22] =	dma.local [hbm:s5], s20  }
0x9e: {  	_ =	swait.ge [sflag:s22], s20  }
0x9f: {  	s4 =	ssub.s32 $0x0, s20;
	[sflag:s22] =	ssyncset.done $0x0  }
0xa0: {  	[sflag:s22] =	ssyncadd.s32 s4;
	_ =	sdelay $0x1  }
0xa1: {  	s23 =	simm.s32 $0x1B8B  }
0xa2: {  	_ =	swait.ge [sflag:s23], $0x1  }
0xa3: {  	[sflag:s23] =	ssyncset.done $0x0  }
0xa4: {  	s25 =	simm.s32 $0x1B8E;
	s24 =	sld [smem:$0x3FFE];
	[sflag:s23] =	ssyncadd.s32 $0xFFFFFFFF  }
0xa5: {  	s26 =	simm.s32 $execute0_lowered;
	[smem:$0x3FD2] =	sst s25  }
0xa6: {  	s5 =	sshll.u32 s26, $0x1;
	_ =	strace $0x80000046;
	[dreg:$0x1] =	wrdreg $0xFFFFFFFF  }
0xa7: {  	s28 =	simm.s32 $_size_execute0_lowered;
	s3 =	sadd.s32 s3, s5;
	[dreg:$0x0] =	wrdreg $0x0  }
0xa8: {  	s5 =	sshll.u32 s28, $0x1;
	[dreg:$0x2] =	wrdreg s3  }
0xa9: {  	[dreg:$0x3] =	wrdreg s5  }
0xaa: {  	[dreg:$0x4] =	wrdreg $0xC0  }
0xab: {  	_ =	task [dreg:s7], $0x5FFFF  }
0xac: {  	[dreg:$0x1] =	wrdreg $0xFFFFFFFF  }
0xad: {  	[dreg:$0x0] =	wrdreg $0x60  }
0xae: {  	[dreg:$0x2] =	wrdreg s24  }
0xaf: {  	[dreg:$0x3] =	wrdreg s2  }
0xb0: {  	[dreg:$0x4] =	wrdreg $0x2B800  }
0xb1: {  	[dreg:$0x5] =	wrdreg $0x9  }
0xb2: {  	_ =	task.clear_ibuf [dreg:s7], $0x6FFFF;
	_ =	strace $0x90000046  }
0xb3: {  	s29 =	simm.s32 $0x9;
	_ =	strace $0x80000048  }
0xb4: {  	_ =	swait.ge [sflag:s29], $0x1  }
0xb5: {  	[sflag:s29] =	ssyncadd.s32 $0xFFFFFFFF  }
0xb6: {  	_ =	strace $0x90000048  }
0xb7: {  	_ =	sfence  }
0xb8: {  	s30 =	sld [smem:$0x0];
	_ =	sdelay $0x2  }
0xb9: {  	s31 =	sshll.u32 s1, $0xD;
	s1 =	sshrl.u32 s1, $0x2  }
0xba: {  	s3 =	sand.u32 $0x4000, s31;
	s1 =	sadd.s32 s1, s30  }
0xbb: {  	s0 =	sor.u32 s3, s0;
	s1 =	sshll.u32 s1, $0x11  }
0xbc: {  	s0 =	sor.u32 s1, s0  }
0xbd: {  	s0 =	sadd.s32 $0x8F2B, s0  }
0xbe: {  	[sflag:s0] =	ssyncadd.remote.s32 $0x1  }
0xbf: {  	_ =	sfence.sel $0xFFFF  }
0xc0: {  	[dreg:$0x0] =	wrdreg $0xFFFFFFFF;
	(pc) =	sbr.abs _section_cstart, $3  }
0xc1: {  	[dreg:$0x1] =	wrdreg $0xFFFFFFFF  }
0xc2: {  	_ =	task.clear_ibuf [dreg:s7], $0x2FFFF;
	_ =	strace $0x9FFFFFFF  }
0xc3: {  	(tm) =	ssettm $0x7FFFFFFF  }
tec
execute0_lowered:
.L_overlay_start_1:
0x0: {  	(tag) =	ssettag $0x1  }
0x1: {  	s4 =	rddreg [dreg:$0x0]  }
0x2: {  	s6 =	rddreg [dreg:$0x1];
	s0 =	srdreg.scid  }
0x3: {  	s2 =	rddreg [dreg:$0x2];
	s1 =	stileid.u32;
	s3 =	simm.s32 $0x0  }
0x4: {  	s11 =	simm.s32 $0x2800;
	s5 =	sand.u32 $0x1, s0;
	s0 =	rddreg [dreg:$0x3]  }
0x5: {  	s12 =	simm.s32 $0x0;
	s8 =	smul.u32 $0x2A0, s1;
	[smem:$0x7FF] =	sst s3  }
0x6: {  	s7 =	sshll.u32 s5, $0x4;
	s9 =	smul.u32 $0x2A00, s5;
	s5 =	ssub.s32 $0x2, s5  }
0x7: {  	_ =	strace $0x80000047;
	s7 =	sor.u32 s1, s7;
	s10 =	sshrl.u32 s5, $0x1  }
0x8: {  	s7 =	smul.u32 $0x500, s7;
	s9 =	sadd.s32 s8, s9;
	s31 =	ssub.s32 s5, s10  }
0x9: {  	s5 =	sadd.s32 s8, s2;
	s8 =	simm.s32 $0x1;
	s9 =	sshrl.u32 s9, $0x3  }
0xa: {  	s10 =	simm.s32 $0x80;
	s4 =	sadd.s32 s7, s4;
	s6 =	sadd.s32 s6, s9  }
0xb: {  	v0 =	vimm.f32 $1.000000000e+00;
	v1 =	vimm.f32 $0.0e+00;
	s7 =	smax.u32 s31, $0x1;
	s9 =	simm.s32 $0x2880;
	s4 =	sadd.s32 $0x2000, s4  }
.LBB2_1:
0xc: {  	[tilespmem:s3], [sflag:$0x1] =	stream.linear.gather [hbm4b:s4+s3], $0x2800, $0x38;
	[tilespmem:$0x2E20] =	vst v63  }
0xd: {  	_ =	swait.ge [sflag:s8], $0x2800  }
0xe: {  	[sflag:s8] =	ssyncset.done $0x0  }
0xf: {  	[sflag:s8] =	ssyncadd.s32 $0xFFFFD800  }
0x10: {  	[tilespmem:$0x2800] =	vst v0  }
0x11: {  	[tilespmem:$0x2810] =	vst v0  }
0x12: {  	[tilespmem:$0x2820] =	vst v0  }
0x13: {  	[tilespmem:$0x2830] =	vst v0  }
0x14: {  	[tilespmem:$0x2840] =	vst v0  }
0x15: {  	[tilespmem:$0x2850] =	vst v0  }
0x16: {  	[tilespmem:$0x2860] =	vst v0  }
0x17: {  	[tilespmem:$0x2870] =	vst v0  }
0x18: {  	[tilespmem:$0x2880] =	vst v1  }
0x19: {  	[tilespmem:$0x2890] =	vst v1  }
0x1a: {  	[tilespmem:$0x28A0] =	vst v1  }
0x1b: {  	[tilespmem:$0x28B0] =	vst v1  }
0x1c: {  	[tilespmem:$0x28C0] =	vst v1  }
0x1d: {  	[tilespmem:$0x28D0] =	vst v1  }
0x1e: {  	[tilespmem:$0x28E0] =	vst v1  }
0x1f: {  	[tilespmem:$0x28F0] =	vst v1  }
0x20: {  	[tilespmem:$0x2900] =	vst v1  }
0x21: {  	[tilespmem:$0x2910] =	vst v1  }
0x22: {  	[tilespmem:$0x2920] =	vst v1  }
0x23: {  	[tilespmem:$0x2930] =	vst v1  }
0x24: {  	[tilespmem:$0x2940] =	vst v1  }
0x25: {  	[tilespmem:$0x2950] =	vst v1  }
0x26: {  	[tilespmem:$0x2960] =	vst v1  }
0x27: {  	[tilespmem:$0x2970] =	vst v1  }
0x28: {  	[tilespmem:$0x2980] =	vst v1  }
0x29: {  	[tilespmem:$0x2990] =	vst v1  }
0x2a: {  	[tilespmem:$0x29A0] =	vst v1  }
0x2b: {  	[tilespmem:$0x29B0] =	vst v1  }
0x2c: {  	[tilespmem:$0x29C0] =	vst v1  }
0x2d: {  	[tilespmem:$0x29D0] =	vst v1  }
0x2e: {  	[tilespmem:$0x29E0] =	vst v1  }
0x2f: {  	[tilespmem:$0x29F0] =	vst v1  }
0x30: {  	[tilespmem:$0x2A00] =	vst v1  }
0x31: {  	[tilespmem:$0x2A10] =	vst v1  }
0x32: {  	[tilespmem:$0x2A20] =	vst v1  }
0x33: {  	[tilespmem:$0x2A30] =	vst v1  }
0x34: {  	[tilespmem:$0x2A40] =	vst v1  }
0x35: {  	[tilespmem:$0x2A50] =	vst v1  }
0x36: {  	[tilespmem:$0x2A60] =	vst v1  }
0x37: {  	[tilespmem:$0x2A70] =	vst v1  }
0x38: {  	[tilespmem:$0x2A80] =	vst v1  }
0x39: {  	[tilespmem:$0x2A90] =	vst v1  }
0x3a: {  	[tilespmem:$0x2AA0] =	vst v1  }
0x3b: {  	[tilespmem:$0x2AB0] =	vst v1  }
0x3c: {  	[tilespmem:$0x2AC0] =	vst v1  }
0x3d: {  	[tilespmem:$0x2AD0] =	vst v1  }
0x3e: {  	[tilespmem:$0x2AE0] =	vst v1  }
0x3f: {  	[tilespmem:$0x2AF0] =	vst v1  }
0x40: {  	[tilespmem:$0x2B00] =	vst v1  }
0x41: {  	[tilespmem:$0x2B10] =	vst v1  }
0x42: {  	[spmem:s5] =	stream.linear.scatter [tilespmem:s9], [sflag:$0x1], $0x2A0, $0x38;
	[tilespmem:$0x2E20] =	vst v63  }
0x43: {  	_ =	swait.ge [sflag:s8], $0x2A0  }
0x44: {  	[sflag:s8] =	ssyncset.done $0x0  }
0x45: {  	[sflag:s8] =	ssyncadd.s32 $0xFFFFFD60  }
0x46: {  	s13 =	simm.s32 $0x0;
	[bflag:$0x0] =	sbarrier.arrive $0xFFFF  }
0x47: {  	[spmem:s2] =	stream.indirect.scatter.add.f32 [tilespmem:s11], [sflag:$0x1], $0x1, s13, s10, $0xb8;
	[tilespmem:$0x2E20] =	vst v63  }
0x48: {  	_ =	swait.ge [sflag:s8], $0x80  }
0x49: {  	s13 =	simm.s32 $0x200;
	[sflag:s8] =	ssyncset.done $0x0  }
.LBB2_2:
0x4a: {  	s14 =	sshra.s32 s13, $0x2;
	[sflag:s8] =	ssyncadd.s32 $0xFFFFFF80;
	p0 =	sne.s32 s13, $0x9E00  }
0x4b: {  	[spmem:s2] =	stream.indirect.scatter.add.f32 [tilespmem:s11], [sflag:$0x1], $0x1, s14, s10, $0xb8;
	[tilespmem:$0x2E20] =	vst v63  }
.Ltmp0:
0x4c: {  	_ = 	snop;
	(pc) =	sbr.rel @p0 .LBB2_2-.Ltmp0, $4  }
0x4d: {  	_ = 	snop  }
0x4e: {  	s13 =	sadd.s32 $0x200, s13  }
0x4f: {  	_ =	swait.ge [sflag:s8], $0x80  }
0x50: {  	[sflag:s8] =	ssyncset.done $0x0  }
0x51: {  	[sflag:s8] =	ssyncadd.s32 $0xFFFFFF80  }
0x52: {  	[bflag:$0x0] =	sbarrier.arrive $0xFFFF  }
0x53: {  	[tilespmem:s9], [sflag:$0x1] =	stream.linear.gather [spmem:s5], $0x2A0, $0x38;
	[tilespmem:$0x2E20] =	vst v63  }
0x54: {  	s12 =	sadd.s32 $0x1, s12;
	_ =	swait.ge [sflag:s8], $0x2A0  }
0x55: {  	p0 =	sne.s32 s12, s7;
	[sflag:s8] =	ssyncset.done $0x0  }
.Ltmp1:
0x56: {  	[sflag:s8] =	ssyncadd.s32 $0xFFFFFD60;
	(pc) =	sbr.rel @p0 .LBB2_1-.Ltmp1, $4  }
0x57: {  	[hbm4b:s6+s3] =	stream.linear.scatter [tilespmem:s9], [sflag:$0x1], $0x2A0, $0x38;
	[tilespmem:$0x2E20] =	vst v63  }
0x58: {  	_ =	swait.ge [sflag:s8], $0x2A0  }
0x59: {  	[sflag:s8] =	ssyncset.done $0x0  }
0x5a: {  	[sflag:s8] =	ssyncadd.s32 $0xFFFFFD60  }
0x5b: {  	_ =	sfence.sel $0x180000  }
0x5c: {  	[bflag:$0x0] =	sbarrier.arrive $0xFFFF  }
0x5d: {  	p0 =	sne.s32 s1, $0x0;
	_ =	strace $0x90000047  }
0x5e: {  	s0 =	sadd.s32 @!p0 $0x100000, s0;
	[bflag:$0x2] =	sbarrier.arrive $0xFFFF  }
0x5f: {  	[sflag:s0] =	ssyncadd.tile.s32 @!p0 $0x1;
	_ =	shalt  }
.Lfunc_end2:
_tile_overlayer_lowered:
.L_overlay_start_2:
0x60: {  	(tag) =	ssettag $0x2  }
0x61: {  	s0 =	rddreg [dreg:$0x0];
	s2 =	stileid.u32  }
0x62: {  	s1 =	rddreg [dreg:$0x1];
	p0 =	sne.s32 s2, $0x0  }
0x63: {  	s3 =	rddreg [dreg:$0x2];
	[bflag:$0x3] =	sbarrier.arrive $0xFFFF;
	s2 =	simm.s32 @!p0 $0x1C01  }
0x64: {  	[timem:s3], [sflag:s2] =	dma.local @!p0 [hbm:s0], s1  }
0x65: {  	s0 =	simm.s32 @!p0 $0x1  }
0x66: {  	_ =	swait.ge @!p0 [sflag:s0], s1  }
0x67: {  	s1 =	ssub.s32 @!p0 $0x0, s1;
	[sflag:s0] =	ssyncset.done @!p0 $0x0  }
0x68: {  	[sflag:s0] =	ssyncadd.s32 @!p0 s1  }
0x69: {  	[bflag:$0x3] =	sbarrier.arrive $0xFFFF  }
0x6a: {  	_ =	shalt  }

</sc_bundles>
